<compile_context>
chip_gen: v7x
topology: tpu7x:2x2x1
jax: 0.10.2.dev20260603
libtpu: 0.0.44.dev20260713+nightly
codegen_flags: <defaults>
</compile_context>

<pallas_src>
import functools

import jax
import jax.numpy as jnp
from jax import lax
from jax.experimental import pallas as pl
from jax.experimental.pallas import tpu as pltpu
from jax.experimental.pallas import tpu_sc as plsc

N_NODES = 10000
N_EDGES = 20000
NNZ = 320000
D = 128
H = 64
NTILE = 16
IDX_ROWS = 2560
T = IDX_ROWS // NTILE
NNZ_PAD = IDX_ROWS * 128
E_PAD = 20096
V_PAD = 10240
E_DUMMY = N_EDGES
EB = E_PAD // NTILE

_f32 = jnp.float32
_i32 = jnp.int32


def _matmul_body(x_ref, w_ref, x0_ref, x1_ref):
    acc = jnp.dot(x_ref[...], w_ref[...], preferred_element_type=_f32)
    x0_ref[...] = acc[:, :H]
    x1_ref[...] = acc[:, H:]


def _matmul(x, w):
    blk = 1000
    return pl.pallas_call(
        _matmul_body,
        grid=(N_NODES // blk,),
        in_specs=[
            pl.BlockSpec((blk, D), lambda i: (i, 0)),
            pl.BlockSpec((D, D), lambda i: (0, 0)),
        ],
        out_specs=[
            pl.BlockSpec((blk, H), lambda i: (i, 0)),
            pl.BlockSpec((blk, H), lambda i: (i, 0)),
        ],
        out_shape=[
            jax.ShapeDtypeStruct((N_NODES, H), _f32),
            jax.ShapeDtypeStruct((N_NODES, H), _f32),
        ],
    )(x, w)


G = 16


def _load_idx_group(ve2d, v_idx, e_idx, s, g):
    pltpu.sync_copy(ve2d.at[pl.ds(s * T + g * G, G)], v_idx)
    def body(j, carry):
        for k in range(8):
            sl = pl.ds(16 * k, 16)
            p16 = v_idx[j, sl]
            e_idx[j, sl] = lax.shift_right_logical(p16, 14)
            v_idx[j, sl] = jnp.bitwise_and(p16, 16383)
        return carry
    lax.fori_loop(0, G, body, 0)


def _edge_phase_body(x0, x1, ve2d, sums0, sums1, counts_out,
                     sums_sh, v_idx, e_idx, rows, rows2, rows3, cl, sem, sem2):
    c = lax.axis_index("c")
    s = lax.axis_index("s")
    zero16 = jnp.zeros((16,), _f32)
    ones16 = jnp.ones((16,), _f32)

    def zrows(r, carry):
        for k in range(4):
            rows[r, pl.ds(16 * k, 16)] = zero16
        return carry
    lax.fori_loop(0, 128, zrows, 0)

    def zcl(r, carry):
        cl[pl.ds(r * 16, 16)] = zero16
        return carry
    lax.fori_loop(0, E_PAD // 16, zcl, 0)

    def zs(j, carry):
        pltpu.sync_copy(rows, sums_sh.at[pl.ds(s * EB + j * 128, 128)])
        return carry
    lax.fori_loop(0, 9, zs, 0)
    pltpu.sync_copy(rows.at[pl.ds(0, 104)],
                    sums_sh.at[pl.ds(s * EB + 1152, 104)])

    plsc.subcore_barrier()

    bufs = (rows, rows2, rows3)

    def run(xsrc, do_count):
        def grp(g, carry):
            _load_idx_group(ve2d, v_idx, e_idx, s, g)
            gw = [None] * G
            sc = [None] * G
            gw[0] = pltpu.async_copy(xsrc.at[v_idx.at[0]], bufs[0], sem)
            gw[1] = pltpu.async_copy(xsrc.at[v_idx.at[1]], bufs[1], sem)
            for j in range(G):
                gw[j].wait()
                if do_count:
                    for k in range(8):
                        e16 = e_idx[j, pl.ds(16 * k, 16)]
                        plsc.addupdate_scatter(cl, [e16], ones16)
                sc[j] = pltpu.async_copy(bufs[j % 3],
                                         sums_sh.at[e_idx.at[j]], sem2,
                                         add=True)
                if j + 2 < G:
                    if j >= 1:
                        sc[j - 1].wait()
                    gw[j + 2] = pltpu.async_copy(
                        xsrc.at[v_idx.at[j + 2]], bufs[(j + 2) % 3], sem)
            sc[G - 2].wait()
            sc[G - 1].wait()
            return carry
        lax.fori_loop(0, T // G, grp, 0)

    @pl.when(c == 0)
    def _():
        run(x0, True)

    @pl.when(c == 1)
    def _():
        run(x1, False)

    plsc.subcore_barrier()

    def wout(dst):
        def body(j, carry):
            sl = pl.ds(s * EB + j * 128, 128)
            pltpu.sync_copy(sums_sh.at[sl], dst.at[sl])
            return carry
        lax.fori_loop(0, 9, body, 0)
        sl = pl.ds(s * EB + 1152, 104)
        pltpu.sync_copy(sums_sh.at[sl], dst.at[sl])

    @pl.when(c == 0)
    def _():
        wout(sums0)
        pltpu.sync_copy(cl, counts_out.at[s])

    @pl.when(c == 1)
    def _():
        wout(sums1)


def _edge_phase(x0, x1, ve2d):
    mesh = plsc.VectorSubcoreMesh(core_axis_name="c", subcore_axis_name="s")
    f = pl.kernel(
        _edge_phase_body,
        out_type=[
            jax.ShapeDtypeStruct((E_PAD, H), _f32),
            jax.ShapeDtypeStruct((E_PAD, H), _f32),
            jax.ShapeDtypeStruct((NTILE, E_PAD), _f32),
        ],
        mesh=mesh,
        compiler_params=pltpu.CompilerParams(use_tc_tiling_on_sc=False, needs_layout_passes=False),
        scratch_types=[
            pltpu.VMEM_SHARED((E_PAD, H), _f32),
            pltpu.VMEM((G, 128), _i32),
            pltpu.VMEM((G, 128), _i32),
            pltpu.VMEM((128, H), _f32),
            pltpu.VMEM((128, H), _f32),
            pltpu.VMEM((128, H), _f32),
            pltpu.VMEM((E_PAD,), _f32),
            pltpu.SemaphoreType.DMA,
            pltpu.SemaphoreType.DMA,
        ],
    )
    return f(x0, x1, ve2d)


def _node_phase_body(xe0, xe1, ve2d, xv0, xv1,
                     xv_sh, v_idx, e_idx, rows, rows2, rows3, sem, sem2):
    c = lax.axis_index("c")
    s = lax.axis_index("s")
    zero16 = jnp.zeros((16,), _f32)

    def zrows(r, carry):
        for k in range(4):
            rows[r, pl.ds(16 * k, 16)] = zero16
        return carry
    lax.fori_loop(0, 128, zrows, 0)

    def zs(j, carry):
        pltpu.sync_copy(rows, xv_sh.at[pl.ds(s * 640 + j * 128, 128)])
        return carry
    lax.fori_loop(0, 5, zs, 0)

    plsc.subcore_barrier()

    bufs = (rows, rows2, rows3)

    def run(xsrc):
        def grp(g, carry):
            _load_idx_group(ve2d, v_idx, e_idx, s, g)
            gw = [None] * G
            sc = [None] * G
            gw[0] = pltpu.async_copy(xsrc.at[e_idx.at[0]], bufs[0], sem)
            gw[1] = pltpu.async_copy(xsrc.at[e_idx.at[1]], bufs[1], sem)
            for j in range(G):
                gw[j].wait()
                sc[j] = pltpu.async_copy(bufs[j % 3],
                                         xv_sh.at[v_idx.at[j]], sem2,
                                         add=True)
                if j + 2 < G:
                    if j >= 1:
                        sc[j - 1].wait()
                    gw[j + 2] = pltpu.async_copy(
                        xsrc.at[e_idx.at[j + 2]], bufs[(j + 2) % 3], sem)
            sc[G - 2].wait()
            sc[G - 1].wait()
            return carry
        lax.fori_loop(0, T // G, grp, 0)

    @pl.when(c == 0)
    def _():
        run(xe0)

    @pl.when(c == 1)
    def _():
        run(xe1)

    plsc.subcore_barrier()

    def wout(dst):
        def body(j, carry):
            sl = pl.ds(s * 640 + j * 128, 128)
            pltpu.sync_copy(xv_sh.at[sl], dst.at[sl])
            return carry
        lax.fori_loop(0, 5, body, 0)

    @pl.when(c == 0)
    def _():
        wout(xv0)

    @pl.when(c == 1)
    def _():
        wout(xv1)


def _node_phase(xe0, xe1, ve2d):
    mesh = plsc.VectorSubcoreMesh(core_axis_name="c", subcore_axis_name="s")
    f = pl.kernel(
        _node_phase_body,
        out_type=[
            jax.ShapeDtypeStruct((V_PAD, H), _f32),
            jax.ShapeDtypeStruct((V_PAD, H), _f32),
        ],
        mesh=mesh,
        compiler_params=pltpu.CompilerParams(use_tc_tiling_on_sc=False, needs_layout_passes=False),
        scratch_types=[
            pltpu.VMEM_SHARED((V_PAD, H), _f32),
            pltpu.VMEM((G, 128), _i32),
            pltpu.VMEM((G, 128), _i32),
            pltpu.VMEM((128, H), _f32),
            pltpu.VMEM((128, H), _f32),
            pltpu.VMEM((128, H), _f32),
            pltpu.SemaphoreType.DMA,
            pltpu.SemaphoreType.DMA,
        ],
    )
    return f(xe0, xe1, ve2d)


def _edge_scale_body(s0_ref, s1_ref, cnt_ref, deg_ref, xe0_ref, xe1_ref):
    parts = cnt_ref[...]
    total = lax.dot_general(parts, jnp.ones((NTILE, 1), _f32),
                            (((0,), (0,)), ((), ())),
                            preferred_element_type=_f32)
    scale = deg_ref[...] / jnp.maximum(total, 1.0)
    xe0_ref[...] = s0_ref[...] * scale
    xe1_ref[...] = s1_ref[...] * scale


def _edge_scale(s0, s1, cnt, deg):
    blk = 128
    g = E_PAD // blk
    return pl.pallas_call(
        _edge_scale_body,
        grid=(g,),
        in_specs=[
            pl.BlockSpec((blk, H), lambda i: (i, 0)),
            pl.BlockSpec((blk, H), lambda i: (i, 0)),
            pl.BlockSpec((NTILE, blk), lambda i: (0, i)),
            pl.BlockSpec((blk, 1), lambda i: (i, 0)),
        ],
        out_specs=[
            pl.BlockSpec((blk, H), lambda i: (i, 0)),
            pl.BlockSpec((blk, H), lambda i: (i, 0)),
        ],
        out_shape=[
            jax.ShapeDtypeStruct((E_PAD, H), _f32),
            jax.ShapeDtypeStruct((E_PAD, H), _f32),
        ],
    )(s0, s1, cnt, deg)


def _final_body(a_ref, b_ref, dv_ref, bias_ref, out_ref):
    dv = dv_ref[...]
    out_ref[...] = (jnp.concatenate([a_ref[...] * dv, b_ref[...] * dv], axis=1)
                    + bias_ref[...])


def _final(xv0, xv1, degv, bias2d):
    blk = 1000
    return pl.pallas_call(
        _final_body,
        grid=(N_NODES // blk,),
        in_specs=[
            pl.BlockSpec((blk, H), lambda i: (i, 0)),
            pl.BlockSpec((blk, H), lambda i: (i, 0)),
            pl.BlockSpec((blk, 1), lambda i: (i, 0)),
            pl.BlockSpec((1, D), lambda i: (0, 0)),
        ],
        out_specs=pl.BlockSpec((blk, D), lambda i: (i, 0)),
        out_shape=jax.ShapeDtypeStruct((N_NODES, D), _f32),
    )(xv0, xv1, degv, bias2d)


def kernel(input, V, E, degV, degE, weight, bias):
    v_pad = jnp.pad(V.astype(_i32), (0, NNZ_PAD - NNZ))
    e_pad = jnp.pad(E.astype(_i32), (0, NNZ_PAD - NNZ),
                    constant_values=E_DUMMY)
    ve2d = (jnp.left_shift(e_pad, 14) | v_pad).reshape(IDX_ROWS, 128)
    x0, x1 = _matmul(input, weight)

    sums0, sums1, counts = _edge_phase(x0, x1, ve2d)

    deg = jnp.zeros((E_PAD, 1), _f32).at[:N_EDGES].set(degE)
    xe0, xe1 = _edge_scale(sums0, sums1, counts, deg)

    xv0, xv1 = _node_phase(xe0, xe1, ve2d)

    return _final(xv0[:N_NODES], xv1[:N_NODES], degV, bias.reshape(1, D))

# --- scband reference (transcript-rebuilt; emitter-appended) ---
"""Pipeline reference for scband-uni-gcnconv-18296560681438 (READ-ONLY COPY).

The authoritative reference and input builder live on the scoring server;
editing this copy changes nothing except your own understanding.
"""

import jax, jax.numpy as jnp
import numpy as np

NUM_NODES = 10000
NUM_EDGES = 20000
NNZ = 320000
D_IN = 128
D_OUT = 128

def setup_inputs(seed: int = 0) -> dict:
    key = jax.random.key(seed)
    k1, k2, k3, k4, k5, k6, k7 = jax.random.split(key, 7)
    inp = {}
    inp['input'] = jax.random.normal(k1, (NUM_NODES, D_IN), dtype=jnp.float32)
    inp['V'] = jax.random.randint(k2, (NNZ,), 0, NUM_NODES, dtype=jnp.int64) if jax.config.jax_enable_x64 else jax.random.randint(k2, (NNZ,), 0, NUM_NODES, dtype=jnp.int32)
    inp['E'] = jax.random.randint(k3, (NNZ,), 0, NUM_EDGES, dtype=jnp.int64) if jax.config.jax_enable_x64 else jax.random.randint(k3, (NNZ,), 0, NUM_EDGES, dtype=jnp.int32)
    inp['degV'] = jax.random.uniform(k4, (NUM_NODES, 1), dtype=jnp.float32)
    inp['degE'] = jax.random.uniform(k5, (NUM_EDGES, 1), dtype=jnp.float32)
    stdv = 1.0 / np.sqrt(D_OUT)
    inp['weight'] = jax.random.uniform(k6, (D_IN, D_OUT), dtype=jnp.float32, minval=-stdv, maxval=stdv)
    inp['bias'] = jax.random.uniform(k7, (D_OUT,), dtype=jnp.float32, minval=-stdv, maxval=stdv)
    return inp

def reference(input, V, E, degV, degE, weight, bias):
    # X = input @ weight
    X = jnp.dot(input, weight)
    # gather vertex features per incidence
    Xve = jnp.take(X, V, axis=0)
    # scatter-mean over hyperedges
    sums = jax.ops.segment_sum(Xve, E, num_segments=NUM_EDGES)
    counts = jax.ops.segment_sum(jnp.ones((Xve.shape[0],), dtype=X.dtype), E, num_segments=NUM_EDGES)
    Xe = sums / jnp.clip(counts, 1.0)[:, None]
    Xe = Xe * degE
    # gather hyperedge features back per incidence
    Xev = jnp.take(Xe, E, axis=0)
    # scatter-sum to vertices
    Xv = jax.ops.segment_sum(Xev, V, num_segments=NUM_NODES)
    Xout = Xv * degV
    return Xout + bias

if __name__ == "__main__":
    import jax
    _d = setup_inputs()
    print(jax.jit(kernel)(*tuple(_d.values())))

</pallas_src>

<mosaic_0001>
#map = affine_map<(d0, d1) -> (0, 0)>
module attributes {stable_mosaic.version = 14 : i64} {
  func.func @_edge_phase_body(%arg0: i32, %arg1: i32, %arg2: memref<10000x64xf32, #tpu.memory_space<hbm>>, %arg3: memref<10000x64xf32, #tpu.memory_space<hbm>>, %arg4: memref<2560x128xi32, #tpu.memory_space<hbm>>, %arg5: memref<20096x64xf32, #tpu.memory_space<hbm>>, %arg6: memref<20096x64xf32, #tpu.memory_space<hbm>>, %arg7: memref<16x20096xf32, #tpu.memory_space<hbm>>, %arg8: memref<20096x64xf32, #tpu.memory_space<vmem_shared>>, %arg9: memref<16x128xi32, #tpu.memory_space<vmem>>, %arg10: memref<16x128xi32, #tpu.memory_space<vmem>>, %arg11: memref<128x64xf32, #tpu.memory_space<vmem>>, %arg12: memref<128x64xf32, #tpu.memory_space<vmem>>, %arg13: memref<128x64xf32, #tpu.memory_space<vmem>>, %arg14: memref<20096xf32, #tpu.memory_space<vmem>>, %arg15: memref<!tpu.dma_semaphore, #tpu.memory_space<semaphore_mem>>, %arg16: memref<!tpu.dma_semaphore, #tpu.memory_space<semaphore_mem>>) attributes {dimension_semantics = [#tpu.dimension_semantics<core_parallel>, #tpu.dimension_semantics<subcore_parallel>], iteration_bounds = array<i64: 2, 16>, scalar_prefetch = 0 : i64, scratch_operands = 9 : i64, tpu.core_type = #tpu.core_type<sc_vector_subcore>, window_params = [{transform_indices = #map}, {transform_indices = #map}, {transform_indices = #map}, {transform_indices = #map}, {transform_indices = #map}, {transform_indices = #map}]} {
    %broadcast_in_dim3A = arith.constant 0.000000e+00 : f32
    %broadcast_in_dim3A_0 = vector.broadcast %broadcast_in_dim3A : f32 to vector<16xf32>
    %broadcast_in_dim3A_1 = arith.constant 1.000000e+00 : f32
    %broadcast_in_dim3A_2 = vector.broadcast %broadcast_in_dim3A_1 : f32 to vector<16xf32>
    %scan3A = arith.constant 0 : i32
    %scan3A_3 = arith.constant 0 : i32
    %scan3A_4 = arith.constant 128 : i32
    %scan3A_5 = arith.addi %scan3A_3, %scan3A_4 : i32
    %scan3A_6 = arith.constant 1 : i32
    scf.for %scan3A_40 = %scan3A_3 to %scan3A_5 step %scan3A_6  : i32 {
      %swap3A = arith.index_cast %scan3A_40 : i32 to index
      %swap3A_41 = arith.constant 0 : index
      %swap3A_42 = tpu.vector_load %arg11[%swap3A, %swap3A_41] {strides = array<i32>} : memref<128x64xf32, #tpu.memory_space<vmem>>, vector<16xf32>,
      tpu.vector_store %arg11[%swap3A, %swap3A_41], %broadcast_in_dim3A_0 {strides = array<i32>} : memref<128x64xf32, #tpu.memory_space<vmem>>, vector<16xf32>,
      %swap3A_43 = arith.index_cast %scan3A_40 : i32 to index
      %swap3A_44 = arith.constant 16 : index
      %swap3A_45 = tpu.vector_load %arg11[%swap3A_43, %swap3A_44] {strides = array<i32>} : memref<128x64xf32, #tpu.memory_space<vmem>>, vector<16xf32>,
      tpu.vector_store %arg11[%swap3A_43, %swap3A_44], %broadcast_in_dim3A_0 {strides = array<i32>} : memref<128x64xf32, #tpu.memory_space<vmem>>, vector<16xf32>,
      %swap3A_46 = arith.index_cast %scan3A_40 : i32 to index
      %swap3A_47 = arith.constant 32 : index
      %swap3A_48 = tpu.vector_load %arg11[%swap3A_46, %swap3A_47] {strides = array<i32>} : memref<128x64xf32, #tpu.memory_space<vmem>>, vector<16xf32>,
      tpu.vector_store %arg11[%swap3A_46, %swap3A_47], %broadcast_in_dim3A_0 {strides = array<i32>} : memref<128x64xf32, #tpu.memory_space<vmem>>, vector<16xf32>,
      %swap3A_49 = arith.index_cast %scan3A_40 : i32 to index
      %swap3A_50 = arith.constant 48 : index
      %swap3A_51 = tpu.vector_load %arg11[%swap3A_49, %swap3A_50] {strides = array<i32>} : memref<128x64xf32, #tpu.memory_space<vmem>>, vector<16xf32>,
      tpu.vector_store %arg11[%swap3A_49, %swap3A_50], %broadcast_in_dim3A_0 {strides = array<i32>} : memref<128x64xf32, #tpu.memory_space<vmem>>, vector<16xf32>,
    }
    %scan3A_7 = arith.constant 128 : i32
    %scan3A_8 = arith.constant 0 : i32
    %scan3A_9 = arith.constant 0 : i32
    %scan3A_10 = arith.constant 1256 : i32
    %scan3A_11 = arith.addi %scan3A_9, %scan3A_10 : i32
    %scan3A_12 = arith.constant 1 : i32
    scf.for %scan3A_40 = %scan3A_9 to %scan3A_11 step %scan3A_12  : i32 {
      %mul3A_41 = arith.constant 16 : i32
      %mul3A_42 = arith.muli %scan3A_40, %mul3A_41 : i32
      %swap3A = arith.index_cast %mul3A_42 : i32 to index
      %swap3A_43 = tpu.vector_load %arg14[%swap3A] {strides = array<i32>} : memref<20096xf32, #tpu.memory_space<vmem>>, vector<16xf32>,
      tpu.vector_store %arg14[%swap3A], %broadcast_in_dim3A_0 {strides = array<i32>} : memref<20096xf32, #tpu.memory_space<vmem>>, vector<16xf32>,
    }
    %scan3A_13 = arith.constant 1256 : i32
    %scan3A_14 = arith.constant 0 : i32
    %scan3A_15 = arith.constant 0 : i32
    %scan3A_16 = arith.constant 9 : i32
    %scan3A_17 = arith.addi %scan3A_15, %scan3A_16 : i32
    %scan3A_18 = arith.constant 1 : i32
    scf.for %scan3A_40 = %scan3A_15 to %scan3A_17 step %scan3A_18  : i32 {
      %mul3A_41 = arith.constant 1256 : i32
      %mul3A_42 = arith.muli %arg1, %mul3A_41 : i32
      %mul3A_43 = arith.constant 128 : i32
      %mul3A_44 = arith.muli %scan3A_40, %mul3A_43 : i32
      %add3A_45 = arith.addi %mul3A_42, %mul3A_44 : i32
      "tpu.region"() ({
        %run_scoped3A = tpu.sem_alloc : memref<!tpu.dma_semaphore, #tpu.memory_space<semaphore_mem>>
        %dma_start3A = arith.constant 0 : i32
        %dma_start3A_46 = tpu.memref_slice %arg8[%add3A_45, %dma_start3A] : memref<20096x64xf32, #tpu.memory_space<vmem_shared>> -> memref<128x64xf32, #tpu.memory_space<vmem_shared>>
        %dma_start3A_47 = arith.constant 0 : i32
        %dma_start3A_48 = tpu.memref_slice %arg8[%add3A_45, %dma_start3A_47] : memref<20096x64xf32, #tpu.memory_space<vmem_shared>> -> memref<128x64xf32, #tpu.memory_space<vmem_shared>>
        tpu.enqueue_dma source(%arg11 : memref<128x64xf32, #tpu.memory_space<vmem>>) target(%dma_start3A_48 : memref<128x64xf32, #tpu.memory_space<vmem_shared>>) target_semaphore(%run_scoped3A : memref<!tpu.dma_semaphore, #tpu.memory_space<semaphore_mem>>)
        %dma_wait3A = arith.constant 0 : i32
        %dma_wait3A_49 = tpu.memref_slice %arg8[%add3A_45, %dma_wait3A] : memref<20096x64xf32, #tpu.memory_space<vmem_shared>> -> memref<128x64xf32, #tpu.memory_space<vmem_shared>>
        %dma_wait3A_50 = arith.constant 0 : i32
        %dma_wait3A_51 = tpu.memref_slice %arg8[%add3A_45, %dma_wait3A_50] : memref<20096x64xf32, #tpu.memory_space<vmem_shared>> -> memref<128x64xf32, #tpu.memory_space<vmem_shared>>
        tpu.wait_dma2 semaphore(%run_scoped3A : memref<!tpu.dma_semaphore, #tpu.memory_space<semaphore_mem>>) src(%arg11 : memref<128x64xf32, #tpu.memory_space<vmem>>) dst(%dma_wait3A_51 : memref<128x64xf32, #tpu.memory_space<vmem_shared>>)
        tpu.yield
      }) : () -> ()
    }
    %scan3A_19 = arith.constant 9 : i32
    %mul3A = arith.constant 1256 : i32
    %mul3A_20 = arith.muli %arg1, %mul3A : i32
    %add3A = arith.constant 1152 : i32
    %add3A_21 = arith.addi %mul3A_20, %add3A : i32
    "tpu.region"() ({
      %run_scoped3A = tpu.sem_alloc : memref<!tpu.dma_semaphore, #tpu.memory_space<semaphore_mem>>
      %dma_start3A = arith.constant 0 : i32
      %dma_start3A_40 = arith.constant 0 : i32
      %dma_start3A_41 = tpu.memref_slice %arg11[%dma_start3A, %dma_start3A_40] : memref<128x64xf32, #tpu.memory_space<vmem>> -> memref<104x64xf32, #tpu.memory_space<vmem>>
      %dma_start3A_42 = arith.constant 0 : i32
      %dma_start3A_43 = tpu.memref_slice %arg8[%add3A_21, %dma_start3A_42] : memref<20096x64xf32, #tpu.memory_space<vmem_shared>> -> memref<104x64xf32, #tpu.memory_space<vmem_shared>>
      %dma_start3A_44 = arith.constant 0 : i32
      %dma_start3A_45 = tpu.memref_slice %arg8[%add3A_21, %dma_start3A_44] : memref<20096x64xf32, #tpu.memory_space<vmem_shared>> -> memref<104x64xf32, #tpu.memory_space<vmem_shared>>
      %dma_start3A_46 = arith.constant 0 : i32
      %dma_start3A_47 = arith.constant 0 : i32
      %dma_start3A_48 = tpu.memref_slice %arg11[%dma_start3A_46, %dma_start3A_47] : memref<128x64xf32, #tpu.memory_space<vmem>> -> memref<104x64xf32, #tpu.memory_space<vmem>>
      tpu.enqueue_dma source(%dma_start3A_48 : memref<104x64xf32, #tpu.memory_space<vmem>>) target(%dma_start3A_45 : memref<104x64xf32, #tpu.memory_space<vmem_shared>>) target_semaphore(%run_scoped3A : memref<!tpu.dma_semaphore, #tpu.memory_space<semaphore_mem>>)
      %dma_wait3A = arith.constant 0 : i32
      %dma_wait3A_49 = arith.constant 0 : i32
      %dma_wait3A_50 = tpu.memref_slice %arg11[%dma_wait3A, %dma_wait3A_49] : memref<128x64xf32, #tpu.memory_space<vmem>> -> memref<104x64xf32, #tpu.memory_space<vmem>>
      %dma_wait3A_51 = arith.constant 0 : i32
      %dma_wait3A_52 = tpu.memref_slice %arg8[%add3A_21, %dma_wait3A_51] : memref<20096x64xf32, #tpu.memory_space<vmem_shared>> -> memref<104x64xf32, #tpu.memory_space<vmem_shared>>
      %dma_wait3A_53 = arith.constant 0 : i32
      %dma_wait3A_54 = tpu.memref_slice %arg8[%add3A_21, %dma_wait3A_53] : memref<20096x64xf32, #tpu.memory_space<vmem_shared>> -> memref<104x64xf32, #tpu.memory_space<vmem_shared>>
      %dma_wait3A_55 = arith.constant 0 : i32
      %dma_wait3A_56 = arith.constant 0 : i32
      %dma_wait3A_57 = tpu.memref_slice %arg11[%dma_wait3A_55, %dma_wait3A_56] : memref<128x64xf32, #tpu.memory_space<vmem>> -> memref<104x64xf32, #tpu.memory_space<vmem>>
      tpu.wait_dma2 semaphore(%run_scoped3A : memref<!tpu.dma_semaphore, #tpu.memory_space<semaphore_mem>>) src(%dma_wait3A_57 : memref<104x64xf32, #tpu.memory_space<vmem>>) dst(%dma_wait3A_54 : memref<104x64xf32, #tpu.memory_space<vmem_shared>>)
      tpu.yield
    }) : () -> ()
    %barrier3A = arith.constant 0 : index
    tpu.barrier barrier_id(%barrier3A)
    %eq3A = arith.constant 0 : i32
    %eq3A_22 = arith.cmpi eq, %arg0, %eq3A : i32
    %convert_element_type3A = arith.extui %eq3A_22 : i1 to i32
    %cond3A = arith.constant 0 : i32
    %cond3A_23 = arith.cmpi ne, %convert_element_type3A, %cond3A : i32
    scf.if %cond3A_23 {
      %scan3A_40 = arith.constant 0 : i32
      %scan3A_41 = arith.constant 0 : i32
      %scan3A_42 = arith.constant 10 : i32
      %scan3A_43 = arith.addi %scan3A_41, %scan3A_42 : i32
      %scan3A_44 = arith.constant 1 : i32
      scf.for %scan3A_46 = %scan3A_41 to %scan3A_43 step %scan3A_44  : i32 {
        %mul3A_47 = arith.constant 160 : i32
        %mul3A_48 = arith.muli %arg1, %mul3A_47 : i32
        %mul3A_49 = arith.constant 16 : i32
        %mul3A_50 = arith.muli %scan3A_46, %mul3A_49 : i32
        %add3A_51 = arith.addi %mul3A_48, %mul3A_50 : i32
        "tpu.region"() ({
          %run_scoped3A = tpu.sem_alloc : memref<!tpu.dma_semaphore, #tpu.memory_space<semaphore_mem>>
          %dma_start3A_1008 = arith.constant 0 : i32
          %dma_start3A_1009 = tpu.memref_slice %arg4[%add3A_51, %dma_start3A_1008] : memref<2560x128xi32, #tpu.memory_space<hbm>> -> memref<16x128xi32, #tpu.memory_space<hbm>>
          %dma_start3A_1010 = arith.constant 0 : i32
          %dma_start3A_1011 = tpu.memref_slice %arg4[%add3A_51, %dma_start3A_1010] : memref<2560x128xi32, #tpu.memory_space<hbm>> -> memref<16x128xi32, #tpu.memory_space<hbm>>
          tpu.enqueue_dma source(%dma_start3A_1011 : memref<16x128xi32, #tpu.memory_space<hbm>>) target(%arg9 : memref<16x128xi32, #tpu.memory_space<vmem>>) target_semaphore(%run_scoped3A : memref<!tpu.dma_semaphore, #tpu.memory_space<semaphore_mem>>)
          %dma_wait3A_1012 = arith.constant 0 : i32
          %dma_wait3A_1013 = tpu.memref_slice %arg4[%add3A_51, %dma_wait3A_1012] : memref<2560x128xi32, #tpu.memory_space<hbm>> -> memref<16x128xi32, #tpu.memory_space<hbm>>
          %dma_wait3A_1014 = arith.constant 0 : i32
          %dma_wait3A_1015 = tpu.memref_slice %arg4[%add3A_51, %dma_wait3A_1014] : memref<2560x128xi32, #tpu.memory_space<hbm>> -> memref<16x128xi32, #tpu.memory_space<hbm>>
          tpu.wait_dma2 semaphore(%run_scoped3A : memref<!tpu.dma_semaphore, #tpu.memory_space<semaphore_mem>>) src(%dma_wait3A_1015 : memref<16x128xi32, #tpu.memory_space<hbm>>) dst(%arg9 : memref<16x128xi32, #tpu.memory_space<vmem>>)
          tpu.yield
        }) : () -> ()
        %scan3A_52 = arith.constant 0 : i32
        %scan3A_53 = arith.constant 0 : i32
        %scan3A_54 = arith.constant 16 : i32
        %scan3A_55 = arith.addi %scan3A_53, %scan3A_54 : i32
        %scan3A_56 = arith.constant 1 : i32
        scf.for %scan3A_1008 = %scan3A_53 to %scan3A_55 step %scan3A_56  : i32 {
          %get3A_1009 = arith.index_cast %scan3A_1008 : i32 to index
          %get3A_1010 = arith.constant 0 : index
          %get3A_1011 = tpu.vector_load %arg9[%get3A_1009, %get3A_1010] {strides = array<i32>} : memref<16x128xi32, #tpu.memory_space<vmem>>, vector<16xi32>,
          %shift_right_logical3A = arith.constant 14 : i32
          %shift_right_logical3A_1012 = vector.broadcast %shift_right_logical3A : i32 to vector<16xi32>
          %shift_right_logical3A_1013 = arith.shrui %get3A_1011, %shift_right_logical3A_1012 : vector<16xi32>
          %swap3A = arith.index_cast %scan3A_1008 : i32 to index
          %swap3A_1014 = arith.constant 0 : index
          %swap3A_1015 = tpu.vector_load %arg10[%swap3A, %swap3A_1014] {strides = array<i32>} : memref<16x128xi32, #tpu.memory_space<vmem>>, vector<16xi32>,
          tpu.vector_store %arg10[%swap3A, %swap3A_1014], %shift_right_logical3A_1013 {strides = array<i32>} : memref<16x128xi32, #tpu.memory_space<vmem>>, vector<16xi32>,
          %and3A = arith.constant 16383 : i32
          %and3A_1016 = vector.broadcast %and3A : i32 to vector<16xi32>
          %and3A_1017 = arith.andi %get3A_1011, %and3A_1016 : vector<16xi32>
          %swap3A_1018 = arith.index_cast %scan3A_1008 : i32 to index
          %swap3A_1019 = arith.constant 0 : index
          %swap3A_1020 = tpu.vector_load %arg9[%swap3A_1018, %swap3A_1019] {strides = array<i32>} : memref<16x128xi32, #tpu.memory_space<vmem>>, vector<16xi32>,
          tpu.vector_store %arg9[%swap3A_1018, %swap3A_1019], %and3A_1017 {strides = array<i32>} : memref<16x128xi32, #tpu.memory_space<vmem>>, vector<16xi32>,
          %get3A_1021 = arith.index_cast %scan3A_1008 : i32 to index
          %get3A_1022 = arith.constant 16 : index
          %get3A_1023 = tpu.vector_load %arg9[%get3A_1021, %get3A_1022] {strides = array<i32>} : memref<16x128xi32, #tpu.memory_space<vmem>>, vector<16xi32>,
          %shift_right_logical3A_1024 = arith.constant 14 : i32
          %shift_right_logical3A_1025 = vector.broadcast %shift_right_logical3A_1024 : i32 to vector<16xi32>
          %shift_right_logical3A_1026 = arith.shrui %get3A_1023, %shift_right_logical3A_1025 : vector<16xi32>
          %swap3A_1027 = arith.index_cast %scan3A_1008 : i32 to index
          %swap3A_1028 = arith.constant 16 : index
          %swap3A_1029 = tpu.vector_load %arg10[%swap3A_1027, %swap3A_1028] {strides = array<i32>} : memref<16x128xi32, #tpu.memory_space<vmem>>, vector<16xi32>,
          tpu.vector_store %arg10[%swap3A_1027, %swap3A_1028], %shift_right_logical3A_1026 {strides = array<i32>} : memref<16x128xi32, #tpu.memory_space<vmem>>, vector<16xi32>,
          %and3A_1030 = arith.constant 16383 : i32
          %and3A_1031 = vector.broadcast %and3A_1030 : i32 to vector<16xi32>
          %and3A_1032 = arith.andi %get3A_1023, %and3A_1031 : vector<16xi32>
          %swap3A_1033 = arith.index_cast %scan3A_1008 : i32 to index
          %swap3A_1034 = arith.constant 16 : index
          %swap3A_1035 = tpu.vector_load %arg9[%swap3A_1033, %swap3A_1034] {strides = array<i32>} : memref<16x128xi32, #tpu.memory_space<vmem>>, vector<16xi32>,
          tpu.vector_store %arg9[%swap3A_1033, %swap3A_1034], %and3A_1032 {strides = array<i32>} : memref<16x128xi32, #tpu.memory_space<vmem>>, vector<16xi32>,
          %get3A_1036 = arith.index_cast %scan3A_1008 : i32 to index
          %get3A_1037 = arith.constant 32 : index
          %get3A_1038 = tpu.vector_load %arg9[%get3A_1036, %get3A_1037] {strides = array<i32>} : memref<16x128xi32, #tpu.memory_space<vmem>>, vector<16xi32>,
          %shift_right_logical3A_1039 = arith.constant 14 : i32
          %shift_right_logical3A_1040 = vector.broadcast %shift_right_logical3A_1039 : i32 to vector<16xi32>
          %shift_right_logical3A_1041 = arith.shrui %get3A_1038, %shift_right_logical3A_1040 : vector<16xi32>
          %swap3A_1042 = arith.index_cast %scan3A_1008 : i32 to index
          %swap3A_1043 = arith.constant 32 : index
          %swap3A_1044 = tpu.vector_load %arg10[%swap3A_1042, %swap3A_1043] {strides = array<i32>} : memref<16x128xi32, #tpu.memory_space<vmem>>, vector<16xi32>,
          tpu.vector_store %arg10[%swap3A_1042, %swap3A_1043], %shift_right_logical3A_1041 {strides = array<i32>} : memref<16x128xi32, #tpu.memory_space<vmem>>, vector<16xi32>,
          %and3A_1045 = arith.constant 16383 : i32
          %and3A_1046 = vector.broadcast %and3A_1045 : i32 to vector<16xi32>
          %and3A_1047 = arith.andi %get3A_1038, %and3A_1046 : vector<16xi32>
          %swap3A_1048 = arith.index_cast %scan3A_1008 : i32 to index
          %swap3A_1049 = arith.constant 32 : index
          %swap3A_1050 = tpu.vector_load %arg9[%swap3A_1048, %swap3A_1049] {strides = array<i32>} : memref<16x128xi32, #tpu.memory_space<vmem>>, vector<16xi32>,
          tpu.vector_store %arg9[%swap3A_1048, %swap3A_1049], %and3A_1047 {strides = array<i32>} : memref<16x128xi32, #tpu.memory_space<vmem>>, vector<16xi32>,
          %get3A_1051 = arith.index_cast %scan3A_1008 : i32 to index
          %get3A_1052 = arith.constant 48 : index
          %get3A_1053 = tpu.vector_load %arg9[%get3A_1051, %get3A_1052] {strides = array<i32>} : memref<16x128xi32, #tpu.memory_space<vmem>>, vector<16xi32>,
          %shift_right_logical3A_1054 = arith.constant 14 : i32
          %shift_right_logical3A_1055 = vector.broadcast %shift_right_logical3A_1054 : i32 to vector<16xi32>
          %shift_right_logical3A_1056 = arith.shrui %get3A_1053, %shift_right_logical3A_1055 : vector<16xi32>
          %swap3A_1057 = arith.index_cast %scan3A_1008 : i32 to index
          %swap3A_1058 = arith.constant 48 : index
          %swap3A_1059 = tpu.vector_load %arg10[%swap3A_1057, %swap3A_1058] {strides = array<i32>} : memref<16x128xi32, #tpu.memory_space<vmem>>, vector<16xi32>,
          tpu.vector_store %arg10[%swap3A_1057, %swap3A_1058], %shift_right_logical3A_1056 {strides = array<i32>} : memref<16x128xi32, #tpu.memory_space<vmem>>, vector<16xi32>,
          %and3A_1060 = arith.constant 16383 : i32
          %and3A_1061 = vector.broadcast %and3A_1060 : i32 to vector<16xi32>
          %and3A_1062 = arith.andi %get3A_1053, %and3A_1061 : vector<16xi32>
          %swap3A_1063 = arith.index_cast %scan3A_1008 : i32 to index
          %swap3A_1064 = arith.constant 48 : index
          %swap3A_1065 = tpu.vector_load %arg9[%swap3A_1063, %swap3A_1064] {strides = array<i32>} : memref<16x128xi32, #tpu.memory_space<vmem>>, vector<16xi32>,
          tpu.vector_store %arg9[%swap3A_1063, %swap3A_1064], %and3A_1062 {strides = array<i32>} : memref<16x128xi32, #tpu.memory_space<vmem>>, vector<16xi32>,
          %get3A_1066 = arith.index_cast %scan3A_1008 : i32 to index
          %get3A_1067 = arith.constant 64 : index
          %get3A_1068 = tpu.vector_load %arg9[%get3A_1066, %get3A_1067] {strides = array<i32>} : memref<16x128xi32, #tpu.memory_space<vmem>>, vector<16xi32>,
          %shift_right_logical3A_1069 = arith.constant 14 : i32
          %shift_right_logical3A_1070 = vector.broadcast %shift_right_logical3A_1069 : i32 to vector<16xi32>
          %shift_right_logical3A_1071 = arith.shrui %get3A_1068, %shift_right_logical3A_1070 : vector<16xi32>
          %swap3A_1072 = arith.index_cast %scan3A_1008 : i32 to index
          %swap3A_1073 = arith.constant 64 : index
          %swap3A_1074 = tpu.vector_load %arg10[%swap3A_1072, %swap3A_1073] {strides = array<i32>} : memref<16x128xi32, #tpu.memory_space<vmem>>, vector<16xi32>,
          tpu.vector_store %arg10[%swap3A_1072, %swap3A_1073], %shift_right_logical3A_1071 {strides = array<i32>} : memref<16x128xi32, #tpu.memory_space<vmem>>, vector<16xi32>,
          %and3A_1075 = arith.constant 16383 : i32
          %and3A_1076 = vector.broadcast %and3A_1075 : i32 to vector<16xi32>
          %and3A_1077 = arith.andi %get3A_1068, %and3A_1076 : vector<16xi32>
          %swap3A_1078 = arith.index_cast %scan3A_1008 : i32 to index
          %swap3A_1079 = arith.constant 64 : index
          %swap3A_1080 = tpu.vector_load %arg9[%swap3A_1078, %swap3A_1079] {strides = array<i32>} : memref<16x128xi32, #tpu.memory_space<vmem>>, vector<16xi32>,
          tpu.vector_store %arg9[%swap3A_1078, %swap3A_1079], %and3A_1077 {strides = array<i32>} : memref<16x128xi32, #tpu.memory_space<vmem>>, vector<16xi32>,
          %get3A_1081 = arith.index_cast %scan3A_1008 : i32 to index
          %get3A_1082 = arith.constant 80 : index
          %get3A_1083 = tpu.vector_load %arg9[%get3A_1081, %get3A_1082] {strides = array<i32>} : memref<16x128xi32, #tpu.memory_space<vmem>>, vector<16xi32>,
          %shift_right_logical3A_1084 = arith.constant 14 : i32
          %shift_right_logical3A_1085 = vector.broadcast %shift_right_logical3A_1084 : i32 to vector<16xi32>
          %shift_right_logical3A_1086 = arith.shrui %get3A_1083, %shift_right_logical3A_1085 : vector<16xi32>
          %swap3A_1087 = arith.index_cast %scan3A_1008 : i32 to index
          %swap3A_1088 = arith.constant 80 : index
          %swap3A_1089 = tpu.vector_load %arg10[%swap3A_1087, %swap3A_1088] {strides = array<i32>} : memref<16x128xi32, #tpu.memory_space<vmem>>, vector<16xi32>,
          tpu.vector_store %arg10[%swap3A_1087, %swap3A_1088], %shift_right_logical3A_1086 {strides = array<i32>} : memref<16x128xi32, #tpu.memory_space<vmem>>, vector<16xi32>,
          %and3A_1090 = arith.constant 16383 : i32
          %and3A_1091 = vector.broadcast %and3A_1090 : i32 to vector<16xi32>
          %and3A_1092 = arith.andi %get3A_1083, %and3A_1091 : vector<16xi32>
          %swap3A_1093 = arith.index_cast %scan3A_1008 : i32 to index
          %swap3A_1094 = arith.constant 80 : index
          %swap3A_1095 = tpu.vector_load %arg9[%swap3A_1093, %swap3A_1094] {strides = array<i32>} : memref<16x128xi32, #tpu.memory_space<vmem>>, vector<16xi32>,
          tpu.vector_store %arg9[%swap3A_1093, %swap3A_1094], %and3A_1092 {strides = array<i32>} : memref<16x128xi32, #tpu.memory_space<vmem>>, vector<16xi32>,
          %get3A_1096 = arith.index_cast %scan3A_1008 : i32 to index
          %get3A_1097 = arith.constant 96 : index
          %get3A_1098 = tpu.vector_load %arg9[%get3A_1096, %get3A_1097] {strides = array<i32>} : memref<16x128xi32, #tpu.memory_space<vmem>>, vector<16xi32>,
          %shift_right_logical3A_1099 = arith.constant 14 : i32
          %shift_right_logical3A_1100 = vector.broadcast %shift_right_logical3A_1099 : i32 to vector<16xi32>
          %shift_right_logical3A_1101 = arith.shrui %get3A_1098, %shift_right_logical3A_1100 : vector<16xi32>
          %swap3A_1102 = arith.index_cast %scan3A_1008 : i32 to index
          %swap3A_1103 = arith.constant 96 : index
          %swap3A_1104 = tpu.vector_load %arg10[%swap3A_1102, %swap3A_1103] {strides = array<i32>} : memref<16x128xi32, #tpu.memory_space<vmem>>, vector<16xi32>,
          tpu.vector_store %arg10[%swap3A_1102, %swap3A_1103], %shift_right_logical3A_1101 {strides = array<i32>} : memref<16x128xi32, #tpu.memory_space<vmem>>, vector<16xi32>,
          %and3A_1105 = arith.constant 16383 : i32
          %and3A_1106 = vector.broadcast %and3A_1105 : i32 to vector<16xi32>
          %and3A_1107 = arith.andi %get3A_1098, %and3A_1106 : vector<16xi32>
          %swap3A_1108 = arith.index_cast %scan3A_1008 : i32 to index
          %swap3A_1109 = arith.constant 96 : index
          %swap3A_1110 = tpu.vector_load %arg9[%swap3A_1108, %swap3A_1109] {strides = array<i32>} : memref<16x128xi32, #tpu.memory_space<vmem>>, vector<16xi32>,
          tpu.vector_store %arg9[%swap3A_1108, %swap3A_1109], %and3A_1107 {strides = array<i32>} : memref<16x128xi32, #tpu.memory_space<vmem>>, vector<16xi32>,
          %get3A_1111 = arith.index_cast %scan3A_1008 : i32 to index
          %get3A_1112 = arith.constant 112 : index
          %get3A_1113 = tpu.vector_load %arg9[%get3A_1111, %get3A_1112] {strides = array<i32>} : memref<16x128xi32, #tpu.memory_space<vmem>>, vector<16xi32>,
          %shift_right_logical3A_1114 = arith.constant 14 : i32
          %shift_right_logical3A_1115 = vector.broadcast %shift_right_logical3A_1114 : i32 to vector<16xi32>
          %shift_right_logical3A_1116 = arith.shrui %get3A_1113, %shift_right_logical3A_1115 : vector<16xi32>
          %swap3A_1117 = arith.index_cast %scan3A_1008 : i32 to index
          %swap3A_1118 = arith.constant 112 : index
          %swap3A_1119 = tpu.vector_load %arg10[%swap3A_1117, %swap3A_1118] {strides = array<i32>} : memref<16x128xi32, #tpu.memory_space<vmem>>, vector<16xi32>,
          tpu.vector_store %arg10[%swap3A_1117, %swap3A_1118], %shift_right_logical3A_1116 {strides = array<i32>} : memref<16x128xi32, #tpu.memory_space<vmem>>, vector<16xi32>,
          %and3A_1120 = arith.constant 16383 : i32
          %and3A_1121 = vector.broadcast %and3A_1120 : i32 to vector<16xi32>
          %and3A_1122 = arith.andi %get3A_1113, %and3A_1121 : vector<16xi32>
          %swap3A_1123 = arith.index_cast %scan3A_1008 : i32 to index
          %swap3A_1124 = arith.constant 112 : index
          %swap3A_1125 = tpu.vector_load %arg9[%swap3A_1123, %swap3A_1124] {strides = array<i32>} : memref<16x128xi32, #tpu.memory_space<vmem>>, vector<16xi32>,
          tpu.vector_store %arg9[%swap3A_1123, %swap3A_1124], %and3A_1122 {strides = array<i32>} : memref<16x128xi32, #tpu.memory_space<vmem>>, vector<16xi32>,
        }
        %scan3A_57 = arith.constant 16 : i32
        %dma_start3A = arith.constant 0 : i32
        %dma_start3A_58 = arith.constant 0 : i32
        %dma_start3A_59 = tpu.memref_slice %arg9[%dma_start3A, %dma_start3A_58] : memref<16x128xi32, #tpu.memory_space<vmem>> -> memref<1x128xi32, #tpu.memory_space<vmem>>
        %dma_start3A_60 = tpu.memref_squeeze %dma_start3A_59 : memref<1x128xi32, #tpu.memory_space<vmem>> -> memref<128xi32, #tpu.memory_space<vmem>>
        %dma_start3A_61 = arith.constant 0 : i32
        %dma_start3A_62 = arith.constant 0 : i32
        %dma_start3A_63 = tpu.memref_slice %arg2[%dma_start3A_61, %dma_start3A_62] : memref<10000x64xf32, #tpu.memory_space<hbm>> -> memref<10000x64xf32, #tpu.memory_space<hbm>>
        tpu.enqueue_indirect_dma source(%dma_start3A_63 : memref<10000x64xf32, #tpu.memory_space<hbm>>) target(%arg11 : memref<128x64xf32, #tpu.memory_space<vmem>>) offsets(%dma_start3A_60 : memref<128xi32, #tpu.memory_space<vmem>>) semaphore(%arg15 : memref<!tpu.dma_semaphore, #tpu.memory_space<semaphore_mem>>)
        %dma_start3A_64 = arith.constant 1 : i32
        %dma_start3A_65 = arith.constant 0 : i32
        %dma_start3A_66 = tpu.memref_slice %arg9[%dma_start3A_64, %dma_start3A_65] : memref<16x128xi32, #tpu.memory_space<vmem>> -> memref<1x128xi32, #tpu.memory_space<vmem>>
        %dma_start3A_67 = tpu.memref_squeeze %dma_start3A_66 : memref<1x128xi32, #tpu.memory_space<vmem>> -> memref<128xi32, #tpu.memory_space<vmem>>
        %dma_start3A_68 = arith.constant 0 : i32
        %dma_start3A_69 = arith.constant 0 : i32
        %dma_start3A_70 = tpu.memref_slice %arg2[%dma_start3A_68, %dma_start3A_69] : memref<10000x64xf32, #tpu.memory_space<hbm>> -> memref<10000x64xf32, #tpu.memory_space<hbm>>
        tpu.enqueue_indirect_dma source(%dma_start3A_70 : memref<10000x64xf32, #tpu.memory_space<hbm>>) target(%arg12 : memref<128x64xf32, #tpu.memory_space<vmem>>) offsets(%dma_start3A_67 : memref<128xi32, #tpu.memory_space<vmem>>) semaphore(%arg15 : memref<!tpu.dma_semaphore, #tpu.memory_space<semaphore_mem>>)
        %dma_wait3A = arith.constant 0 : i32
        %dma_wait3A_71 = arith.constant 0 : i32
        %dma_wait3A_72 = tpu.memref_slice %arg9[%dma_wait3A, %dma_wait3A_71] : memref<16x128xi32, #tpu.memory_space<vmem>> -> memref<1x128xi32, #tpu.memory_space<vmem>>
        %dma_wait3A_73 = tpu.memref_squeeze %dma_wait3A_72 : memref<1x128xi32, #tpu.memory_space<vmem>> -> memref<128xi32, #tpu.memory_space<vmem>>
        %dma_wait3A_74 = arith.constant 0 : i32
        %dma_wait3A_75 = arith.constant 0 : i32
        %dma_wait3A_76 = tpu.memref_slice %arg2[%dma_wait3A_74, %dma_wait3A_75] : memref<10000x64xf32, #tpu.memory_space<hbm>> -> memref<10000x64xf32, #tpu.memory_space<hbm>>
        tpu.wait_indirect_dma semaphore(%arg15 : memref<!tpu.dma_semaphore, #tpu.memory_space<semaphore_mem>>) src(%dma_wait3A_76 : memref<10000x64xf32, #tpu.memory_space<hbm>>) dst(%arg11 : memref<128x64xf32, #tpu.memory_space<vmem>>)
        %get3A = arith.constant 0 : i32
        %get3A_77 = arith.index_cast %get3A : i32 to index
        %get3A_78 = arith.constant 0 : index
        %get3A_79 = tpu.vector_load %arg10[%get3A_77, %get3A_78] {strides = array<i32>} : memref<16x128xi32, #tpu.memory_space<vmem>>, vector<16xi32>,
        tpu.vector_store_idx %arg14[%get3A_79], %broadcast_in_dim3A_2 {add = true} : memref<20096xf32, #tpu.memory_space<vmem>>[vector<16xi32>], vector<16xf32>,
        %get3A_80 = arith.constant 0 : i32
        %get3A_81 = arith.index_cast %get3A_80 : i32 to index
        %get3A_82 = arith.constant 16 : index
        %get3A_83 = tpu.vector_load %arg10[%get3A_81, %get3A_82] {strides = array<i32>} : memref<16x128xi32, #tpu.memory_space<vmem>>, vector<16xi32>,
        tpu.vector_store_idx %arg14[%get3A_83], %broadcast_in_dim3A_2 {add = true} : memref<20096xf32, #tpu.memory_space<vmem>>[vector<16xi32>], vector<16xf32>,
        %get3A_84 = arith.constant 0 : i32
        %get3A_85 = arith.index_cast %get3A_84 : i32 to index
        %get3A_86 = arith.constant 32 : index
        %get3A_87 = tpu.vector_load %arg10[%get3A_85, %get3A_86] {strides = array<i32>} : memref<16x128xi32, #tpu.memory_space<vmem>>, vector<16xi32>,
        tpu.vector_store_idx %arg14[%get3A_87], %broadcast_in_dim3A_2 {add = true} : memref<20096xf32, #tpu.memory_space<vmem>>[vector<16xi32>], vector<16xf32>,
        %get3A_88 = arith.constant 0 : i32
        %get3A_89 = arith.index_cast %get3A_88 : i32 to index
        %get3A_90 = arith.constant 48 : index
        %get3A_91 = tpu.vector_load %arg10[%get3A_89, %get3A_90] {strides = array<i32>} : memref<16x128xi32, #tpu.memory_space<vmem>>, vector<16xi32>,
        tpu.vector_store_idx %arg14[%get3A_91], %broadcast_in_dim3A_2 {add = true} : memref<20096xf32, #tpu.memory_space<vmem>>[vector<16xi32>], vector<16xf32>,
        %get3A_92 = arith.constant 0 : i32
        %get3A_93 = arith.index_cast %get3A_92 : i32 to index
        %get3A_94 = arith.constant 64 : index
        %get3A_95 = tpu.vector_load %arg10[%get3A_93, %get3A_94] {strides = array<i32>} : memref<16x128xi32, #tpu.memory_space<vmem>>, vector<16xi32>,
        tpu.vector_store_idx %arg14[%get3A_95], %broadcast_in_dim3A_2 {add = true} : memref<20096xf32, #tpu.memory_space<vmem>>[vector<16xi32>], vector<16xf32>,
        %get3A_96 = arith.constant 0 : i32
        %get3A_97 = arith.index_cast %get3A_96 : i32 to index
        %get3A_98 = arith.constant 80 : index
        %get3A_99 = tpu.vector_load %arg10[%get3A_97, %get3A_98] {strides = array<i32>} : memref<16x128xi32, #tpu.memory_space<vmem>>, vector<16xi32>,
        tpu.vector_store_idx %arg14[%get3A_99], %broadcast_in_dim3A_2 {add = true} : memref<20096xf32, #tpu.memory_space<vmem>>[vector<16xi32>], vector<16xf32>,
        %get3A_100 = arith.constant 0 : i32
        %get3A_101 = arith.index_cast %get3A_100 : i32 to index
        %get3A_102 = arith.constant 96 : index
        %get3A_103 = tpu.vector_load %arg10[%get3A_101, %get3A_102] {strides = array<i32>} : memref<16x128xi32, #tpu.memory_space<vmem>>, vector<16xi32>,
        tpu.vector_store_idx %arg14[%get3A_103], %broadcast_in_dim3A_2 {add = true} : memref<20096xf32, #tpu.memory_space<vmem>>[vector<16xi32>], vector<16xf32>,
        %get3A_104 = arith.constant 0 : i32
        %get3A_105 = arith.index_cast %get3A_104 : i32 to index
        %get3A_106 = arith.constant 112 : index
        %get3A_107 = tpu.vector_load %arg10[%get3A_105, %get3A_106] {strides = array<i32>} : memref<16x128xi32, #tpu.memory_space<vmem>>, vector<16xi32>,
        tpu.vector_store_idx %arg14[%get3A_107], %broadcast_in_dim3A_2 {add = true} : memref<20096xf32, #tpu.memory_space<vmem>>[vector<16xi32>], vector<16xf32>,
        %dma_start3A_108 = arith.constant 0 : i32
        %dma_start3A_109 = arith.constant 0 : i32
        %dma_start3A_110 = tpu.memref_slice %arg10[%dma_start3A_108, %dma_start3A_109] : memref<16x128xi32, #tpu.memory_space<vmem>> -> memref<1x128xi32, #tpu.memory_space<vmem>>
        %dma_start3A_111 = tpu.memref_squeeze %dma_start3A_110 : memref<1x128xi32, #tpu.memory_space<vmem>> -> memref<128xi32, #tpu.memory_space<vmem>>
        %dma_start3A_112 = arith.constant 0 : i32
        %dma_start3A_113 = arith.constant 0 : i32
        %dma_start3A_114 = tpu.memref_slice %arg8[%dma_start3A_112, %dma_start3A_113] : memref<20096x64xf32, #tpu.memory_space<vmem_shared>> -> memref<20096x64xf32, #tpu.memory_space<vmem_shared>>
        tpu.enqueue_indirect_dma source(%arg11 : memref<128x64xf32, #tpu.memory_space<vmem>>) target(%dma_start3A_114 : memref<20096x64xf32, #tpu.memory_space<vmem_shared>>) offsets(%dma_start3A_111 : memref<128xi32, #tpu.memory_space<vmem>>) semaphore(%arg16 : memref<!tpu.dma_semaphore, #tpu.memory_space<semaphore_mem>>) {add = true}
        %dma_start3A_115 = arith.constant 2 : i32
        %dma_start3A_116 = arith.constant 0 : i32
        %dma_start3A_117 = tpu.memref_slice %arg9[%dma_start3A_115, %dma_start3A_116] : memref<16x128xi32, #tpu.memory_space<vmem>> -> memref<1x128xi32, #tpu.memory_space<vmem>>
        %dma_start3A_118 = tpu.memref_squeeze %dma_start3A_117 : memref<1x128xi32, #tpu.memory_space<vmem>> -> memref<128xi32, #tpu.memory_space<vmem>>
        %dma_start3A_119 = arith.constant 0 : i32
        %dma_start3A_120 = arith.constant 0 : i32
        %dma_start3A_121 = tpu.memref_slice %arg2[%dma_start3A_119, %dma_start3A_120] : memref<10000x64xf32, #tpu.memory_space<hbm>> -> memref<10000x64xf32, #tpu.memory_space<hbm>>
        tpu.enqueue_indirect_dma source(%dma_start3A_121 : memref<10000x64xf32, #tpu.memory_space<hbm>>) target(%arg13 : memref<128x64xf32, #tpu.memory_space<vmem>>) offsets(%dma_start3A_118 : memref<128xi32, #tpu.memory_space<vmem>>) semaphore(%arg15 : memref<!tpu.dma_semaphore, #tpu.memory_space<semaphore_mem>>)
        %dma_wait3A_122 = arith.constant 1 : i32
        %dma_wait3A_123 = arith.constant 0 : i32
        %dma_wait3A_124 = tpu.memref_slice %arg9[%dma_wait3A_122, %dma_wait3A_123] : memref<16x128xi32, #tpu.memory_space<vmem>> -> memref<1x128xi32, #tpu.memory_space<vmem>>
        %dma_wait3A_125 = tpu.memref_squeeze %dma_wait3A_124 : memref<1x128xi32, #tpu.memory_space<vmem>> -> memref<128xi32, #tpu.memory_space<vmem>>
        %dma_wait3A_126 = arith.constant 0 : i32
        %dma_wait3A_127 = arith.constant 0 : i32
        %dma_wait3A_128 = tpu.memref_slice %arg2[%dma_wait3A_126, %dma_wait3A_127] : memref<10000x64xf32, #tpu.memory_space<hbm>> -> memref<10000x64xf32, #tpu.memory_space<hbm>>
        tpu.wait_indirect_dma semaphore(%arg15 : memref<!tpu.dma_semaphore, #tpu.memory_space<semaphore_mem>>) src(%dma_wait3A_128 : memref<10000x64xf32, #tpu.memory_space<hbm>>) dst(%arg12 : memref<128x64xf32, #tpu.memory_space<vmem>>)
        %get3A_129 = arith.constant 1 : i32
        %get3A_130 = arith.index_cast %get3A_129 : i32 to index
        %get3A_131 = arith.constant 0 : index
        %get3A_132 = tpu.vector_load %arg10[%get3A_130, %get3A_131] {strides = array<i32>} : memref<16x128xi32, #tpu.memory_space<vmem>>, vector<16xi32>,
        tpu.vector_store_idx %arg14[%get3A_132], %broadcast_in_dim3A_2 {add = true} : memref<20096xf32, #tpu.memory_space<vmem>>[vector<16xi32>], vector<16xf32>,
        %get3A_133 = arith.constant 1 : i32
        %get3A_134 = arith.index_cast %get3A_133 : i32 to index
        %get3A_135 = arith.constant 16 : index
        %get3A_136 = tpu.vector_load %arg10[%get3A_134, %get3A_135] {strides = array<i32>} : memref<16x128xi32, #tpu.memory_space<vmem>>, vector<16xi32>,
        tpu.vector_store_idx %arg14[%get3A_136], %broadcast_in_dim3A_2 {add = true} : memref<20096xf32, #tpu.memory_space<vmem>>[vector<16xi32>], vector<16xf32>,
        %get3A_137 = arith.constant 1 : i32
        %get3A_138 = arith.index_cast %get3A_137 : i32 to index
        %get3A_139 = arith.constant 32 : index
        %get3A_140 = tpu.vector_load %arg10[%get3A_138, %get3A_139] {strides = array<i32>} : memref<16x128xi32, #tpu.memory_space<vmem>>, vector<16xi32>,
        tpu.vector_store_idx %arg14[%get3A_140], %broadcast_in_dim3A_2 {add = true} : memref<20096xf32, #tpu.memory_space<vmem>>[vector<16xi32>], vector<16xf32>,
        %get3A_141 = arith.constant 1 : i32
        %get3A_142 = arith.index_cast %get3A_141 : i32 to index
        %get3A_143 = arith.constant 48 : index
        %get3A_144 = tpu.vector_load %arg10[%get3A_142, %get3A_143] {strides = array<i32>} : memref<16x128xi32, #tpu.memory_space<vmem>>, vector<16xi32>,
        tpu.vector_store_idx %arg14[%get3A_144], %broadcast_in_dim3A_2 {add = true} : memref<20096xf32, #tpu.memory_space<vmem>>[vector<16xi32>], vector<16xf32>,
        %get3A_145 = arith.constant 1 : i32
        %get3A_146 = arith.index_cast %get3A_145 : i32 to index
        %get3A_147 = arith.constant 64 : index
        %get3A_148 = tpu.vector_load %arg10[%get3A_146, %get3A_147] {strides = array<i32>} : memref<16x128xi32, #tpu.memory_space<vmem>>, vector<16xi32>,
        tpu.vector_store_idx %arg14[%get3A_148], %broadcast_in_dim3A_2 {add = true} : memref<20096xf32, #tpu.memory_space<vmem>>[vector<16xi32>], vector<16xf32>,
        %get3A_149 = arith.constant 1 : i32
        %get3A_150 = arith.index_cast %get3A_149 : i32 to index
        %get3A_151 = arith.constant 80 : index
        %get3A_152 = tpu.vector_load %arg10[%get3A_150, %get3A_151] {strides = array<i32>} : memref<16x128xi32, #tpu.memory_space<vmem>>, vector<16xi32>,
        tpu.vector_store_idx %arg14[%get3A_152], %broadcast_in_dim3A_2 {add = true} : memref<20096xf32, #tpu.memory_space<vmem>>[vector<16xi32>], vector<16xf32>,
        %get3A_153 = arith.constant 1 : i32
        %get3A_154 = arith.index_cast %get3A_153 : i32 to index
        %get3A_155 = arith.constant 96 : index
        %get3A_156 = tpu.vector_load %arg10[%get3A_154, %get3A_155] {strides = array<i32>} : memref<16x128xi32, #tpu.memory_space<vmem>>, vector<16xi32>,
        tpu.vector_store_idx %arg14[%get3A_156], %broadcast_in_dim3A_2 {add = true} : memref<20096xf32, #tpu.memory_space<vmem>>[vector<16xi32>], vector<16xf32>,
        %get3A_157 = arith.constant 1 : i32
        %get3A_158 = arith.index_cast %get3A_157 : i32 to index
        %get3A_159 = arith.constant 112 : index
        %get3A_160 = tpu.vector_load %arg10[%get3A_158, %get3A_159] {strides = array<i32>} : memref<16x128xi32, #tpu.memory_space<vmem>>, vector<16xi32>,
        tpu.vector_store_idx %arg14[%get3A_160], %broadcast_in_dim3A_2 {add = true} : memref<20096xf32, #tpu.memory_space<vmem>>[vector<16xi32>], vector<16xf32>,
        %dma_start3A_161 = arith.constant 1 : i32
        %dma_start3A_162 = arith.constant 0 : i32
        %dma_start3A_163 = tpu.memref_slice %arg10[%dma_start3A_161, %dma_start3A_162] : memref<16x128xi32, #tpu.memory_space<vmem>> -> memref<1x128xi32, #tpu.memory_space<vmem>>
        %dma_start3A_164 = tpu.memref_squeeze %dma_start3A_163 : memref<1x128xi32, #tpu.memory_space<vmem>> -> memref<128xi32, #tpu.memory_space<vmem>>
        %dma_start3A_165 = arith.constant 0 : i32
        %dma_start3A_166 = arith.constant 0 : i32
        %dma_start3A_167 = tpu.memref_slice %arg8[%dma_start3A_165, %dma_start3A_166] : memref<20096x64xf32, #tpu.memory_space<vmem_shared>> -> memref<20096x64xf32, #tpu.memory_space<vmem_shared>>
        tpu.enqueue_indirect_dma source(%arg12 : memref<128x64xf32, #tpu.memory_space<vmem>>) target(%dma_start3A_167 : memref<20096x64xf32, #tpu.memory_space<vmem_shared>>) offsets(%dma_start3A_164 : memref<128xi32, #tpu.memory_space<vmem>>) semaphore(%arg16 : memref<!tpu.dma_semaphore, #tpu.memory_space<semaphore_mem>>) {add = true}
        %dma_wait3A_168 = arith.constant 0 : i32
        %dma_wait3A_169 = arith.constant 0 : i32
        %dma_wait3A_170 = tpu.memref_slice %arg10[%dma_wait3A_168, %dma_wait3A_169] : memref<16x128xi32, #tpu.memory_space<vmem>> -> memref<1x128xi32, #tpu.memory_space<vmem>>
        %dma_wait3A_171 = tpu.memref_squeeze %dma_wait3A_170 : memref<1x128xi32, #tpu.memory_space<vmem>> -> memref<128xi32, #tpu.memory_space<vmem>>
        %dma_wait3A_172 = arith.constant 0 : i32
        %dma_wait3A_173 = arith.constant 0 : i32
        %dma_wait3A_174 = tpu.memref_slice %arg8[%dma_wait3A_172, %dma_wait3A_173] : memref<20096x64xf32, #tpu.memory_space<vmem_shared>> -> memref<20096x64xf32, #tpu.memory_space<vmem_shared>>
        tpu.wait_indirect_dma semaphore(%arg16 : memref<!tpu.dma_semaphore, #tpu.memory_space<semaphore_mem>>) src(%arg11 : memref<128x64xf32, #tpu.memory_space<vmem>>) dst(%dma_wait3A_174 : memref<20096x64xf32, #tpu.memory_space<vmem_shared>>)
        %dma_start3A_175 = arith.constant 3 : i32
        %dma_start3A_176 = arith.constant 0 : i32
        %dma_start3A_177 = tpu.memref_slice %arg9[%dma_start3A_175, %dma_start3A_176] : memref<16x128xi32, #tpu.memory_space<vmem>> -> memref<1x128xi32, #tpu.memory_space<vmem>>
        %dma_start3A_178 = tpu.memref_squeeze %dma_start3A_177 : memref<1x128xi32, #tpu.memory_space<vmem>> -> memref<128xi32, #tpu.memory_space<vmem>>
        %dma_start3A_179 = arith.constant 0 : i32
        %dma_start3A_180 = arith.constant 0 : i32
        %dma_start3A_181 = tpu.memref_slice %arg2[%dma_start3A_179, %dma_start3A_180] : memref<10000x64xf32, #tpu.memory_space<hbm>> -> memref<10000x64xf32, #tpu.memory_space<hbm>>
        tpu.enqueue_indirect_dma source(%dma_start3A_181 : memref<10000x64xf32, #tpu.memory_space<hbm>>) target(%arg11 : memref<128x64xf32, #tpu.memory_space<vmem>>) offsets(%dma_start3A_178 : memref<128xi32, #tpu.memory_space<vmem>>) semaphore(%arg15 : memref<!tpu.dma_semaphore, #tpu.memory_space<semaphore_mem>>)
        %dma_wait3A_182 = arith.constant 2 : i32
        %dma_wait3A_183 = arith.constant 0 : i32
        %dma_wait3A_184 = tpu.memref_slice %arg9[%dma_wait3A_182, %dma_wait3A_183] : memref<16x128xi32, #tpu.memory_space<vmem>> -> memref<1x128xi32, #tpu.memory_space<vmem>>
        %dma_wait3A_185 = tpu.memref_squeeze %dma_wait3A_184 : memref<1x128xi32, #tpu.memory_space<vmem>> -> memref<128xi32, #tpu.memory_space<vmem>>
        %dma_wait3A_186 = arith.constant 0 : i32
        %dma_wait3A_187 = arith.constant 0 : i32
        %dma_wait3A_188 = tpu.memref_slice %arg2[%dma_wait3A_186, %dma_wait3A_187] : memref<10000x64xf32, #tpu.memory_space<hbm>> -> memref<10000x64xf32, #tpu.memory_space<hbm>>
        tpu.wait_indirect_dma semaphore(%arg15 : memref<!tpu.dma_semaphore, #tpu.memory_space<semaphore_mem>>) src(%dma_wait3A_188 : memref<10000x64xf32, #tpu.memory_space<hbm>>) dst(%arg13 : memref<128x64xf32, #tpu.memory_space<vmem>>)
        %get3A_189 = arith.constant 2 : i32
        %get3A_190 = arith.index_cast %get3A_189 : i32 to index
        %get3A_191 = arith.constant 0 : index
        %get3A_192 = tpu.vector_load %arg10[%get3A_190, %get3A_191] {strides = array<i32>} : memref<16x128xi32, #tpu.memory_space<vmem>>, vector<16xi32>,
        tpu.vector_store_idx %arg14[%get3A_192], %broadcast_in_dim3A_2 {add = true} : memref<20096xf32, #tpu.memory_space<vmem>>[vector<16xi32>], vector<16xf32>,
        %get3A_193 = arith.constant 2 : i32
        %get3A_194 = arith.index_cast %get3A_193 : i32 to index
        %get3A_195 = arith.constant 16 : index
        %get3A_196 = tpu.vector_load %arg10[%get3A_194, %get3A_195] {strides = array<i32>} : memref<16x128xi32, #tpu.memory_space<vmem>>, vector<16xi32>,
        tpu.vector_store_idx %arg14[%get3A_196], %broadcast_in_dim3A_2 {add = true} : memref<20096xf32, #tpu.memory_space<vmem>>[vector<16xi32>], vector<16xf32>,
        %get3A_197 = arith.constant 2 : i32
        %get3A_198 = arith.index_cast %get3A_197 : i32 to index
        %get3A_199 = arith.constant 32 : index
        %get3A_200 = tpu.vector_load %arg10[%get3A_198, %get3A_199] {strides = array<i32>} : memref<16x128xi32, #tpu.memory_space<vmem>>, vector<16xi32>,
        tpu.vector_store_idx %arg14[%get3A_200], %broadcast_in_dim3A_2 {add = true} : memref<20096xf32, #tpu.memory_space<vmem>>[vector<16xi32>], vector<16xf32>,
        %get3A_201 = arith.constant 2 : i32
        %get3A_202 = arith.index_cast %get3A_201 : i32 to index
        %get3A_203 = arith.constant 48 : index
        %get3A_204 = tpu.vector_load %arg10[%get3A_202, %get3A_203] {strides = array<i32>} : memref<16x128xi32, #tpu.memory_space<vmem>>, vector<16xi32>,
        tpu.vector_store_idx %arg14[%get3A_204], %broadcast_in_dim3A_2 {add = true} : memref<20096xf32, #tpu.memory_space<vmem>>[vector<16xi32>], vector<16xf32>,
        %get3A_205 = arith.constant 2 : i32
        %get3A_206 = arith.index_cast %get3A_205 : i32 to index
        %get3A_207 = arith.constant 64 : index
        %get3A_208 = tpu.vector_load %arg10[%get3A_206, %get3A_207] {strides = array<i32>} : memref<16x128xi32, #tpu.memory_space<vmem>>, vector<16xi32>,
        tpu.vector_store_idx %arg14[%get3A_208], %broadcast_in_dim3A_2 {add = true} : memref<20096xf32, #tpu.memory_space<vmem>>[vector<16xi32>], vector<16xf32>,
        %get3A_209 = arith.constant 2 : i32
        %get3A_210 = arith.index_cast %get3A_209 : i32 to index
        %get3A_211 = arith.constant 80 : index
        %get3A_212 = tpu.vector_load %arg10[%get3A_210, %get3A_211] {strides = array<i32>} : memref<16x128xi32, #tpu.memory_space<vmem>>, vector<16xi32>,
        tpu.vector_store_idx %arg14[%get3A_212], %broadcast_in_dim3A_2 {add = true} : memref<20096xf32, #tpu.memory_space<vmem>>[vector<16xi32>], vector<16xf32>,
        %get3A_213 = arith.constant 2 : i32
        %get3A_214 = arith.index_cast %get3A_213 : i32 to index
        %get3A_215 = arith.constant 96 : index
        %get3A_216 = tpu.vector_load %arg10[%get3A_214, %get3A_215] {strides = array<i32>} : memref<16x128xi32, #tpu.memory_space<vmem>>, vector<16xi32>,
        tpu.vector_store_idx %arg14[%get3A_216], %broadcast_in_dim3A_2 {add = true} : memref<20096xf32, #tpu.memory_space<vmem>>[vector<16xi32>], vector<16xf32>,
        %get3A_217 = arith.constant 2 : i32
        %get3A_218 = arith.index_cast %get3A_217 : i32 to index
        %get3A_219 = arith.constant 112 : index
        %get3A_220 = tpu.vector_load %arg10[%get3A_218, %get3A_219] {strides = array<i32>} : memref<16x128xi32, #tpu.memory_space<vmem>>, vector<16xi32>,
        tpu.vector_store_idx %arg14[%get3A_220], %broadcast_in_dim3A_2 {add = true} : memref<20096xf32, #tpu.memory_space<vmem>>[vector<16xi32>], vector<16xf32>,
        %dma_start3A_221 = arith.constant 2 : i32
        %dma_start3A_222 = arith.constant 0 : i32
        %dma_start3A_223 = tpu.memref_slice %arg10[%dma_start3A_221, %dma_start3A_222] : memref<16x128xi32, #tpu.memory_space<vmem>> -> memref<1x128xi32, #tpu.memory_space<vmem>>
        %dma_start3A_224 = tpu.memref_squeeze %dma_start3A_223 : memref<1x128xi32, #tpu.memory_space<vmem>> -> memref<128xi32, #tpu.memory_space<vmem>>
        %dma_start3A_225 = arith.constant 0 : i32
        %dma_start3A_226 = arith.constant 0 : i32
        %dma_start3A_227 = tpu.memref_slice %arg8[%dma_start3A_225, %dma_start3A_226] : memref<20096x64xf32, #tpu.memory_space<vmem_shared>> -> memref<20096x64xf32, #tpu.memory_space<vmem_shared>>
        tpu.enqueue_indirect_dma source(%arg13 : memref<128x64xf32, #tpu.memory_space<vmem>>) target(%dma_start3A_227 : memref<20096x64xf32, #tpu.memory_space<vmem_shared>>) offsets(%dma_start3A_224 : memref<128xi32, #tpu.memory_space<vmem>>) semaphore(%arg16 : memref<!tpu.dma_semaphore, #tpu.memory_space<semaphore_mem>>) {add = true}
        %dma_wait3A_228 = arith.constant 1 : i32
        %dma_wait3A_229 = arith.constant 0 : i32
        %dma_wait3A_230 = tpu.memref_slice %arg10[%dma_wait3A_228, %dma_wait3A_229] : memref<16x128xi32, #tpu.memory_space<vmem>> -> memref<1x128xi32, #tpu.memory_space<vmem>>
        %dma_wait3A_231 = tpu.memref_squeeze %dma_wait3A_230 : memref<1x128xi32, #tpu.memory_space<vmem>> -> memref<128xi32, #tpu.memory_space<vmem>>
        %dma_wait3A_232 = arith.constant 0 : i32
        %dma_wait3A_233 = arith.constant 0 : i32
        %dma_wait3A_234 = tpu.memref_slice %arg8[%dma_wait3A_232, %dma_wait3A_233] : memref<20096x64xf32, #tpu.memory_space<vmem_shared>> -> memref<20096x64xf32, #tpu.memory_space<vmem_shared>>
        tpu.wait_indirect_dma semaphore(%arg16 : memref<!tpu.dma_semaphore, #tpu.memory_space<semaphore_mem>>) src(%arg12 : memref<128x64xf32, #tpu.memory_space<vmem>>) dst(%dma_wait3A_234 : memref<20096x64xf32, #tpu.memory_space<vmem_shared>>)
        %dma_start3A_235 = arith.constant 4 : i32
        %dma_start3A_236 = arith.constant 0 : i32
        %dma_start3A_237 = tpu.memref_slice %arg9[%dma_start3A_235, %dma_start3A_236] : memref<16x128xi32, #tpu.memory_space<vmem>> -> memref<1x128xi32, #tpu.memory_space<vmem>>
        %dma_start3A_238 = tpu.memref_squeeze %dma_start3A_237 : memref<1x128xi32, #tpu.memory_space<vmem>> -> memref<128xi32, #tpu.memory_space<vmem>>
        %dma_start3A_239 = arith.constant 0 : i32
        %dma_start3A_240 = arith.constant 0 : i32
        %dma_start3A_241 = tpu.memref_slice %arg2[%dma_start3A_239, %dma_start3A_240] : memref<10000x64xf32, #tpu.memory_space<hbm>> -> memref<10000x64xf32, #tpu.memory_space<hbm>>
        tpu.enqueue_indirect_dma source(%dma_start3A_241 : memref<10000x64xf32, #tpu.memory_space<hbm>>) target(%arg12 : memref<128x64xf32, #tpu.memory_space<vmem>>) offsets(%dma_start3A_238 : memref<128xi32, #tpu.memory_space<vmem>>) semaphore(%arg15 : memref<!tpu.dma_semaphore, #tpu.memory_space<semaphore_mem>>)
        %dma_wait3A_242 = arith.constant 3 : i32
        %dma_wait3A_243 = arith.constant 0 : i32
        %dma_wait3A_244 = tpu.memref_slice %arg9[%dma_wait3A_242, %dma_wait3A_243] : memref<16x128xi32, #tpu.memory_space<vmem>> -> memref<1x128xi32, #tpu.memory_space<vmem>>
        %dma_wait3A_245 = tpu.memref_squeeze %dma_wait3A_244 : memref<1x128xi32, #tpu.memory_space<vmem>> -> memref<128xi32, #tpu.memory_space<vmem>>
        %dma_wait3A_246 = arith.constant 0 : i32
        %dma_wait3A_247 = arith.constant 0 : i32
        %dma_wait3A_248 = tpu.memref_slice %arg2[%dma_wait3A_246, %dma_wait3A_247] : memref<10000x64xf32, #tpu.memory_space<hbm>> -> memref<10000x64xf32, #tpu.memory_space<hbm>>
        tpu.wait_indirect_dma semaphore(%arg15 : memref<!tpu.dma_semaphore, #tpu.memory_space<semaphore_mem>>) src(%dma_wait3A_248 : memref<10000x64xf32, #tpu.memory_space<hbm>>) dst(%arg11 : memref<128x64xf32, #tpu.memory_space<vmem>>)
        %get3A_249 = arith.constant 3 : i32
        %get3A_250 = arith.index_cast %get3A_249 : i32 to index
        %get3A_251 = arith.constant 0 : index
        %get3A_252 = tpu.vector_load %arg10[%get3A_250, %get3A_251] {strides = array<i32>} : memref<16x128xi32, #tpu.memory_space<vmem>>, vector<16xi32>,
        tpu.vector_store_idx %arg14[%get3A_252], %broadcast_in_dim3A_2 {add = true} : memref<20096xf32, #tpu.memory_space<vmem>>[vector<16xi32>], vector<16xf32>,
        %get3A_253 = arith.constant 3 : i32
        %get3A_254 = arith.index_cast %get3A_253 : i32 to index
        %get3A_255 = arith.constant 16 : index
        %get3A_256 = tpu.vector_load %arg10[%get3A_254, %get3A_255] {strides = array<i32>} : memref<16x128xi32, #tpu.memory_space<vmem>>, vector<16xi32>,
        tpu.vector_store_idx %arg14[%get3A_256], %broadcast_in_dim3A_2 {add = true} : memref<20096xf32, #tpu.memory_space<vmem>>[vector<16xi32>], vector<16xf32>,
        %get3A_257 = arith.constant 3 : i32
        %get3A_258 = arith.index_cast %get3A_257 : i32 to index
        %get3A_259 = arith.constant 32 : index
        %get3A_260 = tpu.vector_load %arg10[%get3A_258, %get3A_259] {strides = array<i32>} : memref<16x128xi32, #tpu.memory_space<vmem>>, vector<16xi32>,
        tpu.vector_store_idx %arg14[%get3A_260], %broadcast_in_dim3A_2 {add = true} : memref<20096xf32, #tpu.memory_space<vmem>>[vector<16xi32>], vector<16xf32>,
        %get3A_261 = arith.constant 3 : i32
        %get3A_262 = arith.index_cast %get3A_261 : i32 to index
        %get3A_263 = arith.constant 48 : index
        %get3A_264 = tpu.vector_load %arg10[%get3A_262, %get3A_263] {strides = array<i32>} : memref<16x128xi32, #tpu.memory_space<vmem>>, vector<16xi32>,
        tpu.vector_store_idx %arg14[%get3A_264], %broadcast_in_dim3A_2 {add = true} : memref<20096xf32, #tpu.memory_space<vmem>>[vector<16xi32>], vector<16xf32>,
        %get3A_265 = arith.constant 3 : i32
        %get3A_266 = arith.index_cast %get3A_265 : i32 to index
        %get3A_267 = arith.constant 64 : index
        %get3A_268 = tpu.vector_load %arg10[%get3A_266, %get3A_267] {strides = array<i32>} : memref<16x128xi32, #tpu.memory_space<vmem>>, vector<16xi32>,
        tpu.vector_store_idx %arg14[%get3A_268], %broadcast_in_dim3A_2 {add = true} : memref<20096xf32, #tpu.memory_space<vmem>>[vector<16xi32>], vector<16xf32>,
        %get3A_269 = arith.constant 3 : i32
        %get3A_270 = arith.index_cast %get3A_269 : i32 to index
        %get3A_271 = arith.constant 80 : index
        %get3A_272 = tpu.vector_load %arg10[%get3A_270, %get3A_271] {strides = array<i32>} : memref<16x128xi32, #tpu.memory_space<vmem>>, vector<16xi32>,
        tpu.vector_store_idx %arg14[%get3A_272], %broadcast_in_dim3A_2 {add = true} : memref<20096xf32, #tpu.memory_space<vmem>>[vector<16xi32>], vector<16xf32>,
        %get3A_273 = arith.constant 3 : i32
        %get3A_274 = arith.index_cast %get3A_273 : i32 to index
        %get3A_275 = arith.constant 96 : index
        %get3A_276 = tpu.vector_load %arg10[%get3A_274, %get3A_275] {strides = array<i32>} : memref<16x128xi32, #tpu.memory_space<vmem>>, vector<16xi32>,
        tpu.vector_store_idx %arg14[%get3A_276], %broadcast_in_dim3A_2 {add = true} : memref<20096xf32, #tpu.memory_space<vmem>>[vector<16xi32>], vector<16xf32>,
        %get3A_277 = arith.constant 3 : i32
        %get3A_278 = arith.index_cast %get3A_277 : i32 to index
        %get3A_279 = arith.constant 112 : index
        %get3A_280 = tpu.vector_load %arg10[%get3A_278, %get3A_279] {strides = array<i32>} : memref<16x128xi32, #tpu.memory_space<vmem>>, vector<16xi32>,
        tpu.vector_store_idx %arg14[%get3A_280], %broadcast_in_dim3A_2 {add = true} : memref<20096xf32, #tpu.memory_space<vmem>>[vector<16xi32>], vector<16xf32>,
        %dma_start3A_281 = arith.constant 3 : i32
        %dma_start3A_282 = arith.constant 0 : i32
        %dma_start3A_283 = tpu.memref_slice %arg10[%dma_start3A_281, %dma_start3A_282] : memref<16x128xi32, #tpu.memory_space<vmem>> -> memref<1x128xi32, #tpu.memory_space<vmem>>
        %dma_start3A_284 = tpu.memref_squeeze %dma_start3A_283 : memref<1x128xi32, #tpu.memory_space<vmem>> -> memref<128xi32, #tpu.memory_space<vmem>>
        %dma_start3A_285 = arith.constant 0 : i32
        %dma_start3A_286 = arith.constant 0 : i32
        %dma_start3A_287 = tpu.memref_slice %arg8[%dma_start3A_285, %dma_start3A_286] : memref<20096x64xf32, #tpu.memory_space<vmem_shared>> -> memref<20096x64xf32, #tpu.memory_space<vmem_shared>>
        tpu.enqueue_indirect_dma source(%arg11 : memref<128x64xf32, #tpu.memory_space<vmem>>) target(%dma_start3A_287 : memref<20096x64xf32, #tpu.memory_space<vmem_shared>>) offsets(%dma_start3A_284 : memref<128xi32, #tpu.memory_space<vmem>>) semaphore(%arg16 : memref<!tpu.dma_semaphore, #tpu.memory_space<semaphore_mem>>) {add = true}
        %dma_wait3A_288 = arith.constant 2 : i32
        %dma_wait3A_289 = arith.constant 0 : i32
        %dma_wait3A_290 = tpu.memref_slice %arg10[%dma_wait3A_288, %dma_wait3A_289] : memref<16x128xi32, #tpu.memory_space<vmem>> -> memref<1x128xi32, #tpu.memory_space<vmem>>
        %dma_wait3A_291 = tpu.memref_squeeze %dma_wait3A_290 : memref<1x128xi32, #tpu.memory_space<vmem>> -> memref<128xi32, #tpu.memory_space<vmem>>
        %dma_wait3A_292 = arith.constant 0 : i32
        %dma_wait3A_293 = arith.constant 0 : i32
        %dma_wait3A_294 = tpu.memref_slice %arg8[%dma_wait3A_292, %dma_wait3A_293] : memref<20096x64xf32, #tpu.memory_space<vmem_shared>> -> memref<20096x64xf32, #tpu.memory_space<vmem_shared>>
        tpu.wait_indirect_dma semaphore(%arg16 : memref<!tpu.dma_semaphore, #tpu.memory_space<semaphore_mem>>) src(%arg13 : memref<128x64xf32, #tpu.memory_space<vmem>>) dst(%dma_wait3A_294 : memref<20096x64xf32, #tpu.memory_space<vmem_shared>>)
        %dma_start3A_295 = arith.constant 5 : i32
        %dma_start3A_296 = arith.constant 0 : i32
        %dma_start3A_297 = tpu.memref_slice %arg9[%dma_start3A_295, %dma_start3A_296] : memref<16x128xi32, #tpu.memory_space<vmem>> -> memref<1x128xi32, #tpu.memory_space<vmem>>
        %dma_start3A_298 = tpu.memref_squeeze %dma_start3A_297 : memref<1x128xi32, #tpu.memory_space<vmem>> -> memref<128xi32, #tpu.memory_space<vmem>>
        %dma_start3A_299 = arith.constant 0 : i32
        %dma_start3A_300 = arith.constant 0 : i32
        %dma_start3A_301 = tpu.memref_slice %arg2[%dma_start3A_299, %dma_start3A_300] : memref<10000x64xf32, #tpu.memory_space<hbm>> -> memref<10000x64xf32, #tpu.memory_space<hbm>>
        tpu.enqueue_indirect_dma source(%dma_start3A_301 : memref<10000x64xf32, #tpu.memory_space<hbm>>) target(%arg13 : memref<128x64xf32, #tpu.memory_space<vmem>>) offsets(%dma_start3A_298 : memref<128xi32, #tpu.memory_space<vmem>>) semaphore(%arg15 : memref<!tpu.dma_semaphore, #tpu.memory_space<semaphore_mem>>)
        %dma_wait3A_302 = arith.constant 4 : i32
        %dma_wait3A_303 = arith.constant 0 : i32
        %dma_wait3A_304 = tpu.memref_slice %arg9[%dma_wait3A_302, %dma_wait3A_303] : memref<16x128xi32, #tpu.memory_space<vmem>> -> memref<1x128xi32, #tpu.memory_space<vmem>>
        %dma_wait3A_305 = tpu.memref_squeeze %dma_wait3A_304 : memref<1x128xi32, #tpu.memory_space<vmem>> -> memref<128xi32, #tpu.memory_space<vmem>>
        %dma_wait3A_306 = arith.constant 0 : i32
        %dma_wait3A_307 = arith.constant 0 : i32
        %dma_wait3A_308 = tpu.memref_slice %arg2[%dma_wait3A_306, %dma_wait3A_307] : memref<10000x64xf32, #tpu.memory_space<hbm>> -> memref<10000x64xf32, #tpu.memory_space<hbm>>
        tpu.wait_indirect_dma semaphore(%arg15 : memref<!tpu.dma_semaphore, #tpu.memory_space<semaphore_mem>>) src(%dma_wait3A_308 : memref<10000x64xf32, #tpu.memory_space<hbm>>) dst(%arg12 : memref<128x64xf32, #tpu.memory_space<vmem>>)
        %get3A_309 = arith.constant 4 : i32
        %get3A_310 = arith.index_cast %get3A_309 : i32 to index
        %get3A_311 = arith.constant 0 : index
        %get3A_312 = tpu.vector_load %arg10[%get3A_310, %get3A_311] {strides = array<i32>} : memref<16x128xi32, #tpu.memory_space<vmem>>, vector<16xi32>,
        tpu.vector_store_idx %arg14[%get3A_312], %broadcast_in_dim3A_2 {add = true} : memref<20096xf32, #tpu.memory_space<vmem>>[vector<16xi32>], vector<16xf32>,
        %get3A_313 = arith.constant 4 : i32
        %get3A_314 = arith.index_cast %get3A_313 : i32 to index
        %get3A_315 = arith.constant 16 : index
        %get3A_316 = tpu.vector_load %arg10[%get3A_314, %get3A_315] {strides = array<i32>} : memref<16x128xi32, #tpu.memory_space<vmem>>, vector<16xi32>,
        tpu.vector_store_idx %arg14[%get3A_316], %broadcast_in_dim3A_2 {add = true} : memref<20096xf32, #tpu.memory_space<vmem>>[vector<16xi32>], vector<16xf32>,
        %get3A_317 = arith.constant 4 : i32
        %get3A_318 = arith.index_cast %get3A_317 : i32 to index
        %get3A_319 = arith.constant 32 : index
        %get3A_320 = tpu.vector_load %arg10[%get3A_318, %get3A_319] {strides = array<i32>} : memref<16x128xi32, #tpu.memory_space<vmem>>, vector<16xi32>,
        tpu.vector_store_idx %arg14[%get3A_320], %broadcast_in_dim3A_2 {add = true} : memref<20096xf32, #tpu.memory_space<vmem>>[vector<16xi32>], vector<16xf32>,
        %get3A_321 = arith.constant 4 : i32
        %get3A_322 = arith.index_cast %get3A_321 : i32 to index
        %get3A_323 = arith.constant 48 : index
        %get3A_324 = tpu.vector_load %arg10[%get3A_322, %get3A_323] {strides = array<i32>} : memref<16x128xi32, #tpu.memory_space<vmem>>, vector<16xi32>,
        tpu.vector_store_idx %arg14[%get3A_324], %broadcast_in_dim3A_2 {add = true} : memref<20096xf32, #tpu.memory_space<vmem>>[vector<16xi32>], vector<16xf32>,
        %get3A_325 = arith.constant 4 : i32
        %get3A_326 = arith.index_cast %get3A_325 : i32 to index
        %get3A_327 = arith.constant 64 : index
        %get3A_328 = tpu.vector_load %arg10[%get3A_326, %get3A_327] {strides = array<i32>} : memref<16x128xi32, #tpu.memory_space<vmem>>, vector<16xi32>,
        tpu.vector_store_idx %arg14[%get3A_328], %broadcast_in_dim3A_2 {add = true} : memref<20096xf32, #tpu.memory_space<vmem>>[vector<16xi32>], vector<16xf32>,
        %get3A_329 = arith.constant 4 : i32
        %get3A_330 = arith.index_cast %get3A_329 : i32 to index
        %get3A_331 = arith.constant 80 : index
        %get3A_332 = tpu.vector_load %arg10[%get3A_330, %get3A_331] {strides = array<i32>} : memref<16x128xi32, #tpu.memory_space<vmem>>, vector<16xi32>,
        tpu.vector_store_idx %arg14[%get3A_332], %broadcast_in_dim3A_2 {add = true} : memref<20096xf32, #tpu.memory_space<vmem>>[vector<16xi32>], vector<16xf32>,
        %get3A_333 = arith.constant 4 : i32
        %get3A_334 = arith.index_cast %get3A_333 : i32 to index
        %get3A_335 = arith.constant 96 : index
        %get3A_336 = tpu.vector_load %arg10[%get3A_334, %get3A_335] {strides = array<i32>} : memref<16x128xi32, #tpu.memory_space<vmem>>, vector<16xi32>,
        tpu.vector_store_idx %arg14[%get3A_336], %broadcast_in_dim3A_2 {add = true} : memref<20096xf32, #tpu.memory_space<vmem>>[vector<16xi32>], vector<16xf32>,
        %get3A_337 = arith.constant 4 : i32
        %get3A_338 = arith.index_cast %get3A_337 : i32 to index
        %get3A_339 = arith.constant 112 : index
        %get3A_340 = tpu.vector_load %arg10[%get3A_338, %get3A_339] {strides = array<i32>} : memref<16x128xi32, #tpu.memory_space<vmem>>, vector<16xi32>,
        tpu.vector_store_idx %arg14[%get3A_340], %broadcast_in_dim3A_2 {add = true} : memref<20096xf32, #tpu.memory_space<vmem>>[vector<16xi32>], vector<16xf32>,
        %dma_start3A_341 = arith.constant 4 : i32
        %dma_start3A_342 = arith.constant 0 : i32
        %dma_start3A_343 = tpu.memref_slice %arg10[%dma_start3A_341, %dma_start3A_342] : memref<16x128xi32, #tpu.memory_space<vmem>> -> memref<1x128xi32, #tpu.memory_space<vmem>>
        %dma_start3A_344 = tpu.memref_squeeze %dma_start3A_343 : memref<1x128xi32, #tpu.memory_space<vmem>> -> memref<128xi32, #tpu.memory_space<vmem>>
        %dma_start3A_345 = arith.constant 0 : i32
        %dma_start3A_346 = arith.constant 0 : i32
        %dma_start3A_347 = tpu.memref_slice %arg8[%dma_start3A_345, %dma_start3A_346] : memref<20096x64xf32, #tpu.memory_space<vmem_shared>> -> memref<20096x64xf32, #tpu.memory_space<vmem_shared>>
        tpu.enqueue_indirect_dma source(%arg12 : memref<128x64xf32, #tpu.memory_space<vmem>>) target(%dma_start3A_347 : memref<20096x64xf32, #tpu.memory_space<vmem_shared>>) offsets(%dma_start3A_344 : memref<128xi32, #tpu.memory_space<vmem>>) semaphore(%arg16 : memref<!tpu.dma_semaphore, #tpu.memory_space<semaphore_mem>>) {add = true}
        %dma_wait3A_348 = arith.constant 3 : i32
        %dma_wait3A_349 = arith.constant 0 : i32
        %dma_wait3A_350 = tpu.memref_slice %arg10[%dma_wait3A_348, %dma_wait3A_349] : memref<16x128xi32, #tpu.memory_space<vmem>> -> memref<1x128xi32, #tpu.memory_space<vmem>>
        %dma_wait3A_351 = tpu.memref_squeeze %dma_wait3A_350 : memref<1x128xi32, #tpu.memory_space<vmem>> -> memref<128xi32, #tpu.memory_space<vmem>>
        %dma_wait3A_352 = arith.constant 0 : i32
        %dma_wait3A_353 = arith.constant 0 : i32
        %dma_wait3A_354 = tpu.memref_slice %arg8[%dma_wait3A_352, %dma_wait3A_353] : memref<20096x64xf32, #tpu.memory_space<vmem_shared>> -> memref<20096x64xf32, #tpu.memory_space<vmem_shared>>
        tpu.wait_indirect_dma semaphore(%arg16 : memref<!tpu.dma_semaphore, #tpu.memory_space<semaphore_mem>>) src(%arg11 : memref<128x64xf32, #tpu.memory_space<vmem>>) dst(%dma_wait3A_354 : memref<20096x64xf32, #tpu.memory_space<vmem_shared>>)
        %dma_start3A_355 = arith.constant 6 : i32
        %dma_start3A_356 = arith.constant 0 : i32
        %dma_start3A_357 = tpu.memref_slice %arg9[%dma_start3A_355, %dma_start3A_356] : memref<16x128xi32, #tpu.memory_space<vmem>> -> memref<1x128xi32, #tpu.memory_space<vmem>>
        %dma_start3A_358 = tpu.memref_squeeze %dma_start3A_357 : memref<1x128xi32, #tpu.memory_space<vmem>> -> memref<128xi32, #tpu.memory_space<vmem>>
        %dma_start3A_359 = arith.constant 0 : i32
        %dma_start3A_360 = arith.constant 0 : i32
        %dma_start3A_361 = tpu.memref_slice %arg2[%dma_start3A_359, %dma_start3A_360] : memref<10000x64xf32, #tpu.memory_space<hbm>> -> memref<10000x64xf32, #tpu.memory_space<hbm>>
        tpu.enqueue_indirect_dma source(%dma_start3A_361 : memref<10000x64xf32, #tpu.memory_space<hbm>>) target(%arg11 : memref<128x64xf32, #tpu.memory_space<vmem>>) offsets(%dma_start3A_358 : memref<128xi32, #tpu.memory_space<vmem>>) semaphore(%arg15 : memref<!tpu.dma_semaphore, #tpu.memory_space<semaphore_mem>>)
        %dma_wait3A_362 = arith.constant 5 : i32
        %dma_wait3A_363 = arith.constant 0 : i32
        %dma_wait3A_364 = tpu.memref_slice %arg9[%dma_wait3A_362, %dma_wait3A_363] : memref<16x128xi32, #tpu.memory_space<vmem>> -> memref<1x128xi32, #tpu.memory_space<vmem>>
        %dma_wait3A_365 = tpu.memref_squeeze %dma_wait3A_364 : memref<1x128xi32, #tpu.memory_space<vmem>> -> memref<128xi32, #tpu.memory_space<vmem>>
        %dma_wait3A_366 = arith.constant 0 : i32
        %dma_wait3A_367 = arith.constant 0 : i32
        %dma_wait3A_368 = tpu.memref_slice %arg2[%dma_wait3A_366, %dma_wait3A_367] : memref<10000x64xf32, #tpu.memory_space<hbm>> -> memref<10000x64xf32, #tpu.memory_space<hbm>>
        tpu.wait_indirect_dma semaphore(%arg15 : memref<!tpu.dma_semaphore, #tpu.memory_space<semaphore_mem>>) src(%dma_wait3A_368 : memref<10000x64xf32, #tpu.memory_space<hbm>>) dst(%arg13 : memref<128x64xf32, #tpu.memory_space<vmem>>)
        %get3A_369 = arith.constant 5 : i32
        %get3A_370 = arith.index_cast %get3A_369 : i32 to index
        %get3A_371 = arith.constant 0 : index
        %get3A_372 = tpu.vector_load %arg10[%get3A_370, %get3A_371] {strides = array<i32>} : memref<16x128xi32, #tpu.memory_space<vmem>>, vector<16xi32>,
        tpu.vector_store_idx %arg14[%get3A_372], %broadcast_in_dim3A_2 {add = true} : memref<20096xf32, #tpu.memory_space<vmem>>[vector<16xi32>], vector<16xf32>,
        %get3A_373 = arith.constant 5 : i32
        %get3A_374 = arith.index_cast %get3A_373 : i32 to index
        %get3A_375 = arith.constant 16 : index
        %get3A_376 = tpu.vector_load %arg10[%get3A_374, %get3A_375] {strides = array<i32>} : memref<16x128xi32, #tpu.memory_space<vmem>>, vector<16xi32>,
        tpu.vector_store_idx %arg14[%get3A_376], %broadcast_in_dim3A_2 {add = true} : memref<20096xf32, #tpu.memory_space<vmem>>[vector<16xi32>], vector<16xf32>,
        %get3A_377 = arith.constant 5 : i32
        %get3A_378 = arith.index_cast %get3A_377 : i32 to index
        %get3A_379 = arith.constant 32 : index
        %get3A_380 = tpu.vector_load %arg10[%get3A_378, %get3A_379] {strides = array<i32>} : memref<16x128xi32, #tpu.memory_space<vmem>>, vector<16xi32>,
        tpu.vector_store_idx %arg14[%get3A_380], %broadcast_in_dim3A_2 {add = true} : memref<20096xf32, #tpu.memory_space<vmem>>[vector<16xi32>], vector<16xf32>,
        %get3A_381 = arith.constant 5 : i32
        %get3A_382 = arith.index_cast %get3A_381 : i32 to index
        %get3A_383 = arith.constant 48 : index
        %get3A_384 = tpu.vector_load %arg10[%get3A_382, %get3A_383] {strides = array<i32>} : memref<16x128xi32, #tpu.memory_space<vmem>>, vector<16xi32>,
        tpu.vector_store_idx %arg14[%get3A_384], %broadcast_in_dim3A_2 {add = true} : memref<20096xf32, #tpu.memory_space<vmem>>[vector<16xi32>], vector<16xf32>,
        %get3A_385 = arith.constant 5 : i32
        %get3A_386 = arith.index_cast %get3A_385 : i32 to index
        %get3A_387 = arith.constant 64 : index
        %get3A_388 = tpu.vector_load %arg10[%get3A_386, %get3A_387] {strides = array<i32>} : memref<16x128xi32, #tpu.memory_space<vmem>>, vector<16xi32>,
        tpu.vector_store_idx %arg14[%get3A_388], %broadcast_in_dim3A_2 {add = true} : memref<20096xf32, #tpu.memory_space<vmem>>[vector<16xi32>], vector<16xf32>,
        %get3A_389 = arith.constant 5 : i32
        %get3A_390 = arith.index_cast %get3A_389 : i32 to index
        %get3A_391 = arith.constant 80 : index
        %get3A_392 = tpu.vector_load %arg10[%get3A_390, %get3A_391] {strides = array<i32>} : memref<16x128xi32, #tpu.memory_space<vmem>>, vector<16xi32>,
        tpu.vector_store_idx %arg14[%get3A_392], %broadcast_in_dim3A_2 {add = true} : memref<20096xf32, #tpu.memory_space<vmem>>[vector<16xi32>], vector<16xf32>,
        %get3A_393 = arith.constant 5 : i32
        %get3A_394 = arith.index_cast %get3A_393 : i32 to index
        %get3A_395 = arith.constant 96 : index
        %get3A_396 = tpu.vector_load %arg10[%get3A_394, %get3A_395] {strides = array<i32>} : memref<16x128xi32, #tpu.memory_space<vmem>>, vector<16xi32>,
        tpu.vector_store_idx %arg14[%get3A_396], %broadcast_in_dim3A_2 {add = true} : memref<20096xf32, #tpu.memory_space<vmem>>[vector<16xi32>], vector<16xf32>,
        %get3A_397 = arith.constant 5 : i32
        %get3A_398 = arith.index_cast %get3A_397 : i32 to index
        %get3A_399 = arith.constant 112 : index
        %get3A_400 = tpu.vector_load %arg10[%get3A_398, %get3A_399] {strides = array<i32>} : memref<16x128xi32, #tpu.memory_space<vmem>>, vector<16xi32>,
        tpu.vector_store_idx %arg14[%get3A_400], %broadcast_in_dim3A_2 {add = true} : memref<20096xf32, #tpu.memory_space<vmem>>[vector<16xi32>], vector<16xf32>,
        %dma_start3A_401 = arith.constant 5 : i32
        %dma_start3A_402 = arith.constant 0 : i32
        %dma_start3A_403 = tpu.memref_slice %arg10[%dma_start3A_401, %dma_start3A_402] : memref<16x128xi32, #tpu.memory_space<vmem>> -> memref<1x128xi32, #tpu.memory_space<vmem>>
        %dma_start3A_404 = tpu.memref_squeeze %dma_start3A_403 : memref<1x128xi32, #tpu.memory_space<vmem>> -> memref<128xi32, #tpu.memory_space<vmem>>
        %dma_start3A_405 = arith.constant 0 : i32
        %dma_start3A_406 = arith.constant 0 : i32
        %dma_start3A_407 = tpu.memref_slice %arg8[%dma_start3A_405, %dma_start3A_406] : memref<20096x64xf32, #tpu.memory_space<vmem_shared>> -> memref<20096x64xf32, #tpu.memory_space<vmem_shared>>
        tpu.enqueue_indirect_dma source(%arg13 : memref<128x64xf32, #tpu.memory_space<vmem>>) target(%dma_start3A_407 : memref<20096x64xf32, #tpu.memory_space<vmem_shared>>) offsets(%dma_start3A_404 : memref<128xi32, #tpu.memory_space<vmem>>) semaphore(%arg16 : memref<!tpu.dma_semaphore, #tpu.memory_space<semaphore_mem>>) {add = true}
        %dma_wait3A_408 = arith.constant 4 : i32
        %dma_wait3A_409 = arith.constant 0 : i32
        %dma_wait3A_410 = tpu.memref_slice %arg10[%dma_wait3A_408, %dma_wait3A_409] : memref<16x128xi32, #tpu.memory_space<vmem>> -> memref<1x128xi32, #tpu.memory_space<vmem>>
        %dma_wait3A_411 = tpu.memref_squeeze %dma_wait3A_410 : memref<1x128xi32, #tpu.memory_space<vmem>> -> memref<128xi32, #tpu.memory_space<vmem>>
        %dma_wait3A_412 = arith.constant 0 : i32
        %dma_wait3A_413 = arith.constant 0 : i32
        %dma_wait3A_414 = tpu.memref_slice %arg8[%dma_wait3A_412, %dma_wait3A_413] : memref<20096x64xf32, #tpu.memory_space<vmem_shared>> -> memref<20096x64xf32, #tpu.memory_space<vmem_shared>>
        tpu.wait_indirect_dma semaphore(%arg16 : memref<!tpu.dma_semaphore, #tpu.memory_space<semaphore_mem>>) src(%arg12 : memref<128x64xf32, #tpu.memory_space<vmem>>) dst(%dma_wait3A_414 : memref<20096x64xf32, #tpu.memory_space<vmem_shared>>)
        %dma_start3A_415 = arith.constant 7 : i32
        %dma_start3A_416 = arith.constant 0 : i32
        %dma_start3A_417 = tpu.memref_slice %arg9[%dma_start3A_415, %dma_start3A_416] : memref<16x128xi32, #tpu.memory_space<vmem>> -> memref<1x128xi32, #tpu.memory_space<vmem>>
        %dma_start3A_418 = tpu.memref_squeeze %dma_start3A_417 : memref<1x128xi32, #tpu.memory_space<vmem>> -> memref<128xi32, #tpu.memory_space<vmem>>
        %dma_start3A_419 = arith.constant 0 : i32
        %dma_start3A_420 = arith.constant 0 : i32
        %dma_start3A_421 = tpu.memref_slice %arg2[%dma_start3A_419, %dma_start3A_420] : memref<10000x64xf32, #tpu.memory_space<hbm>> -> memref<10000x64xf32, #tpu.memory_space<hbm>>
        tpu.enqueue_indirect_dma source(%dma_start3A_421 : memref<10000x64xf32, #tpu.memory_space<hbm>>) target(%arg12 : memref<128x64xf32, #tpu.memory_space<vmem>>) offsets(%dma_start3A_418 : memref<128xi32, #tpu.memory_space<vmem>>) semaphore(%arg15 : memref<!tpu.dma_semaphore, #tpu.memory_space<semaphore_mem>>)
        %dma_wait3A_422 = arith.constant 6 : i32
        %dma_wait3A_423 = arith.constant 0 : i32
        %dma_wait3A_424 = tpu.memref_slice %arg9[%dma_wait3A_422, %dma_wait3A_423] : memref<16x128xi32, #tpu.memory_space<vmem>> -> memref<1x128xi32, #tpu.memory_space<vmem>>
        %dma_wait3A_425 = tpu.memref_squeeze %dma_wait3A_424 : memref<1x128xi32, #tpu.memory_space<vmem>> -> memref<128xi32, #tpu.memory_space<vmem>>
        %dma_wait3A_426 = arith.constant 0 : i32
        %dma_wait3A_427 = arith.constant 0 : i32
        %dma_wait3A_428 = tpu.memref_slice %arg2[%dma_wait3A_426, %dma_wait3A_427] : memref<10000x64xf32, #tpu.memory_space<hbm>> -> memref<10000x64xf32, #tpu.memory_space<hbm>>
        tpu.wait_indirect_dma semaphore(%arg15 : memref<!tpu.dma_semaphore, #tpu.memory_space<semaphore_mem>>) src(%dma_wait3A_428 : memref<10000x64xf32, #tpu.memory_space<hbm>>) dst(%arg11 : memref<128x64xf32, #tpu.memory_space<vmem>>)
        %get3A_429 = arith.constant 6 : i32
        %get3A_430 = arith.index_cast %get3A_429 : i32 to index
        %get3A_431 = arith.constant 0 : index
        %get3A_432 = tpu.vector_load %arg10[%get3A_430, %get3A_431] {strides = array<i32>} : memref<16x128xi32, #tpu.memory_space<vmem>>, vector<16xi32>,
        tpu.vector_store_idx %arg14[%get3A_432], %broadcast_in_dim3A_2 {add = true} : memref<20096xf32, #tpu.memory_space<vmem>>[vector<16xi32>], vector<16xf32>,
        %get3A_433 = arith.constant 6 : i32
        %get3A_434 = arith.index_cast %get3A_433 : i32 to index
        %get3A_435 = arith.constant 16 : index
        %get3A_436 = tpu.vector_load %arg10[%get3A_434, %get3A_435] {strides = array<i32>} : memref<16x128xi32, #tpu.memory_space<vmem>>, vector<16xi32>,
        tpu.vector_store_idx %arg14[%get3A_436], %broadcast_in_dim3A_2 {add = true} : memref<20096xf32, #tpu.memory_space<vmem>>[vector<16xi32>], vector<16xf32>,
        %get3A_437 = arith.constant 6 : i32
        %get3A_438 = arith.index_cast %get3A_437 : i32 to index
        %get3A_439 = arith.constant 32 : index
        %get3A_440 = tpu.vector_load %arg10[%get3A_438, %get3A_439] {strides = array<i32>} : memref<16x128xi32, #tpu.memory_space<vmem>>, vector<16xi32>,
        tpu.vector_store_idx %arg14[%get3A_440], %broadcast_in_dim3A_2 {add = true} : memref<20096xf32, #tpu.memory_space<vmem>>[vector<16xi32>], vector<16xf32>,
        %get3A_441 = arith.constant 6 : i32
        %get3A_442 = arith.index_cast %get3A_441 : i32 to index
        %get3A_443 = arith.constant 48 : index
        %get3A_444 = tpu.vector_load %arg10[%get3A_442, %get3A_443] {strides = array<i32>} : memref<16x128xi32, #tpu.memory_space<vmem>>, vector<16xi32>,
        tpu.vector_store_idx %arg14[%get3A_444], %broadcast_in_dim3A_2 {add = true} : memref<20096xf32, #tpu.memory_space<vmem>>[vector<16xi32>], vector<16xf32>,
        %get3A_445 = arith.constant 6 : i32
        %get3A_446 = arith.index_cast %get3A_445 : i32 to index
        %get3A_447 = arith.constant 64 : index
        %get3A_448 = tpu.vector_load %arg10[%get3A_446, %get3A_447] {strides = array<i32>} : memref<16x128xi32, #tpu.memory_space<vmem>>, vector<16xi32>,
        tpu.vector_store_idx %arg14[%get3A_448], %broadcast_in_dim3A_2 {add = true} : memref<20096xf32, #tpu.memory_space<vmem>>[vector<16xi32>], vector<16xf32>,
        %get3A_449 = arith.constant 6 : i32
        %get3A_450 = arith.index_cast %get3A_449 : i32 to index
        %get3A_451 = arith.constant 80 : index
        %get3A_452 = tpu.vector_load %arg10[%get3A_450, %get3A_451] {strides = array<i32>} : memref<16x128xi32, #tpu.memory_space<vmem>>, vector<16xi32>,
        tpu.vector_store_idx %arg14[%get3A_452], %broadcast_in_dim3A_2 {add = true} : memref<20096xf32, #tpu.memory_space<vmem>>[vector<16xi32>], vector<16xf32>,
        %get3A_453 = arith.constant 6 : i32
        %get3A_454 = arith.index_cast %get3A_453 : i32 to index
        %get3A_455 = arith.constant 96 : index
        %get3A_456 = tpu.vector_load %arg10[%get3A_454, %get3A_455] {strides = array<i32>} : memref<16x128xi32, #tpu.memory_space<vmem>>, vector<16xi32>,
        tpu.vector_store_idx %arg14[%get3A_456], %broadcast_in_dim3A_2 {add = true} : memref<20096xf32, #tpu.memory_space<vmem>>[vector<16xi32>], vector<16xf32>,
        %get3A_457 = arith.constant 6 : i32
        %get3A_458 = arith.index_cast %get3A_457 : i32 to index
        %get3A_459 = arith.constant 112 : index
        %get3A_460 = tpu.vector_load %arg10[%get3A_458, %get3A_459] {strides = array<i32>} : memref<16x128xi32, #tpu.memory_space<vmem>>, vector<16xi32>,
        tpu.vector_store_idx %arg14[%get3A_460], %broadcast_in_dim3A_2 {add = true} : memref<20096xf32, #tpu.memory_space<vmem>>[vector<16xi32>], vector<16xf32>,
        %dma_start3A_461 = arith.constant 6 : i32
        %dma_start3A_462 = arith.constant 0 : i32
        %dma_start3A_463 = tpu.memref_slice %arg10[%dma_start3A_461, %dma_start3A_462] : memref<16x128xi32, #tpu.memory_space<vmem>> -> memref<1x128xi32, #tpu.memory_space<vmem>>
        %dma_start3A_464 = tpu.memref_squeeze %dma_start3A_463 : memref<1x128xi32, #tpu.memory_space<vmem>> -> memref<128xi32, #tpu.memory_space<vmem>>
        %dma_start3A_465 = arith.constant 0 : i32
        %dma_start3A_466 = arith.constant 0 : i32
        %dma_start3A_467 = tpu.memref_slice %arg8[%dma_start3A_465, %dma_start3A_466] : memref<20096x64xf32, #tpu.memory_space<vmem_shared>> -> memref<20096x64xf32, #tpu.memory_space<vmem_shared>>
        tpu.enqueue_indirect_dma source(%arg11 : memref<128x64xf32, #tpu.memory_space<vmem>>) target(%dma_start3A_467 : memref<20096x64xf32, #tpu.memory_space<vmem_shared>>) offsets(%dma_start3A_464 : memref<128xi32, #tpu.memory_space<vmem>>) semaphore(%arg16 : memref<!tpu.dma_semaphore, #tpu.memory_space<semaphore_mem>>) {add = true}
        %dma_wait3A_468 = arith.constant 5 : i32
        %dma_wait3A_469 = arith.constant 0 : i32
        %dma_wait3A_470 = tpu.memref_slice %arg10[%dma_wait3A_468, %dma_wait3A_469] : memref<16x128xi32, #tpu.memory_space<vmem>> -> memref<1x128xi32, #tpu.memory_space<vmem>>
        %dma_wait3A_471 = tpu.memref_squeeze %dma_wait3A_470 : memref<1x128xi32, #tpu.memory_space<vmem>> -> memref<128xi32, #tpu.memory_space<vmem>>
        %dma_wait3A_472 = arith.constant 0 : i32
        %dma_wait3A_473 = arith.constant 0 : i32
        %dma_wait3A_474 = tpu.memref_slice %arg8[%dma_wait3A_472, %dma_wait3A_473] : memref<20096x64xf32, #tpu.memory_space<vmem_shared>> -> memref<20096x64xf32, #tpu.memory_space<vmem_shared>>
        tpu.wait_indirect_dma semaphore(%arg16 : memref<!tpu.dma_semaphore, #tpu.memory_space<semaphore_mem>>) src(%arg13 : memref<128x64xf32, #tpu.memory_space<vmem>>) dst(%dma_wait3A_474 : memref<20096x64xf32, #tpu.memory_space<vmem_shared>>)
        %dma_start3A_475 = arith.constant 8 : i32
        %dma_start3A_476 = arith.constant 0 : i32
        %dma_start3A_477 = tpu.memref_slice %arg9[%dma_start3A_475, %dma_start3A_476] : memref<16x128xi32, #tpu.memory_space<vmem>> -> memref<1x128xi32, #tpu.memory_space<vmem>>
        %dma_start3A_478 = tpu.memref_squeeze %dma_start3A_477 : memref<1x128xi32, #tpu.memory_space<vmem>> -> memref<128xi32, #tpu.memory_space<vmem>>
        %dma_start3A_479 = arith.constant 0 : i32
        %dma_start3A_480 = arith.constant 0 : i32
        %dma_start3A_481 = tpu.memref_slice %arg2[%dma_start3A_479, %dma_start3A_480] : memref<10000x64xf32, #tpu.memory_space<hbm>> -> memref<10000x64xf32, #tpu.memory_space<hbm>>
        tpu.enqueue_indirect_dma source(%dma_start3A_481 : memref<10000x64xf32, #tpu.memory_space<hbm>>) target(%arg13 : memref<128x64xf32, #tpu.memory_space<vmem>>) offsets(%dma_start3A_478 : memref<128xi32, #tpu.memory_space<vmem>>) semaphore(%arg15 : memref<!tpu.dma_semaphore, #tpu.memory_space<semaphore_mem>>)
        %dma_wait3A_482 = arith.constant 7 : i32
        %dma_wait3A_483 = arith.constant 0 : i32
        %dma_wait3A_484 = tpu.memref_slice %arg9[%dma_wait3A_482, %dma_wait3A_483] : memref<16x128xi32, #tpu.memory_space<vmem>> -> memref<1x128xi32, #tpu.memory_space<vmem>>
        %dma_wait3A_485 = tpu.memref_squeeze %dma_wait3A_484 : memref<1x128xi32, #tpu.memory_space<vmem>> -> memref<128xi32, #tpu.memory_space<vmem>>
        %dma_wait3A_486 = arith.constant 0 : i32
        %dma_wait3A_487 = arith.constant 0 : i32
        %dma_wait3A_488 = tpu.memref_slice %arg2[%dma_wait3A_486, %dma_wait3A_487] : memref<10000x64xf32, #tpu.memory_space<hbm>> -> memref<10000x64xf32, #tpu.memory_space<hbm>>
        tpu.wait_indirect_dma semaphore(%arg15 : memref<!tpu.dma_semaphore, #tpu.memory_space<semaphore_mem>>) src(%dma_wait3A_488 : memref<10000x64xf32, #tpu.memory_space<hbm>>) dst(%arg12 : memref<128x64xf32, #tpu.memory_space<vmem>>)
        %get3A_489 = arith.constant 7 : i32
        %get3A_490 = arith.index_cast %get3A_489 : i32 to index
        %get3A_491 = arith.constant 0 : index
        %get3A_492 = tpu.vector_load %arg10[%get3A_490, %get3A_491] {strides = array<i32>} : memref<16x128xi32, #tpu.memory_space<vmem>>, vector<16xi32>,
        tpu.vector_store_idx %arg14[%get3A_492], %broadcast_in_dim3A_2 {add = true} : memref<20096xf32, #tpu.memory_space<vmem>>[vector<16xi32>], vector<16xf32>,
        %get3A_493 = arith.constant 7 : i32
        %get3A_494 = arith.index_cast %get3A_493 : i32 to index
        %get3A_495 = arith.constant 16 : index
        %get3A_496 = tpu.vector_load %arg10[%get3A_494, %get3A_495] {strides = array<i32>} : memref<16x128xi32, #tpu.memory_space<vmem>>, vector<16xi32>,
        tpu.vector_store_idx %arg14[%get3A_496], %broadcast_in_dim3A_2 {add = true} : memref<20096xf32, #tpu.memory_space<vmem>>[vector<16xi32>], vector<16xf32>,
        %get3A_497 = arith.constant 7 : i32
        %get3A_498 = arith.index_cast %get3A_497 : i32 to index
        %get3A_499 = arith.constant 32 : index
        %get3A_500 = tpu.vector_load %arg10[%get3A_498, %get3A_499] {strides = array<i32>} : memref<16x128xi32, #tpu.memory_space<vmem>>, vector<16xi32>,
        tpu.vector_store_idx %arg14[%get3A_500], %broadcast_in_dim3A_2 {add = true} : memref<20096xf32, #tpu.memory_space<vmem>>[vector<16xi32>], vector<16xf32>,
        %get3A_501 = arith.constant 7 : i32
        %get3A_502 = arith.index_cast %get3A_501 : i32 to index
        %get3A_503 = arith.constant 48 : index
        %get3A_504 = tpu.vector_load %arg10[%get3A_502, %get3A_503] {strides = array<i32>} : memref<16x128xi32, #tpu.memory_space<vmem>>, vector<16xi32>,
        tpu.vector_store_idx %arg14[%get3A_504], %broadcast_in_dim3A_2 {add = true} : memref<20096xf32, #tpu.memory_space<vmem>>[vector<16xi32>], vector<16xf32>,
        %get3A_505 = arith.constant 7 : i32
        %get3A_506 = arith.index_cast %get3A_505 : i32 to index
        %get3A_507 = arith.constant 64 : index
        %get3A_508 = tpu.vector_load %arg10[%get3A_506, %get3A_507] {strides = array<i32>} : memref<16x128xi32, #tpu.memory_space<vmem>>, vector<16xi32>,
        tpu.vector_store_idx %arg14[%get3A_508], %broadcast_in_dim3A_2 {add = true} : memref<20096xf32, #tpu.memory_space<vmem>>[vector<16xi32>], vector<16xf32>,
        %get3A_509 = arith.constant 7 : i32
        %get3A_510 = arith.index_cast %get3A_509 : i32 to index
        %get3A_511 = arith.constant 80 : index
        %get3A_512 = tpu.vector_load %arg10[%get3A_510, %get3A_511] {strides = array<i32>} : memref<16x128xi32, #tpu.memory_space<vmem>>, vector<16xi32>,
        tpu.vector_store_idx %arg14[%get3A_512], %broadcast_in_dim3A_2 {add = true} : memref<20096xf32, #tpu.memory_space<vmem>>[vector<16xi32>], vector<16xf32>,
        %get3A_513 = arith.constant 7 : i32
        %get3A_514 = arith.index_cast %get3A_513 : i32 to index
        %get3A_515 = arith.constant 96 : index
        %get3A_516 = tpu.vector_load %arg10[%get3A_514, %get3A_515] {strides = array<i32>} : memref<16x128xi32, #tpu.memory_space<vmem>>, vector<16xi32>,
        tpu.vector_store_idx %arg14[%get3A_516], %broadcast_in_dim3A_2 {add = true} : memref<20096xf32, #tpu.memory_space<vmem>>[vector<16xi32>], vector<16xf32>,
        %get3A_517 = arith.constant 7 : i32
        %get3A_518 = arith.index_cast %get3A_517 : i32 to index
        %get3A_519 = arith.constant 112 : index
        %get3A_520 = tpu.vector_load %arg10[%get3A_518, %get3A_519] {strides = array<i32>} : memref<16x128xi32, #tpu.memory_space<vmem>>, vector<16xi32>,
        tpu.vector_store_idx %arg14[%get3A_520], %broadcast_in_dim3A_2 {add = true} : memref<20096xf32, #tpu.memory_space<vmem>>[vector<16xi32>], vector<16xf32>,
        %dma_start3A_521 = arith.constant 7 : i32
        %dma_start3A_522 = arith.constant 0 : i32
        %dma_start3A_523 = tpu.memref_slice %arg10[%dma_start3A_521, %dma_start3A_522] : memref<16x128xi32, #tpu.memory_space<vmem>> -> memref<1x128xi32, #tpu.memory_space<vmem>>
        %dma_start3A_524 = tpu.memref_squeeze %dma_start3A_523 : memref<1x128xi32, #tpu.memory_space<vmem>> -> memref<128xi32, #tpu.memory_space<vmem>>
        %dma_start3A_525 = arith.constant 0 : i32
        %dma_start3A_526 = arith.constant 0 : i32
        %dma_start3A_527 = tpu.memref_slice %arg8[%dma_start3A_525, %dma_start3A_526] : memref<20096x64xf32, #tpu.memory_space<vmem_shared>> -> memref<20096x64xf32, #tpu.memory_space<vmem_shared>>
        tpu.enqueue_indirect_dma source(%arg12 : memref<128x64xf32, #tpu.memory_space<vmem>>) target(%dma_start3A_527 : memref<20096x64xf32, #tpu.memory_space<vmem_shared>>) offsets(%dma_start3A_524 : memref<128xi32, #tpu.memory_space<vmem>>) semaphore(%arg16 : memref<!tpu.dma_semaphore, #tpu.memory_space<semaphore_mem>>) {add = true}
        %dma_wait3A_528 = arith.constant 6 : i32
        %dma_wait3A_529 = arith.constant 0 : i32
        %dma_wait3A_530 = tpu.memref_slice %arg10[%dma_wait3A_528, %dma_wait3A_529] : memref<16x128xi32, #tpu.memory_space<vmem>> -> memref<1x128xi32, #tpu.memory_space<vmem>>
        %dma_wait3A_531 = tpu.memref_squeeze %dma_wait3A_530 : memref<1x128xi32, #tpu.memory_space<vmem>> -> memref<128xi32, #tpu.memory_space<vmem>>
        %dma_wait3A_532 = arith.constant 0 : i32
        %dma_wait3A_533 = arith.constant 0 : i32
        %dma_wait3A_534 = tpu.memref_slice %arg8[%dma_wait3A_532, %dma_wait3A_533] : memref<20096x64xf32, #tpu.memory_space<vmem_shared>> -> memref<20096x64xf32, #tpu.memory_space<vmem_shared>>
        tpu.wait_indirect_dma semaphore(%arg16 : memref<!tpu.dma_semaphore, #tpu.memory_space<semaphore_mem>>) src(%arg11 : memref<128x64xf32, #tpu.memory_space<vmem>>) dst(%dma_wait3A_534 : memref<20096x64xf32, #tpu.memory_space<vmem_shared>>)
        %dma_start3A_535 = arith.constant 9 : i32
        %dma_start3A_536 = arith.constant 0 : i32
        %dma_start3A_537 = tpu.memref_slice %arg9[%dma_start3A_535, %dma_start3A_536] : memref<16x128xi32, #tpu.memory_space<vmem>> -> memref<1x128xi32, #tpu.memory_space<vmem>>
        %dma_start3A_538 = tpu.memref_squeeze %dma_start3A_537 : memref<1x128xi32, #tpu.memory_space<vmem>> -> memref<128xi32, #tpu.memory_space<vmem>>
        %dma_start3A_539 = arith.constant 0 : i32
        %dma_start3A_540 = arith.constant 0 : i32
        %dma_start3A_541 = tpu.memref_slice %arg2[%dma_start3A_539, %dma_start3A_540] : memref<10000x64xf32, #tpu.memory_space<hbm>> -> memref<10000x64xf32, #tpu.memory_space<hbm>>
        tpu.enqueue_indirect_dma source(%dma_start3A_541 : memref<10000x64xf32, #tpu.memory_space<hbm>>) target(%arg11 : memref<128x64xf32, #tpu.memory_space<vmem>>) offsets(%dma_start3A_538 : memref<128xi32, #tpu.memory_space<vmem>>) semaphore(%arg15 : memref<!tpu.dma_semaphore, #tpu.memory_space<semaphore_mem>>)
        %dma_wait3A_542 = arith.constant 8 : i32
        %dma_wait3A_543 = arith.constant 0 : i32
        %dma_wait3A_544 = tpu.memref_slice %arg9[%dma_wait3A_542, %dma_wait3A_543] : memref<16x128xi32, #tpu.memory_space<vmem>> -> memref<1x128xi32, #tpu.memory_space<vmem>>
        %dma_wait3A_545 = tpu.memref_squeeze %dma_wait3A_544 : memref<1x128xi32, #tpu.memory_space<vmem>> -> memref<128xi32, #tpu.memory_space<vmem>>
        %dma_wait3A_546 = arith.constant 0 : i32
        %dma_wait3A_547 = arith.constant 0 : i32
        %dma_wait3A_548 = tpu.memref_slice %arg2[%dma_wait3A_546, %dma_wait3A_547] : memref<10000x64xf32, #tpu.memory_space<hbm>> -> memref<10000x64xf32, #tpu.memory_space<hbm>>
        tpu.wait_indirect_dma semaphore(%arg15 : memref<!tpu.dma_semaphore, #tpu.memory_space<semaphore_mem>>) src(%dma_wait3A_548 : memref<10000x64xf32, #tpu.memory_space<hbm>>) dst(%arg13 : memref<128x64xf32, #tpu.memory_space<vmem>>)
        %get3A_549 = arith.constant 8 : i32
        %get3A_550 = arith.index_cast %get3A_549 : i32 to index
        %get3A_551 = arith.constant 0 : index
        %get3A_552 = tpu.vector_load %arg10[%get3A_550, %get3A_551] {strides = array<i32>} : memref<16x128xi32, #tpu.memory_space<vmem>>, vector<16xi32>,
        tpu.vector_store_idx %arg14[%get3A_552], %broadcast_in_dim3A_2 {add = true} : memref<20096xf32, #tpu.memory_space<vmem>>[vector<16xi32>], vector<16xf32>,
        %get3A_553 = arith.constant 8 : i32
        %get3A_554 = arith.index_cast %get3A_553 : i32 to index
        %get3A_555 = arith.constant 16 : index
        %get3A_556 = tpu.vector_load %arg10[%get3A_554, %get3A_555] {strides = array<i32>} : memref<16x128xi32, #tpu.memory_space<vmem>>, vector<16xi32>,
        tpu.vector_store_idx %arg14[%get3A_556], %broadcast_in_dim3A_2 {add = true} : memref<20096xf32, #tpu.memory_space<vmem>>[vector<16xi32>], vector<16xf32>,
        %get3A_557 = arith.constant 8 : i32
        %get3A_558 = arith.index_cast %get3A_557 : i32 to index
        %get3A_559 = arith.constant 32 : index
        %get3A_560 = tpu.vector_load %arg10[%get3A_558, %get3A_559] {strides = array<i32>} : memref<16x128xi32, #tpu.memory_space<vmem>>, vector<16xi32>,
        tpu.vector_store_idx %arg14[%get3A_560], %broadcast_in_dim3A_2 {add = true} : memref<20096xf32, #tpu.memory_space<vmem>>[vector<16xi32>], vector<16xf32>,
        %get3A_561 = arith.constant 8 : i32
        %get3A_562 = arith.index_cast %get3A_561 : i32 to index
        %get3A_563 = arith.constant 48 : index
        %get3A_564 = tpu.vector_load %arg10[%get3A_562, %get3A_563] {strides = array<i32>} : memref<16x128xi32, #tpu.memory_space<vmem>>, vector<16xi32>,
        tpu.vector_store_idx %arg14[%get3A_564], %broadcast_in_dim3A_2 {add = true} : memref<20096xf32, #tpu.memory_space<vmem>>[vector<16xi32>], vector<16xf32>,
        %get3A_565 = arith.constant 8 : i32
        %get3A_566 = arith.index_cast %get3A_565 : i32 to index
        %get3A_567 = arith.constant 64 : index
        %get3A_568 = tpu.vector_load %arg10[%get3A_566, %get3A_567] {strides = array<i32>} : memref<16x128xi32, #tpu.memory_space<vmem>>, vector<16xi32>,
        tpu.vector_store_idx %arg14[%get3A_568], %broadcast_in_dim3A_2 {add = true} : memref<20096xf32, #tpu.memory_space<vmem>>[vector<16xi32>], vector<16xf32>,
        %get3A_569 = arith.constant 8 : i32
        %get3A_570 = arith.index_cast %get3A_569 : i32 to index
        %get3A_571 = arith.constant 80 : index
        %get3A_572 = tpu.vector_load %arg10[%get3A_570, %get3A_571] {strides = array<i32>} : memref<16x128xi32, #tpu.memory_space<vmem>>, vector<16xi32>,
        tpu.vector_store_idx %arg14[%get3A_572], %broadcast_in_dim3A_2 {add = true} : memref<20096xf32, #tpu.memory_space<vmem>>[vector<16xi32>], vector<16xf32>,
        %get3A_573 = arith.constant 8 : i32
        %get3A_574 = arith.index_cast %get3A_573 : i32 to index
        %get3A_575 = arith.constant 96 : index
        %get3A_576 = tpu.vector_load %arg10[%get3A_574, %get3A_575] {strides = array<i32>} : memref<16x128xi32, #tpu.memory_space<vmem>>, vector<16xi32>,
        tpu.vector_store_idx %arg14[%get3A_576], %broadcast_in_dim3A_2 {add = true} : memref<20096xf32, #tpu.memory_space<vmem>>[vector<16xi32>], vector<16xf32>,
        %get3A_577 = arith.constant 8 : i32
        %get3A_578 = arith.index_cast %get3A_577 : i32 to index
        %get3A_579 = arith.constant 112 : index
        %get3A_580 = tpu.vector_load %arg10[%get3A_578, %get3A_579] {strides = array<i32>} : memref<16x128xi32, #tpu.memory_space<vmem>>, vector<16xi32>,
        tpu.vector_store_idx %arg14[%get3A_580], %broadcast_in_dim3A_2 {add = true} : memref<20096xf32, #tpu.memory_space<vmem>>[vector<16xi32>], vector<16xf32>,
        %dma_start3A_581 = arith.constant 8 : i32
        %dma_start3A_582 = arith.constant 0 : i32
        %dma_start3A_583 = tpu.memref_slice %arg10[%dma_start3A_581, %dma_start3A_582] : memref<16x128xi32, #tpu.memory_space<vmem>> -> memref<1x128xi32, #tpu.memory_space<vmem>>
        %dma_start3A_584 = tpu.memref_squeeze %dma_start3A_583 : memref<1x128xi32, #tpu.memory_space<vmem>> -> memref<128xi32, #tpu.memory_space<vmem>>
        %dma_start3A_585 = arith.constant 0 : i32
        %dma_start3A_586 = arith.constant 0 : i32
        %dma_start3A_587 = tpu.memref_slice %arg8[%dma_start3A_585, %dma_start3A_586] : memref<20096x64xf32, #tpu.memory_space<vmem_shared>> -> memref<20096x64xf32, #tpu.memory_space<vmem_shared>>
        tpu.enqueue_indirect_dma source(%arg13 : memref<128x64xf32, #tpu.memory_space<vmem>>) target(%dma_start3A_587 : memref<20096x64xf32, #tpu.memory_space<vmem_shared>>) offsets(%dma_start3A_584 : memref<128xi32, #tpu.memory_space<vmem>>) semaphore(%arg16 : memref<!tpu.dma_semaphore, #tpu.memory_space<semaphore_mem>>) {add = true}
        %dma_wait3A_588 = arith.constant 7 : i32
        %dma_wait3A_589 = arith.constant 0 : i32
        %dma_wait3A_590 = tpu.memref_slice %arg10[%dma_wait3A_588, %dma_wait3A_589] : memref<16x128xi32, #tpu.memory_space<vmem>> -> memref<1x128xi32, #tpu.memory_space<vmem>>
        %dma_wait3A_591 = tpu.memref_squeeze %dma_wait3A_590 : memref<1x128xi32, #tpu.memory_space<vmem>> -> memref<128xi32, #tpu.memory_space<vmem>>
        %dma_wait3A_592 = arith.constant 0 : i32
        %dma_wait3A_593 = arith.constant 0 : i32
        %dma_wait3A_594 = tpu.memref_slice %arg8[%dma_wait3A_592, %dma_wait3A_593] : memref<20096x64xf32, #tpu.memory_space<vmem_shared>> -> memref<20096x64xf32, #tpu.memory_space<vmem_shared>>
        tpu.wait_indirect_dma semaphore(%arg16 : memref<!tpu.dma_semaphore, #tpu.memory_space<semaphore_mem>>) src(%arg12 : memref<128x64xf32, #tpu.memory_space<vmem>>) dst(%dma_wait3A_594 : memref<20096x64xf32, #tpu.memory_space<vmem_shared>>)
        %dma_start3A_595 = arith.constant 10 : i32
        %dma_start3A_596 = arith.constant 0 : i32
        %dma_start3A_597 = tpu.memref_slice %arg9[%dma_start3A_595, %dma_start3A_596] : memref<16x128xi32, #tpu.memory_space<vmem>> -> memref<1x128xi32, #tpu.memory_space<vmem>>
        %dma_start3A_598 = tpu.memref_squeeze %dma_start3A_597 : memref<1x128xi32, #tpu.memory_space<vmem>> -> memref<128xi32, #tpu.memory_space<vmem>>
        %dma_start3A_599 = arith.constant 0 : i32
        %dma_start3A_600 = arith.constant 0 : i32
        %dma_start3A_601 = tpu.memref_slice %arg2[%dma_start3A_599, %dma_start3A_600] : memref<10000x64xf32, #tpu.memory_space<hbm>> -> memref<10000x64xf32, #tpu.memory_space<hbm>>
        tpu.enqueue_indirect_dma source(%dma_start3A_601 : memref<10000x64xf32, #tpu.memory_space<hbm>>) target(%arg12 : memref<128x64xf32, #tpu.memory_space<vmem>>) offsets(%dma_start3A_598 : memref<128xi32, #tpu.memory_space<vmem>>) semaphore(%arg15 : memref<!tpu.dma_semaphore, #tpu.memory_space<semaphore_mem>>)
        %dma_wait3A_602 = arith.constant 9 : i32
        %dma_wait3A_603 = arith.constant 0 : i32
        %dma_wait3A_604 = tpu.memref_slice %arg9[%dma_wait3A_602, %dma_wait3A_603] : memref<16x128xi32, #tpu.memory_space<vmem>> -> memref<1x128xi32, #tpu.memory_space<vmem>>
        %dma_wait3A_605 = tpu.memref_squeeze %dma_wait3A_604 : memref<1x128xi32, #tpu.memory_space<vmem>> -> memref<128xi32, #tpu.memory_space<vmem>>
        %dma_wait3A_606 = arith.constant 0 : i32
        %dma_wait3A_607 = arith.constant 0 : i32
        %dma_wait3A_608 = tpu.memref_slice %arg2[%dma_wait3A_606, %dma_wait3A_607] : memref<10000x64xf32, #tpu.memory_space<hbm>> -> memref<10000x64xf32, #tpu.memory_space<hbm>>
        tpu.wait_indirect_dma semaphore(%arg15 : memref<!tpu.dma_semaphore, #tpu.memory_space<semaphore_mem>>) src(%dma_wait3A_608 : memref<10000x64xf32, #tpu.memory_space<hbm>>) dst(%arg11 : memref<128x64xf32, #tpu.memory_space<vmem>>)
        %get3A_609 = arith.constant 9 : i32
        %get3A_610 = arith.index_cast %get3A_609 : i32 to index
        %get3A_611 = arith.constant 0 : index
        %get3A_612 = tpu.vector_load %arg10[%get3A_610, %get3A_611] {strides = array<i32>} : memref<16x128xi32, #tpu.memory_space<vmem>>, vector<16xi32>,
        tpu.vector_store_idx %arg14[%get3A_612], %broadcast_in_dim3A_2 {add = true} : memref<20096xf32, #tpu.memory_space<vmem>>[vector<16xi32>], vector<16xf32>,
        %get3A_613 = arith.constant 9 : i32
        %get3A_614 = arith.index_cast %get3A_613 : i32 to index
        %get3A_615 = arith.constant 16 : index
        %get3A_616 = tpu.vector_load %arg10[%get3A_614, %get3A_615] {strides = array<i32>} : memref<16x128xi32, #tpu.memory_space<vmem>>, vector<16xi32>,
        tpu.vector_store_idx %arg14[%get3A_616], %broadcast_in_dim3A_2 {add = true} : memref<20096xf32, #tpu.memory_space<vmem>>[vector<16xi32>], vector<16xf32>,
        %get3A_617 = arith.constant 9 : i32
        %get3A_618 = arith.index_cast %get3A_617 : i32 to index
        %get3A_619 = arith.constant 32 : index
        %get3A_620 = tpu.vector_load %arg10[%get3A_618, %get3A_619] {strides = array<i32>} : memref<16x128xi32, #tpu.memory_space<vmem>>, vector<16xi32>,
        tpu.vector_store_idx %arg14[%get3A_620], %broadcast_in_dim3A_2 {add = true} : memref<20096xf32, #tpu.memory_space<vmem>>[vector<16xi32>], vector<16xf32>,
        %get3A_621 = arith.constant 9 : i32
        %get3A_622 = arith.index_cast %get3A_621 : i32 to index
        %get3A_623 = arith.constant 48 : index
        %get3A_624 = tpu.vector_load %arg10[%get3A_622, %get3A_623] {strides = array<i32>} : memref<16x128xi32, #tpu.memory_space<vmem>>, vector<16xi32>,
        tpu.vector_store_idx %arg14[%get3A_624], %broadcast_in_dim3A_2 {add = true} : memref<20096xf32, #tpu.memory_space<vmem>>[vector<16xi32>], vector<16xf32>,
        %get3A_625 = arith.constant 9 : i32
        %get3A_626 = arith.index_cast %get3A_625 : i32 to index
        %get3A_627 = arith.constant 64 : index
        %get3A_628 = tpu.vector_load %arg10[%get3A_626, %get3A_627] {strides = array<i32>} : memref<16x128xi32, #tpu.memory_space<vmem>>, vector<16xi32>,
        tpu.vector_store_idx %arg14[%get3A_628], %broadcast_in_dim3A_2 {add = true} : memref<20096xf32, #tpu.memory_space<vmem>>[vector<16xi32>], vector<16xf32>,
        %get3A_629 = arith.constant 9 : i32
        %get3A_630 = arith.index_cast %get3A_629 : i32 to index
        %get3A_631 = arith.constant 80 : index
        %get3A_632 = tpu.vector_load %arg10[%get3A_630, %get3A_631] {strides = array<i32>} : memref<16x128xi32, #tpu.memory_space<vmem>>, vector<16xi32>,
        tpu.vector_store_idx %arg14[%get3A_632], %broadcast_in_dim3A_2 {add = true} : memref<20096xf32, #tpu.memory_space<vmem>>[vector<16xi32>], vector<16xf32>,
        %get3A_633 = arith.constant 9 : i32
        %get3A_634 = arith.index_cast %get3A_633 : i32 to index
        %get3A_635 = arith.constant 96 : index
        %get3A_636 = tpu.vector_load %arg10[%get3A_634, %get3A_635] {strides = array<i32>} : memref<16x128xi32, #tpu.memory_space<vmem>>, vector<16xi32>,
        tpu.vector_store_idx %arg14[%get3A_636], %broadcast_in_dim3A_2 {add = true} : memref<20096xf32, #tpu.memory_space<vmem>>[vector<16xi32>], vector<16xf32>,
        %get3A_637 = arith.constant 9 : i32
        %get3A_638 = arith.index_cast %get3A_637 : i32 to index
        %get3A_639 = arith.constant 112 : index
        %get3A_640 = tpu.vector_load %arg10[%get3A_638, %get3A_639] {strides = array<i32>} : memref<16x128xi32, #tpu.memory_space<vmem>>, vector<16xi32>,
        tpu.vector_store_idx %arg14[%get3A_640], %broadcast_in_dim3A_2 {add = true} : memref<20096xf32, #tpu.memory_space<vmem>>[vector<16xi32>], vector<16xf32>,
        %dma_start3A_641 = arith.constant 9 : i32
        %dma_start3A_642 = arith.constant 0 : i32
        %dma_start3A_643 = tpu.memref_slice %arg10[%dma_start3A_641, %dma_start3A_642] : memref<16x128xi32, #tpu.memory_space<vmem>> -> memref<1x128xi32, #tpu.memory_space<vmem>>
        %dma_start3A_644 = tpu.memref_squeeze %dma_start3A_643 : memref<1x128xi32, #tpu.memory_space<vmem>> -> memref<128xi32, #tpu.memory_space<vmem>>
        %dma_start3A_645 = arith.constant 0 : i32
        %dma_start3A_646 = arith.constant 0 : i32
        %dma_start3A_647 = tpu.memref_slice %arg8[%dma_start3A_645, %dma_start3A_646] : memref<20096x64xf32, #tpu.memory_space<vmem_shared>> -> memref<20096x64xf32, #tpu.memory_space<vmem_shared>>
        tpu.enqueue_indirect_dma source(%arg11 : memref<128x64xf32, #tpu.memory_space<vmem>>) target(%dma_start3A_647 : memref<20096x64xf32, #tpu.memory_space<vmem_shared>>) offsets(%dma_start3A_644 : memref<128xi32, #tpu.memory_space<vmem>>) semaphore(%arg16 : memref<!tpu.dma_semaphore, #tpu.memory_space<semaphore_mem>>) {add = true}
        %dma_wait3A_648 = arith.constant 8 : i32
        %dma_wait3A_649 = arith.constant 0 : i32
        %dma_wait3A_650 = tpu.memref_slice %arg10[%dma_wait3A_648, %dma_wait3A_649] : memref<16x128xi32, #tpu.memory_space<vmem>> -> memref<1x128xi32, #tpu.memory_space<vmem>>
        %dma_wait3A_651 = tpu.memref_squeeze %dma_wait3A_650 : memref<1x128xi32, #tpu.memory_space<vmem>> -> memref<128xi32, #tpu.memory_space<vmem>>
        %dma_wait3A_652 = arith.constant 0 : i32
        %dma_wait3A_653 = arith.constant 0 : i32
        %dma_wait3A_654 = tpu.memref_slice %arg8[%dma_wait3A_652, %dma_wait3A_653] : memref<20096x64xf32, #tpu.memory_space<vmem_shared>> -> memref<20096x64xf32, #tpu.memory_space<vmem_shared>>
        tpu.wait_indirect_dma semaphore(%arg16 : memref<!tpu.dma_semaphore, #tpu.memory_space<semaphore_mem>>) src(%arg13 : memref<128x64xf32, #tpu.memory_space<vmem>>) dst(%dma_wait3A_654 : memref<20096x64xf32, #tpu.memory_space<vmem_shared>>)
        %dma_start3A_655 = arith.constant 11 : i32
        %dma_start3A_656 = arith.constant 0 : i32
        %dma_start3A_657 = tpu.memref_slice %arg9[%dma_start3A_655, %dma_start3A_656] : memref<16x128xi32, #tpu.memory_space<vmem>> -> memref<1x128xi32, #tpu.memory_space<vmem>>
        %dma_start3A_658 = tpu.memref_squeeze %dma_start3A_657 : memref<1x128xi32, #tpu.memory_space<vmem>> -> memref<128xi32, #tpu.memory_space<vmem>>
        %dma_start3A_659 = arith.constant 0 : i32
        %dma_start3A_660 = arith.constant 0 : i32
        %dma_start3A_661 = tpu.memref_slice %arg2[%dma_start3A_659, %dma_start3A_660] : memref<10000x64xf32, #tpu.memory_space<hbm>> -> memref<10000x64xf32, #tpu.memory_space<hbm>>
        tpu.enqueue_indirect_dma source(%dma_start3A_661 : memref<10000x64xf32, #tpu.memory_space<hbm>>) target(%arg13 : memref<128x64xf32, #tpu.memory_space<vmem>>) offsets(%dma_start3A_658 : memref<128xi32, #tpu.memory_space<vmem>>) semaphore(%arg15 : memref<!tpu.dma_semaphore, #tpu.memory_space<semaphore_mem>>)
        %dma_wait3A_662 = arith.constant 10 : i32
        %dma_wait3A_663 = arith.constant 0 : i32
        %dma_wait3A_664 = tpu.memref_slice %arg9[%dma_wait3A_662, %dma_wait3A_663] : memref<16x128xi32, #tpu.memory_space<vmem>> -> memref<1x128xi32, #tpu.memory_space<vmem>>
        %dma_wait3A_665 = tpu.memref_squeeze %dma_wait3A_664 : memref<1x128xi32, #tpu.memory_space<vmem>> -> memref<128xi32, #tpu.memory_space<vmem>>
        %dma_wait3A_666 = arith.constant 0 : i32
        %dma_wait3A_667 = arith.constant 0 : i32
        %dma_wait3A_668 = tpu.memref_slice %arg2[%dma_wait3A_666, %dma_wait3A_667] : memref<10000x64xf32, #tpu.memory_space<hbm>> -> memref<10000x64xf32, #tpu.memory_space<hbm>>
        tpu.wait_indirect_dma semaphore(%arg15 : memref<!tpu.dma_semaphore, #tpu.memory_space<semaphore_mem>>) src(%dma_wait3A_668 : memref<10000x64xf32, #tpu.memory_space<hbm>>) dst(%arg12 : memref<128x64xf32, #tpu.memory_space<vmem>>)
        %get3A_669 = arith.constant 10 : i32
        %get3A_670 = arith.index_cast %get3A_669 : i32 to index
        %get3A_671 = arith.constant 0 : index
        %get3A_672 = tpu.vector_load %arg10[%get3A_670, %get3A_671] {strides = array<i32>} : memref<16x128xi32, #tpu.memory_space<vmem>>, vector<16xi32>,
        tpu.vector_store_idx %arg14[%get3A_672], %broadcast_in_dim3A_2 {add = true} : memref<20096xf32, #tpu.memory_space<vmem>>[vector<16xi32>], vector<16xf32>,
        %get3A_673 = arith.constant 10 : i32
        %get3A_674 = arith.index_cast %get3A_673 : i32 to index
        %get3A_675 = arith.constant 16 : index
        %get3A_676 = tpu.vector_load %arg10[%get3A_674, %get3A_675] {strides = array<i32>} : memref<16x128xi32, #tpu.memory_space<vmem>>, vector<16xi32>,
        tpu.vector_store_idx %arg14[%get3A_676], %broadcast_in_dim3A_2 {add = true} : memref<20096xf32, #tpu.memory_space<vmem>>[vector<16xi32>], vector<16xf32>,
        %get3A_677 = arith.constant 10 : i32
        %get3A_678 = arith.index_cast %get3A_677 : i32 to index
        %get3A_679 = arith.constant 32 : index
        %get3A_680 = tpu.vector_load %arg10[%get3A_678, %get3A_679] {strides = array<i32>} : memref<16x128xi32, #tpu.memory_space<vmem>>, vector<16xi32>,
        tpu.vector_store_idx %arg14[%get3A_680], %broadcast_in_dim3A_2 {add = true} : memref<20096xf32, #tpu.memory_space<vmem>>[vector<16xi32>], vector<16xf32>,
        %get3A_681 = arith.constant 10 : i32
        %get3A_682 = arith.index_cast %get3A_681 : i32 to index
        %get3A_683 = arith.constant 48 : index
        %get3A_684 = tpu.vector_load %arg10[%get3A_682, %get3A_683] {strides = array<i32>} : memref<16x128xi32, #tpu.memory_space<vmem>>, vector<16xi32>,
        tpu.vector_store_idx %arg14[%get3A_684], %broadcast_in_dim3A_2 {add = true} : memref<20096xf32, #tpu.memory_space<vmem>>[vector<16xi32>], vector<16xf32>,
        %get3A_685 = arith.constant 10 : i32
        %get3A_686 = arith.index_cast %get3A_685 : i32 to index
        %get3A_687 = arith.constant 64 : index
        %get3A_688 = tpu.vector_load %arg10[%get3A_686, %get3A_687] {strides = array<i32>} : memref<16x128xi32, #tpu.memory_space<vmem>>, vector<16xi32>,
        tpu.vector_store_idx %arg14[%get3A_688], %broadcast_in_dim3A_2 {add = true} : memref<20096xf32, #tpu.memory_space<vmem>>[vector<16xi32>], vector<16xf32>,
        %get3A_689 = arith.constant 10 : i32
        %get3A_690 = arith.index_cast %get3A_689 : i32 to index
        %get3A_691 = arith.constant 80 : index
        %get3A_692 = tpu.vector_load %arg10[%get3A_690, %get3A_691] {strides = array<i32>} : memref<16x128xi32, #tpu.memory_space<vmem>>, vector<16xi32>,
        tpu.vector_store_idx %arg14[%get3A_692], %broadcast_in_dim3A_2 {add = true} : memref<20096xf32, #tpu.memory_space<vmem>>[vector<16xi32>], vector<16xf32>,
        %get3A_693 = arith.constant 10 : i32
        %get3A_694 = arith.index_cast %get3A_693 : i32 to index
        %get3A_695 = arith.constant 96 : index
        %get3A_696 = tpu.vector_load %arg10[%get3A_694, %get3A_695] {strides = array<i32>} : memref<16x128xi32, #tpu.memory_space<vmem>>, vector<16xi32>,
        tpu.vector_store_idx %arg14[%get3A_696], %broadcast_in_dim3A_2 {add = true} : memref<20096xf32, #tpu.memory_space<vmem>>[vector<16xi32>], vector<16xf32>,
        %get3A_697 = arith.constant 10 : i32
        %get3A_698 = arith.index_cast %get3A_697 : i32 to index
        %get3A_699 = arith.constant 112 : index
        %get3A_700 = tpu.vector_load %arg10[%get3A_698, %get3A_699] {strides = array<i32>} : memref<16x128xi32, #tpu.memory_space<vmem>>, vector<16xi32>,
        tpu.vector_store_idx %arg14[%get3A_700], %broadcast_in_dim3A_2 {add = true} : memref<20096xf32, #tpu.memory_space<vmem>>[vector<16xi32>], vector<16xf32>,
        %dma_start3A_701 = arith.constant 10 : i32
        %dma_start3A_702 = arith.constant 0 : i32
        %dma_start3A_703 = tpu.memref_slice %arg10[%dma_start3A_701, %dma_start3A_702] : memref<16x128xi32, #tpu.memory_space<vmem>> -> memref<1x128xi32, #tpu.memory_space<vmem>>
        %dma_start3A_704 = tpu.memref_squeeze %dma_start3A_703 : memref<1x128xi32, #tpu.memory_space<vmem>> -> memref<128xi32, #tpu.memory_space<vmem>>
        %dma_start3A_705 = arith.constant 0 : i32
        %dma_start3A_706 = arith.constant 0 : i32
        %dma_start3A_707 = tpu.memref_slice %arg8[%dma_start3A_705, %dma_start3A_706] : memref<20096x64xf32, #tpu.memory_space<vmem_shared>> -> memref<20096x64xf32, #tpu.memory_space<vmem_shared>>
        tpu.enqueue_indirect_dma source(%arg12 : memref<128x64xf32, #tpu.memory_space<vmem>>) target(%dma_start3A_707 : memref<20096x64xf32, #tpu.memory_space<vmem_shared>>) offsets(%dma_start3A_704 : memref<128xi32, #tpu.memory_space<vmem>>) semaphore(%arg16 : memref<!tpu.dma_semaphore, #tpu.memory_space<semaphore_mem>>) {add = true}
        %dma_wait3A_708 = arith.constant 9 : i32
        %dma_wait3A_709 = arith.constant 0 : i32
        %dma_wait3A_710 = tpu.memref_slice %arg10[%dma_wait3A_708, %dma_wait3A_709] : memref<16x128xi32, #tpu.memory_space<vmem>> -> memref<1x128xi32, #tpu.memory_space<vmem>>
        %dma_wait3A_711 = tpu.memref_squeeze %dma_wait3A_710 : memref<1x128xi32, #tpu.memory_space<vmem>> -> memref<128xi32, #tpu.memory_space<vmem>>
        %dma_wait3A_712 = arith.constant 0 : i32
        %dma_wait3A_713 = arith.constant 0 : i32
        %dma_wait3A_714 = tpu.memref_slice %arg8[%dma_wait3A_712, %dma_wait3A_713] : memref<20096x64xf32, #tpu.memory_space<vmem_shared>> -> memref<20096x64xf32, #tpu.memory_space<vmem_shared>>
        tpu.wait_indirect_dma semaphore(%arg16 : memref<!tpu.dma_semaphore, #tpu.memory_space<semaphore_mem>>) src(%arg11 : memref<128x64xf32, #tpu.memory_space<vmem>>) dst(%dma_wait3A_714 : memref<20096x64xf32, #tpu.memory_space<vmem_shared>>)
        %dma_start3A_715 = arith.constant 12 : i32
        %dma_start3A_716 = arith.constant 0 : i32
        %dma_start3A_717 = tpu.memref_slice %arg9[%dma_start3A_715, %dma_start3A_716] : memref<16x128xi32, #tpu.memory_space<vmem>> -> memref<1x128xi32, #tpu.memory_space<vmem>>
        %dma_start3A_718 = tpu.memref_squeeze %dma_start3A_717 : memref<1x128xi32, #tpu.memory_space<vmem>> -> memref<128xi32, #tpu.memory_space<vmem>>
        %dma_start3A_719 = arith.constant 0 : i32
        %dma_start3A_720 = arith.constant 0 : i32
        %dma_start3A_721 = tpu.memref_slice %arg2[%dma_start3A_719, %dma_start3A_720] : memref<10000x64xf32, #tpu.memory_space<hbm>> -> memref<10000x64xf32, #tpu.memory_space<hbm>>
        tpu.enqueue_indirect_dma source(%dma_start3A_721 : memref<10000x64xf32, #tpu.memory_space<hbm>>) target(%arg11 : memref<128x64xf32, #tpu.memory_space<vmem>>) offsets(%dma_start3A_718 : memref<128xi32, #tpu.memory_space<vmem>>) semaphore(%arg15 : memref<!tpu.dma_semaphore, #tpu.memory_space<semaphore_mem>>)
        %dma_wait3A_722 = arith.constant 11 : i32
        %dma_wait3A_723 = arith.constant 0 : i32
        %dma_wait3A_724 = tpu.memref_slice %arg9[%dma_wait3A_722, %dma_wait3A_723] : memref<16x128xi32, #tpu.memory_space<vmem>> -> memref<1x128xi32, #tpu.memory_space<vmem>>
        %dma_wait3A_725 = tpu.memref_squeeze %dma_wait3A_724 : memref<1x128xi32, #tpu.memory_space<vmem>> -> memref<128xi32, #tpu.memory_space<vmem>>
        %dma_wait3A_726 = arith.constant 0 : i32
        %dma_wait3A_727 = arith.constant 0 : i32
        %dma_wait3A_728 = tpu.memref_slice %arg2[%dma_wait3A_726, %dma_wait3A_727] : memref<10000x64xf32, #tpu.memory_space<hbm>> -> memref<10000x64xf32, #tpu.memory_space<hbm>>
        tpu.wait_indirect_dma semaphore(%arg15 : memref<!tpu.dma_semaphore, #tpu.memory_space<semaphore_mem>>) src(%dma_wait3A_728 : memref<10000x64xf32, #tpu.memory_space<hbm>>) dst(%arg13 : memref<128x64xf32, #tpu.memory_space<vmem>>)
        %get3A_729 = arith.constant 11 : i32
        %get3A_730 = arith.index_cast %get3A_729 : i32 to index
        %get3A_731 = arith.constant 0 : index
        %get3A_732 = tpu.vector_load %arg10[%get3A_730, %get3A_731] {strides = array<i32>} : memref<16x128xi32, #tpu.memory_space<vmem>>, vector<16xi32>,
        tpu.vector_store_idx %arg14[%get3A_732], %broadcast_in_dim3A_2 {add = true} : memref<20096xf32, #tpu.memory_space<vmem>>[vector<16xi32>], vector<16xf32>,
        %get3A_733 = arith.constant 11 : i32
        %get3A_734 = arith.index_cast %get3A_733 : i32 to index
        %get3A_735 = arith.constant 16 : index
        %get3A_736 = tpu.vector_load %arg10[%get3A_734, %get3A_735] {strides = array<i32>} : memref<16x128xi32, #tpu.memory_space<vmem>>, vector<16xi32>,
        tpu.vector_store_idx %arg14[%get3A_736], %broadcast_in_dim3A_2 {add = true} : memref<20096xf32, #tpu.memory_space<vmem>>[vector<16xi32>], vector<16xf32>,
        %get3A_737 = arith.constant 11 : i32
        %get3A_738 = arith.index_cast %get3A_737 : i32 to index
        %get3A_739 = arith.constant 32 : index
        %get3A_740 = tpu.vector_load %arg10[%get3A_738, %get3A_739] {strides = array<i32>} : memref<16x128xi32, #tpu.memory_space<vmem>>, vector<16xi32>,
        tpu.vector_store_idx %arg14[%get3A_740], %broadcast_in_dim3A_2 {add = true} : memref<20096xf32, #tpu.memory_space<vmem>>[vector<16xi32>], vector<16xf32>,
        %get3A_741 = arith.constant 11 : i32
        %get3A_742 = arith.index_cast %get3A_741 : i32 to index
        %get3A_743 = arith.constant 48 : index
        %get3A_744 = tpu.vector_load %arg10[%get3A_742, %get3A_743] {strides = array<i32>} : memref<16x128xi32, #tpu.memory_space<vmem>>, vector<16xi32>,
        tpu.vector_store_idx %arg14[%get3A_744], %broadcast_in_dim3A_2 {add = true} : memref<20096xf32, #tpu.memory_space<vmem>>[vector<16xi32>], vector<16xf32>,
        %get3A_745 = arith.constant 11 : i32
        %get3A_746 = arith.index_cast %get3A_745 : i32 to index
        %get3A_747 = arith.constant 64 : index
        %get3A_748 = tpu.vector_load %arg10[%get3A_746, %get3A_747] {strides = array<i32>} : memref<16x128xi32, #tpu.memory_space<vmem>>, vector<16xi32>,
        tpu.vector_store_idx %arg14[%get3A_748], %broadcast_in_dim3A_2 {add = true} : memref<20096xf32, #tpu.memory_space<vmem>>[vector<16xi32>], vector<16xf32>,
        %get3A_749 = arith.constant 11 : i32
        %get3A_750 = arith.index_cast %get3A_749 : i32 to index
        %get3A_751 = arith.constant 80 : index
        %get3A_752 = tpu.vector_load %arg10[%get3A_750, %get3A_751] {strides = array<i32>} : memref<16x128xi32, #tpu.memory_space<vmem>>, vector<16xi32>,
        tpu.vector_store_idx %arg14[%get3A_752], %broadcast_in_dim3A_2 {add = true} : memref<20096xf32, #tpu.memory_space<vmem>>[vector<16xi32>], vector<16xf32>,
        %get3A_753 = arith.constant 11 : i32
        %get3A_754 = arith.index_cast %get3A_753 : i32 to index
        %get3A_755 = arith.constant 96 : index
        %get3A_756 = tpu.vector_load %arg10[%get3A_754, %get3A_755] {strides = array<i32>} : memref<16x128xi32, #tpu.memory_space<vmem>>, vector<16xi32>,
        tpu.vector_store_idx %arg14[%get3A_756], %broadcast_in_dim3A_2 {add = true} : memref<20096xf32, #tpu.memory_space<vmem>>[vector<16xi32>], vector<16xf32>,
        %get3A_757 = arith.constant 11 : i32
        %get3A_758 = arith.index_cast %get3A_757 : i32 to index
        %get3A_759 = arith.constant 112 : index
        %get3A_760 = tpu.vector_load %arg10[%get3A_758, %get3A_759] {strides = array<i32>} : memref<16x128xi32, #tpu.memory_space<vmem>>, vector<16xi32>,
        tpu.vector_store_idx %arg14[%get3A_760], %broadcast_in_dim3A_2 {add = true} : memref<20096xf32, #tpu.memory_space<vmem>>[vector<16xi32>], vector<16xf32>,
        %dma_start3A_761 = arith.constant 11 : i32
        %dma_start3A_762 = arith.constant 0 : i32
        %dma_start3A_763 = tpu.memref_slice %arg10[%dma_start3A_761, %dma_start3A_762] : memref<16x128xi32, #tpu.memory_space<vmem>> -> memref<1x128xi32, #tpu.memory_space<vmem>>
        %dma_start3A_764 = tpu.memref_squeeze %dma_start3A_763 : memref<1x128xi32, #tpu.memory_space<vmem>> -> memref<128xi32, #tpu.memory_space<vmem>>
        %dma_start3A_765 = arith.constant 0 : i32
        %dma_start3A_766 = arith.constant 0 : i32
        %dma_start3A_767 = tpu.memref_slice %arg8[%dma_start3A_765, %dma_start3A_766] : memref<20096x64xf32, #tpu.memory_space<vmem_shared>> -> memref<20096x64xf32, #tpu.memory_space<vmem_shared>>
        tpu.enqueue_indirect_dma source(%arg13 : memref<128x64xf32, #tpu.memory_space<vmem>>) target(%dma_start3A_767 : memref<20096x64xf32, #tpu.memory_space<vmem_shared>>) offsets(%dma_start3A_764 : memref<128xi32, #tpu.memory_space<vmem>>) semaphore(%arg16 : memref<!tpu.dma_semaphore, #tpu.memory_space<semaphore_mem>>) {add = true}
        %dma_wait3A_768 = arith.constant 10 : i32
        %dma_wait3A_769 = arith.constant 0 : i32
        %dma_wait3A_770 = tpu.memref_slice %arg10[%dma_wait3A_768, %dma_wait3A_769] : memref<16x128xi32, #tpu.memory_space<vmem>> -> memref<1x128xi32, #tpu.memory_space<vmem>>
        %dma_wait3A_771 = tpu.memref_squeeze %dma_wait3A_770 : memref<1x128xi32, #tpu.memory_space<vmem>> -> memref<128xi32, #tpu.memory_space<vmem>>
        %dma_wait3A_772 = arith.constant 0 : i32
        %dma_wait3A_773 = arith.constant 0 : i32
        %dma_wait3A_774 = tpu.memref_slice %arg8[%dma_wait3A_772, %dma_wait3A_773] : memref<20096x64xf32, #tpu.memory_space<vmem_shared>> -> memref<20096x64xf32, #tpu.memory_space<vmem_shared>>
        tpu.wait_indirect_dma semaphore(%arg16 : memref<!tpu.dma_semaphore, #tpu.memory_space<semaphore_mem>>) src(%arg12 : memref<128x64xf32, #tpu.memory_space<vmem>>) dst(%dma_wait3A_774 : memref<20096x64xf32, #tpu.memory_space<vmem_shared>>)
        %dma_start3A_775 = arith.constant 13 : i32
        %dma_start3A_776 = arith.constant 0 : i32
        %dma_start3A_777 = tpu.memref_slice %arg9[%dma_start3A_775, %dma_start3A_776] : memref<16x128xi32, #tpu.memory_space<vmem>> -> memref<1x128xi32, #tpu.memory_space<vmem>>
        %dma_start3A_778 = tpu.memref_squeeze %dma_start3A_777 : memref<1x128xi32, #tpu.memory_space<vmem>> -> memref<128xi32, #tpu.memory_space<vmem>>
        %dma_start3A_779 = arith.constant 0 : i32
        %dma_start3A_780 = arith.constant 0 : i32
        %dma_start3A_781 = tpu.memref_slice %arg2[%dma_start3A_779, %dma_start3A_780] : memref<10000x64xf32, #tpu.memory_space<hbm>> -> memref<10000x64xf32, #tpu.memory_space<hbm>>
        tpu.enqueue_indirect_dma source(%dma_start3A_781 : memref<10000x64xf32, #tpu.memory_space<hbm>>) target(%arg12 : memref<128x64xf32, #tpu.memory_space<vmem>>) offsets(%dma_start3A_778 : memref<128xi32, #tpu.memory_space<vmem>>) semaphore(%arg15 : memref<!tpu.dma_semaphore, #tpu.memory_space<semaphore_mem>>)
        %dma_wait3A_782 = arith.constant 12 : i32
        %dma_wait3A_783 = arith.constant 0 : i32
        %dma_wait3A_784 = tpu.memref_slice %arg9[%dma_wait3A_782, %dma_wait3A_783] : memref<16x128xi32, #tpu.memory_space<vmem>> -> memref<1x128xi32, #tpu.memory_space<vmem>>
        %dma_wait3A_785 = tpu.memref_squeeze %dma_wait3A_784 : memref<1x128xi32, #tpu.memory_space<vmem>> -> memref<128xi32, #tpu.memory_space<vmem>>
        %dma_wait3A_786 = arith.constant 0 : i32
        %dma_wait3A_787 = arith.constant 0 : i32
        %dma_wait3A_788 = tpu.memref_slice %arg2[%dma_wait3A_786, %dma_wait3A_787] : memref<10000x64xf32, #tpu.memory_space<hbm>> -> memref<10000x64xf32, #tpu.memory_space<hbm>>
        tpu.wait_indirect_dma semaphore(%arg15 : memref<!tpu.dma_semaphore, #tpu.memory_space<semaphore_mem>>) src(%dma_wait3A_788 : memref<10000x64xf32, #tpu.memory_space<hbm>>) dst(%arg11 : memref<128x64xf32, #tpu.memory_space<vmem>>)
        %get3A_789 = arith.constant 12 : i32
        %get3A_790 = arith.index_cast %get3A_789 : i32 to index
        %get3A_791 = arith.constant 0 : index
        %get3A_792 = tpu.vector_load %arg10[%get3A_790, %get3A_791] {strides = array<i32>} : memref<16x128xi32, #tpu.memory_space<vmem>>, vector<16xi32>,
        tpu.vector_store_idx %arg14[%get3A_792], %broadcast_in_dim3A_2 {add = true} : memref<20096xf32, #tpu.memory_space<vmem>>[vector<16xi32>], vector<16xf32>,
        %get3A_793 = arith.constant 12 : i32
        %get3A_794 = arith.index_cast %get3A_793 : i32 to index
        %get3A_795 = arith.constant 16 : index
        %get3A_796 = tpu.vector_load %arg10[%get3A_794, %get3A_795] {strides = array<i32>} : memref<16x128xi32, #tpu.memory_space<vmem>>, vector<16xi32>,
        tpu.vector_store_idx %arg14[%get3A_796], %broadcast_in_dim3A_2 {add = true} : memref<20096xf32, #tpu.memory_space<vmem>>[vector<16xi32>], vector<16xf32>,
        %get3A_797 = arith.constant 12 : i32
        %get3A_798 = arith.index_cast %get3A_797 : i32 to index
        %get3A_799 = arith.constant 32 : index
        %get3A_800 = tpu.vector_load %arg10[%get3A_798, %get3A_799] {strides = array<i32>} : memref<16x128xi32, #tpu.memory_space<vmem>>, vector<16xi32>,
        tpu.vector_store_idx %arg14[%get3A_800], %broadcast_in_dim3A_2 {add = true} : memref<20096xf32, #tpu.memory_space<vmem>>[vector<16xi32>], vector<16xf32>,
        %get3A_801 = arith.constant 12 : i32
        %get3A_802 = arith.index_cast %get3A_801 : i32 to index
        %get3A_803 = arith.constant 48 : index
        %get3A_804 = tpu.vector_load %arg10[%get3A_802, %get3A_803] {strides = array<i32>} : memref<16x128xi32, #tpu.memory_space<vmem>>, vector<16xi32>,
        tpu.vector_store_idx %arg14[%get3A_804], %broadcast_in_dim3A_2 {add = true} : memref<20096xf32, #tpu.memory_space<vmem>>[vector<16xi32>], vector<16xf32>,
        %get3A_805 = arith.constant 12 : i32
        %get3A_806 = arith.index_cast %get3A_805 : i32 to index
        %get3A_807 = arith.constant 64 : index
        %get3A_808 = tpu.vector_load %arg10[%get3A_806, %get3A_807] {strides = array<i32>} : memref<16x128xi32, #tpu.memory_space<vmem>>, vector<16xi32>,
        tpu.vector_store_idx %arg14[%get3A_808], %broadcast_in_dim3A_2 {add = true} : memref<20096xf32, #tpu.memory_space<vmem>>[vector<16xi32>], vector<16xf32>,
        %get3A_809 = arith.constant 12 : i32
        %get3A_810 = arith.index_cast %get3A_809 : i32 to index
        %get3A_811 = arith.constant 80 : index
        %get3A_812 = tpu.vector_load %arg10[%get3A_810, %get3A_811] {strides = array<i32>} : memref<16x128xi32, #tpu.memory_space<vmem>>, vector<16xi32>,
        tpu.vector_store_idx %arg14[%get3A_812], %broadcast_in_dim3A_2 {add = true} : memref<20096xf32, #tpu.memory_space<vmem>>[vector<16xi32>], vector<16xf32>,
        %get3A_813 = arith.constant 12 : i32
        %get3A_814 = arith.index_cast %get3A_813 : i32 to index
        %get3A_815 = arith.constant 96 : index
        %get3A_816 = tpu.vector_load %arg10[%get3A_814, %get3A_815] {strides = array<i32>} : memref<16x128xi32, #tpu.memory_space<vmem>>, vector<16xi32>,
        tpu.vector_store_idx %arg14[%get3A_816], %broadcast_in_dim3A_2 {add = true} : memref<20096xf32, #tpu.memory_space<vmem>>[vector<16xi32>], vector<16xf32>,
        %get3A_817 = arith.constant 12 : i32
        %get3A_818 = arith.index_cast %get3A_817 : i32 to index
        %get3A_819 = arith.constant 112 : index
        %get3A_820 = tpu.vector_load %arg10[%get3A_818, %get3A_819] {strides = array<i32>} : memref<16x128xi32, #tpu.memory_space<vmem>>, vector<16xi32>,
        tpu.vector_store_idx %arg14[%get3A_820], %broadcast_in_dim3A_2 {add = true} : memref<20096xf32, #tpu.memory_space<vmem>>[vector<16xi32>], vector<16xf32>,
        %dma_start3A_821 = arith.constant 12 : i32
        %dma_start3A_822 = arith.constant 0 : i32
        %dma_start3A_823 = tpu.memref_slice %arg10[%dma_start3A_821, %dma_start3A_822] : memref<16x128xi32, #tpu.memory_space<vmem>> -> memref<1x128xi32, #tpu.memory_space<vmem>>
        %dma_start3A_824 = tpu.memref_squeeze %dma_start3A_823 : memref<1x128xi32, #tpu.memory_space<vmem>> -> memref<128xi32, #tpu.memory_space<vmem>>
        %dma_start3A_825 = arith.constant 0 : i32
        %dma_start3A_826 = arith.constant 0 : i32
        %dma_start3A_827 = tpu.memref_slice %arg8[%dma_start3A_825, %dma_start3A_826] : memref<20096x64xf32, #tpu.memory_space<vmem_shared>> -> memref<20096x64xf32, #tpu.memory_space<vmem_shared>>
        tpu.enqueue_indirect_dma source(%arg11 : memref<128x64xf32, #tpu.memory_space<vmem>>) target(%dma_start3A_827 : memref<20096x64xf32, #tpu.memory_space<vmem_shared>>) offsets(%dma_start3A_824 : memref<128xi32, #tpu.memory_space<vmem>>) semaphore(%arg16 : memref<!tpu.dma_semaphore, #tpu.memory_space<semaphore_mem>>) {add = true}
        %dma_wait3A_828 = arith.constant 11 : i32
        %dma_wait3A_829 = arith.constant 0 : i32
        %dma_wait3A_830 = tpu.memref_slice %arg10[%dma_wait3A_828, %dma_wait3A_829] : memref<16x128xi32, #tpu.memory_space<vmem>> -> memref<1x128xi32, #tpu.memory_space<vmem>>
        %dma_wait3A_831 = tpu.memref_squeeze %dma_wait3A_830 : memref<1x128xi32, #tpu.memory_space<vmem>> -> memref<128xi32, #tpu.memory_space<vmem>>
        %dma_wait3A_832 = arith.constant 0 : i32
        %dma_wait3A_833 = arith.constant 0 : i32
        %dma_wait3A_834 = tpu.memref_slice %arg8[%dma_wait3A_832, %dma_wait3A_833] : memref<20096x64xf32, #tpu.memory_space<vmem_shared>> -> memref<20096x64xf32, #tpu.memory_space<vmem_shared>>
        tpu.wait_indirect_dma semaphore(%arg16 : memref<!tpu.dma_semaphore, #tpu.memory_space<semaphore_mem>>) src(%arg13 : memref<128x64xf32, #tpu.memory_space<vmem>>) dst(%dma_wait3A_834 : memref<20096x64xf32, #tpu.memory_space<vmem_shared>>)
        %dma_start3A_835 = arith.constant 14 : i32
        %dma_start3A_836 = arith.constant 0 : i32
        %dma_start3A_837 = tpu.memref_slice %arg9[%dma_start3A_835, %dma_start3A_836] : memref<16x128xi32, #tpu.memory_space<vmem>> -> memref<1x128xi32, #tpu.memory_space<vmem>>
        %dma_start3A_838 = tpu.memref_squeeze %dma_start3A_837 : memref<1x128xi32, #tpu.memory_space<vmem>> -> memref<128xi32, #tpu.memory_space<vmem>>
        %dma_start3A_839 = arith.constant 0 : i32
        %dma_start3A_840 = arith.constant 0 : i32
        %dma_start3A_841 = tpu.memref_slice %arg2[%dma_start3A_839, %dma_start3A_840] : memref<10000x64xf32, #tpu.memory_space<hbm>> -> memref<10000x64xf32, #tpu.memory_space<hbm>>
        tpu.enqueue_indirect_dma source(%dma_start3A_841 : memref<10000x64xf32, #tpu.memory_space<hbm>>) target(%arg13 : memref<128x64xf32, #tpu.memory_space<vmem>>) offsets(%dma_start3A_838 : memref<128xi32, #tpu.memory_space<vmem>>) semaphore(%arg15 : memref<!tpu.dma_semaphore, #tpu.memory_space<semaphore_mem>>)
        %dma_wait3A_842 = arith.constant 13 : i32
        %dma_wait3A_843 = arith.constant 0 : i32
        %dma_wait3A_844 = tpu.memref_slice %arg9[%dma_wait3A_842, %dma_wait3A_843] : memref<16x128xi32, #tpu.memory_space<vmem>> -> memref<1x128xi32, #tpu.memory_space<vmem>>
        %dma_wait3A_845 = tpu.memref_squeeze %dma_wait3A_844 : memref<1x128xi32, #tpu.memory_space<vmem>> -> memref<128xi32, #tpu.memory_space<vmem>>
        %dma_wait3A_846 = arith.constant 0 : i32
        %dma_wait3A_847 = arith.constant 0 : i32
        %dma_wait3A_848 = tpu.memref_slice %arg2[%dma_wait3A_846, %dma_wait3A_847] : memref<10000x64xf32, #tpu.memory_space<hbm>> -> memref<10000x64xf32, #tpu.memory_space<hbm>>
        tpu.wait_indirect_dma semaphore(%arg15 : memref<!tpu.dma_semaphore, #tpu.memory_space<semaphore_mem>>) src(%dma_wait3A_848 : memref<10000x64xf32, #tpu.memory_space<hbm>>) dst(%arg12 : memref<128x64xf32, #tpu.memory_space<vmem>>)
        %get3A_849 = arith.constant 13 : i32
        %get3A_850 = arith.index_cast %get3A_849 : i32 to index
        %get3A_851 = arith.constant 0 : index
        %get3A_852 = tpu.vector_load %arg10[%get3A_850, %get3A_851] {strides = array<i32>} : memref<16x128xi32, #tpu.memory_space<vmem>>, vector<16xi32>,
        tpu.vector_store_idx %arg14[%get3A_852], %broadcast_in_dim3A_2 {add = true} : memref<20096xf32, #tpu.memory_space<vmem>>[vector<16xi32>], vector<16xf32>,
        %get3A_853 = arith.constant 13 : i32
        %get3A_854 = arith.index_cast %get3A_853 : i32 to index
        %get3A_855 = arith.constant 16 : index
        %get3A_856 = tpu.vector_load %arg10[%get3A_854, %get3A_855] {strides = array<i32>} : memref<16x128xi32, #tpu.memory_space<vmem>>, vector<16xi32>,
        tpu.vector_store_idx %arg14[%get3A_856], %broadcast_in_dim3A_2 {add = true} : memref<20096xf32, #tpu.memory_space<vmem>>[vector<16xi32>], vector<16xf32>,
        %get3A_857 = arith.constant 13 : i32
        %get3A_858 = arith.index_cast %get3A_857 : i32 to index
        %get3A_859 = arith.constant 32 : index
        %get3A_860 = tpu.vector_load %arg10[%get3A_858, %get3A_859] {strides = array<i32>} : memref<16x128xi32, #tpu.memory_space<vmem>>, vector<16xi32>,
        tpu.vector_store_idx %arg14[%get3A_860], %broadcast_in_dim3A_2 {add = true} : memref<20096xf32, #tpu.memory_space<vmem>>[vector<16xi32>], vector<16xf32>,
        %get3A_861 = arith.constant 13 : i32
        %get3A_862 = arith.index_cast %get3A_861 : i32 to index
        %get3A_863 = arith.constant 48 : index
        %get3A_864 = tpu.vector_load %arg10[%get3A_862, %get3A_863] {strides = array<i32>} : memref<16x128xi32, #tpu.memory_space<vmem>>, vector<16xi32>,
        tpu.vector_store_idx %arg14[%get3A_864], %broadcast_in_dim3A_2 {add = true} : memref<20096xf32, #tpu.memory_space<vmem>>[vector<16xi32>], vector<16xf32>,
        %get3A_865 = arith.constant 13 : i32
        %get3A_866 = arith.index_cast %get3A_865 : i32 to index
        %get3A_867 = arith.constant 64 : index
        %get3A_868 = tpu.vector_load %arg10[%get3A_866, %get3A_867] {strides = array<i32>} : memref<16x128xi32, #tpu.memory_space<vmem>>, vector<16xi32>,
        tpu.vector_store_idx %arg14[%get3A_868], %broadcast_in_dim3A_2 {add = true} : memref<20096xf32, #tpu.memory_space<vmem>>[vector<16xi32>], vector<16xf32>,
        %get3A_869 = arith.constant 13 : i32
        %get3A_870 = arith.index_cast %get3A_869 : i32 to index
        %get3A_871 = arith.constant 80 : index
        %get3A_872 = tpu.vector_load %arg10[%get3A_870, %get3A_871] {strides = array<i32>} : memref<16x128xi32, #tpu.memory_space<vmem>>, vector<16xi32>,
        tpu.vector_store_idx %arg14[%get3A_872], %broadcast_in_dim3A_2 {add = true} : memref<20096xf32, #tpu.memory_space<vmem>>[vector<16xi32>], vector<16xf32>,
        %get3A_873 = arith.constant 13 : i32
        %get3A_874 = arith.index_cast %get3A_873 : i32 to index
        %get3A_875 = arith.constant 96 : index
        %get3A_876 = tpu.vector_load %arg10[%get3A_874, %get3A_875] {strides = array<i32>} : memref<16x128xi32, #tpu.memory_space<vmem>>, vector<16xi32>,
        tpu.vector_store_idx %arg14[%get3A_876], %broadcast_in_dim3A_2 {add = true} : memref<20096xf32, #tpu.memory_space<vmem>>[vector<16xi32>], vector<16xf32>,
        %get3A_877 = arith.constant 13 : i32
        %get3A_878 = arith.index_cast %get3A_877 : i32 to index
        %get3A_879 = arith.constant 112 : index
        %get3A_880 = tpu.vector_load %arg10[%get3A_878, %get3A_879] {strides = array<i32>} : memref<16x128xi32, #tpu.memory_space<vmem>>, vector<16xi32>,
        tpu.vector_store_idx %arg14[%get3A_880], %broadcast_in_dim3A_2 {add = true} : memref<20096xf32, #tpu.memory_space<vmem>>[vector<16xi32>], vector<16xf32>,
        %dma_start3A_881 = arith.constant 13 : i32
        %dma_start3A_882 = arith.constant 0 : i32
        %dma_start3A_883 = tpu.memref_slice %arg10[%dma_start3A_881, %dma_start3A_882] : memref<16x128xi32, #tpu.memory_space<vmem>> -> memref<1x128xi32, #tpu.memory_space<vmem>>
        %dma_start3A_884 = tpu.memref_squeeze %dma_start3A_883 : memref<1x128xi32, #tpu.memory_space<vmem>> -> memref<128xi32, #tpu.memory_space<vmem>>
        %dma_start3A_885 = arith.constant 0 : i32
        %dma_start3A_886 = arith.constant 0 : i32
        %dma_start3A_887 = tpu.memref_slice %arg8[%dma_start3A_885, %dma_start3A_886] : memref<20096x64xf32, #tpu.memory_space<vmem_shared>> -> memref<20096x64xf32, #tpu.memory_space<vmem_shared>>
        tpu.enqueue_indirect_dma source(%arg12 : memref<128x64xf32, #tpu.memory_space<vmem>>) target(%dma_start3A_887 : memref<20096x64xf32, #tpu.memory_space<vmem_shared>>) offsets(%dma_start3A_884 : memref<128xi32, #tpu.memory_space<vmem>>) semaphore(%arg16 : memref<!tpu.dma_semaphore, #tpu.memory_space<semaphore_mem>>) {add = true}
        %dma_wait3A_888 = arith.constant 12 : i32
        %dma_wait3A_889 = arith.constant 0 : i32
        %dma_wait3A_890 = tpu.memref_slice %arg10[%dma_wait3A_888, %dma_wait3A_889] : memref<16x128xi32, #tpu.memory_space<vmem>> -> memref<1x128xi32, #tpu.memory_space<vmem>>
        %dma_wait3A_891 = tpu.memref_squeeze %dma_wait3A_890 : memref<1x128xi32, #tpu.memory_space<vmem>> -> memref<128xi32, #tpu.memory_space<vmem>>
        %dma_wait3A_892 = arith.constant 0 : i32
        %dma_wait3A_893 = arith.constant 0 : i32
        %dma_wait3A_894 = tpu.memref_slice %arg8[%dma_wait3A_892, %dma_wait3A_893] : memref<20096x64xf32, #tpu.memory_space<vmem_shared>> -> memref<20096x64xf32, #tpu.memory_space<vmem_shared>>
        tpu.wait_indirect_dma semaphore(%arg16 : memref<!tpu.dma_semaphore, #tpu.memory_space<semaphore_mem>>) src(%arg11 : memref<128x64xf32, #tpu.memory_space<vmem>>) dst(%dma_wait3A_894 : memref<20096x64xf32, #tpu.memory_space<vmem_shared>>)
        %dma_start3A_895 = arith.constant 15 : i32
        %dma_start3A_896 = arith.constant 0 : i32
        %dma_start3A_897 = tpu.memref_slice %arg9[%dma_start3A_895, %dma_start3A_896] : memref<16x128xi32, #tpu.memory_space<vmem>> -> memref<1x128xi32, #tpu.memory_space<vmem>>
        %dma_start3A_898 = tpu.memref_squeeze %dma_start3A_897 : memref<1x128xi32, #tpu.memory_space<vmem>> -> memref<128xi32, #tpu.memory_space<vmem>>
        %dma_start3A_899 = arith.constant 0 : i32
        %dma_start3A_900 = arith.constant 0 : i32
        %dma_start3A_901 = tpu.memref_slice %arg2[%dma_start3A_899, %dma_start3A_900] : memref<10000x64xf32, #tpu.memory_space<hbm>> -> memref<10000x64xf32, #tpu.memory_space<hbm>>
        tpu.enqueue_indirect_dma source(%dma_start3A_901 : memref<10000x64xf32, #tpu.memory_space<hbm>>) target(%arg11 : memref<128x64xf32, #tpu.memory_space<vmem>>) offsets(%dma_start3A_898 : memref<128xi32, #tpu.memory_space<vmem>>) semaphore(%arg15 : memref<!tpu.dma_semaphore, #tpu.memory_space<semaphore_mem>>)
        %dma_wait3A_902 = arith.constant 14 : i32
        %dma_wait3A_903 = arith.constant 0 : i32
        %dma_wait3A_904 = tpu.memref_slice %arg9[%dma_wait3A_902, %dma_wait3A_903] : memref<16x128xi32, #tpu.memory_space<vmem>> -> memref<1x128xi32, #tpu.memory_space<vmem>>
        %dma_wait3A_905 = tpu.memref_squeeze %dma_wait3A_904 : memref<1x128xi32, #tpu.memory_space<vmem>> -> memref<128xi32, #tpu.memory_space<vmem>>
        %dma_wait3A_906 = arith.constant 0 : i32
        %dma_wait3A_907 = arith.constant 0 : i32
        %dma_wait3A_908 = tpu.memref_slice %arg2[%dma_wait3A_906, %dma_wait3A_907] : memref<10000x64xf32, #tpu.memory_space<hbm>> -> memref<10000x64xf32, #tpu.memory_space<hbm>>
        tpu.wait_indirect_dma semaphore(%arg15 : memref<!tpu.dma_semaphore, #tpu.memory_space<semaphore_mem>>) src(%dma_wait3A_908 : memref<10000x64xf32, #tpu.memory_space<hbm>>) dst(%arg13 : memref<128x64xf32, #tpu.memory_space<vmem>>)
        %get3A_909 = arith.constant 14 : i32
        %get3A_910 = arith.index_cast %get3A_909 : i32 to index
        %get3A_911 = arith.constant 0 : index
        %get3A_912 = tpu.vector_load %arg10[%get3A_910, %get3A_911] {strides = array<i32>} : memref<16x128xi32, #tpu.memory_space<vmem>>, vector<16xi32>,
        tpu.vector_store_idx %arg14[%get3A_912], %broadcast_in_dim3A_2 {add = true} : memref<20096xf32, #tpu.memory_space<vmem>>[vector<16xi32>], vector<16xf32>,
        %get3A_913 = arith.constant 14 : i32
        %get3A_914 = arith.index_cast %get3A_913 : i32 to index
        %get3A_915 = arith.constant 16 : index
        %get3A_916 = tpu.vector_load %arg10[%get3A_914, %get3A_915] {strides = array<i32>} : memref<16x128xi32, #tpu.memory_space<vmem>>, vector<16xi32>,
        tpu.vector_store_idx %arg14[%get3A_916], %broadcast_in_dim3A_2 {add = true} : memref<20096xf32, #tpu.memory_space<vmem>>[vector<16xi32>], vector<16xf32>,
        %get3A_917 = arith.constant 14 : i32
        %get3A_918 = arith.index_cast %get3A_917 : i32 to index
        %get3A_919 = arith.constant 32 : index
        %get3A_920 = tpu.vector_load %arg10[%get3A_918, %get3A_919] {strides = array<i32>} : memref<16x128xi32, #tpu.memory_space<vmem>>, vector<16xi32>,
        tpu.vector_store_idx %arg14[%get3A_920], %broadcast_in_dim3A_2 {add = true} : memref<20096xf32, #tpu.memory_space<vmem>>[vector<16xi32>], vector<16xf32>,
        %get3A_921 = arith.constant 14 : i32
        %get3A_922 = arith.index_cast %get3A_921 : i32 to index
        %get3A_923 = arith.constant 48 : index
        %get3A_924 = tpu.vector_load %arg10[%get3A_922, %get3A_923] {strides = array<i32>} : memref<16x128xi32, #tpu.memory_space<vmem>>, vector<16xi32>,
        tpu.vector_store_idx %arg14[%get3A_924], %broadcast_in_dim3A_2 {add = true} : memref<20096xf32, #tpu.memory_space<vmem>>[vector<16xi32>], vector<16xf32>,
        %get3A_925 = arith.constant 14 : i32
        %get3A_926 = arith.index_cast %get3A_925 : i32 to index
        %get3A_927 = arith.constant 64 : index
        %get3A_928 = tpu.vector_load %arg10[%get3A_926, %get3A_927] {strides = array<i32>} : memref<16x128xi32, #tpu.memory_space<vmem>>, vector<16xi32>,
        tpu.vector_store_idx %arg14[%get3A_928], %broadcast_in_dim3A_2 {add = true} : memref<20096xf32, #tpu.memory_space<vmem>>[vector<16xi32>], vector<16xf32>,
        %get3A_929 = arith.constant 14 : i32
        %get3A_930 = arith.index_cast %get3A_929 : i32 to index
        %get3A_931 = arith.constant 80 : index
        %get3A_932 = tpu.vector_load %arg10[%get3A_930, %get3A_931] {strides = array<i32>} : memref<16x128xi32, #tpu.memory_space<vmem>>, vector<16xi32>,
        tpu.vector_store_idx %arg14[%get3A_932], %broadcast_in_dim3A_2 {add = true} : memref<20096xf32, #tpu.memory_space<vmem>>[vector<16xi32>], vector<16xf32>,
        %get3A_933 = arith.constant 14 : i32
        %get3A_934 = arith.index_cast %get3A_933 : i32 to index
        %get3A_935 = arith.constant 96 : index
        %get3A_936 = tpu.vector_load %arg10[%get3A_934, %get3A_935] {strides = array<i32>} : memref<16x128xi32, #tpu.memory_space<vmem>>, vector<16xi32>,
        tpu.vector_store_idx %arg14[%get3A_936], %broadcast_in_dim3A_2 {add = true} : memref<20096xf32, #tpu.memory_space<vmem>>[vector<16xi32>], vector<16xf32>,
        %get3A_937 = arith.constant 14 : i32
        %get3A_938 = arith.index_cast %get3A_937 : i32 to index
        %get3A_939 = arith.constant 112 : index
        %get3A_940 = tpu.vector_load %arg10[%get3A_938, %get3A_939] {strides = array<i32>} : memref<16x128xi32, #tpu.memory_space<vmem>>, vector<16xi32>,
        tpu.vector_store_idx %arg14[%get3A_940], %broadcast_in_dim3A_2 {add = true} : memref<20096xf32, #tpu.memory_space<vmem>>[vector<16xi32>], vector<16xf32>,
        %dma_start3A_941 = arith.constant 14 : i32
        %dma_start3A_942 = arith.constant 0 : i32
        %dma_start3A_943 = tpu.memref_slice %arg10[%dma_start3A_941, %dma_start3A_942] : memref<16x128xi32, #tpu.memory_space<vmem>> -> memref<1x128xi32, #tpu.memory_space<vmem>>
        %dma_start3A_944 = tpu.memref_squeeze %dma_start3A_943 : memref<1x128xi32, #tpu.memory_space<vmem>> -> memref<128xi32, #tpu.memory_space<vmem>>
        %dma_start3A_945 = arith.constant 0 : i32
        %dma_start3A_946 = arith.constant 0 : i32
        %dma_start3A_947 = tpu.memref_slice %arg8[%dma_start3A_945, %dma_start3A_946] : memref<20096x64xf32, #tpu.memory_space<vmem_shared>> -> memref<20096x64xf32, #tpu.memory_space<vmem_shared>>
        tpu.enqueue_indirect_dma source(%arg13 : memref<128x64xf32, #tpu.memory_space<vmem>>) target(%dma_start3A_947 : memref<20096x64xf32, #tpu.memory_space<vmem_shared>>) offsets(%dma_start3A_944 : memref<128xi32, #tpu.memory_space<vmem>>) semaphore(%arg16 : memref<!tpu.dma_semaphore, #tpu.memory_space<semaphore_mem>>) {add = true}
        %dma_wait3A_948 = arith.constant 15 : i32
        %dma_wait3A_949 = arith.constant 0 : i32
        %dma_wait3A_950 = tpu.memref_slice %arg9[%dma_wait3A_948, %dma_wait3A_949] : memref<16x128xi32, #tpu.memory_space<vmem>> -> memref<1x128xi32, #tpu.memory_space<vmem>>
        %dma_wait3A_951 = tpu.memref_squeeze %dma_wait3A_950 : memref<1x128xi32, #tpu.memory_space<vmem>> -> memref<128xi32, #tpu.memory_space<vmem>>
        %dma_wait3A_952 = arith.constant 0 : i32
        %dma_wait3A_953 = arith.constant 0 : i32
        %dma_wait3A_954 = tpu.memref_slice %arg2[%dma_wait3A_952, %dma_wait3A_953] : memref<10000x64xf32, #tpu.memory_space<hbm>> -> memref<10000x64xf32, #tpu.memory_space<hbm>>
        tpu.wait_indirect_dma semaphore(%arg15 : memref<!tpu.dma_semaphore, #tpu.memory_space<semaphore_mem>>) src(%dma_wait3A_954 : memref<10000x64xf32, #tpu.memory_space<hbm>>) dst(%arg11 : memref<128x64xf32, #tpu.memory_space<vmem>>)
        %get3A_955 = arith.constant 15 : i32
        %get3A_956 = arith.index_cast %get3A_955 : i32 to index
        %get3A_957 = arith.constant 0 : index
        %get3A_958 = tpu.vector_load %arg10[%get3A_956, %get3A_957] {strides = array<i32>} : memref<16x128xi32, #tpu.memory_space<vmem>>, vector<16xi32>,
        tpu.vector_store_idx %arg14[%get3A_958], %broadcast_in_dim3A_2 {add = true} : memref<20096xf32, #tpu.memory_space<vmem>>[vector<16xi32>], vector<16xf32>,
        %get3A_959 = arith.constant 15 : i32
        %get3A_960 = arith.index_cast %get3A_959 : i32 to index
        %get3A_961 = arith.constant 16 : index
        %get3A_962 = tpu.vector_load %arg10[%get3A_960, %get3A_961] {strides = array<i32>} : memref<16x128xi32, #tpu.memory_space<vmem>>, vector<16xi32>,
        tpu.vector_store_idx %arg14[%get3A_962], %broadcast_in_dim3A_2 {add = true} : memref<20096xf32, #tpu.memory_space<vmem>>[vector<16xi32>], vector<16xf32>,
        %get3A_963 = arith.constant 15 : i32
        %get3A_964 = arith.index_cast %get3A_963 : i32 to index
        %get3A_965 = arith.constant 32 : index
        %get3A_966 = tpu.vector_load %arg10[%get3A_964, %get3A_965] {strides = array<i32>} : memref<16x128xi32, #tpu.memory_space<vmem>>, vector<16xi32>,
        tpu.vector_store_idx %arg14[%get3A_966], %broadcast_in_dim3A_2 {add = true} : memref<20096xf32, #tpu.memory_space<vmem>>[vector<16xi32>], vector<16xf32>,
        %get3A_967 = arith.constant 15 : i32
        %get3A_968 = arith.index_cast %get3A_967 : i32 to index
        %get3A_969 = arith.constant 48 : index
        %get3A_970 = tpu.vector_load %arg10[%get3A_968, %get3A_969] {strides = array<i32>} : memref<16x128xi32, #tpu.memory_space<vmem>>, vector<16xi32>,
        tpu.vector_store_idx %arg14[%get3A_970], %broadcast_in_dim3A_2 {add = true} : memref<20096xf32, #tpu.memory_space<vmem>>[vector<16xi32>], vector<16xf32>,
        %get3A_971 = arith.constant 15 : i32
        %get3A_972 = arith.index_cast %get3A_971 : i32 to index
        %get3A_973 = arith.constant 64 : index
        %get3A_974 = tpu.vector_load %arg10[%get3A_972, %get3A_973] {strides = array<i32>} : memref<16x128xi32, #tpu.memory_space<vmem>>, vector<16xi32>,
        tpu.vector_store_idx %arg14[%get3A_974], %broadcast_in_dim3A_2 {add = true} : memref<20096xf32, #tpu.memory_space<vmem>>[vector<16xi32>], vector<16xf32>,
        %get3A_975 = arith.constant 15 : i32
        %get3A_976 = arith.index_cast %get3A_975 : i32 to index
        %get3A_977 = arith.constant 80 : index
        %get3A_978 = tpu.vector_load %arg10[%get3A_976, %get3A_977] {strides = array<i32>} : memref<16x128xi32, #tpu.memory_space<vmem>>, vector<16xi32>,
        tpu.vector_store_idx %arg14[%get3A_978], %broadcast_in_dim3A_2 {add = true} : memref<20096xf32, #tpu.memory_space<vmem>>[vector<16xi32>], vector<16xf32>,
        %get3A_979 = arith.constant 15 : i32
        %get3A_980 = arith.index_cast %get3A_979 : i32 to index
        %get3A_981 = arith.constant 96 : index
        %get3A_982 = tpu.vector_load %arg10[%get3A_980, %get3A_981] {strides = array<i32>} : memref<16x128xi32, #tpu.memory_space<vmem>>, vector<16xi32>,
        tpu.vector_store_idx %arg14[%get3A_982], %broadcast_in_dim3A_2 {add = true} : memref<20096xf32, #tpu.memory_space<vmem>>[vector<16xi32>], vector<16xf32>,
        %get3A_983 = arith.constant 15 : i32
        %get3A_984 = arith.index_cast %get3A_983 : i32 to index
        %get3A_985 = arith.constant 112 : index
        %get3A_986 = tpu.vector_load %arg10[%get3A_984, %get3A_985] {strides = array<i32>} : memref<16x128xi32, #tpu.memory_space<vmem>>, vector<16xi32>,
        tpu.vector_store_idx %arg14[%get3A_986], %broadcast_in_dim3A_2 {add = true} : memref<20096xf32, #tpu.memory_space<vmem>>[vector<16xi32>], vector<16xf32>,
        %dma_start3A_987 = arith.constant 15 : i32
        %dma_start3A_988 = arith.constant 0 : i32
        %dma_start3A_989 = tpu.memref_slice %arg10[%dma_start3A_987, %dma_start3A_988] : memref<16x128xi32, #tpu.memory_space<vmem>> -> memref<1x128xi32, #tpu.memory_space<vmem>>
        %dma_start3A_990 = tpu.memref_squeeze %dma_start3A_989 : memref<1x128xi32, #tpu.memory_space<vmem>> -> memref<128xi32, #tpu.memory_space<vmem>>
        %dma_start3A_991 = arith.constant 0 : i32
        %dma_start3A_992 = arith.constant 0 : i32
        %dma_start3A_993 = tpu.memref_slice %arg8[%dma_start3A_991, %dma_start3A_992] : memref<20096x64xf32, #tpu.memory_space<vmem_shared>> -> memref<20096x64xf32, #tpu.memory_space<vmem_shared>>
        tpu.enqueue_indirect_dma source(%arg11 : memref<128x64xf32, #tpu.memory_space<vmem>>) target(%dma_start3A_993 : memref<20096x64xf32, #tpu.memory_space<vmem_shared>>) offsets(%dma_start3A_990 : memref<128xi32, #tpu.memory_space<vmem>>) semaphore(%arg16 : memref<!tpu.dma_semaphore, #tpu.memory_space<semaphore_mem>>) {add = true}
        %dma_wait3A_994 = arith.constant 14 : i32
        %dma_wait3A_995 = arith.constant 0 : i32
        %dma_wait3A_996 = tpu.memref_slice %arg10[%dma_wait3A_994, %dma_wait3A_995] : memref<16x128xi32, #tpu.memory_space<vmem>> -> memref<1x128xi32, #tpu.memory_space<vmem>>
        %dma_wait3A_997 = tpu.memref_squeeze %dma_wait3A_996 : memref<1x128xi32, #tpu.memory_space<vmem>> -> memref<128xi32, #tpu.memory_space<vmem>>
        %dma_wait3A_998 = arith.constant 0 : i32
        %dma_wait3A_999 = arith.constant 0 : i32
        %dma_wait3A_1000 = tpu.memref_slice %arg8[%dma_wait3A_998, %dma_wait3A_999] : memref<20096x64xf32, #tpu.memory_space<vmem_shared>> -> memref<20096x64xf32, #tpu.memory_space<vmem_shared>>
        tpu.wait_indirect_dma semaphore(%arg16 : memref<!tpu.dma_semaphore, #tpu.memory_space<semaphore_mem>>) src(%arg13 : memref<128x64xf32, #tpu.memory_space<vmem>>) dst(%dma_wait3A_1000 : memref<20096x64xf32, #tpu.memory_space<vmem_shared>>)
        %dma_wait3A_1001 = arith.constant 15 : i32
        %dma_wait3A_1002 = arith.constant 0 : i32
        %dma_wait3A_1003 = tpu.memref_slice %arg10[%dma_wait3A_1001, %dma_wait3A_1002] : memref<16x128xi32, #tpu.memory_space<vmem>> -> memref<1x128xi32, #tpu.memory_space<vmem>>
        %dma_wait3A_1004 = tpu.memref_squeeze %dma_wait3A_1003 : memref<1x128xi32, #tpu.memory_space<vmem>> -> memref<128xi32, #tpu.memory_space<vmem>>
        %dma_wait3A_1005 = arith.constant 0 : i32
        %dma_wait3A_1006 = arith.constant 0 : i32
        %dma_wait3A_1007 = tpu.memref_slice %arg8[%dma_wait3A_1005, %dma_wait3A_1006] : memref<20096x64xf32, #tpu.memory_space<vmem_shared>> -> memref<20096x64xf32, #tpu.memory_space<vmem_shared>>
        tpu.wait_indirect_dma semaphore(%arg16 : memref<!tpu.dma_semaphore, #tpu.memory_space<semaphore_mem>>) src(%arg11 : memref<128x64xf32, #tpu.memory_space<vmem>>) dst(%dma_wait3A_1007 : memref<20096x64xf32, #tpu.memory_space<vmem_shared>>)
      }
      %scan3A_45 = arith.constant 10 : i32
    } else {
    }
    %eq3A_24 = arith.constant 1 : i32
    %eq3A_25 = arith.cmpi eq, %arg0, %eq3A_24 : i32
    %convert_element_type3A_26 = arith.extui %eq3A_25 : i1 to i32
    %cond3A_27 = arith.constant 0 : i32
    %cond3A_28 = arith.cmpi ne, %convert_element_type3A_26, %cond3A_27 : i32
    scf.if %cond3A_28 {
      %scan3A_40 = arith.constant 0 : i32
      %scan3A_41 = arith.constant 0 : i32
      %scan3A_42 = arith.constant 10 : i32
      %scan3A_43 = arith.addi %scan3A_41, %scan3A_42 : i32
      %scan3A_44 = arith.constant 1 : i32
      scf.for %scan3A_46 = %scan3A_41 to %scan3A_43 step %scan3A_44  : i32 {
        %mul3A_47 = arith.constant 160 : i32
        %mul3A_48 = arith.muli %arg1, %mul3A_47 : i32
        %mul3A_49 = arith.constant 16 : i32
        %mul3A_50 = arith.muli %scan3A_46, %mul3A_49 : i32
        %add3A_51 = arith.addi %mul3A_48, %mul3A_50 : i32
        "tpu.region"() ({
          %run_scoped3A = tpu.sem_alloc : memref<!tpu.dma_semaphore, #tpu.memory_space<semaphore_mem>>
          %dma_start3A_497 = arith.constant 0 : i32
          %dma_start3A_498 = tpu.memref_slice %arg4[%add3A_51, %dma_start3A_497] : memref<2560x128xi32, #tpu.memory_space<hbm>> -> memref<16x128xi32, #tpu.memory_space<hbm>>
          %dma_start3A_499 = arith.constant 0 : i32
          %dma_start3A_500 = tpu.memref_slice %arg4[%add3A_51, %dma_start3A_499] : memref<2560x128xi32, #tpu.memory_space<hbm>> -> memref<16x128xi32, #tpu.memory_space<hbm>>
          tpu.enqueue_dma source(%dma_start3A_500 : memref<16x128xi32, #tpu.memory_space<hbm>>) target(%arg9 : memref<16x128xi32, #tpu.memory_space<vmem>>) target_semaphore(%run_scoped3A : memref<!tpu.dma_semaphore, #tpu.memory_space<semaphore_mem>>)
          %dma_wait3A_501 = arith.constant 0 : i32
          %dma_wait3A_502 = tpu.memref_slice %arg4[%add3A_51, %dma_wait3A_501] : memref<2560x128xi32, #tpu.memory_space<hbm>> -> memref<16x128xi32, #tpu.memory_space<hbm>>
          %dma_wait3A_503 = arith.constant 0 : i32
          %dma_wait3A_504 = tpu.memref_slice %arg4[%add3A_51, %dma_wait3A_503] : memref<2560x128xi32, #tpu.memory_space<hbm>> -> memref<16x128xi32, #tpu.memory_space<hbm>>
          tpu.wait_dma2 semaphore(%run_scoped3A : memref<!tpu.dma_semaphore, #tpu.memory_space<semaphore_mem>>) src(%dma_wait3A_504 : memref<16x128xi32, #tpu.memory_space<hbm>>) dst(%arg9 : memref<16x128xi32, #tpu.memory_space<vmem>>)
          tpu.yield
        }) : () -> ()
        %scan3A_52 = arith.constant 0 : i32
        %scan3A_53 = arith.constant 0 : i32
        %scan3A_54 = arith.constant 16 : i32
        %scan3A_55 = arith.addi %scan3A_53, %scan3A_54 : i32
        %scan3A_56 = arith.constant 1 : i32
        scf.for %scan3A_497 = %scan3A_53 to %scan3A_55 step %scan3A_56  : i32 {
          %get3A = arith.index_cast %scan3A_497 : i32 to index
          %get3A_498 = arith.constant 0 : index
          %get3A_499 = tpu.vector_load %arg9[%get3A, %get3A_498] {strides = array<i32>} : memref<16x128xi32, #tpu.memory_space<vmem>>, vector<16xi32>,
          %shift_right_logical3A = arith.constant 14 : i32
          %shift_right_logical3A_500 = vector.broadcast %shift_right_logical3A : i32 to vector<16xi32>
          %shift_right_logical3A_501 = arith.shrui %get3A_499, %shift_right_logical3A_500 : vector<16xi32>
          %swap3A = arith.index_cast %scan3A_497 : i32 to index
          %swap3A_502 = arith.constant 0 : index
          %swap3A_503 = tpu.vector_load %arg10[%swap3A, %swap3A_502] {strides = array<i32>} : memref<16x128xi32, #tpu.memory_space<vmem>>, vector<16xi32>,
          tpu.vector_store %arg10[%swap3A, %swap3A_502], %shift_right_logical3A_501 {strides = array<i32>} : memref<16x128xi32, #tpu.memory_space<vmem>>, vector<16xi32>,
          %and3A = arith.constant 16383 : i32
          %and3A_504 = vector.broadcast %and3A : i32 to vector<16xi32>
          %and3A_505 = arith.andi %get3A_499, %and3A_504 : vector<16xi32>
          %swap3A_506 = arith.index_cast %scan3A_497 : i32 to index
          %swap3A_507 = arith.constant 0 : index
          %swap3A_508 = tpu.vector_load %arg9[%swap3A_506, %swap3A_507] {strides = array<i32>} : memref<16x128xi32, #tpu.memory_space<vmem>>, vector<16xi32>,
          tpu.vector_store %arg9[%swap3A_506, %swap3A_507], %and3A_505 {strides = array<i32>} : memref<16x128xi32, #tpu.memory_space<vmem>>, vector<16xi32>,
          %get3A_509 = arith.index_cast %scan3A_497 : i32 to index
          %get3A_510 = arith.constant 16 : index
          %get3A_511 = tpu.vector_load %arg9[%get3A_509, %get3A_510] {strides = array<i32>} : memref<16x128xi32, #tpu.memory_space<vmem>>, vector<16xi32>,
          %shift_right_logical3A_512 = arith.constant 14 : i32
          %shift_right_logical3A_513 = vector.broadcast %shift_right_logical3A_512 : i32 to vector<16xi32>
          %shift_right_logical3A_514 = arith.shrui %get3A_511, %shift_right_logical3A_513 : vector<16xi32>
          %swap3A_515 = arith.index_cast %scan3A_497 : i32 to index
          %swap3A_516 = arith.constant 16 : index
          %swap3A_517 = tpu.vector_load %arg10[%swap3A_515, %swap3A_516] {strides = array<i32>} : memref<16x128xi32, #tpu.memory_space<vmem>>, vector<16xi32>,
          tpu.vector_store %arg10[%swap3A_515, %swap3A_516], %shift_right_logical3A_514 {strides = array<i32>} : memref<16x128xi32, #tpu.memory_space<vmem>>, vector<16xi32>,
          %and3A_518 = arith.constant 16383 : i32
          %and3A_519 = vector.broadcast %and3A_518 : i32 to vector<16xi32>
          %and3A_520 = arith.andi %get3A_511, %and3A_519 : vector<16xi32>
          %swap3A_521 = arith.index_cast %scan3A_497 : i32 to index
          %swap3A_522 = arith.constant 16 : index
          %swap3A_523 = tpu.vector_load %arg9[%swap3A_521, %swap3A_522] {strides = array<i32>} : memref<16x128xi32, #tpu.memory_space<vmem>>, vector<16xi32>,
          tpu.vector_store %arg9[%swap3A_521, %swap3A_522], %and3A_520 {strides = array<i32>} : memref<16x128xi32, #tpu.memory_space<vmem>>, vector<16xi32>,
          %get3A_524 = arith.index_cast %scan3A_497 : i32 to index
          %get3A_525 = arith.constant 32 : index
          %get3A_526 = tpu.vector_load %arg9[%get3A_524, %get3A_525] {strides = array<i32>} : memref<16x128xi32, #tpu.memory_space<vmem>>, vector<16xi32>,
          %shift_right_logical3A_527 = arith.constant 14 : i32
          %shift_right_logical3A_528 = vector.broadcast %shift_right_logical3A_527 : i32 to vector<16xi32>
          %shift_right_logical3A_529 = arith.shrui %get3A_526, %shift_right_logical3A_528 : vector<16xi32>
          %swap3A_530 = arith.index_cast %scan3A_497 : i32 to index
          %swap3A_531 = arith.constant 32 : index
          %swap3A_532 = tpu.vector_load %arg10[%swap3A_530, %swap3A_531] {strides = array<i32>} : memref<16x128xi32, #tpu.memory_space<vmem>>, vector<16xi32>,
          tpu.vector_store %arg10[%swap3A_530, %swap3A_531], %shift_right_logical3A_529 {strides = array<i32>} : memref<16x128xi32, #tpu.memory_space<vmem>>, vector<16xi32>,
          %and3A_533 = arith.constant 16383 : i32
          %and3A_534 = vector.broadcast %and3A_533 : i32 to vector<16xi32>
          %and3A_535 = arith.andi %get3A_526, %and3A_534 : vector<16xi32>
          %swap3A_536 = arith.index_cast %scan3A_497 : i32 to index
          %swap3A_537 = arith.constant 32 : index
          %swap3A_538 = tpu.vector_load %arg9[%swap3A_536, %swap3A_537] {strides = array<i32>} : memref<16x128xi32, #tpu.memory_space<vmem>>, vector<16xi32>,
          tpu.vector_store %arg9[%swap3A_536, %swap3A_537], %and3A_535 {strides = array<i32>} : memref<16x128xi32, #tpu.memory_space<vmem>>, vector<16xi32>,
          %get3A_539 = arith.index_cast %scan3A_497 : i32 to index
          %get3A_540 = arith.constant 48 : index
          %get3A_541 = tpu.vector_load %arg9[%get3A_539, %get3A_540] {strides = array<i32>} : memref<16x128xi32, #tpu.memory_space<vmem>>, vector<16xi32>,
          %shift_right_logical3A_542 = arith.constant 14 : i32
          %shift_right_logical3A_543 = vector.broadcast %shift_right_logical3A_542 : i32 to vector<16xi32>
          %shift_right_logical3A_544 = arith.shrui %get3A_541, %shift_right_logical3A_543 : vector<16xi32>
          %swap3A_545 = arith.index_cast %scan3A_497 : i32 to index
          %swap3A_546 = arith.constant 48 : index
          %swap3A_547 = tpu.vector_load %arg10[%swap3A_545, %swap3A_546] {strides = array<i32>} : memref<16x128xi32, #tpu.memory_space<vmem>>, vector<16xi32>,
          tpu.vector_store %arg10[%swap3A_545, %swap3A_546], %shift_right_logical3A_544 {strides = array<i32>} : memref<16x128xi32, #tpu.memory_space<vmem>>, vector<16xi32>,
          %and3A_548 = arith.constant 16383 : i32
          %and3A_549 = vector.broadcast %and3A_548 : i32 to vector<16xi32>
          %and3A_550 = arith.andi %get3A_541, %and3A_549 : vector<16xi32>
          %swap3A_551 = arith.index_cast %scan3A_497 : i32 to index
          %swap3A_552 = arith.constant 48 : index
          %swap3A_553 = tpu.vector_load %arg9[%swap3A_551, %swap3A_552] {strides = array<i32>} : memref<16x128xi32, #tpu.memory_space<vmem>>, vector<16xi32>,
          tpu.vector_store %arg9[%swap3A_551, %swap3A_552], %and3A_550 {strides = array<i32>} : memref<16x128xi32, #tpu.memory_space<vmem>>, vector<16xi32>,
          %get3A_554 = arith.index_cast %scan3A_497 : i32 to index
          %get3A_555 = arith.constant 64 : index
          %get3A_556 = tpu.vector_load %arg9[%get3A_554, %get3A_555] {strides = array<i32>} : memref<16x128xi32, #tpu.memory_space<vmem>>, vector<16xi32>,
          %shift_right_logical3A_557 = arith.constant 14 : i32
          %shift_right_logical3A_558 = vector.broadcast %shift_right_logical3A_557 : i32 to vector<16xi32>
          %shift_right_logical3A_559 = arith.shrui %get3A_556, %shift_right_logical3A_558 : vector<16xi32>
          %swap3A_560 = arith.index_cast %scan3A_497 : i32 to index
          %swap3A_561 = arith.constant 64 : index
          %swap3A_562 = tpu.vector_load %arg10[%swap3A_560, %swap3A_561] {strides = array<i32>} : memref<16x128xi32, #tpu.memory_space<vmem>>, vector<16xi32>,
          tpu.vector_store %arg10[%swap3A_560, %swap3A_561], %shift_right_logical3A_559 {strides = array<i32>} : memref<16x128xi32, #tpu.memory_space<vmem>>, vector<16xi32>,
          %and3A_563 = arith.constant 16383 : i32
          %and3A_564 = vector.broadcast %and3A_563 : i32 to vector<16xi32>
          %and3A_565 = arith.andi %get3A_556, %and3A_564 : vector<16xi32>
          %swap3A_566 = arith.index_cast %scan3A_497 : i32 to index
          %swap3A_567 = arith.constant 64 : index
          %swap3A_568 = tpu.vector_load %arg9[%swap3A_566, %swap3A_567] {strides = array<i32>} : memref<16x128xi32, #tpu.memory_space<vmem>>, vector<16xi32>,
          tpu.vector_store %arg9[%swap3A_566, %swap3A_567], %and3A_565 {strides = array<i32>} : memref<16x128xi32, #tpu.memory_space<vmem>>, vector<16xi32>,
          %get3A_569 = arith.index_cast %scan3A_497 : i32 to index
          %get3A_570 = arith.constant 80 : index
          %get3A_571 = tpu.vector_load %arg9[%get3A_569, %get3A_570] {strides = array<i32>} : memref<16x128xi32, #tpu.memory_space<vmem>>, vector<16xi32>,
          %shift_right_logical3A_572 = arith.constant 14 : i32
          %shift_right_logical3A_573 = vector.broadcast %shift_right_logical3A_572 : i32 to vector<16xi32>
          %shift_right_logical3A_574 = arith.shrui %get3A_571, %shift_right_logical3A_573 : vector<16xi32>
          %swap3A_575 = arith.index_cast %scan3A_497 : i32 to index
          %swap3A_576 = arith.constant 80 : index
          %swap3A_577 = tpu.vector_load %arg10[%swap3A_575, %swap3A_576] {strides = array<i32>} : memref<16x128xi32, #tpu.memory_space<vmem>>, vector<16xi32>,
          tpu.vector_store %arg10[%swap3A_575, %swap3A_576], %shift_right_logical3A_574 {strides = array<i32>} : memref<16x128xi32, #tpu.memory_space<vmem>>, vector<16xi32>,
          %and3A_578 = arith.constant 16383 : i32
          %and3A_579 = vector.broadcast %and3A_578 : i32 to vector<16xi32>
          %and3A_580 = arith.andi %get3A_571, %and3A_579 : vector<16xi32>
          %swap3A_581 = arith.index_cast %scan3A_497 : i32 to index
          %swap3A_582 = arith.constant 80 : index
          %swap3A_583 = tpu.vector_load %arg9[%swap3A_581, %swap3A_582] {strides = array<i32>} : memref<16x128xi32, #tpu.memory_space<vmem>>, vector<16xi32>,
          tpu.vector_store %arg9[%swap3A_581, %swap3A_582], %and3A_580 {strides = array<i32>} : memref<16x128xi32, #tpu.memory_space<vmem>>, vector<16xi32>,
          %get3A_584 = arith.index_cast %scan3A_497 : i32 to index
          %get3A_585 = arith.constant 96 : index
          %get3A_586 = tpu.vector_load %arg9[%get3A_584, %get3A_585] {strides = array<i32>} : memref<16x128xi32, #tpu.memory_space<vmem>>, vector<16xi32>,
          %shift_right_logical3A_587 = arith.constant 14 : i32
          %shift_right_logical3A_588 = vector.broadcast %shift_right_logical3A_587 : i32 to vector<16xi32>
          %shift_right_logical3A_589 = arith.shrui %get3A_586, %shift_right_logical3A_588 : vector<16xi32>
          %swap3A_590 = arith.index_cast %scan3A_497 : i32 to index
          %swap3A_591 = arith.constant 96 : index
          %swap3A_592 = tpu.vector_load %arg10[%swap3A_590, %swap3A_591] {strides = array<i32>} : memref<16x128xi32, #tpu.memory_space<vmem>>, vector<16xi32>,
          tpu.vector_store %arg10[%swap3A_590, %swap3A_591], %shift_right_logical3A_589 {strides = array<i32>} : memref<16x128xi32, #tpu.memory_space<vmem>>, vector<16xi32>,
          %and3A_593 = arith.constant 16383 : i32
          %and3A_594 = vector.broadcast %and3A_593 : i32 to vector<16xi32>
          %and3A_595 = arith.andi %get3A_586, %and3A_594 : vector<16xi32>
          %swap3A_596 = arith.index_cast %scan3A_497 : i32 to index
          %swap3A_597 = arith.constant 96 : index
          %swap3A_598 = tpu.vector_load %arg9[%swap3A_596, %swap3A_597] {strides = array<i32>} : memref<16x128xi32, #tpu.memory_space<vmem>>, vector<16xi32>,
          tpu.vector_store %arg9[%swap3A_596, %swap3A_597], %and3A_595 {strides = array<i32>} : memref<16x128xi32, #tpu.memory_space<vmem>>, vector<16xi32>,
          %get3A_599 = arith.index_cast %scan3A_497 : i32 to index
          %get3A_600 = arith.constant 112 : index
          %get3A_601 = tpu.vector_load %arg9[%get3A_599, %get3A_600] {strides = array<i32>} : memref<16x128xi32, #tpu.memory_space<vmem>>, vector<16xi32>,
          %shift_right_logical3A_602 = arith.constant 14 : i32
          %shift_right_logical3A_603 = vector.broadcast %shift_right_logical3A_602 : i32 to vector<16xi32>
          %shift_right_logical3A_604 = arith.shrui %get3A_601, %shift_right_logical3A_603 : vector<16xi32>
          %swap3A_605 = arith.index_cast %scan3A_497 : i32 to index
          %swap3A_606 = arith.constant 112 : index
          %swap3A_607 = tpu.vector_load %arg10[%swap3A_605, %swap3A_606] {strides = array<i32>} : memref<16x128xi32, #tpu.memory_space<vmem>>, vector<16xi32>,
          tpu.vector_store %arg10[%swap3A_605, %swap3A_606], %shift_right_logical3A_604 {strides = array<i32>} : memref<16x128xi32, #tpu.memory_space<vmem>>, vector<16xi32>,
          %and3A_608 = arith.constant 16383 : i32
          %and3A_609 = vector.broadcast %and3A_608 : i32 to vector<16xi32>
          %and3A_610 = arith.andi %get3A_601, %and3A_609 : vector<16xi32>
          %swap3A_611 = arith.index_cast %scan3A_497 : i32 to index
          %swap3A_612 = arith.constant 112 : index
          %swap3A_613 = tpu.vector_load %arg9[%swap3A_611, %swap3A_612] {strides = array<i32>} : memref<16x128xi32, #tpu.memory_space<vmem>>, vector<16xi32>,
          tpu.vector_store %arg9[%swap3A_611, %swap3A_612], %and3A_610 {strides = array<i32>} : memref<16x128xi32, #tpu.memory_space<vmem>>, vector<16xi32>,
        }
        %scan3A_57 = arith.constant 16 : i32
        %dma_start3A = arith.constant 0 : i32
        %dma_start3A_58 = arith.constant 0 : i32
        %dma_start3A_59 = tpu.memref_slice %arg9[%dma_start3A, %dma_start3A_58] : memref<16x128xi32, #tpu.memory_space<vmem>> -> memref<1x128xi32, #tpu.memory_space<vmem>>
        %dma_start3A_60 = tpu.memref_squeeze %dma_start3A_59 : memref<1x128xi32, #tpu.memory_space<vmem>> -> memref<128xi32, #tpu.memory_space<vmem>>
        %dma_start3A_61 = arith.constant 0 : i32
        %dma_start3A_62 = arith.constant 0 : i32
        %dma_start3A_63 = tpu.memref_slice %arg3[%dma_start3A_61, %dma_start3A_62] : memref<10000x64xf32, #tpu.memory_space<hbm>> -> memref<10000x64xf32, #tpu.memory_space<hbm>>
        tpu.enqueue_indirect_dma source(%dma_start3A_63 : memref<10000x64xf32, #tpu.memory_space<hbm>>) target(%arg11 : memref<128x64xf32, #tpu.memory_space<vmem>>) offsets(%dma_start3A_60 : memref<128xi32, #tpu.memory_space<vmem>>) semaphore(%arg15 : memref<!tpu.dma_semaphore, #tpu.memory_space<semaphore_mem>>)
        %dma_start3A_64 = arith.constant 1 : i32
        %dma_start3A_65 = arith.constant 0 : i32
        %dma_start3A_66 = tpu.memref_slice %arg9[%dma_start3A_64, %dma_start3A_65] : memref<16x128xi32, #tpu.memory_space<vmem>> -> memref<1x128xi32, #tpu.memory_space<vmem>>
        %dma_start3A_67 = tpu.memref_squeeze %dma_start3A_66 : memref<1x128xi32, #tpu.memory_space<vmem>> -> memref<128xi32, #tpu.memory_space<vmem>>
        %dma_start3A_68 = arith.constant 0 : i32
        %dma_start3A_69 = arith.constant 0 : i32
        %dma_start3A_70 = tpu.memref_slice %arg3[%dma_start3A_68, %dma_start3A_69] : memref<10000x64xf32, #tpu.memory_space<hbm>> -> memref<10000x64xf32, #tpu.memory_space<hbm>>
        tpu.enqueue_indirect_dma source(%dma_start3A_70 : memref<10000x64xf32, #tpu.memory_space<hbm>>) target(%arg12 : memref<128x64xf32, #tpu.memory_space<vmem>>) offsets(%dma_start3A_67 : memref<128xi32, #tpu.memory_space<vmem>>) semaphore(%arg15 : memref<!tpu.dma_semaphore, #tpu.memory_space<semaphore_mem>>)
        %dma_wait3A = arith.constant 0 : i32
        %dma_wait3A_71 = arith.constant 0 : i32
        %dma_wait3A_72 = tpu.memref_slice %arg9[%dma_wait3A, %dma_wait3A_71] : memref<16x128xi32, #tpu.memory_space<vmem>> -> memref<1x128xi32, #tpu.memory_space<vmem>>
        %dma_wait3A_73 = tpu.memref_squeeze %dma_wait3A_72 : memref<1x128xi32, #tpu.memory_space<vmem>> -> memref<128xi32, #tpu.memory_space<vmem>>
        %dma_wait3A_74 = arith.constant 0 : i32
        %dma_wait3A_75 = arith.constant 0 : i32
        %dma_wait3A_76 = tpu.memref_slice %arg3[%dma_wait3A_74, %dma_wait3A_75] : memref<10000x64xf32, #tpu.memory_space<hbm>> -> memref<10000x64xf32, #tpu.memory_space<hbm>>
        tpu.wait_indirect_dma semaphore(%arg15 : memref<!tpu.dma_semaphore, #tpu.memory_space<semaphore_mem>>) src(%dma_wait3A_76 : memref<10000x64xf32, #tpu.memory_space<hbm>>) dst(%arg11 : memref<128x64xf32, #tpu.memory_space<vmem>>)
        %dma_start3A_77 = arith.constant 0 : i32
        %dma_start3A_78 = arith.constant 0 : i32
        %dma_start3A_79 = tpu.memref_slice %arg10[%dma_start3A_77, %dma_start3A_78] : memref<16x128xi32, #tpu.memory_space<vmem>> -> memref<1x128xi32, #tpu.memory_space<vmem>>
        %dma_start3A_80 = tpu.memref_squeeze %dma_start3A_79 : memref<1x128xi32, #tpu.memory_space<vmem>> -> memref<128xi32, #tpu.memory_space<vmem>>
        %dma_start3A_81 = arith.constant 0 : i32
        %dma_start3A_82 = arith.constant 0 : i32
        %dma_start3A_83 = tpu.memref_slice %arg8[%dma_start3A_81, %dma_start3A_82] : memref<20096x64xf32, #tpu.memory_space<vmem_shared>> -> memref<20096x64xf32, #tpu.memory_space<vmem_shared>>
        tpu.enqueue_indirect_dma source(%arg11 : memref<128x64xf32, #tpu.memory_space<vmem>>) target(%dma_start3A_83 : memref<20096x64xf32, #tpu.memory_space<vmem_shared>>) offsets(%dma_start3A_80 : memref<128xi32, #tpu.memory_space<vmem>>) semaphore(%arg16 : memref<!tpu.dma_semaphore, #tpu.memory_space<semaphore_mem>>) {add = true}
        %dma_start3A_84 = arith.constant 2 : i32
        %dma_start3A_85 = arith.constant 0 : i32
        %dma_start3A_86 = tpu.memref_slice %arg9[%dma_start3A_84, %dma_start3A_85] : memref<16x128xi32, #tpu.memory_space<vmem>> -> memref<1x128xi32, #tpu.memory_space<vmem>>
        %dma_start3A_87 = tpu.memref_squeeze %dma_start3A_86 : memref<1x128xi32, #tpu.memory_space<vmem>> -> memref<128xi32, #tpu.memory_space<vmem>>
        %dma_start3A_88 = arith.constant 0 : i32
        %dma_start3A_89 = arith.constant 0 : i32
        %dma_start3A_90 = tpu.memref_slice %arg3[%dma_start3A_88, %dma_start3A_89] : memref<10000x64xf32, #tpu.memory_space<hbm>> -> memref<10000x64xf32, #tpu.memory_space<hbm>>
        tpu.enqueue_indirect_dma source(%dma_start3A_90 : memref<10000x64xf32, #tpu.memory_space<hbm>>) target(%arg13 : memref<128x64xf32, #tpu.memory_space<vmem>>) offsets(%dma_start3A_87 : memref<128xi32, #tpu.memory_space<vmem>>) semaphore(%arg15 : memref<!tpu.dma_semaphore, #tpu.memory_space<semaphore_mem>>)
        %dma_wait3A_91 = arith.constant 1 : i32
        %dma_wait3A_92 = arith.constant 0 : i32
        %dma_wait3A_93 = tpu.memref_slice %arg9[%dma_wait3A_91, %dma_wait3A_92] : memref<16x128xi32, #tpu.memory_space<vmem>> -> memref<1x128xi32, #tpu.memory_space<vmem>>
        %dma_wait3A_94 = tpu.memref_squeeze %dma_wait3A_93 : memref<1x128xi32, #tpu.memory_space<vmem>> -> memref<128xi32, #tpu.memory_space<vmem>>
        %dma_wait3A_95 = arith.constant 0 : i32
        %dma_wait3A_96 = arith.constant 0 : i32
        %dma_wait3A_97 = tpu.memref_slice %arg3[%dma_wait3A_95, %dma_wait3A_96] : memref<10000x64xf32, #tpu.memory_space<hbm>> -> memref<10000x64xf32, #tpu.memory_space<hbm>>
        tpu.wait_indirect_dma semaphore(%arg15 : memref<!tpu.dma_semaphore, #tpu.memory_space<semaphore_mem>>) src(%dma_wait3A_97 : memref<10000x64xf32, #tpu.memory_space<hbm>>) dst(%arg12 : memref<128x64xf32, #tpu.memory_space<vmem>>)
        %dma_start3A_98 = arith.constant 1 : i32
        %dma_start3A_99 = arith.constant 0 : i32
        %dma_start3A_100 = tpu.memref_slice %arg10[%dma_start3A_98, %dma_start3A_99] : memref<16x128xi32, #tpu.memory_space<vmem>> -> memref<1x128xi32, #tpu.memory_space<vmem>>
        %dma_start3A_101 = tpu.memref_squeeze %dma_start3A_100 : memref<1x128xi32, #tpu.memory_space<vmem>> -> memref<128xi32, #tpu.memory_space<vmem>>
        %dma_start3A_102 = arith.constant 0 : i32
        %dma_start3A_103 = arith.constant 0 : i32
        %dma_start3A_104 = tpu.memref_slice %arg8[%dma_start3A_102, %dma_start3A_103] : memref<20096x64xf32, #tpu.memory_space<vmem_shared>> -> memref<20096x64xf32, #tpu.memory_space<vmem_shared>>
        tpu.enqueue_indirect_dma source(%arg12 : memref<128x64xf32, #tpu.memory_space<vmem>>) target(%dma_start3A_104 : memref<20096x64xf32, #tpu.memory_space<vmem_shared>>) offsets(%dma_start3A_101 : memref<128xi32, #tpu.memory_space<vmem>>) semaphore(%arg16 : memref<!tpu.dma_semaphore, #tpu.memory_space<semaphore_mem>>) {add = true}
        %dma_wait3A_105 = arith.constant 0 : i32
        %dma_wait3A_106 = arith.constant 0 : i32
        %dma_wait3A_107 = tpu.memref_slice %arg10[%dma_wait3A_105, %dma_wait3A_106] : memref<16x128xi32, #tpu.memory_space<vmem>> -> memref<1x128xi32, #tpu.memory_space<vmem>>
        %dma_wait3A_108 = tpu.memref_squeeze %dma_wait3A_107 : memref<1x128xi32, #tpu.memory_space<vmem>> -> memref<128xi32, #tpu.memory_space<vmem>>
        %dma_wait3A_109 = arith.constant 0 : i32
        %dma_wait3A_110 = arith.constant 0 : i32
        %dma_wait3A_111 = tpu.memref_slice %arg8[%dma_wait3A_109, %dma_wait3A_110] : memref<20096x64xf32, #tpu.memory_space<vmem_shared>> -> memref<20096x64xf32, #tpu.memory_space<vmem_shared>>
        tpu.wait_indirect_dma semaphore(%arg16 : memref<!tpu.dma_semaphore, #tpu.memory_space<semaphore_mem>>) src(%arg11 : memref<128x64xf32, #tpu.memory_space<vmem>>) dst(%dma_wait3A_111 : memref<20096x64xf32, #tpu.memory_space<vmem_shared>>)
        %dma_start3A_112 = arith.constant 3 : i32
        %dma_start3A_113 = arith.constant 0 : i32
        %dma_start3A_114 = tpu.memref_slice %arg9[%dma_start3A_112, %dma_start3A_113] : memref<16x128xi32, #tpu.memory_space<vmem>> -> memref<1x128xi32, #tpu.memory_space<vmem>>
        %dma_start3A_115 = tpu.memref_squeeze %dma_start3A_114 : memref<1x128xi32, #tpu.memory_space<vmem>> -> memref<128xi32, #tpu.memory_space<vmem>>
        %dma_start3A_116 = arith.constant 0 : i32
        %dma_start3A_117 = arith.constant 0 : i32
        %dma_start3A_118 = tpu.memref_slice %arg3[%dma_start3A_116, %dma_start3A_117] : memref<10000x64xf32, #tpu.memory_space<hbm>> -> memref<10000x64xf32, #tpu.memory_space<hbm>>
        tpu.enqueue_indirect_dma source(%dma_start3A_118 : memref<10000x64xf32, #tpu.memory_space<hbm>>) target(%arg11 : memref<128x64xf32, #tpu.memory_space<vmem>>) offsets(%dma_start3A_115 : memref<128xi32, #tpu.memory_space<vmem>>) semaphore(%arg15 : memref<!tpu.dma_semaphore, #tpu.memory_space<semaphore_mem>>)
        %dma_wait3A_119 = arith.constant 2 : i32
        %dma_wait3A_120 = arith.constant 0 : i32
        %dma_wait3A_121 = tpu.memref_slice %arg9[%dma_wait3A_119, %dma_wait3A_120] : memref<16x128xi32, #tpu.memory_space<vmem>> -> memref<1x128xi32, #tpu.memory_space<vmem>>
        %dma_wait3A_122 = tpu.memref_squeeze %dma_wait3A_121 : memref<1x128xi32, #tpu.memory_space<vmem>> -> memref<128xi32, #tpu.memory_space<vmem>>
        %dma_wait3A_123 = arith.constant 0 : i32
        %dma_wait3A_124 = arith.constant 0 : i32
        %dma_wait3A_125 = tpu.memref_slice %arg3[%dma_wait3A_123, %dma_wait3A_124] : memref<10000x64xf32, #tpu.memory_space<hbm>> -> memref<10000x64xf32, #tpu.memory_space<hbm>>
        tpu.wait_indirect_dma semaphore(%arg15 : memref<!tpu.dma_semaphore, #tpu.memory_space<semaphore_mem>>) src(%dma_wait3A_125 : memref<10000x64xf32, #tpu.memory_space<hbm>>) dst(%arg13 : memref<128x64xf32, #tpu.memory_space<vmem>>)
        %dma_start3A_126 = arith.constant 2 : i32
        %dma_start3A_127 = arith.constant 0 : i32
        %dma_start3A_128 = tpu.memref_slice %arg10[%dma_start3A_126, %dma_start3A_127] : memref<16x128xi32, #tpu.memory_space<vmem>> -> memref<1x128xi32, #tpu.memory_space<vmem>>
        %dma_start3A_129 = tpu.memref_squeeze %dma_start3A_128 : memref<1x128xi32, #tpu.memory_space<vmem>> -> memref<128xi32, #tpu.memory_space<vmem>>
        %dma_start3A_130 = arith.constant 0 : i32
        %dma_start3A_131 = arith.constant 0 : i32
        %dma_start3A_132 = tpu.memref_slice %arg8[%dma_start3A_130, %dma_start3A_131] : memref<20096x64xf32, #tpu.memory_space<vmem_shared>> -> memref<20096x64xf32, #tpu.memory_space<vmem_shared>>
        tpu.enqueue_indirect_dma source(%arg13 : memref<128x64xf32, #tpu.memory_space<vmem>>) target(%dma_start3A_132 : memref<20096x64xf32, #tpu.memory_space<vmem_shared>>) offsets(%dma_start3A_129 : memref<128xi32, #tpu.memory_space<vmem>>) semaphore(%arg16 : memref<!tpu.dma_semaphore, #tpu.memory_space<semaphore_mem>>) {add = true}
        %dma_wait3A_133 = arith.constant 1 : i32
        %dma_wait3A_134 = arith.constant 0 : i32
        %dma_wait3A_135 = tpu.memref_slice %arg10[%dma_wait3A_133, %dma_wait3A_134] : memref<16x128xi32, #tpu.memory_space<vmem>> -> memref<1x128xi32, #tpu.memory_space<vmem>>
        %dma_wait3A_136 = tpu.memref_squeeze %dma_wait3A_135 : memref<1x128xi32, #tpu.memory_space<vmem>> -> memref<128xi32, #tpu.memory_space<vmem>>
        %dma_wait3A_137 = arith.constant 0 : i32
        %dma_wait3A_138 = arith.constant 0 : i32
        %dma_wait3A_139 = tpu.memref_slice %arg8[%dma_wait3A_137, %dma_wait3A_138] : memref<20096x64xf32, #tpu.memory_space<vmem_shared>> -> memref<20096x64xf32, #tpu.memory_space<vmem_shared>>
        tpu.wait_indirect_dma semaphore(%arg16 : memref<!tpu.dma_semaphore, #tpu.memory_space<semaphore_mem>>) src(%arg12 : memref<128x64xf32, #tpu.memory_space<vmem>>) dst(%dma_wait3A_139 : memref<20096x64xf32, #tpu.memory_space<vmem_shared>>)
        %dma_start3A_140 = arith.constant 4 : i32
        %dma_start3A_141 = arith.constant 0 : i32
        %dma_start3A_142 = tpu.memref_slice %arg9[%dma_start3A_140, %dma_start3A_141] : memref<16x128xi32, #tpu.memory_space<vmem>> -> memref<1x128xi32, #tpu.memory_space<vmem>>
        %dma_start3A_143 = tpu.memref_squeeze %dma_start3A_142 : memref<1x128xi32, #tpu.memory_space<vmem>> -> memref<128xi32, #tpu.memory_space<vmem>>
        %dma_start3A_144 = arith.constant 0 : i32
        %dma_start3A_145 = arith.constant 0 : i32
        %dma_start3A_146 = tpu.memref_slice %arg3[%dma_start3A_144, %dma_start3A_145] : memref<10000x64xf32, #tpu.memory_space<hbm>> -> memref<10000x64xf32, #tpu.memory_space<hbm>>
        tpu.enqueue_indirect_dma source(%dma_start3A_146 : memref<10000x64xf32, #tpu.memory_space<hbm>>) target(%arg12 : memref<128x64xf32, #tpu.memory_space<vmem>>) offsets(%dma_start3A_143 : memref<128xi32, #tpu.memory_space<vmem>>) semaphore(%arg15 : memref<!tpu.dma_semaphore, #tpu.memory_space<semaphore_mem>>)
        %dma_wait3A_147 = arith.constant 3 : i32
        %dma_wait3A_148 = arith.constant 0 : i32
        %dma_wait3A_149 = tpu.memref_slice %arg9[%dma_wait3A_147, %dma_wait3A_148] : memref<16x128xi32, #tpu.memory_space<vmem>> -> memref<1x128xi32, #tpu.memory_space<vmem>>
        %dma_wait3A_150 = tpu.memref_squeeze %dma_wait3A_149 : memref<1x128xi32, #tpu.memory_space<vmem>> -> memref<128xi32, #tpu.memory_space<vmem>>
        %dma_wait3A_151 = arith.constant 0 : i32
        %dma_wait3A_152 = arith.constant 0 : i32
        %dma_wait3A_153 = tpu.memref_slice %arg3[%dma_wait3A_151, %dma_wait3A_152] : memref<10000x64xf32, #tpu.memory_space<hbm>> -> memref<10000x64xf32, #tpu.memory_space<hbm>>
        tpu.wait_indirect_dma semaphore(%arg15 : memref<!tpu.dma_semaphore, #tpu.memory_space<semaphore_mem>>) src(%dma_wait3A_153 : memref<10000x64xf32, #tpu.memory_space<hbm>>) dst(%arg11 : memref<128x64xf32, #tpu.memory_space<vmem>>)
        %dma_start3A_154 = arith.constant 3 : i32
        %dma_start3A_155 = arith.constant 0 : i32
        %dma_start3A_156 = tpu.memref_slice %arg10[%dma_start3A_154, %dma_start3A_155] : memref<16x128xi32, #tpu.memory_space<vmem>> -> memref<1x128xi32, #tpu.memory_space<vmem>>
        %dma_start3A_157 = tpu.memref_squeeze %dma_start3A_156 : memref<1x128xi32, #tpu.memory_space<vmem>> -> memref<128xi32, #tpu.memory_space<vmem>>
        %dma_start3A_158 = arith.constant 0 : i32
        %dma_start3A_159 = arith.constant 0 : i32
        %dma_start3A_160 = tpu.memref_slice %arg8[%dma_start3A_158, %dma_start3A_159] : memref<20096x64xf32, #tpu.memory_space<vmem_shared>> -> memref<20096x64xf32, #tpu.memory_space<vmem_shared>>
        tpu.enqueue_indirect_dma source(%arg11 : memref<128x64xf32, #tpu.memory_space<vmem>>) target(%dma_start3A_160 : memref<20096x64xf32, #tpu.memory_space<vmem_shared>>) offsets(%dma_start3A_157 : memref<128xi32, #tpu.memory_space<vmem>>) semaphore(%arg16 : memref<!tpu.dma_semaphore, #tpu.memory_space<semaphore_mem>>) {add = true}
        %dma_wait3A_161 = arith.constant 2 : i32
        %dma_wait3A_162 = arith.constant 0 : i32
        %dma_wait3A_163 = tpu.memref_slice %arg10[%dma_wait3A_161, %dma_wait3A_162] : memref<16x128xi32, #tpu.memory_space<vmem>> -> memref<1x128xi32, #tpu.memory_space<vmem>>
        %dma_wait3A_164 = tpu.memref_squeeze %dma_wait3A_163 : memref<1x128xi32, #tpu.memory_space<vmem>> -> memref<128xi32, #tpu.memory_space<vmem>>
        %dma_wait3A_165 = arith.constant 0 : i32
        %dma_wait3A_166 = arith.constant 0 : i32
        %dma_wait3A_167 = tpu.memref_slice %arg8[%dma_wait3A_165, %dma_wait3A_166] : memref<20096x64xf32, #tpu.memory_space<vmem_shared>> -> memref<20096x64xf32, #tpu.memory_space<vmem_shared>>
        tpu.wait_indirect_dma semaphore(%arg16 : memref<!tpu.dma_semaphore, #tpu.memory_space<semaphore_mem>>) src(%arg13 : memref<128x64xf32, #tpu.memory_space<vmem>>) dst(%dma_wait3A_167 : memref<20096x64xf32, #tpu.memory_space<vmem_shared>>)
        %dma_start3A_168 = arith.constant 5 : i32
        %dma_start3A_169 = arith.constant 0 : i32
        %dma_start3A_170 = tpu.memref_slice %arg9[%dma_start3A_168, %dma_start3A_169] : memref<16x128xi32, #tpu.memory_space<vmem>> -> memref<1x128xi32, #tpu.memory_space<vmem>>
        %dma_start3A_171 = tpu.memref_squeeze %dma_start3A_170 : memref<1x128xi32, #tpu.memory_space<vmem>> -> memref<128xi32, #tpu.memory_space<vmem>>
        %dma_start3A_172 = arith.constant 0 : i32
        %dma_start3A_173 = arith.constant 0 : i32
        %dma_start3A_174 = tpu.memref_slice %arg3[%dma_start3A_172, %dma_start3A_173] : memref<10000x64xf32, #tpu.memory_space<hbm>> -> memref<10000x64xf32, #tpu.memory_space<hbm>>
        tpu.enqueue_indirect_dma source(%dma_start3A_174 : memref<10000x64xf32, #tpu.memory_space<hbm>>) target(%arg13 : memref<128x64xf32, #tpu.memory_space<vmem>>) offsets(%dma_start3A_171 : memref<128xi32, #tpu.memory_space<vmem>>) semaphore(%arg15 : memref<!tpu.dma_semaphore, #tpu.memory_space<semaphore_mem>>)
        %dma_wait3A_175 = arith.constant 4 : i32
        %dma_wait3A_176 = arith.constant 0 : i32
        %dma_wait3A_177 = tpu.memref_slice %arg9[%dma_wait3A_175, %dma_wait3A_176] : memref<16x128xi32, #tpu.memory_space<vmem>> -> memref<1x128xi32, #tpu.memory_space<vmem>>
        %dma_wait3A_178 = tpu.memref_squeeze %dma_wait3A_177 : memref<1x128xi32, #tpu.memory_space<vmem>> -> memref<128xi32, #tpu.memory_space<vmem>>
        %dma_wait3A_179 = arith.constant 0 : i32
        %dma_wait3A_180 = arith.constant 0 : i32
        %dma_wait3A_181 = tpu.memref_slice %arg3[%dma_wait3A_179, %dma_wait3A_180] : memref<10000x64xf32, #tpu.memory_space<hbm>> -> memref<10000x64xf32, #tpu.memory_space<hbm>>
        tpu.wait_indirect_dma semaphore(%arg15 : memref<!tpu.dma_semaphore, #tpu.memory_space<semaphore_mem>>) src(%dma_wait3A_181 : memref<10000x64xf32, #tpu.memory_space<hbm>>) dst(%arg12 : memref<128x64xf32, #tpu.memory_space<vmem>>)
        %dma_start3A_182 = arith.constant 4 : i32
        %dma_start3A_183 = arith.constant 0 : i32
        %dma_start3A_184 = tpu.memref_slice %arg10[%dma_start3A_182, %dma_start3A_183] : memref<16x128xi32, #tpu.memory_space<vmem>> -> memref<1x128xi32, #tpu.memory_space<vmem>>
        %dma_start3A_185 = tpu.memref_squeeze %dma_start3A_184 : memref<1x128xi32, #tpu.memory_space<vmem>> -> memref<128xi32, #tpu.memory_space<vmem>>
        %dma_start3A_186 = arith.constant 0 : i32
        %dma_start3A_187 = arith.constant 0 : i32
        %dma_start3A_188 = tpu.memref_slice %arg8[%dma_start3A_186, %dma_start3A_187] : memref<20096x64xf32, #tpu.memory_space<vmem_shared>> -> memref<20096x64xf32, #tpu.memory_space<vmem_shared>>
        tpu.enqueue_indirect_dma source(%arg12 : memref<128x64xf32, #tpu.memory_space<vmem>>) target(%dma_start3A_188 : memref<20096x64xf32, #tpu.memory_space<vmem_shared>>) offsets(%dma_start3A_185 : memref<128xi32, #tpu.memory_space<vmem>>) semaphore(%arg16 : memref<!tpu.dma_semaphore, #tpu.memory_space<semaphore_mem>>) {add = true}
        %dma_wait3A_189 = arith.constant 3 : i32
        %dma_wait3A_190 = arith.constant 0 : i32
        %dma_wait3A_191 = tpu.memref_slice %arg10[%dma_wait3A_189, %dma_wait3A_190] : memref<16x128xi32, #tpu.memory_space<vmem>> -> memref<1x128xi32, #tpu.memory_space<vmem>>
        %dma_wait3A_192 = tpu.memref_squeeze %dma_wait3A_191 : memref<1x128xi32, #tpu.memory_space<vmem>> -> memref<128xi32, #tpu.memory_space<vmem>>
        %dma_wait3A_193 = arith.constant 0 : i32
        %dma_wait3A_194 = arith.constant 0 : i32
        %dma_wait3A_195 = tpu.memref_slice %arg8[%dma_wait3A_193, %dma_wait3A_194] : memref<20096x64xf32, #tpu.memory_space<vmem_shared>> -> memref<20096x64xf32, #tpu.memory_space<vmem_shared>>
        tpu.wait_indirect_dma semaphore(%arg16 : memref<!tpu.dma_semaphore, #tpu.memory_space<semaphore_mem>>) src(%arg11 : memref<128x64xf32, #tpu.memory_space<vmem>>) dst(%dma_wait3A_195 : memref<20096x64xf32, #tpu.memory_space<vmem_shared>>)
        %dma_start3A_196 = arith.constant 6 : i32
        %dma_start3A_197 = arith.constant 0 : i32
        %dma_start3A_198 = tpu.memref_slice %arg9[%dma_start3A_196, %dma_start3A_197] : memref<16x128xi32, #tpu.memory_space<vmem>> -> memref<1x128xi32, #tpu.memory_space<vmem>>
        %dma_start3A_199 = tpu.memref_squeeze %dma_start3A_198 : memref<1x128xi32, #tpu.memory_space<vmem>> -> memref<128xi32, #tpu.memory_space<vmem>>
        %dma_start3A_200 = arith.constant 0 : i32
        %dma_start3A_201 = arith.constant 0 : i32
        %dma_start3A_202 = tpu.memref_slice %arg3[%dma_start3A_200, %dma_start3A_201] : memref<10000x64xf32, #tpu.memory_space<hbm>> -> memref<10000x64xf32, #tpu.memory_space<hbm>>
        tpu.enqueue_indirect_dma source(%dma_start3A_202 : memref<10000x64xf32, #tpu.memory_space<hbm>>) target(%arg11 : memref<128x64xf32, #tpu.memory_space<vmem>>) offsets(%dma_start3A_199 : memref<128xi32, #tpu.memory_space<vmem>>) semaphore(%arg15 : memref<!tpu.dma_semaphore, #tpu.memory_space<semaphore_mem>>)
        %dma_wait3A_203 = arith.constant 5 : i32
        %dma_wait3A_204 = arith.constant 0 : i32
        %dma_wait3A_205 = tpu.memref_slice %arg9[%dma_wait3A_203, %dma_wait3A_204] : memref<16x128xi32, #tpu.memory_space<vmem>> -> memref<1x128xi32, #tpu.memory_space<vmem>>
        %dma_wait3A_206 = tpu.memref_squeeze %dma_wait3A_205 : memref<1x128xi32, #tpu.memory_space<vmem>> -> memref<128xi32, #tpu.memory_space<vmem>>
        %dma_wait3A_207 = arith.constant 0 : i32
        %dma_wait3A_208 = arith.constant 0 : i32
        %dma_wait3A_209 = tpu.memref_slice %arg3[%dma_wait3A_207, %dma_wait3A_208] : memref<10000x64xf32, #tpu.memory_space<hbm>> -> memref<10000x64xf32, #tpu.memory_space<hbm>>
        tpu.wait_indirect_dma semaphore(%arg15 : memref<!tpu.dma_semaphore, #tpu.memory_space<semaphore_mem>>) src(%dma_wait3A_209 : memref<10000x64xf32, #tpu.memory_space<hbm>>) dst(%arg13 : memref<128x64xf32, #tpu.memory_space<vmem>>)
        %dma_start3A_210 = arith.constant 5 : i32
        %dma_start3A_211 = arith.constant 0 : i32
        %dma_start3A_212 = tpu.memref_slice %arg10[%dma_start3A_210, %dma_start3A_211] : memref<16x128xi32, #tpu.memory_space<vmem>> -> memref<1x128xi32, #tpu.memory_space<vmem>>
        %dma_start3A_213 = tpu.memref_squeeze %dma_start3A_212 : memref<1x128xi32, #tpu.memory_space<vmem>> -> memref<128xi32, #tpu.memory_space<vmem>>
        %dma_start3A_214 = arith.constant 0 : i32
        %dma_start3A_215 = arith.constant 0 : i32
        %dma_start3A_216 = tpu.memref_slice %arg8[%dma_start3A_214, %dma_start3A_215] : memref<20096x64xf32, #tpu.memory_space<vmem_shared>> -> memref<20096x64xf32, #tpu.memory_space<vmem_shared>>
        tpu.enqueue_indirect_dma source(%arg13 : memref<128x64xf32, #tpu.memory_space<vmem>>) target(%dma_start3A_216 : memref<20096x64xf32, #tpu.memory_space<vmem_shared>>) offsets(%dma_start3A_213 : memref<128xi32, #tpu.memory_space<vmem>>) semaphore(%arg16 : memref<!tpu.dma_semaphore, #tpu.memory_space<semaphore_mem>>) {add = true}
        %dma_wait3A_217 = arith.constant 4 : i32
        %dma_wait3A_218 = arith.constant 0 : i32
        %dma_wait3A_219 = tpu.memref_slice %arg10[%dma_wait3A_217, %dma_wait3A_218] : memref<16x128xi32, #tpu.memory_space<vmem>> -> memref<1x128xi32, #tpu.memory_space<vmem>>
        %dma_wait3A_220 = tpu.memref_squeeze %dma_wait3A_219 : memref<1x128xi32, #tpu.memory_space<vmem>> -> memref<128xi32, #tpu.memory_space<vmem>>
        %dma_wait3A_221 = arith.constant 0 : i32
        %dma_wait3A_222 = arith.constant 0 : i32
        %dma_wait3A_223 = tpu.memref_slice %arg8[%dma_wait3A_221, %dma_wait3A_222] : memref<20096x64xf32, #tpu.memory_space<vmem_shared>> -> memref<20096x64xf32, #tpu.memory_space<vmem_shared>>
        tpu.wait_indirect_dma semaphore(%arg16 : memref<!tpu.dma_semaphore, #tpu.memory_space<semaphore_mem>>) src(%arg12 : memref<128x64xf32, #tpu.memory_space<vmem>>) dst(%dma_wait3A_223 : memref<20096x64xf32, #tpu.memory_space<vmem_shared>>)
        %dma_start3A_224 = arith.constant 7 : i32
        %dma_start3A_225 = arith.constant 0 : i32
        %dma_start3A_226 = tpu.memref_slice %arg9[%dma_start3A_224, %dma_start3A_225] : memref<16x128xi32, #tpu.memory_space<vmem>> -> memref<1x128xi32, #tpu.memory_space<vmem>>
        %dma_start3A_227 = tpu.memref_squeeze %dma_start3A_226 : memref<1x128xi32, #tpu.memory_space<vmem>> -> memref<128xi32, #tpu.memory_space<vmem>>
        %dma_start3A_228 = arith.constant 0 : i32
        %dma_start3A_229 = arith.constant 0 : i32
        %dma_start3A_230 = tpu.memref_slice %arg3[%dma_start3A_228, %dma_start3A_229] : memref<10000x64xf32, #tpu.memory_space<hbm>> -> memref<10000x64xf32, #tpu.memory_space<hbm>>
        tpu.enqueue_indirect_dma source(%dma_start3A_230 : memref<10000x64xf32, #tpu.memory_space<hbm>>) target(%arg12 : memref<128x64xf32, #tpu.memory_space<vmem>>) offsets(%dma_start3A_227 : memref<128xi32, #tpu.memory_space<vmem>>) semaphore(%arg15 : memref<!tpu.dma_semaphore, #tpu.memory_space<semaphore_mem>>)
        %dma_wait3A_231 = arith.constant 6 : i32
        %dma_wait3A_232 = arith.constant 0 : i32
        %dma_wait3A_233 = tpu.memref_slice %arg9[%dma_wait3A_231, %dma_wait3A_232] : memref<16x128xi32, #tpu.memory_space<vmem>> -> memref<1x128xi32, #tpu.memory_space<vmem>>
        %dma_wait3A_234 = tpu.memref_squeeze %dma_wait3A_233 : memref<1x128xi32, #tpu.memory_space<vmem>> -> memref<128xi32, #tpu.memory_space<vmem>>
        %dma_wait3A_235 = arith.constant 0 : i32
        %dma_wait3A_236 = arith.constant 0 : i32
        %dma_wait3A_237 = tpu.memref_slice %arg3[%dma_wait3A_235, %dma_wait3A_236] : memref<10000x64xf32, #tpu.memory_space<hbm>> -> memref<10000x64xf32, #tpu.memory_space<hbm>>
        tpu.wait_indirect_dma semaphore(%arg15 : memref<!tpu.dma_semaphore, #tpu.memory_space<semaphore_mem>>) src(%dma_wait3A_237 : memref<10000x64xf32, #tpu.memory_space<hbm>>) dst(%arg11 : memref<128x64xf32, #tpu.memory_space<vmem>>)
        %dma_start3A_238 = arith.constant 6 : i32
        %dma_start3A_239 = arith.constant 0 : i32
        %dma_start3A_240 = tpu.memref_slice %arg10[%dma_start3A_238, %dma_start3A_239] : memref<16x128xi32, #tpu.memory_space<vmem>> -> memref<1x128xi32, #tpu.memory_space<vmem>>
        %dma_start3A_241 = tpu.memref_squeeze %dma_start3A_240 : memref<1x128xi32, #tpu.memory_space<vmem>> -> memref<128xi32, #tpu.memory_space<vmem>>
        %dma_start3A_242 = arith.constant 0 : i32
        %dma_start3A_243 = arith.constant 0 : i32
        %dma_start3A_244 = tpu.memref_slice %arg8[%dma_start3A_242, %dma_start3A_243] : memref<20096x64xf32, #tpu.memory_space<vmem_shared>> -> memref<20096x64xf32, #tpu.memory_space<vmem_shared>>
        tpu.enqueue_indirect_dma source(%arg11 : memref<128x64xf32, #tpu.memory_space<vmem>>) target(%dma_start3A_244 : memref<20096x64xf32, #tpu.memory_space<vmem_shared>>) offsets(%dma_start3A_241 : memref<128xi32, #tpu.memory_space<vmem>>) semaphore(%arg16 : memref<!tpu.dma_semaphore, #tpu.memory_space<semaphore_mem>>) {add = true}
        %dma_wait3A_245 = arith.constant 5 : i32
        %dma_wait3A_246 = arith.constant 0 : i32
        %dma_wait3A_247 = tpu.memref_slice %arg10[%dma_wait3A_245, %dma_wait3A_246] : memref<16x128xi32, #tpu.memory_space<vmem>> -> memref<1x128xi32, #tpu.memory_space<vmem>>
        %dma_wait3A_248 = tpu.memref_squeeze %dma_wait3A_247 : memref<1x128xi32, #tpu.memory_space<vmem>> -> memref<128xi32, #tpu.memory_space<vmem>>
        %dma_wait3A_249 = arith.constant 0 : i32
        %dma_wait3A_250 = arith.constant 0 : i32
        %dma_wait3A_251 = tpu.memref_slice %arg8[%dma_wait3A_249, %dma_wait3A_250] : memref<20096x64xf32, #tpu.memory_space<vmem_shared>> -> memref<20096x64xf32, #tpu.memory_space<vmem_shared>>
        tpu.wait_indirect_dma semaphore(%arg16 : memref<!tpu.dma_semaphore, #tpu.memory_space<semaphore_mem>>) src(%arg13 : memref<128x64xf32, #tpu.memory_space<vmem>>) dst(%dma_wait3A_251 : memref<20096x64xf32, #tpu.memory_space<vmem_shared>>)
        %dma_start3A_252 = arith.constant 8 : i32
        %dma_start3A_253 = arith.constant 0 : i32
        %dma_start3A_254 = tpu.memref_slice %arg9[%dma_start3A_252, %dma_start3A_253] : memref<16x128xi32, #tpu.memory_space<vmem>> -> memref<1x128xi32, #tpu.memory_space<vmem>>
        %dma_start3A_255 = tpu.memref_squeeze %dma_start3A_254 : memref<1x128xi32, #tpu.memory_space<vmem>> -> memref<128xi32, #tpu.memory_space<vmem>>
        %dma_start3A_256 = arith.constant 0 : i32
        %dma_start3A_257 = arith.constant 0 : i32
        %dma_start3A_258 = tpu.memref_slice %arg3[%dma_start3A_256, %dma_start3A_257] : memref<10000x64xf32, #tpu.memory_space<hbm>> -> memref<10000x64xf32, #tpu.memory_space<hbm>>
        tpu.enqueue_indirect_dma source(%dma_start3A_258 : memref<10000x64xf32, #tpu.memory_space<hbm>>) target(%arg13 : memref<128x64xf32, #tpu.memory_space<vmem>>) offsets(%dma_start3A_255 : memref<128xi32, #tpu.memory_space<vmem>>) semaphore(%arg15 : memref<!tpu.dma_semaphore, #tpu.memory_space<semaphore_mem>>)
        %dma_wait3A_259 = arith.constant 7 : i32
        %dma_wait3A_260 = arith.constant 0 : i32
        %dma_wait3A_261 = tpu.memref_slice %arg9[%dma_wait3A_259, %dma_wait3A_260] : memref<16x128xi32, #tpu.memory_space<vmem>> -> memref<1x128xi32, #tpu.memory_space<vmem>>
        %dma_wait3A_262 = tpu.memref_squeeze %dma_wait3A_261 : memref<1x128xi32, #tpu.memory_space<vmem>> -> memref<128xi32, #tpu.memory_space<vmem>>
        %dma_wait3A_263 = arith.constant 0 : i32
        %dma_wait3A_264 = arith.constant 0 : i32
        %dma_wait3A_265 = tpu.memref_slice %arg3[%dma_wait3A_263, %dma_wait3A_264] : memref<10000x64xf32, #tpu.memory_space<hbm>> -> memref<10000x64xf32, #tpu.memory_space<hbm>>
        tpu.wait_indirect_dma semaphore(%arg15 : memref<!tpu.dma_semaphore, #tpu.memory_space<semaphore_mem>>) src(%dma_wait3A_265 : memref<10000x64xf32, #tpu.memory_space<hbm>>) dst(%arg12 : memref<128x64xf32, #tpu.memory_space<vmem>>)
        %dma_start3A_266 = arith.constant 7 : i32
        %dma_start3A_267 = arith.constant 0 : i32
        %dma_start3A_268 = tpu.memref_slice %arg10[%dma_start3A_266, %dma_start3A_267] : memref<16x128xi32, #tpu.memory_space<vmem>> -> memref<1x128xi32, #tpu.memory_space<vmem>>
        %dma_start3A_269 = tpu.memref_squeeze %dma_start3A_268 : memref<1x128xi32, #tpu.memory_space<vmem>> -> memref<128xi32, #tpu.memory_space<vmem>>
        %dma_start3A_270 = arith.constant 0 : i32
        %dma_start3A_271 = arith.constant 0 : i32
        %dma_start3A_272 = tpu.memref_slice %arg8[%dma_start3A_270, %dma_start3A_271] : memref<20096x64xf32, #tpu.memory_space<vmem_shared>> -> memref<20096x64xf32, #tpu.memory_space<vmem_shared>>
        tpu.enqueue_indirect_dma source(%arg12 : memref<128x64xf32, #tpu.memory_space<vmem>>) target(%dma_start3A_272 : memref<20096x64xf32, #tpu.memory_space<vmem_shared>>) offsets(%dma_start3A_269 : memref<128xi32, #tpu.memory_space<vmem>>) semaphore(%arg16 : memref<!tpu.dma_semaphore, #tpu.memory_space<semaphore_mem>>) {add = true}
        %dma_wait3A_273 = arith.constant 6 : i32
        %dma_wait3A_274 = arith.constant 0 : i32
        %dma_wait3A_275 = tpu.memref_slice %arg10[%dma_wait3A_273, %dma_wait3A_274] : memref<16x128xi32, #tpu.memory_space<vmem>> -> memref<1x128xi32, #tpu.memory_space<vmem>>
        %dma_wait3A_276 = tpu.memref_squeeze %dma_wait3A_275 : memref<1x128xi32, #tpu.memory_space<vmem>> -> memref<128xi32, #tpu.memory_space<vmem>>
        %dma_wait3A_277 = arith.constant 0 : i32
        %dma_wait3A_278 = arith.constant 0 : i32
        %dma_wait3A_279 = tpu.memref_slice %arg8[%dma_wait3A_277, %dma_wait3A_278] : memref<20096x64xf32, #tpu.memory_space<vmem_shared>> -> memref<20096x64xf32, #tpu.memory_space<vmem_shared>>
        tpu.wait_indirect_dma semaphore(%arg16 : memref<!tpu.dma_semaphore, #tpu.memory_space<semaphore_mem>>) src(%arg11 : memref<128x64xf32, #tpu.memory_space<vmem>>) dst(%dma_wait3A_279 : memref<20096x64xf32, #tpu.memory_space<vmem_shared>>)
        %dma_start3A_280 = arith.constant 9 : i32
        %dma_start3A_281 = arith.constant 0 : i32
        %dma_start3A_282 = tpu.memref_slice %arg9[%dma_start3A_280, %dma_start3A_281] : memref<16x128xi32, #tpu.memory_space<vmem>> -> memref<1x128xi32, #tpu.memory_space<vmem>>
        %dma_start3A_283 = tpu.memref_squeeze %dma_start3A_282 : memref<1x128xi32, #tpu.memory_space<vmem>> -> memref<128xi32, #tpu.memory_space<vmem>>
        %dma_start3A_284 = arith.constant 0 : i32
        %dma_start3A_285 = arith.constant 0 : i32
        %dma_start3A_286 = tpu.memref_slice %arg3[%dma_start3A_284, %dma_start3A_285] : memref<10000x64xf32, #tpu.memory_space<hbm>> -> memref<10000x64xf32, #tpu.memory_space<hbm>>
        tpu.enqueue_indirect_dma source(%dma_start3A_286 : memref<10000x64xf32, #tpu.memory_space<hbm>>) target(%arg11 : memref<128x64xf32, #tpu.memory_space<vmem>>) offsets(%dma_start3A_283 : memref<128xi32, #tpu.memory_space<vmem>>) semaphore(%arg15 : memref<!tpu.dma_semaphore, #tpu.memory_space<semaphore_mem>>)
        %dma_wait3A_287 = arith.constant 8 : i32
        %dma_wait3A_288 = arith.constant 0 : i32
        %dma_wait3A_289 = tpu.memref_slice %arg9[%dma_wait3A_287, %dma_wait3A_288] : memref<16x128xi32, #tpu.memory_space<vmem>> -> memref<1x128xi32, #tpu.memory_space<vmem>>
        %dma_wait3A_290 = tpu.memref_squeeze %dma_wait3A_289 : memref<1x128xi32, #tpu.memory_space<vmem>> -> memref<128xi32, #tpu.memory_space<vmem>>
        %dma_wait3A_291 = arith.constant 0 : i32
        %dma_wait3A_292 = arith.constant 0 : i32
        %dma_wait3A_293 = tpu.memref_slice %arg3[%dma_wait3A_291, %dma_wait3A_292] : memref<10000x64xf32, #tpu.memory_space<hbm>> -> memref<10000x64xf32, #tpu.memory_space<hbm>>
        tpu.wait_indirect_dma semaphore(%arg15 : memref<!tpu.dma_semaphore, #tpu.memory_space<semaphore_mem>>) src(%dma_wait3A_293 : memref<10000x64xf32, #tpu.memory_space<hbm>>) dst(%arg13 : memref<128x64xf32, #tpu.memory_space<vmem>>)
        %dma_start3A_294 = arith.constant 8 : i32
        %dma_start3A_295 = arith.constant 0 : i32
        %dma_start3A_296 = tpu.memref_slice %arg10[%dma_start3A_294, %dma_start3A_295] : memref<16x128xi32, #tpu.memory_space<vmem>> -> memref<1x128xi32, #tpu.memory_space<vmem>>
        %dma_start3A_297 = tpu.memref_squeeze %dma_start3A_296 : memref<1x128xi32, #tpu.memory_space<vmem>> -> memref<128xi32, #tpu.memory_space<vmem>>
        %dma_start3A_298 = arith.constant 0 : i32
        %dma_start3A_299 = arith.constant 0 : i32
        %dma_start3A_300 = tpu.memref_slice %arg8[%dma_start3A_298, %dma_start3A_299] : memref<20096x64xf32, #tpu.memory_space<vmem_shared>> -> memref<20096x64xf32, #tpu.memory_space<vmem_shared>>
        tpu.enqueue_indirect_dma source(%arg13 : memref<128x64xf32, #tpu.memory_space<vmem>>) target(%dma_start3A_300 : memref<20096x64xf32, #tpu.memory_space<vmem_shared>>) offsets(%dma_start3A_297 : memref<128xi32, #tpu.memory_space<vmem>>) semaphore(%arg16 : memref<!tpu.dma_semaphore, #tpu.memory_space<semaphore_mem>>) {add = true}
        %dma_wait3A_301 = arith.constant 7 : i32
        %dma_wait3A_302 = arith.constant 0 : i32
        %dma_wait3A_303 = tpu.memref_slice %arg10[%dma_wait3A_301, %dma_wait3A_302] : memref<16x128xi32, #tpu.memory_space<vmem>> -> memref<1x128xi32, #tpu.memory_space<vmem>>
        %dma_wait3A_304 = tpu.memref_squeeze %dma_wait3A_303 : memref<1x128xi32, #tpu.memory_space<vmem>> -> memref<128xi32, #tpu.memory_space<vmem>>
        %dma_wait3A_305 = arith.constant 0 : i32
        %dma_wait3A_306 = arith.constant 0 : i32
        %dma_wait3A_307 = tpu.memref_slice %arg8[%dma_wait3A_305, %dma_wait3A_306] : memref<20096x64xf32, #tpu.memory_space<vmem_shared>> -> memref<20096x64xf32, #tpu.memory_space<vmem_shared>>
        tpu.wait_indirect_dma semaphore(%arg16 : memref<!tpu.dma_semaphore, #tpu.memory_space<semaphore_mem>>) src(%arg12 : memref<128x64xf32, #tpu.memory_space<vmem>>) dst(%dma_wait3A_307 : memref<20096x64xf32, #tpu.memory_space<vmem_shared>>)
        %dma_start3A_308 = arith.constant 10 : i32
        %dma_start3A_309 = arith.constant 0 : i32
        %dma_start3A_310 = tpu.memref_slice %arg9[%dma_start3A_308, %dma_start3A_309] : memref<16x128xi32, #tpu.memory_space<vmem>> -> memref<1x128xi32, #tpu.memory_space<vmem>>
        %dma_start3A_311 = tpu.memref_squeeze %dma_start3A_310 : memref<1x128xi32, #tpu.memory_space<vmem>> -> memref<128xi32, #tpu.memory_space<vmem>>
        %dma_start3A_312 = arith.constant 0 : i32
        %dma_start3A_313 = arith.constant 0 : i32
        %dma_start3A_314 = tpu.memref_slice %arg3[%dma_start3A_312, %dma_start3A_313] : memref<10000x64xf32, #tpu.memory_space<hbm>> -> memref<10000x64xf32, #tpu.memory_space<hbm>>
        tpu.enqueue_indirect_dma source(%dma_start3A_314 : memref<10000x64xf32, #tpu.memory_space<hbm>>) target(%arg12 : memref<128x64xf32, #tpu.memory_space<vmem>>) offsets(%dma_start3A_311 : memref<128xi32, #tpu.memory_space<vmem>>) semaphore(%arg15 : memref<!tpu.dma_semaphore, #tpu.memory_space<semaphore_mem>>)
        %dma_wait3A_315 = arith.constant 9 : i32
        %dma_wait3A_316 = arith.constant 0 : i32
        %dma_wait3A_317 = tpu.memref_slice %arg9[%dma_wait3A_315, %dma_wait3A_316] : memref<16x128xi32, #tpu.memory_space<vmem>> -> memref<1x128xi32, #tpu.memory_space<vmem>>
        %dma_wait3A_318 = tpu.memref_squeeze %dma_wait3A_317 : memref<1x128xi32, #tpu.memory_space<vmem>> -> memref<128xi32, #tpu.memory_space<vmem>>
        %dma_wait3A_319 = arith.constant 0 : i32
        %dma_wait3A_320 = arith.constant 0 : i32
        %dma_wait3A_321 = tpu.memref_slice %arg3[%dma_wait3A_319, %dma_wait3A_320] : memref<10000x64xf32, #tpu.memory_space<hbm>> -> memref<10000x64xf32, #tpu.memory_space<hbm>>
        tpu.wait_indirect_dma semaphore(%arg15 : memref<!tpu.dma_semaphore, #tpu.memory_space<semaphore_mem>>) src(%dma_wait3A_321 : memref<10000x64xf32, #tpu.memory_space<hbm>>) dst(%arg11 : memref<128x64xf32, #tpu.memory_space<vmem>>)
        %dma_start3A_322 = arith.constant 9 : i32
        %dma_start3A_323 = arith.constant 0 : i32
        %dma_start3A_324 = tpu.memref_slice %arg10[%dma_start3A_322, %dma_start3A_323] : memref<16x128xi32, #tpu.memory_space<vmem>> -> memref<1x128xi32, #tpu.memory_space<vmem>>
        %dma_start3A_325 = tpu.memref_squeeze %dma_start3A_324 : memref<1x128xi32, #tpu.memory_space<vmem>> -> memref<128xi32, #tpu.memory_space<vmem>>
        %dma_start3A_326 = arith.constant 0 : i32
        %dma_start3A_327 = arith.constant 0 : i32
        %dma_start3A_328 = tpu.memref_slice %arg8[%dma_start3A_326, %dma_start3A_327] : memref<20096x64xf32, #tpu.memory_space<vmem_shared>> -> memref<20096x64xf32, #tpu.memory_space<vmem_shared>>
        tpu.enqueue_indirect_dma source(%arg11 : memref<128x64xf32, #tpu.memory_space<vmem>>) target(%dma_start3A_328 : memref<20096x64xf32, #tpu.memory_space<vmem_shared>>) offsets(%dma_start3A_325 : memref<128xi32, #tpu.memory_space<vmem>>) semaphore(%arg16 : memref<!tpu.dma_semaphore, #tpu.memory_space<semaphore_mem>>) {add = true}
        %dma_wait3A_329 = arith.constant 8 : i32
        %dma_wait3A_330 = arith.constant 0 : i32
        %dma_wait3A_331 = tpu.memref_slice %arg10[%dma_wait3A_329, %dma_wait3A_330] : memref<16x128xi32, #tpu.memory_space<vmem>> -> memref<1x128xi32, #tpu.memory_space<vmem>>
        %dma_wait3A_332 = tpu.memref_squeeze %dma_wait3A_331 : memref<1x128xi32, #tpu.memory_space<vmem>> -> memref<128xi32, #tpu.memory_space<vmem>>
        %dma_wait3A_333 = arith.constant 0 : i32
        %dma_wait3A_334 = arith.constant 0 : i32
        %dma_wait3A_335 = tpu.memref_slice %arg8[%dma_wait3A_333, %dma_wait3A_334] : memref<20096x64xf32, #tpu.memory_space<vmem_shared>> -> memref<20096x64xf32, #tpu.memory_space<vmem_shared>>
        tpu.wait_indirect_dma semaphore(%arg16 : memref<!tpu.dma_semaphore, #tpu.memory_space<semaphore_mem>>) src(%arg13 : memref<128x64xf32, #tpu.memory_space<vmem>>) dst(%dma_wait3A_335 : memref<20096x64xf32, #tpu.memory_space<vmem_shared>>)
        %dma_start3A_336 = arith.constant 11 : i32
        %dma_start3A_337 = arith.constant 0 : i32
        %dma_start3A_338 = tpu.memref_slice %arg9[%dma_start3A_336, %dma_start3A_337] : memref<16x128xi32, #tpu.memory_space<vmem>> -> memref<1x128xi32, #tpu.memory_space<vmem>>
        %dma_start3A_339 = tpu.memref_squeeze %dma_start3A_338 : memref<1x128xi32, #tpu.memory_space<vmem>> -> memref<128xi32, #tpu.memory_space<vmem>>
        %dma_start3A_340 = arith.constant 0 : i32
        %dma_start3A_341 = arith.constant 0 : i32
        %dma_start3A_342 = tpu.memref_slice %arg3[%dma_start3A_340, %dma_start3A_341] : memref<10000x64xf32, #tpu.memory_space<hbm>> -> memref<10000x64xf32, #tpu.memory_space<hbm>>
        tpu.enqueue_indirect_dma source(%dma_start3A_342 : memref<10000x64xf32, #tpu.memory_space<hbm>>) target(%arg13 : memref<128x64xf32, #tpu.memory_space<vmem>>) offsets(%dma_start3A_339 : memref<128xi32, #tpu.memory_space<vmem>>) semaphore(%arg15 : memref<!tpu.dma_semaphore, #tpu.memory_space<semaphore_mem>>)
        %dma_wait3A_343 = arith.constant 10 : i32
        %dma_wait3A_344 = arith.constant 0 : i32
        %dma_wait3A_345 = tpu.memref_slice %arg9[%dma_wait3A_343, %dma_wait3A_344] : memref<16x128xi32, #tpu.memory_space<vmem>> -> memref<1x128xi32, #tpu.memory_space<vmem>>
        %dma_wait3A_346 = tpu.memref_squeeze %dma_wait3A_345 : memref<1x128xi32, #tpu.memory_space<vmem>> -> memref<128xi32, #tpu.memory_space<vmem>>
        %dma_wait3A_347 = arith.constant 0 : i32
        %dma_wait3A_348 = arith.constant 0 : i32
        %dma_wait3A_349 = tpu.memref_slice %arg3[%dma_wait3A_347, %dma_wait3A_348] : memref<10000x64xf32, #tpu.memory_space<hbm>> -> memref<10000x64xf32, #tpu.memory_space<hbm>>
        tpu.wait_indirect_dma semaphore(%arg15 : memref<!tpu.dma_semaphore, #tpu.memory_space<semaphore_mem>>) src(%dma_wait3A_349 : memref<10000x64xf32, #tpu.memory_space<hbm>>) dst(%arg12 : memref<128x64xf32, #tpu.memory_space<vmem>>)
        %dma_start3A_350 = arith.constant 10 : i32
        %dma_start3A_351 = arith.constant 0 : i32
        %dma_start3A_352 = tpu.memref_slice %arg10[%dma_start3A_350, %dma_start3A_351] : memref<16x128xi32, #tpu.memory_space<vmem>> -> memref<1x128xi32, #tpu.memory_space<vmem>>
        %dma_start3A_353 = tpu.memref_squeeze %dma_start3A_352 : memref<1x128xi32, #tpu.memory_space<vmem>> -> memref<128xi32, #tpu.memory_space<vmem>>
        %dma_start3A_354 = arith.constant 0 : i32
        %dma_start3A_355 = arith.constant 0 : i32
        %dma_start3A_356 = tpu.memref_slice %arg8[%dma_start3A_354, %dma_start3A_355] : memref<20096x64xf32, #tpu.memory_space<vmem_shared>> -> memref<20096x64xf32, #tpu.memory_space<vmem_shared>>
        tpu.enqueue_indirect_dma source(%arg12 : memref<128x64xf32, #tpu.memory_space<vmem>>) target(%dma_start3A_356 : memref<20096x64xf32, #tpu.memory_space<vmem_shared>>) offsets(%dma_start3A_353 : memref<128xi32, #tpu.memory_space<vmem>>) semaphore(%arg16 : memref<!tpu.dma_semaphore, #tpu.memory_space<semaphore_mem>>) {add = true}
        %dma_wait3A_357 = arith.constant 9 : i32
        %dma_wait3A_358 = arith.constant 0 : i32
        %dma_wait3A_359 = tpu.memref_slice %arg10[%dma_wait3A_357, %dma_wait3A_358] : memref<16x128xi32, #tpu.memory_space<vmem>> -> memref<1x128xi32, #tpu.memory_space<vmem>>
        %dma_wait3A_360 = tpu.memref_squeeze %dma_wait3A_359 : memref<1x128xi32, #tpu.memory_space<vmem>> -> memref<128xi32, #tpu.memory_space<vmem>>
        %dma_wait3A_361 = arith.constant 0 : i32
        %dma_wait3A_362 = arith.constant 0 : i32
        %dma_wait3A_363 = tpu.memref_slice %arg8[%dma_wait3A_361, %dma_wait3A_362] : memref<20096x64xf32, #tpu.memory_space<vmem_shared>> -> memref<20096x64xf32, #tpu.memory_space<vmem_shared>>
        tpu.wait_indirect_dma semaphore(%arg16 : memref<!tpu.dma_semaphore, #tpu.memory_space<semaphore_mem>>) src(%arg11 : memref<128x64xf32, #tpu.memory_space<vmem>>) dst(%dma_wait3A_363 : memref<20096x64xf32, #tpu.memory_space<vmem_shared>>)
        %dma_start3A_364 = arith.constant 12 : i32
        %dma_start3A_365 = arith.constant 0 : i32
        %dma_start3A_366 = tpu.memref_slice %arg9[%dma_start3A_364, %dma_start3A_365] : memref<16x128xi32, #tpu.memory_space<vmem>> -> memref<1x128xi32, #tpu.memory_space<vmem>>
        %dma_start3A_367 = tpu.memref_squeeze %dma_start3A_366 : memref<1x128xi32, #tpu.memory_space<vmem>> -> memref<128xi32, #tpu.memory_space<vmem>>
        %dma_start3A_368 = arith.constant 0 : i32
        %dma_start3A_369 = arith.constant 0 : i32
        %dma_start3A_370 = tpu.memref_slice %arg3[%dma_start3A_368, %dma_start3A_369] : memref<10000x64xf32, #tpu.memory_space<hbm>> -> memref<10000x64xf32, #tpu.memory_space<hbm>>
        tpu.enqueue_indirect_dma source(%dma_start3A_370 : memref<10000x64xf32, #tpu.memory_space<hbm>>) target(%arg11 : memref<128x64xf32, #tpu.memory_space<vmem>>) offsets(%dma_start3A_367 : memref<128xi32, #tpu.memory_space<vmem>>) semaphore(%arg15 : memref<!tpu.dma_semaphore, #tpu.memory_space<semaphore_mem>>)
        %dma_wait3A_371 = arith.constant 11 : i32
        %dma_wait3A_372 = arith.constant 0 : i32
        %dma_wait3A_373 = tpu.memref_slice %arg9[%dma_wait3A_371, %dma_wait3A_372] : memref<16x128xi32, #tpu.memory_space<vmem>> -> memref<1x128xi32, #tpu.memory_space<vmem>>
        %dma_wait3A_374 = tpu.memref_squeeze %dma_wait3A_373 : memref<1x128xi32, #tpu.memory_space<vmem>> -> memref<128xi32, #tpu.memory_space<vmem>>
        %dma_wait3A_375 = arith.constant 0 : i32
        %dma_wait3A_376 = arith.constant 0 : i32
        %dma_wait3A_377 = tpu.memref_slice %arg3[%dma_wait3A_375, %dma_wait3A_376] : memref<10000x64xf32, #tpu.memory_space<hbm>> -> memref<10000x64xf32, #tpu.memory_space<hbm>>
        tpu.wait_indirect_dma semaphore(%arg15 : memref<!tpu.dma_semaphore, #tpu.memory_space<semaphore_mem>>) src(%dma_wait3A_377 : memref<10000x64xf32, #tpu.memory_space<hbm>>) dst(%arg13 : memref<128x64xf32, #tpu.memory_space<vmem>>)
        %dma_start3A_378 = arith.constant 11 : i32
        %dma_start3A_379 = arith.constant 0 : i32
        %dma_start3A_380 = tpu.memref_slice %arg10[%dma_start3A_378, %dma_start3A_379] : memref<16x128xi32, #tpu.memory_space<vmem>> -> memref<1x128xi32, #tpu.memory_space<vmem>>
        %dma_start3A_381 = tpu.memref_squeeze %dma_start3A_380 : memref<1x128xi32, #tpu.memory_space<vmem>> -> memref<128xi32, #tpu.memory_space<vmem>>
        %dma_start3A_382 = arith.constant 0 : i32
        %dma_start3A_383 = arith.constant 0 : i32
        %dma_start3A_384 = tpu.memref_slice %arg8[%dma_start3A_382, %dma_start3A_383] : memref<20096x64xf32, #tpu.memory_space<vmem_shared>> -> memref<20096x64xf32, #tpu.memory_space<vmem_shared>>
        tpu.enqueue_indirect_dma source(%arg13 : memref<128x64xf32, #tpu.memory_space<vmem>>) target(%dma_start3A_384 : memref<20096x64xf32, #tpu.memory_space<vmem_shared>>) offsets(%dma_start3A_381 : memref<128xi32, #tpu.memory_space<vmem>>) semaphore(%arg16 : memref<!tpu.dma_semaphore, #tpu.memory_space<semaphore_mem>>) {add = true}
        %dma_wait3A_385 = arith.constant 10 : i32
        %dma_wait3A_386 = arith.constant 0 : i32
        %dma_wait3A_387 = tpu.memref_slice %arg10[%dma_wait3A_385, %dma_wait3A_386] : memref<16x128xi32, #tpu.memory_space<vmem>> -> memref<1x128xi32, #tpu.memory_space<vmem>>
        %dma_wait3A_388 = tpu.memref_squeeze %dma_wait3A_387 : memref<1x128xi32, #tpu.memory_space<vmem>> -> memref<128xi32, #tpu.memory_space<vmem>>
        %dma_wait3A_389 = arith.constant 0 : i32
        %dma_wait3A_390 = arith.constant 0 : i32
        %dma_wait3A_391 = tpu.memref_slice %arg8[%dma_wait3A_389, %dma_wait3A_390] : memref<20096x64xf32, #tpu.memory_space<vmem_shared>> -> memref<20096x64xf32, #tpu.memory_space<vmem_shared>>
        tpu.wait_indirect_dma semaphore(%arg16 : memref<!tpu.dma_semaphore, #tpu.memory_space<semaphore_mem>>) src(%arg12 : memref<128x64xf32, #tpu.memory_space<vmem>>) dst(%dma_wait3A_391 : memref<20096x64xf32, #tpu.memory_space<vmem_shared>>)
        %dma_start3A_392 = arith.constant 13 : i32
        %dma_start3A_393 = arith.constant 0 : i32
        %dma_start3A_394 = tpu.memref_slice %arg9[%dma_start3A_392, %dma_start3A_393] : memref<16x128xi32, #tpu.memory_space<vmem>> -> memref<1x128xi32, #tpu.memory_space<vmem>>
        %dma_start3A_395 = tpu.memref_squeeze %dma_start3A_394 : memref<1x128xi32, #tpu.memory_space<vmem>> -> memref<128xi32, #tpu.memory_space<vmem>>
        %dma_start3A_396 = arith.constant 0 : i32
        %dma_start3A_397 = arith.constant 0 : i32
        %dma_start3A_398 = tpu.memref_slice %arg3[%dma_start3A_396, %dma_start3A_397] : memref<10000x64xf32, #tpu.memory_space<hbm>> -> memref<10000x64xf32, #tpu.memory_space<hbm>>
        tpu.enqueue_indirect_dma source(%dma_start3A_398 : memref<10000x64xf32, #tpu.memory_space<hbm>>) target(%arg12 : memref<128x64xf32, #tpu.memory_space<vmem>>) offsets(%dma_start3A_395 : memref<128xi32, #tpu.memory_space<vmem>>) semaphore(%arg15 : memref<!tpu.dma_semaphore, #tpu.memory_space<semaphore_mem>>)
        %dma_wait3A_399 = arith.constant 12 : i32
        %dma_wait3A_400 = arith.constant 0 : i32
        %dma_wait3A_401 = tpu.memref_slice %arg9[%dma_wait3A_399, %dma_wait3A_400] : memref<16x128xi32, #tpu.memory_space<vmem>> -> memref<1x128xi32, #tpu.memory_space<vmem>>
        %dma_wait3A_402 = tpu.memref_squeeze %dma_wait3A_401 : memref<1x128xi32, #tpu.memory_space<vmem>> -> memref<128xi32, #tpu.memory_space<vmem>>
        %dma_wait3A_403 = arith.constant 0 : i32
        %dma_wait3A_404 = arith.constant 0 : i32
        %dma_wait3A_405 = tpu.memref_slice %arg3[%dma_wait3A_403, %dma_wait3A_404] : memref<10000x64xf32, #tpu.memory_space<hbm>> -> memref<10000x64xf32, #tpu.memory_space<hbm>>
        tpu.wait_indirect_dma semaphore(%arg15 : memref<!tpu.dma_semaphore, #tpu.memory_space<semaphore_mem>>) src(%dma_wait3A_405 : memref<10000x64xf32, #tpu.memory_space<hbm>>) dst(%arg11 : memref<128x64xf32, #tpu.memory_space<vmem>>)
        %dma_start3A_406 = arith.constant 12 : i32
        %dma_start3A_407 = arith.constant 0 : i32
        %dma_start3A_408 = tpu.memref_slice %arg10[%dma_start3A_406, %dma_start3A_407] : memref<16x128xi32, #tpu.memory_space<vmem>> -> memref<1x128xi32, #tpu.memory_space<vmem>>
        %dma_start3A_409 = tpu.memref_squeeze %dma_start3A_408 : memref<1x128xi32, #tpu.memory_space<vmem>> -> memref<128xi32, #tpu.memory_space<vmem>>
        %dma_start3A_410 = arith.constant 0 : i32
        %dma_start3A_411 = arith.constant 0 : i32
        %dma_start3A_412 = tpu.memref_slice %arg8[%dma_start3A_410, %dma_start3A_411] : memref<20096x64xf32, #tpu.memory_space<vmem_shared>> -> memref<20096x64xf32, #tpu.memory_space<vmem_shared>>
        tpu.enqueue_indirect_dma source(%arg11 : memref<128x64xf32, #tpu.memory_space<vmem>>) target(%dma_start3A_412 : memref<20096x64xf32, #tpu.memory_space<vmem_shared>>) offsets(%dma_start3A_409 : memref<128xi32, #tpu.memory_space<vmem>>) semaphore(%arg16 : memref<!tpu.dma_semaphore, #tpu.memory_space<semaphore_mem>>) {add = true}
        %dma_wait3A_413 = arith.constant 11 : i32
        %dma_wait3A_414 = arith.constant 0 : i32
        %dma_wait3A_415 = tpu.memref_slice %arg10[%dma_wait3A_413, %dma_wait3A_414] : memref<16x128xi32, #tpu.memory_space<vmem>> -> memref<1x128xi32, #tpu.memory_space<vmem>>
        %dma_wait3A_416 = tpu.memref_squeeze %dma_wait3A_415 : memref<1x128xi32, #tpu.memory_space<vmem>> -> memref<128xi32, #tpu.memory_space<vmem>>
        %dma_wait3A_417 = arith.constant 0 : i32
        %dma_wait3A_418 = arith.constant 0 : i32
        %dma_wait3A_419 = tpu.memref_slice %arg8[%dma_wait3A_417, %dma_wait3A_418] : memref<20096x64xf32, #tpu.memory_space<vmem_shared>> -> memref<20096x64xf32, #tpu.memory_space<vmem_shared>>
        tpu.wait_indirect_dma semaphore(%arg16 : memref<!tpu.dma_semaphore, #tpu.memory_space<semaphore_mem>>) src(%arg13 : memref<128x64xf32, #tpu.memory_space<vmem>>) dst(%dma_wait3A_419 : memref<20096x64xf32, #tpu.memory_space<vmem_shared>>)
        %dma_start3A_420 = arith.constant 14 : i32
        %dma_start3A_421 = arith.constant 0 : i32
        %dma_start3A_422 = tpu.memref_slice %arg9[%dma_start3A_420, %dma_start3A_421] : memref<16x128xi32, #tpu.memory_space<vmem>> -> memref<1x128xi32, #tpu.memory_space<vmem>>
        %dma_start3A_423 = tpu.memref_squeeze %dma_start3A_422 : memref<1x128xi32, #tpu.memory_space<vmem>> -> memref<128xi32, #tpu.memory_space<vmem>>
        %dma_start3A_424 = arith.constant 0 : i32
        %dma_start3A_425 = arith.constant 0 : i32
        %dma_start3A_426 = tpu.memref_slice %arg3[%dma_start3A_424, %dma_start3A_425] : memref<10000x64xf32, #tpu.memory_space<hbm>> -> memref<10000x64xf32, #tpu.memory_space<hbm>>
        tpu.enqueue_indirect_dma source(%dma_start3A_426 : memref<10000x64xf32, #tpu.memory_space<hbm>>) target(%arg13 : memref<128x64xf32, #tpu.memory_space<vmem>>) offsets(%dma_start3A_423 : memref<128xi32, #tpu.memory_space<vmem>>) semaphore(%arg15 : memref<!tpu.dma_semaphore, #tpu.memory_space<semaphore_mem>>)
        %dma_wait3A_427 = arith.constant 13 : i32
        %dma_wait3A_428 = arith.constant 0 : i32
        %dma_wait3A_429 = tpu.memref_slice %arg9[%dma_wait3A_427, %dma_wait3A_428] : memref<16x128xi32, #tpu.memory_space<vmem>> -> memref<1x128xi32, #tpu.memory_space<vmem>>
        %dma_wait3A_430 = tpu.memref_squeeze %dma_wait3A_429 : memref<1x128xi32, #tpu.memory_space<vmem>> -> memref<128xi32, #tpu.memory_space<vmem>>
        %dma_wait3A_431 = arith.constant 0 : i32
        %dma_wait3A_432 = arith.constant 0 : i32
        %dma_wait3A_433 = tpu.memref_slice %arg3[%dma_wait3A_431, %dma_wait3A_432] : memref<10000x64xf32, #tpu.memory_space<hbm>> -> memref<10000x64xf32, #tpu.memory_space<hbm>>
        tpu.wait_indirect_dma semaphore(%arg15 : memref<!tpu.dma_semaphore, #tpu.memory_space<semaphore_mem>>) src(%dma_wait3A_433 : memref<10000x64xf32, #tpu.memory_space<hbm>>) dst(%arg12 : memref<128x64xf32, #tpu.memory_space<vmem>>)
        %dma_start3A_434 = arith.constant 13 : i32
        %dma_start3A_435 = arith.constant 0 : i32
        %dma_start3A_436 = tpu.memref_slice %arg10[%dma_start3A_434, %dma_start3A_435] : memref<16x128xi32, #tpu.memory_space<vmem>> -> memref<1x128xi32, #tpu.memory_space<vmem>>
        %dma_start3A_437 = tpu.memref_squeeze %dma_start3A_436 : memref<1x128xi32, #tpu.memory_space<vmem>> -> memref<128xi32, #tpu.memory_space<vmem>>
        %dma_start3A_438 = arith.constant 0 : i32
        %dma_start3A_439 = arith.constant 0 : i32
        %dma_start3A_440 = tpu.memref_slice %arg8[%dma_start3A_438, %dma_start3A_439] : memref<20096x64xf32, #tpu.memory_space<vmem_shared>> -> memref<20096x64xf32, #tpu.memory_space<vmem_shared>>
        tpu.enqueue_indirect_dma source(%arg12 : memref<128x64xf32, #tpu.memory_space<vmem>>) target(%dma_start3A_440 : memref<20096x64xf32, #tpu.memory_space<vmem_shared>>) offsets(%dma_start3A_437 : memref<128xi32, #tpu.memory_space<vmem>>) semaphore(%arg16 : memref<!tpu.dma_semaphore, #tpu.memory_space<semaphore_mem>>) {add = true}
        %dma_wait3A_441 = arith.constant 12 : i32
        %dma_wait3A_442 = arith.constant 0 : i32
        %dma_wait3A_443 = tpu.memref_slice %arg10[%dma_wait3A_441, %dma_wait3A_442] : memref<16x128xi32, #tpu.memory_space<vmem>> -> memref<1x128xi32, #tpu.memory_space<vmem>>
        %dma_wait3A_444 = tpu.memref_squeeze %dma_wait3A_443 : memref<1x128xi32, #tpu.memory_space<vmem>> -> memref<128xi32, #tpu.memory_space<vmem>>
        %dma_wait3A_445 = arith.constant 0 : i32
        %dma_wait3A_446 = arith.constant 0 : i32
        %dma_wait3A_447 = tpu.memref_slice %arg8[%dma_wait3A_445, %dma_wait3A_446] : memref<20096x64xf32, #tpu.memory_space<vmem_shared>> -> memref<20096x64xf32, #tpu.memory_space<vmem_shared>>
        tpu.wait_indirect_dma semaphore(%arg16 : memref<!tpu.dma_semaphore, #tpu.memory_space<semaphore_mem>>) src(%arg11 : memref<128x64xf32, #tpu.memory_space<vmem>>) dst(%dma_wait3A_447 : memref<20096x64xf32, #tpu.memory_space<vmem_shared>>)
        %dma_start3A_448 = arith.constant 15 : i32
        %dma_start3A_449 = arith.constant 0 : i32
        %dma_start3A_450 = tpu.memref_slice %arg9[%dma_start3A_448, %dma_start3A_449] : memref<16x128xi32, #tpu.memory_space<vmem>> -> memref<1x128xi32, #tpu.memory_space<vmem>>
        %dma_start3A_451 = tpu.memref_squeeze %dma_start3A_450 : memref<1x128xi32, #tpu.memory_space<vmem>> -> memref<128xi32, #tpu.memory_space<vmem>>
        %dma_start3A_452 = arith.constant 0 : i32
        %dma_start3A_453 = arith.constant 0 : i32
        %dma_start3A_454 = tpu.memref_slice %arg3[%dma_start3A_452, %dma_start3A_453] : memref<10000x64xf32, #tpu.memory_space<hbm>> -> memref<10000x64xf32, #tpu.memory_space<hbm>>
        tpu.enqueue_indirect_dma source(%dma_start3A_454 : memref<10000x64xf32, #tpu.memory_space<hbm>>) target(%arg11 : memref<128x64xf32, #tpu.memory_space<vmem>>) offsets(%dma_start3A_451 : memref<128xi32, #tpu.memory_space<vmem>>) semaphore(%arg15 : memref<!tpu.dma_semaphore, #tpu.memory_space<semaphore_mem>>)
        %dma_wait3A_455 = arith.constant 14 : i32
        %dma_wait3A_456 = arith.constant 0 : i32
        %dma_wait3A_457 = tpu.memref_slice %arg9[%dma_wait3A_455, %dma_wait3A_456] : memref<16x128xi32, #tpu.memory_space<vmem>> -> memref<1x128xi32, #tpu.memory_space<vmem>>
        %dma_wait3A_458 = tpu.memref_squeeze %dma_wait3A_457 : memref<1x128xi32, #tpu.memory_space<vmem>> -> memref<128xi32, #tpu.memory_space<vmem>>
        %dma_wait3A_459 = arith.constant 0 : i32
        %dma_wait3A_460 = arith.constant 0 : i32
        %dma_wait3A_461 = tpu.memref_slice %arg3[%dma_wait3A_459, %dma_wait3A_460] : memref<10000x64xf32, #tpu.memory_space<hbm>> -> memref<10000x64xf32, #tpu.memory_space<hbm>>
        tpu.wait_indirect_dma semaphore(%arg15 : memref<!tpu.dma_semaphore, #tpu.memory_space<semaphore_mem>>) src(%dma_wait3A_461 : memref<10000x64xf32, #tpu.memory_space<hbm>>) dst(%arg13 : memref<128x64xf32, #tpu.memory_space<vmem>>)
        %dma_start3A_462 = arith.constant 14 : i32
        %dma_start3A_463 = arith.constant 0 : i32
        %dma_start3A_464 = tpu.memref_slice %arg10[%dma_start3A_462, %dma_start3A_463] : memref<16x128xi32, #tpu.memory_space<vmem>> -> memref<1x128xi32, #tpu.memory_space<vmem>>
        %dma_start3A_465 = tpu.memref_squeeze %dma_start3A_464 : memref<1x128xi32, #tpu.memory_space<vmem>> -> memref<128xi32, #tpu.memory_space<vmem>>
        %dma_start3A_466 = arith.constant 0 : i32
        %dma_start3A_467 = arith.constant 0 : i32
        %dma_start3A_468 = tpu.memref_slice %arg8[%dma_start3A_466, %dma_start3A_467] : memref<20096x64xf32, #tpu.memory_space<vmem_shared>> -> memref<20096x64xf32, #tpu.memory_space<vmem_shared>>
        tpu.enqueue_indirect_dma source(%arg13 : memref<128x64xf32, #tpu.memory_space<vmem>>) target(%dma_start3A_468 : memref<20096x64xf32, #tpu.memory_space<vmem_shared>>) offsets(%dma_start3A_465 : memref<128xi32, #tpu.memory_space<vmem>>) semaphore(%arg16 : memref<!tpu.dma_semaphore, #tpu.memory_space<semaphore_mem>>) {add = true}
        %dma_wait3A_469 = arith.constant 15 : i32
        %dma_wait3A_470 = arith.constant 0 : i32
        %dma_wait3A_471 = tpu.memref_slice %arg9[%dma_wait3A_469, %dma_wait3A_470] : memref<16x128xi32, #tpu.memory_space<vmem>> -> memref<1x128xi32, #tpu.memory_space<vmem>>
        %dma_wait3A_472 = tpu.memref_squeeze %dma_wait3A_471 : memref<1x128xi32, #tpu.memory_space<vmem>> -> memref<128xi32, #tpu.memory_space<vmem>>
        %dma_wait3A_473 = arith.constant 0 : i32
        %dma_wait3A_474 = arith.constant 0 : i32
        %dma_wait3A_475 = tpu.memref_slice %arg3[%dma_wait3A_473, %dma_wait3A_474] : memref<10000x64xf32, #tpu.memory_space<hbm>> -> memref<10000x64xf32, #tpu.memory_space<hbm>>
        tpu.wait_indirect_dma semaphore(%arg15 : memref<!tpu.dma_semaphore, #tpu.memory_space<semaphore_mem>>) src(%dma_wait3A_475 : memref<10000x64xf32, #tpu.memory_space<hbm>>) dst(%arg11 : memref<128x64xf32, #tpu.memory_space<vmem>>)
        %dma_start3A_476 = arith.constant 15 : i32
        %dma_start3A_477 = arith.constant 0 : i32
        %dma_start3A_478 = tpu.memref_slice %arg10[%dma_start3A_476, %dma_start3A_477] : memref<16x128xi32, #tpu.memory_space<vmem>> -> memref<1x128xi32, #tpu.memory_space<vmem>>
        %dma_start3A_479 = tpu.memref_squeeze %dma_start3A_478 : memref<1x128xi32, #tpu.memory_space<vmem>> -> memref<128xi32, #tpu.memory_space<vmem>>
        %dma_start3A_480 = arith.constant 0 : i32
        %dma_start3A_481 = arith.constant 0 : i32
        %dma_start3A_482 = tpu.memref_slice %arg8[%dma_start3A_480, %dma_start3A_481] : memref<20096x64xf32, #tpu.memory_space<vmem_shared>> -> memref<20096x64xf32, #tpu.memory_space<vmem_shared>>
        tpu.enqueue_indirect_dma source(%arg11 : memref<128x64xf32, #tpu.memory_space<vmem>>) target(%dma_start3A_482 : memref<20096x64xf32, #tpu.memory_space<vmem_shared>>) offsets(%dma_start3A_479 : memref<128xi32, #tpu.memory_space<vmem>>) semaphore(%arg16 : memref<!tpu.dma_semaphore, #tpu.memory_space<semaphore_mem>>) {add = true}
        %dma_wait3A_483 = arith.constant 14 : i32
        %dma_wait3A_484 = arith.constant 0 : i32
        %dma_wait3A_485 = tpu.memref_slice %arg10[%dma_wait3A_483, %dma_wait3A_484] : memref<16x128xi32, #tpu.memory_space<vmem>> -> memref<1x128xi32, #tpu.memory_space<vmem>>
        %dma_wait3A_486 = tpu.memref_squeeze %dma_wait3A_485 : memref<1x128xi32, #tpu.memory_space<vmem>> -> memref<128xi32, #tpu.memory_space<vmem>>
        %dma_wait3A_487 = arith.constant 0 : i32
        %dma_wait3A_488 = arith.constant 0 : i32
        %dma_wait3A_489 = tpu.memref_slice %arg8[%dma_wait3A_487, %dma_wait3A_488] : memref<20096x64xf32, #tpu.memory_space<vmem_shared>> -> memref<20096x64xf32, #tpu.memory_space<vmem_shared>>
        tpu.wait_indirect_dma semaphore(%arg16 : memref<!tpu.dma_semaphore, #tpu.memory_space<semaphore_mem>>) src(%arg13 : memref<128x64xf32, #tpu.memory_space<vmem>>) dst(%dma_wait3A_489 : memref<20096x64xf32, #tpu.memory_space<vmem_shared>>)
        %dma_wait3A_490 = arith.constant 15 : i32
        %dma_wait3A_491 = arith.constant 0 : i32
        %dma_wait3A_492 = tpu.memref_slice %arg10[%dma_wait3A_490, %dma_wait3A_491] : memref<16x128xi32, #tpu.memory_space<vmem>> -> memref<1x128xi32, #tpu.memory_space<vmem>>
        %dma_wait3A_493 = tpu.memref_squeeze %dma_wait3A_492 : memref<1x128xi32, #tpu.memory_space<vmem>> -> memref<128xi32, #tpu.memory_space<vmem>>
        %dma_wait3A_494 = arith.constant 0 : i32
        %dma_wait3A_495 = arith.constant 0 : i32
        %dma_wait3A_496 = tpu.memref_slice %arg8[%dma_wait3A_494, %dma_wait3A_495] : memref<20096x64xf32, #tpu.memory_space<vmem_shared>> -> memref<20096x64xf32, #tpu.memory_space<vmem_shared>>
        tpu.wait_indirect_dma semaphore(%arg16 : memref<!tpu.dma_semaphore, #tpu.memory_space<semaphore_mem>>) src(%arg11 : memref<128x64xf32, #tpu.memory_space<vmem>>) dst(%dma_wait3A_496 : memref<20096x64xf32, #tpu.memory_space<vmem_shared>>)
      }
      %scan3A_45 = arith.constant 10 : i32
    } else {
    }
    %barrier3A_29 = arith.constant 0 : index
    tpu.barrier barrier_id(%barrier3A_29)
    %eq3A_30 = arith.constant 0 : i32
    %eq3A_31 = arith.cmpi eq, %arg0, %eq3A_30 : i32
    %convert_element_type3A_32 = arith.extui %eq3A_31 : i1 to i32
    %cond3A_33 = arith.constant 0 : i32
    %cond3A_34 = arith.cmpi ne, %convert_element_type3A_32, %cond3A_33 : i32
    scf.if %cond3A_34 {
      %scan3A_40 = arith.constant 0 : i32
      %scan3A_41 = arith.constant 0 : i32
      %scan3A_42 = arith.constant 9 : i32
      %scan3A_43 = arith.addi %scan3A_41, %scan3A_42 : i32
      %scan3A_44 = arith.constant 1 : i32
      scf.for %scan3A_50 = %scan3A_41 to %scan3A_43 step %scan3A_44  : i32 {
        %mul3A_51 = arith.constant 1256 : i32
        %mul3A_52 = arith.muli %arg1, %mul3A_51 : i32
        %mul3A_53 = arith.constant 128 : i32
        %mul3A_54 = arith.muli %scan3A_50, %mul3A_53 : i32
        %add3A_55 = arith.addi %mul3A_52, %mul3A_54 : i32
        "tpu.region"() ({
          %run_scoped3A = tpu.sem_alloc : memref<!tpu.dma_semaphore, #tpu.memory_space<semaphore_mem>>
          %dma_start3A = arith.constant 0 : i32
          %dma_start3A_56 = tpu.memref_slice %arg5[%add3A_55, %dma_start3A] : memref<20096x64xf32, #tpu.memory_space<hbm>> -> memref<128x64xf32, #tpu.memory_space<hbm>>
          %dma_start3A_57 = arith.constant 0 : i32
          %dma_start3A_58 = tpu.memref_slice %arg8[%add3A_55, %dma_start3A_57] : memref<20096x64xf32, #tpu.memory_space<vmem_shared>> -> memref<128x64xf32, #tpu.memory_space<vmem_shared>>
          tpu.enqueue_dma source(%dma_start3A_58 : memref<128x64xf32, #tpu.memory_space<vmem_shared>>) target(%dma_start3A_56 : memref<128x64xf32, #tpu.memory_space<hbm>>) target_semaphore(%run_scoped3A : memref<!tpu.dma_semaphore, #tpu.memory_space<semaphore_mem>>)
          %dma_wait3A = arith.constant 0 : i32
          %dma_wait3A_59 = tpu.memref_slice %arg5[%add3A_55, %dma_wait3A] : memref<20096x64xf32, #tpu.memory_space<hbm>> -> memref<128x64xf32, #tpu.memory_space<hbm>>
          %dma_wait3A_60 = arith.constant 0 : i32
          %dma_wait3A_61 = tpu.memref_slice %arg8[%add3A_55, %dma_wait3A_60] : memref<20096x64xf32, #tpu.memory_space<vmem_shared>> -> memref<128x64xf32, #tpu.memory_space<vmem_shared>>
          tpu.wait_dma2 semaphore(%run_scoped3A : memref<!tpu.dma_semaphore, #tpu.memory_space<semaphore_mem>>) src(%dma_wait3A_61 : memref<128x64xf32, #tpu.memory_space<vmem_shared>>) dst(%dma_wait3A_59 : memref<128x64xf32, #tpu.memory_space<hbm>>)
          tpu.yield
        }) : () -> ()
      }
      %scan3A_45 = arith.constant 9 : i32
      %mul3A_46 = arith.constant 1256 : i32
      %mul3A_47 = arith.muli %arg1, %mul3A_46 : i32
      %add3A_48 = arith.constant 1152 : i32
      %add3A_49 = arith.addi %mul3A_47, %add3A_48 : i32
      "tpu.region"() ({
        %run_scoped3A = tpu.sem_alloc : memref<!tpu.dma_semaphore, #tpu.memory_space<semaphore_mem>>
        %dma_start3A = arith.constant 0 : i32
        %dma_start3A_50 = tpu.memref_slice %arg5[%add3A_49, %dma_start3A] : memref<20096x64xf32, #tpu.memory_space<hbm>> -> memref<104x64xf32, #tpu.memory_space<hbm>>
        %dma_start3A_51 = arith.constant 0 : i32
        %dma_start3A_52 = tpu.memref_slice %arg8[%add3A_49, %dma_start3A_51] : memref<20096x64xf32, #tpu.memory_space<vmem_shared>> -> memref<104x64xf32, #tpu.memory_space<vmem_shared>>
        tpu.enqueue_dma source(%dma_start3A_52 : memref<104x64xf32, #tpu.memory_space<vmem_shared>>) target(%dma_start3A_50 : memref<104x64xf32, #tpu.memory_space<hbm>>) target_semaphore(%run_scoped3A : memref<!tpu.dma_semaphore, #tpu.memory_space<semaphore_mem>>)
        %dma_wait3A = arith.constant 0 : i32
        %dma_wait3A_53 = tpu.memref_slice %arg5[%add3A_49, %dma_wait3A] : memref<20096x64xf32, #tpu.memory_space<hbm>> -> memref<104x64xf32, #tpu.memory_space<hbm>>
        %dma_wait3A_54 = arith.constant 0 : i32
        %dma_wait3A_55 = tpu.memref_slice %arg8[%add3A_49, %dma_wait3A_54] : memref<20096x64xf32, #tpu.memory_space<vmem_shared>> -> memref<104x64xf32, #tpu.memory_space<vmem_shared>>
        tpu.wait_dma2 semaphore(%run_scoped3A : memref<!tpu.dma_semaphore, #tpu.memory_space<semaphore_mem>>) src(%dma_wait3A_55 : memref<104x64xf32, #tpu.memory_space<vmem_shared>>) dst(%dma_wait3A_53 : memref<104x64xf32, #tpu.memory_space<hbm>>)
        tpu.yield
      }) : () -> ()
      "tpu.region"() ({
        %run_scoped3A = tpu.sem_alloc : memref<!tpu.dma_semaphore, #tpu.memory_space<semaphore_mem>>
        %dma_start3A = arith.constant 0 : i32
        %dma_start3A_50 = tpu.memref_slice %arg7[%arg1, %dma_start3A] : memref<16x20096xf32, #tpu.memory_space<hbm>> -> memref<1x20096xf32, #tpu.memory_space<hbm>>
        %dma_start3A_51 = tpu.memref_squeeze %dma_start3A_50 : memref<1x20096xf32, #tpu.memory_space<hbm>> -> memref<20096xf32, #tpu.memory_space<hbm>>
        %dma_start3A_52 = arith.constant 0 : i32
        %dma_start3A_53 = tpu.memref_slice %arg7[%arg1, %dma_start3A_52] : memref<16x20096xf32, #tpu.memory_space<hbm>> -> memref<1x20096xf32, #tpu.memory_space<hbm>>
        %dma_start3A_54 = tpu.memref_squeeze %dma_start3A_53 : memref<1x20096xf32, #tpu.memory_space<hbm>> -> memref<20096xf32, #tpu.memory_space<hbm>>
        tpu.enqueue_dma source(%arg14 : memref<20096xf32, #tpu.memory_space<vmem>>) target(%dma_start3A_54 : memref<20096xf32, #tpu.memory_space<hbm>>) target_semaphore(%run_scoped3A : memref<!tpu.dma_semaphore, #tpu.memory_space<semaphore_mem>>)
        %dma_wait3A = arith.constant 0 : i32
        %dma_wait3A_55 = tpu.memref_slice %arg7[%arg1, %dma_wait3A] : memref<16x20096xf32, #tpu.memory_space<hbm>> -> memref<1x20096xf32, #tpu.memory_space<hbm>>
        %dma_wait3A_56 = tpu.memref_squeeze %dma_wait3A_55 : memref<1x20096xf32, #tpu.memory_space<hbm>> -> memref<20096xf32, #tpu.memory_space<hbm>>
        %dma_wait3A_57 = arith.constant 0 : i32
        %dma_wait3A_58 = tpu.memref_slice %arg7[%arg1, %dma_wait3A_57] : memref<16x20096xf32, #tpu.memory_space<hbm>> -> memref<1x20096xf32, #tpu.memory_space<hbm>>
        %dma_wait3A_59 = tpu.memref_squeeze %dma_wait3A_58 : memref<1x20096xf32, #tpu.memory_space<hbm>> -> memref<20096xf32, #tpu.memory_space<hbm>>
        tpu.wait_dma2 semaphore(%run_scoped3A : memref<!tpu.dma_semaphore, #tpu.memory_space<semaphore_mem>>) src(%arg14 : memref<20096xf32, #tpu.memory_space<vmem>>) dst(%dma_wait3A_59 : memref<20096xf32, #tpu.memory_space<hbm>>)
        tpu.yield
      }) : () -> ()
    } else {
    }
    %eq3A_35 = arith.constant 1 : i32
    %eq3A_36 = arith.cmpi eq, %arg0, %eq3A_35 : i32
    %convert_element_type3A_37 = arith.extui %eq3A_36 : i1 to i32
    %cond3A_38 = arith.constant 0 : i32
    %cond3A_39 = arith.cmpi ne, %convert_element_type3A_37, %cond3A_38 : i32
    scf.if %cond3A_39 {
      %scan3A_40 = arith.constant 0 : i32
      %scan3A_41 = arith.constant 0 : i32
      %scan3A_42 = arith.constant 9 : i32
      %scan3A_43 = arith.addi %scan3A_41, %scan3A_42 : i32
      %scan3A_44 = arith.constant 1 : i32
      scf.for %scan3A_50 = %scan3A_41 to %scan3A_43 step %scan3A_44  : i32 {
        %mul3A_51 = arith.constant 1256 : i32
        %mul3A_52 = arith.muli %arg1, %mul3A_51 : i32
        %mul3A_53 = arith.constant 128 : i32
        %mul3A_54 = arith.muli %scan3A_50, %mul3A_53 : i32
        %add3A_55 = arith.addi %mul3A_52, %mul3A_54 : i32
        "tpu.region"() ({
          %run_scoped3A = tpu.sem_alloc : memref<!tpu.dma_semaphore, #tpu.memory_space<semaphore_mem>>
          %dma_start3A = arith.constant 0 : i32
          %dma_start3A_56 = tpu.memref_slice %arg6[%add3A_55, %dma_start3A] : memref<20096x64xf32, #tpu.memory_space<hbm>> -> memref<128x64xf32, #tpu.memory_space<hbm>>
          %dma_start3A_57 = arith.constant 0 : i32
          %dma_start3A_58 = tpu.memref_slice %arg8[%add3A_55, %dma_start3A_57] : memref<20096x64xf32, #tpu.memory_space<vmem_shared>> -> memref<128x64xf32, #tpu.memory_space<vmem_shared>>
          tpu.enqueue_dma source(%dma_start3A_58 : memref<128x64xf32, #tpu.memory_space<vmem_shared>>) target(%dma_start3A_56 : memref<128x64xf32, #tpu.memory_space<hbm>>) target_semaphore(%run_scoped3A : memref<!tpu.dma_semaphore, #tpu.memory_space<semaphore_mem>>)
          %dma_wait3A = arith.constant 0 : i32
          %dma_wait3A_59 = tpu.memref_slice %arg6[%add3A_55, %dma_wait3A] : memref<20096x64xf32, #tpu.memory_space<hbm>> -> memref<128x64xf32, #tpu.memory_space<hbm>>
          %dma_wait3A_60 = arith.constant 0 : i32
          %dma_wait3A_61 = tpu.memref_slice %arg8[%add3A_55, %dma_wait3A_60] : memref<20096x64xf32, #tpu.memory_space<vmem_shared>> -> memref<128x64xf32, #tpu.memory_space<vmem_shared>>
          tpu.wait_dma2 semaphore(%run_scoped3A : memref<!tpu.dma_semaphore, #tpu.memory_space<semaphore_mem>>) src(%dma_wait3A_61 : memref<128x64xf32, #tpu.memory_space<vmem_shared>>) dst(%dma_wait3A_59 : memref<128x64xf32, #tpu.memory_space<hbm>>)
          tpu.yield
        }) : () -> ()
      }
      %scan3A_45 = arith.constant 9 : i32
      %mul3A_46 = arith.constant 1256 : i32
      %mul3A_47 = arith.muli %arg1, %mul3A_46 : i32
      %add3A_48 = arith.constant 1152 : i32
      %add3A_49 = arith.addi %mul3A_47, %add3A_48 : i32
      "tpu.region"() ({
        %run_scoped3A = tpu.sem_alloc : memref<!tpu.dma_semaphore, #tpu.memory_space<semaphore_mem>>
        %dma_start3A = arith.constant 0 : i32
        %dma_start3A_50 = tpu.memref_slice %arg6[%add3A_49, %dma_start3A] : memref<20096x64xf32, #tpu.memory_space<hbm>> -> memref<104x64xf32, #tpu.memory_space<hbm>>
        %dma_start3A_51 = arith.constant 0 : i32
        %dma_start3A_52 = tpu.memref_slice %arg8[%add3A_49, %dma_start3A_51] : memref<20096x64xf32, #tpu.memory_space<vmem_shared>> -> memref<104x64xf32, #tpu.memory_space<vmem_shared>>
        tpu.enqueue_dma source(%dma_start3A_52 : memref<104x64xf32, #tpu.memory_space<vmem_shared>>) target(%dma_start3A_50 : memref<104x64xf32, #tpu.memory_space<hbm>>) target_semaphore(%run_scoped3A : memref<!tpu.dma_semaphore, #tpu.memory_space<semaphore_mem>>)
        %dma_wait3A = arith.constant 0 : i32
        %dma_wait3A_53 = tpu.memref_slice %arg6[%add3A_49, %dma_wait3A] : memref<20096x64xf32, #tpu.memory_space<hbm>> -> memref<104x64xf32, #tpu.memory_space<hbm>>
        %dma_wait3A_54 = arith.constant 0 : i32
        %dma_wait3A_55 = tpu.memref_slice %arg8[%add3A_49, %dma_wait3A_54] : memref<20096x64xf32, #tpu.memory_space<vmem_shared>> -> memref<104x64xf32, #tpu.memory_space<vmem_shared>>
        tpu.wait_dma2 semaphore(%run_scoped3A : memref<!tpu.dma_semaphore, #tpu.memory_space<semaphore_mem>>) src(%dma_wait3A_55 : memref<104x64xf32, #tpu.memory_space<vmem_shared>>) dst(%dma_wait3A_53 : memref<104x64xf32, #tpu.memory_space<hbm>>)
        tpu.yield
      }) : () -> ()
    } else {
    }
    return
  }
}

#map = affine_map<(d0, d1) -> (0, 0)>
module attributes {stable_mosaic.version = 14 : i64} {
  func.func @_node_phase_body(%arg0: i32, %arg1: i32, %arg2: memref<20096x64xf32, #tpu.memory_space<hbm>>, %arg3: memref<20096x64xf32, #tpu.memory_space<hbm>>, %arg4: memref<2560x128xi32, #tpu.memory_space<hbm>>, %arg5: memref<10240x64xf32, #tpu.memory_space<hbm>>, %arg6: memref<10240x64xf32, #tpu.memory_space<hbm>>, %arg7: memref<10240x64xf32, #tpu.memory_space<vmem_shared>>, %arg8: memref<16x128xi32, #tpu.memory_space<vmem>>, %arg9: memref<16x128xi32, #tpu.memory_space<vmem>>, %arg10: memref<128x64xf32, #tpu.memory_space<vmem>>, %arg11: memref<128x64xf32, #tpu.memory_space<vmem>>, %arg12: memref<128x64xf32, #tpu.memory_space<vmem>>, %arg13: memref<!tpu.dma_semaphore, #tpu.memory_space<semaphore_mem>>, %arg14: memref<!tpu.dma_semaphore, #tpu.memory_space<semaphore_mem>>) attributes {dimension_semantics = [#tpu.dimension_semantics<core_parallel>, #tpu.dimension_semantics<subcore_parallel>], iteration_bounds = array<i64: 2, 16>, scalar_prefetch = 0 : i64, scratch_operands = 8 : i64, tpu.core_type = #tpu.core_type<sc_vector_subcore>, window_params = [{transform_indices = #map}, {transform_indices = #map}, {transform_indices = #map}, {transform_indices = #map}, {transform_indices = #map}]} {
    %broadcast_in_dim3A = arith.constant 0.000000e+00 : f32
    %broadcast_in_dim3A_0 = vector.broadcast %broadcast_in_dim3A : f32 to vector<16xf32>
    %scan3A = arith.constant 0 : i32
    %scan3A_1 = arith.constant 0 : i32
    %scan3A_2 = arith.constant 128 : i32
    %scan3A_3 = arith.addi %scan3A_1, %scan3A_2 : i32
    %scan3A_4 = arith.constant 1 : i32
    scf.for %scan3A_30 = %scan3A_1 to %scan3A_3 step %scan3A_4  : i32 {
      %swap3A = arith.index_cast %scan3A_30 : i32 to index
      %swap3A_31 = arith.constant 0 : index
      %swap3A_32 = tpu.vector_load %arg10[%swap3A, %swap3A_31] {strides = array<i32>} : memref<128x64xf32, #tpu.memory_space<vmem>>, vector<16xf32>,
      tpu.vector_store %arg10[%swap3A, %swap3A_31], %broadcast_in_dim3A_0 {strides = array<i32>} : memref<128x64xf32, #tpu.memory_space<vmem>>, vector<16xf32>,
      %swap3A_33 = arith.index_cast %scan3A_30 : i32 to index
      %swap3A_34 = arith.constant 16 : index
      %swap3A_35 = tpu.vector_load %arg10[%swap3A_33, %swap3A_34] {strides = array<i32>} : memref<128x64xf32, #tpu.memory_space<vmem>>, vector<16xf32>,
      tpu.vector_store %arg10[%swap3A_33, %swap3A_34], %broadcast_in_dim3A_0 {strides = array<i32>} : memref<128x64xf32, #tpu.memory_space<vmem>>, vector<16xf32>,
      %swap3A_36 = arith.index_cast %scan3A_30 : i32 to index
      %swap3A_37 = arith.constant 32 : index
      %swap3A_38 = tpu.vector_load %arg10[%swap3A_36, %swap3A_37] {strides = array<i32>} : memref<128x64xf32, #tpu.memory_space<vmem>>, vector<16xf32>,
      tpu.vector_store %arg10[%swap3A_36, %swap3A_37], %broadcast_in_dim3A_0 {strides = array<i32>} : memref<128x64xf32, #tpu.memory_space<vmem>>, vector<16xf32>,
      %swap3A_39 = arith.index_cast %scan3A_30 : i32 to index
      %swap3A_40 = arith.constant 48 : index
      %swap3A_41 = tpu.vector_load %arg10[%swap3A_39, %swap3A_40] {strides = array<i32>} : memref<128x64xf32, #tpu.memory_space<vmem>>, vector<16xf32>,
      tpu.vector_store %arg10[%swap3A_39, %swap3A_40], %broadcast_in_dim3A_0 {strides = array<i32>} : memref<128x64xf32, #tpu.memory_space<vmem>>, vector<16xf32>,
    }
    %scan3A_5 = arith.constant 128 : i32
    %scan3A_6 = arith.constant 0 : i32
    %scan3A_7 = arith.constant 0 : i32
    %scan3A_8 = arith.constant 5 : i32
    %scan3A_9 = arith.addi %scan3A_7, %scan3A_8 : i32
    %scan3A_10 = arith.constant 1 : i32
    scf.for %scan3A_30 = %scan3A_7 to %scan3A_9 step %scan3A_10  : i32 {
      %mul3A = arith.constant 640 : i32
      %mul3A_31 = arith.muli %arg1, %mul3A : i32
      %mul3A_32 = arith.constant 128 : i32
      %mul3A_33 = arith.muli %scan3A_30, %mul3A_32 : i32
      %add3A = arith.addi %mul3A_31, %mul3A_33 : i32
      "tpu.region"() ({
        %run_scoped3A = tpu.sem_alloc : memref<!tpu.dma_semaphore, #tpu.memory_space<semaphore_mem>>
        %dma_start3A = arith.constant 0 : i32
        %dma_start3A_34 = tpu.memref_slice %arg7[%add3A, %dma_start3A] : memref<10240x64xf32, #tpu.memory_space<vmem_shared>> -> memref<128x64xf32, #tpu.memory_space<vmem_shared>>
        %dma_start3A_35 = arith.constant 0 : i32
        %dma_start3A_36 = tpu.memref_slice %arg7[%add3A, %dma_start3A_35] : memref<10240x64xf32, #tpu.memory_space<vmem_shared>> -> memref<128x64xf32, #tpu.memory_space<vmem_shared>>
        tpu.enqueue_dma source(%arg10 : memref<128x64xf32, #tpu.memory_space<vmem>>) target(%dma_start3A_36 : memref<128x64xf32, #tpu.memory_space<vmem_shared>>) target_semaphore(%run_scoped3A : memref<!tpu.dma_semaphore, #tpu.memory_space<semaphore_mem>>)
        %dma_wait3A = arith.constant 0 : i32
        %dma_wait3A_37 = tpu.memref_slice %arg7[%add3A, %dma_wait3A] : memref<10240x64xf32, #tpu.memory_space<vmem_shared>> -> memref<128x64xf32, #tpu.memory_space<vmem_shared>>
        %dma_wait3A_38 = arith.constant 0 : i32
        %dma_wait3A_39 = tpu.memref_slice %arg7[%add3A, %dma_wait3A_38] : memref<10240x64xf32, #tpu.memory_space<vmem_shared>> -> memref<128x64xf32, #tpu.memory_space<vmem_shared>>
        tpu.wait_dma2 semaphore(%run_scoped3A : memref<!tpu.dma_semaphore, #tpu.memory_space<semaphore_mem>>) src(%arg10 : memref<128x64xf32, #tpu.memory_space<vmem>>) dst(%dma_wait3A_39 : memref<128x64xf32, #tpu.memory_space<vmem_shared>>)
        tpu.yield
      }) : () -> ()
    }
    %scan3A_11 = arith.constant 5 : i32
    %barrier3A = arith.constant 0 : index
    tpu.barrier barrier_id(%barrier3A)
    %eq3A = arith.constant 0 : i32
    %eq3A_12 = arith.cmpi eq, %arg0, %eq3A : i32
    %convert_element_type3A = arith.extui %eq3A_12 : i1 to i32
    %cond3A = arith.constant 0 : i32
    %cond3A_13 = arith.cmpi ne, %convert_element_type3A, %cond3A : i32
    scf.if %cond3A_13 {
      %scan3A_30 = arith.constant 0 : i32
      %scan3A_31 = arith.constant 0 : i32
      %scan3A_32 = arith.constant 10 : i32
      %scan3A_33 = arith.addi %scan3A_31, %scan3A_32 : i32
      %scan3A_34 = arith.constant 1 : i32
      scf.for %scan3A_36 = %scan3A_31 to %scan3A_33 step %scan3A_34  : i32 {
        %mul3A = arith.constant 160 : i32
        %mul3A_37 = arith.muli %arg1, %mul3A : i32
        %mul3A_38 = arith.constant 16 : i32
        %mul3A_39 = arith.muli %scan3A_36, %mul3A_38 : i32
        %add3A = arith.addi %mul3A_37, %mul3A_39 : i32
        "tpu.region"() ({
          %run_scoped3A = tpu.sem_alloc : memref<!tpu.dma_semaphore, #tpu.memory_space<semaphore_mem>>
          %dma_start3A_485 = arith.constant 0 : i32
          %dma_start3A_486 = tpu.memref_slice %arg4[%add3A, %dma_start3A_485] : memref<2560x128xi32, #tpu.memory_space<hbm>> -> memref<16x128xi32, #tpu.memory_space<hbm>>
          %dma_start3A_487 = arith.constant 0 : i32
          %dma_start3A_488 = tpu.memref_slice %arg4[%add3A, %dma_start3A_487] : memref<2560x128xi32, #tpu.memory_space<hbm>> -> memref<16x128xi32, #tpu.memory_space<hbm>>
          tpu.enqueue_dma source(%dma_start3A_488 : memref<16x128xi32, #tpu.memory_space<hbm>>) target(%arg8 : memref<16x128xi32, #tpu.memory_space<vmem>>) target_semaphore(%run_scoped3A : memref<!tpu.dma_semaphore, #tpu.memory_space<semaphore_mem>>)
          %dma_wait3A_489 = arith.constant 0 : i32
          %dma_wait3A_490 = tpu.memref_slice %arg4[%add3A, %dma_wait3A_489] : memref<2560x128xi32, #tpu.memory_space<hbm>> -> memref<16x128xi32, #tpu.memory_space<hbm>>
          %dma_wait3A_491 = arith.constant 0 : i32
          %dma_wait3A_492 = tpu.memref_slice %arg4[%add3A, %dma_wait3A_491] : memref<2560x128xi32, #tpu.memory_space<hbm>> -> memref<16x128xi32, #tpu.memory_space<hbm>>
          tpu.wait_dma2 semaphore(%run_scoped3A : memref<!tpu.dma_semaphore, #tpu.memory_space<semaphore_mem>>) src(%dma_wait3A_492 : memref<16x128xi32, #tpu.memory_space<hbm>>) dst(%arg8 : memref<16x128xi32, #tpu.memory_space<vmem>>)
          tpu.yield
        }) : () -> ()
        %scan3A_40 = arith.constant 0 : i32
        %scan3A_41 = arith.constant 0 : i32
        %scan3A_42 = arith.constant 16 : i32
        %scan3A_43 = arith.addi %scan3A_41, %scan3A_42 : i32
        %scan3A_44 = arith.constant 1 : i32
        scf.for %scan3A_485 = %scan3A_41 to %scan3A_43 step %scan3A_44  : i32 {
          %get3A = arith.index_cast %scan3A_485 : i32 to index
          %get3A_486 = arith.constant 0 : index
          %get3A_487 = tpu.vector_load %arg8[%get3A, %get3A_486] {strides = array<i32>} : memref<16x128xi32, #tpu.memory_space<vmem>>, vector<16xi32>,
          %shift_right_logical3A = arith.constant 14 : i32
          %shift_right_logical3A_488 = vector.broadcast %shift_right_logical3A : i32 to vector<16xi32>
          %shift_right_logical3A_489 = arith.shrui %get3A_487, %shift_right_logical3A_488 : vector<16xi32>
          %swap3A = arith.index_cast %scan3A_485 : i32 to index
          %swap3A_490 = arith.constant 0 : index
          %swap3A_491 = tpu.vector_load %arg9[%swap3A, %swap3A_490] {strides = array<i32>} : memref<16x128xi32, #tpu.memory_space<vmem>>, vector<16xi32>,
          tpu.vector_store %arg9[%swap3A, %swap3A_490], %shift_right_logical3A_489 {strides = array<i32>} : memref<16x128xi32, #tpu.memory_space<vmem>>, vector<16xi32>,
          %and3A = arith.constant 16383 : i32
          %and3A_492 = vector.broadcast %and3A : i32 to vector<16xi32>
          %and3A_493 = arith.andi %get3A_487, %and3A_492 : vector<16xi32>
          %swap3A_494 = arith.index_cast %scan3A_485 : i32 to index
          %swap3A_495 = arith.constant 0 : index
          %swap3A_496 = tpu.vector_load %arg8[%swap3A_494, %swap3A_495] {strides = array<i32>} : memref<16x128xi32, #tpu.memory_space<vmem>>, vector<16xi32>,
          tpu.vector_store %arg8[%swap3A_494, %swap3A_495], %and3A_493 {strides = array<i32>} : memref<16x128xi32, #tpu.memory_space<vmem>>, vector<16xi32>,
          %get3A_497 = arith.index_cast %scan3A_485 : i32 to index
          %get3A_498 = arith.constant 16 : index
          %get3A_499 = tpu.vector_load %arg8[%get3A_497, %get3A_498] {strides = array<i32>} : memref<16x128xi32, #tpu.memory_space<vmem>>, vector<16xi32>,
          %shift_right_logical3A_500 = arith.constant 14 : i32
          %shift_right_logical3A_501 = vector.broadcast %shift_right_logical3A_500 : i32 to vector<16xi32>
          %shift_right_logical3A_502 = arith.shrui %get3A_499, %shift_right_logical3A_501 : vector<16xi32>
          %swap3A_503 = arith.index_cast %scan3A_485 : i32 to index
          %swap3A_504 = arith.constant 16 : index
          %swap3A_505 = tpu.vector_load %arg9[%swap3A_503, %swap3A_504] {strides = array<i32>} : memref<16x128xi32, #tpu.memory_space<vmem>>, vector<16xi32>,
          tpu.vector_store %arg9[%swap3A_503, %swap3A_504], %shift_right_logical3A_502 {strides = array<i32>} : memref<16x128xi32, #tpu.memory_space<vmem>>, vector<16xi32>,
          %and3A_506 = arith.constant 16383 : i32
          %and3A_507 = vector.broadcast %and3A_506 : i32 to vector<16xi32>
          %and3A_508 = arith.andi %get3A_499, %and3A_507 : vector<16xi32>
          %swap3A_509 = arith.index_cast %scan3A_485 : i32 to index
          %swap3A_510 = arith.constant 16 : index
          %swap3A_511 = tpu.vector_load %arg8[%swap3A_509, %swap3A_510] {strides = array<i32>} : memref<16x128xi32, #tpu.memory_space<vmem>>, vector<16xi32>,
          tpu.vector_store %arg8[%swap3A_509, %swap3A_510], %and3A_508 {strides = array<i32>} : memref<16x128xi32, #tpu.memory_space<vmem>>, vector<16xi32>,
          %get3A_512 = arith.index_cast %scan3A_485 : i32 to index
          %get3A_513 = arith.constant 32 : index
          %get3A_514 = tpu.vector_load %arg8[%get3A_512, %get3A_513] {strides = array<i32>} : memref<16x128xi32, #tpu.memory_space<vmem>>, vector<16xi32>,
          %shift_right_logical3A_515 = arith.constant 14 : i32
          %shift_right_logical3A_516 = vector.broadcast %shift_right_logical3A_515 : i32 to vector<16xi32>
          %shift_right_logical3A_517 = arith.shrui %get3A_514, %shift_right_logical3A_516 : vector<16xi32>
          %swap3A_518 = arith.index_cast %scan3A_485 : i32 to index
          %swap3A_519 = arith.constant 32 : index
          %swap3A_520 = tpu.vector_load %arg9[%swap3A_518, %swap3A_519] {strides = array<i32>} : memref<16x128xi32, #tpu.memory_space<vmem>>, vector<16xi32>,
          tpu.vector_store %arg9[%swap3A_518, %swap3A_519], %shift_right_logical3A_517 {strides = array<i32>} : memref<16x128xi32, #tpu.memory_space<vmem>>, vector<16xi32>,
          %and3A_521 = arith.constant 16383 : i32
          %and3A_522 = vector.broadcast %and3A_521 : i32 to vector<16xi32>
          %and3A_523 = arith.andi %get3A_514, %and3A_522 : vector<16xi32>
          %swap3A_524 = arith.index_cast %scan3A_485 : i32 to index
          %swap3A_525 = arith.constant 32 : index
          %swap3A_526 = tpu.vector_load %arg8[%swap3A_524, %swap3A_525] {strides = array<i32>} : memref<16x128xi32, #tpu.memory_space<vmem>>, vector<16xi32>,
          tpu.vector_store %arg8[%swap3A_524, %swap3A_525], %and3A_523 {strides = array<i32>} : memref<16x128xi32, #tpu.memory_space<vmem>>, vector<16xi32>,
          %get3A_527 = arith.index_cast %scan3A_485 : i32 to index
          %get3A_528 = arith.constant 48 : index
          %get3A_529 = tpu.vector_load %arg8[%get3A_527, %get3A_528] {strides = array<i32>} : memref<16x128xi32, #tpu.memory_space<vmem>>, vector<16xi32>,
          %shift_right_logical3A_530 = arith.constant 14 : i32
          %shift_right_logical3A_531 = vector.broadcast %shift_right_logical3A_530 : i32 to vector<16xi32>
          %shift_right_logical3A_532 = arith.shrui %get3A_529, %shift_right_logical3A_531 : vector<16xi32>
          %swap3A_533 = arith.index_cast %scan3A_485 : i32 to index
          %swap3A_534 = arith.constant 48 : index
          %swap3A_535 = tpu.vector_load %arg9[%swap3A_533, %swap3A_534] {strides = array<i32>} : memref<16x128xi32, #tpu.memory_space<vmem>>, vector<16xi32>,
          tpu.vector_store %arg9[%swap3A_533, %swap3A_534], %shift_right_logical3A_532 {strides = array<i32>} : memref<16x128xi32, #tpu.memory_space<vmem>>, vector<16xi32>,
          %and3A_536 = arith.constant 16383 : i32
          %and3A_537 = vector.broadcast %and3A_536 : i32 to vector<16xi32>
          %and3A_538 = arith.andi %get3A_529, %and3A_537 : vector<16xi32>
          %swap3A_539 = arith.index_cast %scan3A_485 : i32 to index
          %swap3A_540 = arith.constant 48 : index
          %swap3A_541 = tpu.vector_load %arg8[%swap3A_539, %swap3A_540] {strides = array<i32>} : memref<16x128xi32, #tpu.memory_space<vmem>>, vector<16xi32>,
          tpu.vector_store %arg8[%swap3A_539, %swap3A_540], %and3A_538 {strides = array<i32>} : memref<16x128xi32, #tpu.memory_space<vmem>>, vector<16xi32>,
          %get3A_542 = arith.index_cast %scan3A_485 : i32 to index
          %get3A_543 = arith.constant 64 : index
          %get3A_544 = tpu.vector_load %arg8[%get3A_542, %get3A_543] {strides = array<i32>} : memref<16x128xi32, #tpu.memory_space<vmem>>, vector<16xi32>,
          %shift_right_logical3A_545 = arith.constant 14 : i32
          %shift_right_logical3A_546 = vector.broadcast %shift_right_logical3A_545 : i32 to vector<16xi32>
          %shift_right_logical3A_547 = arith.shrui %get3A_544, %shift_right_logical3A_546 : vector<16xi32>
          %swap3A_548 = arith.index_cast %scan3A_485 : i32 to index
          %swap3A_549 = arith.constant 64 : index
          %swap3A_550 = tpu.vector_load %arg9[%swap3A_548, %swap3A_549] {strides = array<i32>} : memref<16x128xi32, #tpu.memory_space<vmem>>, vector<16xi32>,
          tpu.vector_store %arg9[%swap3A_548, %swap3A_549], %shift_right_logical3A_547 {strides = array<i32>} : memref<16x128xi32, #tpu.memory_space<vmem>>, vector<16xi32>,
          %and3A_551 = arith.constant 16383 : i32
          %and3A_552 = vector.broadcast %and3A_551 : i32 to vector<16xi32>
          %and3A_553 = arith.andi %get3A_544, %and3A_552 : vector<16xi32>
          %swap3A_554 = arith.index_cast %scan3A_485 : i32 to index
          %swap3A_555 = arith.constant 64 : index
          %swap3A_556 = tpu.vector_load %arg8[%swap3A_554, %swap3A_555] {strides = array<i32>} : memref<16x128xi32, #tpu.memory_space<vmem>>, vector<16xi32>,
          tpu.vector_store %arg8[%swap3A_554, %swap3A_555], %and3A_553 {strides = array<i32>} : memref<16x128xi32, #tpu.memory_space<vmem>>, vector<16xi32>,
          %get3A_557 = arith.index_cast %scan3A_485 : i32 to index
          %get3A_558 = arith.constant 80 : index
          %get3A_559 = tpu.vector_load %arg8[%get3A_557, %get3A_558] {strides = array<i32>} : memref<16x128xi32, #tpu.memory_space<vmem>>, vector<16xi32>,
          %shift_right_logical3A_560 = arith.constant 14 : i32
          %shift_right_logical3A_561 = vector.broadcast %shift_right_logical3A_560 : i32 to vector<16xi32>
          %shift_right_logical3A_562 = arith.shrui %get3A_559, %shift_right_logical3A_561 : vector<16xi32>
          %swap3A_563 = arith.index_cast %scan3A_485 : i32 to index
          %swap3A_564 = arith.constant 80 : index
          %swap3A_565 = tpu.vector_load %arg9[%swap3A_563, %swap3A_564] {strides = array<i32>} : memref<16x128xi32, #tpu.memory_space<vmem>>, vector<16xi32>,
          tpu.vector_store %arg9[%swap3A_563, %swap3A_564], %shift_right_logical3A_562 {strides = array<i32>} : memref<16x128xi32, #tpu.memory_space<vmem>>, vector<16xi32>,
          %and3A_566 = arith.constant 16383 : i32
          %and3A_567 = vector.broadcast %and3A_566 : i32 to vector<16xi32>
          %and3A_568 = arith.andi %get3A_559, %and3A_567 : vector<16xi32>
          %swap3A_569 = arith.index_cast %scan3A_485 : i32 to index
          %swap3A_570 = arith.constant 80 : index
          %swap3A_571 = tpu.vector_load %arg8[%swap3A_569, %swap3A_570] {strides = array<i32>} : memref<16x128xi32, #tpu.memory_space<vmem>>, vector<16xi32>,
          tpu.vector_store %arg8[%swap3A_569, %swap3A_570], %and3A_568 {strides = array<i32>} : memref<16x128xi32, #tpu.memory_space<vmem>>, vector<16xi32>,
          %get3A_572 = arith.index_cast %scan3A_485 : i32 to index
          %get3A_573 = arith.constant 96 : index
          %get3A_574 = tpu.vector_load %arg8[%get3A_572, %get3A_573] {strides = array<i32>} : memref<16x128xi32, #tpu.memory_space<vmem>>, vector<16xi32>,
          %shift_right_logical3A_575 = arith.constant 14 : i32
          %shift_right_logical3A_576 = vector.broadcast %shift_right_logical3A_575 : i32 to vector<16xi32>
          %shift_right_logical3A_577 = arith.shrui %get3A_574, %shift_right_logical3A_576 : vector<16xi32>
          %swap3A_578 = arith.index_cast %scan3A_485 : i32 to index
          %swap3A_579 = arith.constant 96 : index
          %swap3A_580 = tpu.vector_load %arg9[%swap3A_578, %swap3A_579] {strides = array<i32>} : memref<16x128xi32, #tpu.memory_space<vmem>>, vector<16xi32>,
          tpu.vector_store %arg9[%swap3A_578, %swap3A_579], %shift_right_logical3A_577 {strides = array<i32>} : memref<16x128xi32, #tpu.memory_space<vmem>>, vector<16xi32>,
          %and3A_581 = arith.constant 16383 : i32
          %and3A_582 = vector.broadcast %and3A_581 : i32 to vector<16xi32>
          %and3A_583 = arith.andi %get3A_574, %and3A_582 : vector<16xi32>
          %swap3A_584 = arith.index_cast %scan3A_485 : i32 to index
          %swap3A_585 = arith.constant 96 : index
          %swap3A_586 = tpu.vector_load %arg8[%swap3A_584, %swap3A_585] {strides = array<i32>} : memref<16x128xi32, #tpu.memory_space<vmem>>, vector<16xi32>,
          tpu.vector_store %arg8[%swap3A_584, %swap3A_585], %and3A_583 {strides = array<i32>} : memref<16x128xi32, #tpu.memory_space<vmem>>, vector<16xi32>,
          %get3A_587 = arith.index_cast %scan3A_485 : i32 to index
          %get3A_588 = arith.constant 112 : index
          %get3A_589 = tpu.vector_load %arg8[%get3A_587, %get3A_588] {strides = array<i32>} : memref<16x128xi32, #tpu.memory_space<vmem>>, vector<16xi32>,
          %shift_right_logical3A_590 = arith.constant 14 : i32
          %shift_right_logical3A_591 = vector.broadcast %shift_right_logical3A_590 : i32 to vector<16xi32>
          %shift_right_logical3A_592 = arith.shrui %get3A_589, %shift_right_logical3A_591 : vector<16xi32>
          %swap3A_593 = arith.index_cast %scan3A_485 : i32 to index
          %swap3A_594 = arith.constant 112 : index
          %swap3A_595 = tpu.vector_load %arg9[%swap3A_593, %swap3A_594] {strides = array<i32>} : memref<16x128xi32, #tpu.memory_space<vmem>>, vector<16xi32>,
          tpu.vector_store %arg9[%swap3A_593, %swap3A_594], %shift_right_logical3A_592 {strides = array<i32>} : memref<16x128xi32, #tpu.memory_space<vmem>>, vector<16xi32>,
          %and3A_596 = arith.constant 16383 : i32
          %and3A_597 = vector.broadcast %and3A_596 : i32 to vector<16xi32>
          %and3A_598 = arith.andi %get3A_589, %and3A_597 : vector<16xi32>
          %swap3A_599 = arith.index_cast %scan3A_485 : i32 to index
          %swap3A_600 = arith.constant 112 : index
          %swap3A_601 = tpu.vector_load %arg8[%swap3A_599, %swap3A_600] {strides = array<i32>} : memref<16x128xi32, #tpu.memory_space<vmem>>, vector<16xi32>,
          tpu.vector_store %arg8[%swap3A_599, %swap3A_600], %and3A_598 {strides = array<i32>} : memref<16x128xi32, #tpu.memory_space<vmem>>, vector<16xi32>,
        }
        %scan3A_45 = arith.constant 16 : i32
        %dma_start3A = arith.constant 0 : i32
        %dma_start3A_46 = arith.constant 0 : i32
        %dma_start3A_47 = tpu.memref_slice %arg9[%dma_start3A, %dma_start3A_46] : memref<16x128xi32, #tpu.memory_space<vmem>> -> memref<1x128xi32, #tpu.memory_space<vmem>>
        %dma_start3A_48 = tpu.memref_squeeze %dma_start3A_47 : memref<1x128xi32, #tpu.memory_space<vmem>> -> memref<128xi32, #tpu.memory_space<vmem>>
        %dma_start3A_49 = arith.constant 0 : i32
        %dma_start3A_50 = arith.constant 0 : i32
        %dma_start3A_51 = tpu.memref_slice %arg2[%dma_start3A_49, %dma_start3A_50] : memref<20096x64xf32, #tpu.memory_space<hbm>> -> memref<20096x64xf32, #tpu.memory_space<hbm>>
        tpu.enqueue_indirect_dma source(%dma_start3A_51 : memref<20096x64xf32, #tpu.memory_space<hbm>>) target(%arg10 : memref<128x64xf32, #tpu.memory_space<vmem>>) offsets(%dma_start3A_48 : memref<128xi32, #tpu.memory_space<vmem>>) semaphore(%arg13 : memref<!tpu.dma_semaphore, #tpu.memory_space<semaphore_mem>>)
        %dma_start3A_52 = arith.constant 1 : i32
        %dma_start3A_53 = arith.constant 0 : i32
        %dma_start3A_54 = tpu.memref_slice %arg9[%dma_start3A_52, %dma_start3A_53] : memref<16x128xi32, #tpu.memory_space<vmem>> -> memref<1x128xi32, #tpu.memory_space<vmem>>
        %dma_start3A_55 = tpu.memref_squeeze %dma_start3A_54 : memref<1x128xi32, #tpu.memory_space<vmem>> -> memref<128xi32, #tpu.memory_space<vmem>>
        %dma_start3A_56 = arith.constant 0 : i32
        %dma_start3A_57 = arith.constant 0 : i32
        %dma_start3A_58 = tpu.memref_slice %arg2[%dma_start3A_56, %dma_start3A_57] : memref<20096x64xf32, #tpu.memory_space<hbm>> -> memref<20096x64xf32, #tpu.memory_space<hbm>>
        tpu.enqueue_indirect_dma source(%dma_start3A_58 : memref<20096x64xf32, #tpu.memory_space<hbm>>) target(%arg11 : memref<128x64xf32, #tpu.memory_space<vmem>>) offsets(%dma_start3A_55 : memref<128xi32, #tpu.memory_space<vmem>>) semaphore(%arg13 : memref<!tpu.dma_semaphore, #tpu.memory_space<semaphore_mem>>)
        %dma_wait3A = arith.constant 0 : i32
        %dma_wait3A_59 = arith.constant 0 : i32
        %dma_wait3A_60 = tpu.memref_slice %arg9[%dma_wait3A, %dma_wait3A_59] : memref<16x128xi32, #tpu.memory_space<vmem>> -> memref<1x128xi32, #tpu.memory_space<vmem>>
        %dma_wait3A_61 = tpu.memref_squeeze %dma_wait3A_60 : memref<1x128xi32, #tpu.memory_space<vmem>> -> memref<128xi32, #tpu.memory_space<vmem>>
        %dma_wait3A_62 = arith.constant 0 : i32
        %dma_wait3A_63 = arith.constant 0 : i32
        %dma_wait3A_64 = tpu.memref_slice %arg2[%dma_wait3A_62, %dma_wait3A_63] : memref<20096x64xf32, #tpu.memory_space<hbm>> -> memref<20096x64xf32, #tpu.memory_space<hbm>>
        tpu.wait_indirect_dma semaphore(%arg13 : memref<!tpu.dma_semaphore, #tpu.memory_space<semaphore_mem>>) src(%dma_wait3A_64 : memref<20096x64xf32, #tpu.memory_space<hbm>>) dst(%arg10 : memref<128x64xf32, #tpu.memory_space<vmem>>)
        %dma_start3A_65 = arith.constant 0 : i32
        %dma_start3A_66 = arith.constant 0 : i32
        %dma_start3A_67 = tpu.memref_slice %arg8[%dma_start3A_65, %dma_start3A_66] : memref<16x128xi32, #tpu.memory_space<vmem>> -> memref<1x128xi32, #tpu.memory_space<vmem>>
        %dma_start3A_68 = tpu.memref_squeeze %dma_start3A_67 : memref<1x128xi32, #tpu.memory_space<vmem>> -> memref<128xi32, #tpu.memory_space<vmem>>
        %dma_start3A_69 = arith.constant 0 : i32
        %dma_start3A_70 = arith.constant 0 : i32
        %dma_start3A_71 = tpu.memref_slice %arg7[%dma_start3A_69, %dma_start3A_70] : memref<10240x64xf32, #tpu.memory_space<vmem_shared>> -> memref<10240x64xf32, #tpu.memory_space<vmem_shared>>
        tpu.enqueue_indirect_dma source(%arg10 : memref<128x64xf32, #tpu.memory_space<vmem>>) target(%dma_start3A_71 : memref<10240x64xf32, #tpu.memory_space<vmem_shared>>) offsets(%dma_start3A_68 : memref<128xi32, #tpu.memory_space<vmem>>) semaphore(%arg14 : memref<!tpu.dma_semaphore, #tpu.memory_space<semaphore_mem>>) {add = true}
        %dma_start3A_72 = arith.constant 2 : i32
        %dma_start3A_73 = arith.constant 0 : i32
        %dma_start3A_74 = tpu.memref_slice %arg9[%dma_start3A_72, %dma_start3A_73] : memref<16x128xi32, #tpu.memory_space<vmem>> -> memref<1x128xi32, #tpu.memory_space<vmem>>
        %dma_start3A_75 = tpu.memref_squeeze %dma_start3A_74 : memref<1x128xi32, #tpu.memory_space<vmem>> -> memref<128xi32, #tpu.memory_space<vmem>>
        %dma_start3A_76 = arith.constant 0 : i32
        %dma_start3A_77 = arith.constant 0 : i32
        %dma_start3A_78 = tpu.memref_slice %arg2[%dma_start3A_76, %dma_start3A_77] : memref<20096x64xf32, #tpu.memory_space<hbm>> -> memref<20096x64xf32, #tpu.memory_space<hbm>>
        tpu.enqueue_indirect_dma source(%dma_start3A_78 : memref<20096x64xf32, #tpu.memory_space<hbm>>) target(%arg12 : memref<128x64xf32, #tpu.memory_space<vmem>>) offsets(%dma_start3A_75 : memref<128xi32, #tpu.memory_space<vmem>>) semaphore(%arg13 : memref<!tpu.dma_semaphore, #tpu.memory_space<semaphore_mem>>)
        %dma_wait3A_79 = arith.constant 1 : i32
        %dma_wait3A_80 = arith.constant 0 : i32
        %dma_wait3A_81 = tpu.memref_slice %arg9[%dma_wait3A_79, %dma_wait3A_80] : memref<16x128xi32, #tpu.memory_space<vmem>> -> memref<1x128xi32, #tpu.memory_space<vmem>>
        %dma_wait3A_82 = tpu.memref_squeeze %dma_wait3A_81 : memref<1x128xi32, #tpu.memory_space<vmem>> -> memref<128xi32, #tpu.memory_space<vmem>>
        %dma_wait3A_83 = arith.constant 0 : i32
        %dma_wait3A_84 = arith.constant 0 : i32
        %dma_wait3A_85 = tpu.memref_slice %arg2[%dma_wait3A_83, %dma_wait3A_84] : memref<20096x64xf32, #tpu.memory_space<hbm>> -> memref<20096x64xf32, #tpu.memory_space<hbm>>
        tpu.wait_indirect_dma semaphore(%arg13 : memref<!tpu.dma_semaphore, #tpu.memory_space<semaphore_mem>>) src(%dma_wait3A_85 : memref<20096x64xf32, #tpu.memory_space<hbm>>) dst(%arg11 : memref<128x64xf32, #tpu.memory_space<vmem>>)
        %dma_start3A_86 = arith.constant 1 : i32
        %dma_start3A_87 = arith.constant 0 : i32
        %dma_start3A_88 = tpu.memref_slice %arg8[%dma_start3A_86, %dma_start3A_87] : memref<16x128xi32, #tpu.memory_space<vmem>> -> memref<1x128xi32, #tpu.memory_space<vmem>>
        %dma_start3A_89 = tpu.memref_squeeze %dma_start3A_88 : memref<1x128xi32, #tpu.memory_space<vmem>> -> memref<128xi32, #tpu.memory_space<vmem>>
        %dma_start3A_90 = arith.constant 0 : i32
        %dma_start3A_91 = arith.constant 0 : i32
        %dma_start3A_92 = tpu.memref_slice %arg7[%dma_start3A_90, %dma_start3A_91] : memref<10240x64xf32, #tpu.memory_space<vmem_shared>> -> memref<10240x64xf32, #tpu.memory_space<vmem_shared>>
        tpu.enqueue_indirect_dma source(%arg11 : memref<128x64xf32, #tpu.memory_space<vmem>>) target(%dma_start3A_92 : memref<10240x64xf32, #tpu.memory_space<vmem_shared>>) offsets(%dma_start3A_89 : memref<128xi32, #tpu.memory_space<vmem>>) semaphore(%arg14 : memref<!tpu.dma_semaphore, #tpu.memory_space<semaphore_mem>>) {add = true}
        %dma_wait3A_93 = arith.constant 0 : i32
        %dma_wait3A_94 = arith.constant 0 : i32
        %dma_wait3A_95 = tpu.memref_slice %arg8[%dma_wait3A_93, %dma_wait3A_94] : memref<16x128xi32, #tpu.memory_space<vmem>> -> memref<1x128xi32, #tpu.memory_space<vmem>>
        %dma_wait3A_96 = tpu.memref_squeeze %dma_wait3A_95 : memref<1x128xi32, #tpu.memory_space<vmem>> -> memref<128xi32, #tpu.memory_space<vmem>>
        %dma_wait3A_97 = arith.constant 0 : i32
        %dma_wait3A_98 = arith.constant 0 : i32
        %dma_wait3A_99 = tpu.memref_slice %arg7[%dma_wait3A_97, %dma_wait3A_98] : memref<10240x64xf32, #tpu.memory_space<vmem_shared>> -> memref<10240x64xf32, #tpu.memory_space<vmem_shared>>
        tpu.wait_indirect_dma semaphore(%arg14 : memref<!tpu.dma_semaphore, #tpu.memory_space<semaphore_mem>>) src(%arg10 : memref<128x64xf32, #tpu.memory_space<vmem>>) dst(%dma_wait3A_99 : memref<10240x64xf32, #tpu.memory_space<vmem_shared>>)
        %dma_start3A_100 = arith.constant 3 : i32
        %dma_start3A_101 = arith.constant 0 : i32
        %dma_start3A_102 = tpu.memref_slice %arg9[%dma_start3A_100, %dma_start3A_101] : memref<16x128xi32, #tpu.memory_space<vmem>> -> memref<1x128xi32, #tpu.memory_space<vmem>>
        %dma_start3A_103 = tpu.memref_squeeze %dma_start3A_102 : memref<1x128xi32, #tpu.memory_space<vmem>> -> memref<128xi32, #tpu.memory_space<vmem>>
        %dma_start3A_104 = arith.constant 0 : i32
        %dma_start3A_105 = arith.constant 0 : i32
        %dma_start3A_106 = tpu.memref_slice %arg2[%dma_start3A_104, %dma_start3A_105] : memref<20096x64xf32, #tpu.memory_space<hbm>> -> memref<20096x64xf32, #tpu.memory_space<hbm>>
        tpu.enqueue_indirect_dma source(%dma_start3A_106 : memref<20096x64xf32, #tpu.memory_space<hbm>>) target(%arg10 : memref<128x64xf32, #tpu.memory_space<vmem>>) offsets(%dma_start3A_103 : memref<128xi32, #tpu.memory_space<vmem>>) semaphore(%arg13 : memref<!tpu.dma_semaphore, #tpu.memory_space<semaphore_mem>>)
        %dma_wait3A_107 = arith.constant 2 : i32
        %dma_wait3A_108 = arith.constant 0 : i32
        %dma_wait3A_109 = tpu.memref_slice %arg9[%dma_wait3A_107, %dma_wait3A_108] : memref<16x128xi32, #tpu.memory_space<vmem>> -> memref<1x128xi32, #tpu.memory_space<vmem>>
        %dma_wait3A_110 = tpu.memref_squeeze %dma_wait3A_109 : memref<1x128xi32, #tpu.memory_space<vmem>> -> memref<128xi32, #tpu.memory_space<vmem>>
        %dma_wait3A_111 = arith.constant 0 : i32
        %dma_wait3A_112 = arith.constant 0 : i32
        %dma_wait3A_113 = tpu.memref_slice %arg2[%dma_wait3A_111, %dma_wait3A_112] : memref<20096x64xf32, #tpu.memory_space<hbm>> -> memref<20096x64xf32, #tpu.memory_space<hbm>>
        tpu.wait_indirect_dma semaphore(%arg13 : memref<!tpu.dma_semaphore, #tpu.memory_space<semaphore_mem>>) src(%dma_wait3A_113 : memref<20096x64xf32, #tpu.memory_space<hbm>>) dst(%arg12 : memref<128x64xf32, #tpu.memory_space<vmem>>)
        %dma_start3A_114 = arith.constant 2 : i32
        %dma_start3A_115 = arith.constant 0 : i32
        %dma_start3A_116 = tpu.memref_slice %arg8[%dma_start3A_114, %dma_start3A_115] : memref<16x128xi32, #tpu.memory_space<vmem>> -> memref<1x128xi32, #tpu.memory_space<vmem>>
        %dma_start3A_117 = tpu.memref_squeeze %dma_start3A_116 : memref<1x128xi32, #tpu.memory_space<vmem>> -> memref<128xi32, #tpu.memory_space<vmem>>
        %dma_start3A_118 = arith.constant 0 : i32
        %dma_start3A_119 = arith.constant 0 : i32
        %dma_start3A_120 = tpu.memref_slice %arg7[%dma_start3A_118, %dma_start3A_119] : memref<10240x64xf32, #tpu.memory_space<vmem_shared>> -> memref<10240x64xf32, #tpu.memory_space<vmem_shared>>
        tpu.enqueue_indirect_dma source(%arg12 : memref<128x64xf32, #tpu.memory_space<vmem>>) target(%dma_start3A_120 : memref<10240x64xf32, #tpu.memory_space<vmem_shared>>) offsets(%dma_start3A_117 : memref<128xi32, #tpu.memory_space<vmem>>) semaphore(%arg14 : memref<!tpu.dma_semaphore, #tpu.memory_space<semaphore_mem>>) {add = true}
        %dma_wait3A_121 = arith.constant 1 : i32
        %dma_wait3A_122 = arith.constant 0 : i32
        %dma_wait3A_123 = tpu.memref_slice %arg8[%dma_wait3A_121, %dma_wait3A_122] : memref<16x128xi32, #tpu.memory_space<vmem>> -> memref<1x128xi32, #tpu.memory_space<vmem>>
        %dma_wait3A_124 = tpu.memref_squeeze %dma_wait3A_123 : memref<1x128xi32, #tpu.memory_space<vmem>> -> memref<128xi32, #tpu.memory_space<vmem>>
        %dma_wait3A_125 = arith.constant 0 : i32
        %dma_wait3A_126 = arith.constant 0 : i32
        %dma_wait3A_127 = tpu.memref_slice %arg7[%dma_wait3A_125, %dma_wait3A_126] : memref<10240x64xf32, #tpu.memory_space<vmem_shared>> -> memref<10240x64xf32, #tpu.memory_space<vmem_shared>>
        tpu.wait_indirect_dma semaphore(%arg14 : memref<!tpu.dma_semaphore, #tpu.memory_space<semaphore_mem>>) src(%arg11 : memref<128x64xf32, #tpu.memory_space<vmem>>) dst(%dma_wait3A_127 : memref<10240x64xf32, #tpu.memory_space<vmem_shared>>)
        %dma_start3A_128 = arith.constant 4 : i32
        %dma_start3A_129 = arith.constant 0 : i32
        %dma_start3A_130 = tpu.memref_slice %arg9[%dma_start3A_128, %dma_start3A_129] : memref<16x128xi32, #tpu.memory_space<vmem>> -> memref<1x128xi32, #tpu.memory_space<vmem>>
        %dma_start3A_131 = tpu.memref_squeeze %dma_start3A_130 : memref<1x128xi32, #tpu.memory_space<vmem>> -> memref<128xi32, #tpu.memory_space<vmem>>
        %dma_start3A_132 = arith.constant 0 : i32
        %dma_start3A_133 = arith.constant 0 : i32
        %dma_start3A_134 = tpu.memref_slice %arg2[%dma_start3A_132, %dma_start3A_133] : memref<20096x64xf32, #tpu.memory_space<hbm>> -> memref<20096x64xf32, #tpu.memory_space<hbm>>
        tpu.enqueue_indirect_dma source(%dma_start3A_134 : memref<20096x64xf32, #tpu.memory_space<hbm>>) target(%arg11 : memref<128x64xf32, #tpu.memory_space<vmem>>) offsets(%dma_start3A_131 : memref<128xi32, #tpu.memory_space<vmem>>) semaphore(%arg13 : memref<!tpu.dma_semaphore, #tpu.memory_space<semaphore_mem>>)
        %dma_wait3A_135 = arith.constant 3 : i32
        %dma_wait3A_136 = arith.constant 0 : i32
        %dma_wait3A_137 = tpu.memref_slice %arg9[%dma_wait3A_135, %dma_wait3A_136] : memref<16x128xi32, #tpu.memory_space<vmem>> -> memref<1x128xi32, #tpu.memory_space<vmem>>
        %dma_wait3A_138 = tpu.memref_squeeze %dma_wait3A_137 : memref<1x128xi32, #tpu.memory_space<vmem>> -> memref<128xi32, #tpu.memory_space<vmem>>
        %dma_wait3A_139 = arith.constant 0 : i32
        %dma_wait3A_140 = arith.constant 0 : i32
        %dma_wait3A_141 = tpu.memref_slice %arg2[%dma_wait3A_139, %dma_wait3A_140] : memref<20096x64xf32, #tpu.memory_space<hbm>> -> memref<20096x64xf32, #tpu.memory_space<hbm>>
        tpu.wait_indirect_dma semaphore(%arg13 : memref<!tpu.dma_semaphore, #tpu.memory_space<semaphore_mem>>) src(%dma_wait3A_141 : memref<20096x64xf32, #tpu.memory_space<hbm>>) dst(%arg10 : memref<128x64xf32, #tpu.memory_space<vmem>>)
        %dma_start3A_142 = arith.constant 3 : i32
        %dma_start3A_143 = arith.constant 0 : i32
        %dma_start3A_144 = tpu.memref_slice %arg8[%dma_start3A_142, %dma_start3A_143] : memref<16x128xi32, #tpu.memory_space<vmem>> -> memref<1x128xi32, #tpu.memory_space<vmem>>
        %dma_start3A_145 = tpu.memref_squeeze %dma_start3A_144 : memref<1x128xi32, #tpu.memory_space<vmem>> -> memref<128xi32, #tpu.memory_space<vmem>>
        %dma_start3A_146 = arith.constant 0 : i32
        %dma_start3A_147 = arith.constant 0 : i32
        %dma_start3A_148 = tpu.memref_slice %arg7[%dma_start3A_146, %dma_start3A_147] : memref<10240x64xf32, #tpu.memory_space<vmem_shared>> -> memref<10240x64xf32, #tpu.memory_space<vmem_shared>>
        tpu.enqueue_indirect_dma source(%arg10 : memref<128x64xf32, #tpu.memory_space<vmem>>) target(%dma_start3A_148 : memref<10240x64xf32, #tpu.memory_space<vmem_shared>>) offsets(%dma_start3A_145 : memref<128xi32, #tpu.memory_space<vmem>>) semaphore(%arg14 : memref<!tpu.dma_semaphore, #tpu.memory_space<semaphore_mem>>) {add = true}
        %dma_wait3A_149 = arith.constant 2 : i32
        %dma_wait3A_150 = arith.constant 0 : i32
        %dma_wait3A_151 = tpu.memref_slice %arg8[%dma_wait3A_149, %dma_wait3A_150] : memref<16x128xi32, #tpu.memory_space<vmem>> -> memref<1x128xi32, #tpu.memory_space<vmem>>
        %dma_wait3A_152 = tpu.memref_squeeze %dma_wait3A_151 : memref<1x128xi32, #tpu.memory_space<vmem>> -> memref<128xi32, #tpu.memory_space<vmem>>
        %dma_wait3A_153 = arith.constant 0 : i32
        %dma_wait3A_154 = arith.constant 0 : i32
        %dma_wait3A_155 = tpu.memref_slice %arg7[%dma_wait3A_153, %dma_wait3A_154] : memref<10240x64xf32, #tpu.memory_space<vmem_shared>> -> memref<10240x64xf32, #tpu.memory_space<vmem_shared>>
        tpu.wait_indirect_dma semaphore(%arg14 : memref<!tpu.dma_semaphore, #tpu.memory_space<semaphore_mem>>) src(%arg12 : memref<128x64xf32, #tpu.memory_space<vmem>>) dst(%dma_wait3A_155 : memref<10240x64xf32, #tpu.memory_space<vmem_shared>>)
        %dma_start3A_156 = arith.constant 5 : i32
        %dma_start3A_157 = arith.constant 0 : i32
        %dma_start3A_158 = tpu.memref_slice %arg9[%dma_start3A_156, %dma_start3A_157] : memref<16x128xi32, #tpu.memory_space<vmem>> -> memref<1x128xi32, #tpu.memory_space<vmem>>
        %dma_start3A_159 = tpu.memref_squeeze %dma_start3A_158 : memref<1x128xi32, #tpu.memory_space<vmem>> -> memref<128xi32, #tpu.memory_space<vmem>>
        %dma_start3A_160 = arith.constant 0 : i32
        %dma_start3A_161 = arith.constant 0 : i32
        %dma_start3A_162 = tpu.memref_slice %arg2[%dma_start3A_160, %dma_start3A_161] : memref<20096x64xf32, #tpu.memory_space<hbm>> -> memref<20096x64xf32, #tpu.memory_space<hbm>>
        tpu.enqueue_indirect_dma source(%dma_start3A_162 : memref<20096x64xf32, #tpu.memory_space<hbm>>) target(%arg12 : memref<128x64xf32, #tpu.memory_space<vmem>>) offsets(%dma_start3A_159 : memref<128xi32, #tpu.memory_space<vmem>>) semaphore(%arg13 : memref<!tpu.dma_semaphore, #tpu.memory_space<semaphore_mem>>)
        %dma_wait3A_163 = arith.constant 4 : i32
        %dma_wait3A_164 = arith.constant 0 : i32
        %dma_wait3A_165 = tpu.memref_slice %arg9[%dma_wait3A_163, %dma_wait3A_164] : memref<16x128xi32, #tpu.memory_space<vmem>> -> memref<1x128xi32, #tpu.memory_space<vmem>>
        %dma_wait3A_166 = tpu.memref_squeeze %dma_wait3A_165 : memref<1x128xi32, #tpu.memory_space<vmem>> -> memref<128xi32, #tpu.memory_space<vmem>>
        %dma_wait3A_167 = arith.constant 0 : i32
        %dma_wait3A_168 = arith.constant 0 : i32
        %dma_wait3A_169 = tpu.memref_slice %arg2[%dma_wait3A_167, %dma_wait3A_168] : memref<20096x64xf32, #tpu.memory_space<hbm>> -> memref<20096x64xf32, #tpu.memory_space<hbm>>
        tpu.wait_indirect_dma semaphore(%arg13 : memref<!tpu.dma_semaphore, #tpu.memory_space<semaphore_mem>>) src(%dma_wait3A_169 : memref<20096x64xf32, #tpu.memory_space<hbm>>) dst(%arg11 : memref<128x64xf32, #tpu.memory_space<vmem>>)
        %dma_start3A_170 = arith.constant 4 : i32
        %dma_start3A_171 = arith.constant 0 : i32
        %dma_start3A_172 = tpu.memref_slice %arg8[%dma_start3A_170, %dma_start3A_171] : memref<16x128xi32, #tpu.memory_space<vmem>> -> memref<1x128xi32, #tpu.memory_space<vmem>>
        %dma_start3A_173 = tpu.memref_squeeze %dma_start3A_172 : memref<1x128xi32, #tpu.memory_space<vmem>> -> memref<128xi32, #tpu.memory_space<vmem>>
        %dma_start3A_174 = arith.constant 0 : i32
        %dma_start3A_175 = arith.constant 0 : i32
        %dma_start3A_176 = tpu.memref_slice %arg7[%dma_start3A_174, %dma_start3A_175] : memref<10240x64xf32, #tpu.memory_space<vmem_shared>> -> memref<10240x64xf32, #tpu.memory_space<vmem_shared>>
        tpu.enqueue_indirect_dma source(%arg11 : memref<128x64xf32, #tpu.memory_space<vmem>>) target(%dma_start3A_176 : memref<10240x64xf32, #tpu.memory_space<vmem_shared>>) offsets(%dma_start3A_173 : memref<128xi32, #tpu.memory_space<vmem>>) semaphore(%arg14 : memref<!tpu.dma_semaphore, #tpu.memory_space<semaphore_mem>>) {add = true}
        %dma_wait3A_177 = arith.constant 3 : i32
        %dma_wait3A_178 = arith.constant 0 : i32
        %dma_wait3A_179 = tpu.memref_slice %arg8[%dma_wait3A_177, %dma_wait3A_178] : memref<16x128xi32, #tpu.memory_space<vmem>> -> memref<1x128xi32, #tpu.memory_space<vmem>>
        %dma_wait3A_180 = tpu.memref_squeeze %dma_wait3A_179 : memref<1x128xi32, #tpu.memory_space<vmem>> -> memref<128xi32, #tpu.memory_space<vmem>>
        %dma_wait3A_181 = arith.constant 0 : i32
        %dma_wait3A_182 = arith.constant 0 : i32
        %dma_wait3A_183 = tpu.memref_slice %arg7[%dma_wait3A_181, %dma_wait3A_182] : memref<10240x64xf32, #tpu.memory_space<vmem_shared>> -> memref<10240x64xf32, #tpu.memory_space<vmem_shared>>
        tpu.wait_indirect_dma semaphore(%arg14 : memref<!tpu.dma_semaphore, #tpu.memory_space<semaphore_mem>>) src(%arg10 : memref<128x64xf32, #tpu.memory_space<vmem>>) dst(%dma_wait3A_183 : memref<10240x64xf32, #tpu.memory_space<vmem_shared>>)
        %dma_start3A_184 = arith.constant 6 : i32
        %dma_start3A_185 = arith.constant 0 : i32
        %dma_start3A_186 = tpu.memref_slice %arg9[%dma_start3A_184, %dma_start3A_185] : memref<16x128xi32, #tpu.memory_space<vmem>> -> memref<1x128xi32, #tpu.memory_space<vmem>>
        %dma_start3A_187 = tpu.memref_squeeze %dma_start3A_186 : memref<1x128xi32, #tpu.memory_space<vmem>> -> memref<128xi32, #tpu.memory_space<vmem>>
        %dma_start3A_188 = arith.constant 0 : i32
        %dma_start3A_189 = arith.constant 0 : i32
        %dma_start3A_190 = tpu.memref_slice %arg2[%dma_start3A_188, %dma_start3A_189] : memref<20096x64xf32, #tpu.memory_space<hbm>> -> memref<20096x64xf32, #tpu.memory_space<hbm>>
        tpu.enqueue_indirect_dma source(%dma_start3A_190 : memref<20096x64xf32, #tpu.memory_space<hbm>>) target(%arg10 : memref<128x64xf32, #tpu.memory_space<vmem>>) offsets(%dma_start3A_187 : memref<128xi32, #tpu.memory_space<vmem>>) semaphore(%arg13 : memref<!tpu.dma_semaphore, #tpu.memory_space<semaphore_mem>>)
        %dma_wait3A_191 = arith.constant 5 : i32
        %dma_wait3A_192 = arith.constant 0 : i32
        %dma_wait3A_193 = tpu.memref_slice %arg9[%dma_wait3A_191, %dma_wait3A_192] : memref<16x128xi32, #tpu.memory_space<vmem>> -> memref<1x128xi32, #tpu.memory_space<vmem>>
        %dma_wait3A_194 = tpu.memref_squeeze %dma_wait3A_193 : memref<1x128xi32, #tpu.memory_space<vmem>> -> memref<128xi32, #tpu.memory_space<vmem>>
        %dma_wait3A_195 = arith.constant 0 : i32
        %dma_wait3A_196 = arith.constant 0 : i32
        %dma_wait3A_197 = tpu.memref_slice %arg2[%dma_wait3A_195, %dma_wait3A_196] : memref<20096x64xf32, #tpu.memory_space<hbm>> -> memref<20096x64xf32, #tpu.memory_space<hbm>>
        tpu.wait_indirect_dma semaphore(%arg13 : memref<!tpu.dma_semaphore, #tpu.memory_space<semaphore_mem>>) src(%dma_wait3A_197 : memref<20096x64xf32, #tpu.memory_space<hbm>>) dst(%arg12 : memref<128x64xf32, #tpu.memory_space<vmem>>)
        %dma_start3A_198 = arith.constant 5 : i32
        %dma_start3A_199 = arith.constant 0 : i32
        %dma_start3A_200 = tpu.memref_slice %arg8[%dma_start3A_198, %dma_start3A_199] : memref<16x128xi32, #tpu.memory_space<vmem>> -> memref<1x128xi32, #tpu.memory_space<vmem>>
        %dma_start3A_201 = tpu.memref_squeeze %dma_start3A_200 : memref<1x128xi32, #tpu.memory_space<vmem>> -> memref<128xi32, #tpu.memory_space<vmem>>
        %dma_start3A_202 = arith.constant 0 : i32
        %dma_start3A_203 = arith.constant 0 : i32
        %dma_start3A_204 = tpu.memref_slice %arg7[%dma_start3A_202, %dma_start3A_203] : memref<10240x64xf32, #tpu.memory_space<vmem_shared>> -> memref<10240x64xf32, #tpu.memory_space<vmem_shared>>
        tpu.enqueue_indirect_dma source(%arg12 : memref<128x64xf32, #tpu.memory_space<vmem>>) target(%dma_start3A_204 : memref<10240x64xf32, #tpu.memory_space<vmem_shared>>) offsets(%dma_start3A_201 : memref<128xi32, #tpu.memory_space<vmem>>) semaphore(%arg14 : memref<!tpu.dma_semaphore, #tpu.memory_space<semaphore_mem>>) {add = true}
        %dma_wait3A_205 = arith.constant 4 : i32
        %dma_wait3A_206 = arith.constant 0 : i32
        %dma_wait3A_207 = tpu.memref_slice %arg8[%dma_wait3A_205, %dma_wait3A_206] : memref<16x128xi32, #tpu.memory_space<vmem>> -> memref<1x128xi32, #tpu.memory_space<vmem>>
        %dma_wait3A_208 = tpu.memref_squeeze %dma_wait3A_207 : memref<1x128xi32, #tpu.memory_space<vmem>> -> memref<128xi32, #tpu.memory_space<vmem>>
        %dma_wait3A_209 = arith.constant 0 : i32
        %dma_wait3A_210 = arith.constant 0 : i32
        %dma_wait3A_211 = tpu.memref_slice %arg7[%dma_wait3A_209, %dma_wait3A_210] : memref<10240x64xf32, #tpu.memory_space<vmem_shared>> -> memref<10240x64xf32, #tpu.memory_space<vmem_shared>>
        tpu.wait_indirect_dma semaphore(%arg14 : memref<!tpu.dma_semaphore, #tpu.memory_space<semaphore_mem>>) src(%arg11 : memref<128x64xf32, #tpu.memory_space<vmem>>) dst(%dma_wait3A_211 : memref<10240x64xf32, #tpu.memory_space<vmem_shared>>)
        %dma_start3A_212 = arith.constant 7 : i32
        %dma_start3A_213 = arith.constant 0 : i32
        %dma_start3A_214 = tpu.memref_slice %arg9[%dma_start3A_212, %dma_start3A_213] : memref<16x128xi32, #tpu.memory_space<vmem>> -> memref<1x128xi32, #tpu.memory_space<vmem>>
        %dma_start3A_215 = tpu.memref_squeeze %dma_start3A_214 : memref<1x128xi32, #tpu.memory_space<vmem>> -> memref<128xi32, #tpu.memory_space<vmem>>
        %dma_start3A_216 = arith.constant 0 : i32
        %dma_start3A_217 = arith.constant 0 : i32
        %dma_start3A_218 = tpu.memref_slice %arg2[%dma_start3A_216, %dma_start3A_217] : memref<20096x64xf32, #tpu.memory_space<hbm>> -> memref<20096x64xf32, #tpu.memory_space<hbm>>
        tpu.enqueue_indirect_dma source(%dma_start3A_218 : memref<20096x64xf32, #tpu.memory_space<hbm>>) target(%arg11 : memref<128x64xf32, #tpu.memory_space<vmem>>) offsets(%dma_start3A_215 : memref<128xi32, #tpu.memory_space<vmem>>) semaphore(%arg13 : memref<!tpu.dma_semaphore, #tpu.memory_space<semaphore_mem>>)
        %dma_wait3A_219 = arith.constant 6 : i32
        %dma_wait3A_220 = arith.constant 0 : i32
        %dma_wait3A_221 = tpu.memref_slice %arg9[%dma_wait3A_219, %dma_wait3A_220] : memref<16x128xi32, #tpu.memory_space<vmem>> -> memref<1x128xi32, #tpu.memory_space<vmem>>
        %dma_wait3A_222 = tpu.memref_squeeze %dma_wait3A_221 : memref<1x128xi32, #tpu.memory_space<vmem>> -> memref<128xi32, #tpu.memory_space<vmem>>
        %dma_wait3A_223 = arith.constant 0 : i32
        %dma_wait3A_224 = arith.constant 0 : i32
        %dma_wait3A_225 = tpu.memref_slice %arg2[%dma_wait3A_223, %dma_wait3A_224] : memref<20096x64xf32, #tpu.memory_space<hbm>> -> memref<20096x64xf32, #tpu.memory_space<hbm>>
        tpu.wait_indirect_dma semaphore(%arg13 : memref<!tpu.dma_semaphore, #tpu.memory_space<semaphore_mem>>) src(%dma_wait3A_225 : memref<20096x64xf32, #tpu.memory_space<hbm>>) dst(%arg10 : memref<128x64xf32, #tpu.memory_space<vmem>>)
        %dma_start3A_226 = arith.constant 6 : i32
        %dma_start3A_227 = arith.constant 0 : i32
        %dma_start3A_228 = tpu.memref_slice %arg8[%dma_start3A_226, %dma_start3A_227] : memref<16x128xi32, #tpu.memory_space<vmem>> -> memref<1x128xi32, #tpu.memory_space<vmem>>
        %dma_start3A_229 = tpu.memref_squeeze %dma_start3A_228 : memref<1x128xi32, #tpu.memory_space<vmem>> -> memref<128xi32, #tpu.memory_space<vmem>>
        %dma_start3A_230 = arith.constant 0 : i32
        %dma_start3A_231 = arith.constant 0 : i32
        %dma_start3A_232 = tpu.memref_slice %arg7[%dma_start3A_230, %dma_start3A_231] : memref<10240x64xf32, #tpu.memory_space<vmem_shared>> -> memref<10240x64xf32, #tpu.memory_space<vmem_shared>>
        tpu.enqueue_indirect_dma source(%arg10 : memref<128x64xf32, #tpu.memory_space<vmem>>) target(%dma_start3A_232 : memref<10240x64xf32, #tpu.memory_space<vmem_shared>>) offsets(%dma_start3A_229 : memref<128xi32, #tpu.memory_space<vmem>>) semaphore(%arg14 : memref<!tpu.dma_semaphore, #tpu.memory_space<semaphore_mem>>) {add = true}
        %dma_wait3A_233 = arith.constant 5 : i32
        %dma_wait3A_234 = arith.constant 0 : i32
        %dma_wait3A_235 = tpu.memref_slice %arg8[%dma_wait3A_233, %dma_wait3A_234] : memref<16x128xi32, #tpu.memory_space<vmem>> -> memref<1x128xi32, #tpu.memory_space<vmem>>
        %dma_wait3A_236 = tpu.memref_squeeze %dma_wait3A_235 : memref<1x128xi32, #tpu.memory_space<vmem>> -> memref<128xi32, #tpu.memory_space<vmem>>
        %dma_wait3A_237 = arith.constant 0 : i32
        %dma_wait3A_238 = arith.constant 0 : i32
        %dma_wait3A_239 = tpu.memref_slice %arg7[%dma_wait3A_237, %dma_wait3A_238] : memref<10240x64xf32, #tpu.memory_space<vmem_shared>> -> memref<10240x64xf32, #tpu.memory_space<vmem_shared>>
        tpu.wait_indirect_dma semaphore(%arg14 : memref<!tpu.dma_semaphore, #tpu.memory_space<semaphore_mem>>) src(%arg12 : memref<128x64xf32, #tpu.memory_space<vmem>>) dst(%dma_wait3A_239 : memref<10240x64xf32, #tpu.memory_space<vmem_shared>>)
        %dma_start3A_240 = arith.constant 8 : i32
        %dma_start3A_241 = arith.constant 0 : i32
        %dma_start3A_242 = tpu.memref_slice %arg9[%dma_start3A_240, %dma_start3A_241] : memref<16x128xi32, #tpu.memory_space<vmem>> -> memref<1x128xi32, #tpu.memory_space<vmem>>
        %dma_start3A_243 = tpu.memref_squeeze %dma_start3A_242 : memref<1x128xi32, #tpu.memory_space<vmem>> -> memref<128xi32, #tpu.memory_space<vmem>>
        %dma_start3A_244 = arith.constant 0 : i32
        %dma_start3A_245 = arith.constant 0 : i32
        %dma_start3A_246 = tpu.memref_slice %arg2[%dma_start3A_244, %dma_start3A_245] : memref<20096x64xf32, #tpu.memory_space<hbm>> -> memref<20096x64xf32, #tpu.memory_space<hbm>>
        tpu.enqueue_indirect_dma source(%dma_start3A_246 : memref<20096x64xf32, #tpu.memory_space<hbm>>) target(%arg12 : memref<128x64xf32, #tpu.memory_space<vmem>>) offsets(%dma_start3A_243 : memref<128xi32, #tpu.memory_space<vmem>>) semaphore(%arg13 : memref<!tpu.dma_semaphore, #tpu.memory_space<semaphore_mem>>)
        %dma_wait3A_247 = arith.constant 7 : i32
        %dma_wait3A_248 = arith.constant 0 : i32
        %dma_wait3A_249 = tpu.memref_slice %arg9[%dma_wait3A_247, %dma_wait3A_248] : memref<16x128xi32, #tpu.memory_space<vmem>> -> memref<1x128xi32, #tpu.memory_space<vmem>>
        %dma_wait3A_250 = tpu.memref_squeeze %dma_wait3A_249 : memref<1x128xi32, #tpu.memory_space<vmem>> -> memref<128xi32, #tpu.memory_space<vmem>>
        %dma_wait3A_251 = arith.constant 0 : i32
        %dma_wait3A_252 = arith.constant 0 : i32
        %dma_wait3A_253 = tpu.memref_slice %arg2[%dma_wait3A_251, %dma_wait3A_252] : memref<20096x64xf32, #tpu.memory_space<hbm>> -> memref<20096x64xf32, #tpu.memory_space<hbm>>
        tpu.wait_indirect_dma semaphore(%arg13 : memref<!tpu.dma_semaphore, #tpu.memory_space<semaphore_mem>>) src(%dma_wait3A_253 : memref<20096x64xf32, #tpu.memory_space<hbm>>) dst(%arg11 : memref<128x64xf32, #tpu.memory_space<vmem>>)
        %dma_start3A_254 = arith.constant 7 : i32
        %dma_start3A_255 = arith.constant 0 : i32
        %dma_start3A_256 = tpu.memref_slice %arg8[%dma_start3A_254, %dma_start3A_255] : memref<16x128xi32, #tpu.memory_space<vmem>> -> memref<1x128xi32, #tpu.memory_space<vmem>>
        %dma_start3A_257 = tpu.memref_squeeze %dma_start3A_256 : memref<1x128xi32, #tpu.memory_space<vmem>> -> memref<128xi32, #tpu.memory_space<vmem>>
        %dma_start3A_258 = arith.constant 0 : i32
        %dma_start3A_259 = arith.constant 0 : i32
        %dma_start3A_260 = tpu.memref_slice %arg7[%dma_start3A_258, %dma_start3A_259] : memref<10240x64xf32, #tpu.memory_space<vmem_shared>> -> memref<10240x64xf32, #tpu.memory_space<vmem_shared>>
        tpu.enqueue_indirect_dma source(%arg11 : memref<128x64xf32, #tpu.memory_space<vmem>>) target(%dma_start3A_260 : memref<10240x64xf32, #tpu.memory_space<vmem_shared>>) offsets(%dma_start3A_257 : memref<128xi32, #tpu.memory_space<vmem>>) semaphore(%arg14 : memref<!tpu.dma_semaphore, #tpu.memory_space<semaphore_mem>>) {add = true}
        %dma_wait3A_261 = arith.constant 6 : i32
        %dma_wait3A_262 = arith.constant 0 : i32
        %dma_wait3A_263 = tpu.memref_slice %arg8[%dma_wait3A_261, %dma_wait3A_262] : memref<16x128xi32, #tpu.memory_space<vmem>> -> memref<1x128xi32, #tpu.memory_space<vmem>>
        %dma_wait3A_264 = tpu.memref_squeeze %dma_wait3A_263 : memref<1x128xi32, #tpu.memory_space<vmem>> -> memref<128xi32, #tpu.memory_space<vmem>>
        %dma_wait3A_265 = arith.constant 0 : i32
        %dma_wait3A_266 = arith.constant 0 : i32
        %dma_wait3A_267 = tpu.memref_slice %arg7[%dma_wait3A_265, %dma_wait3A_266] : memref<10240x64xf32, #tpu.memory_space<vmem_shared>> -> memref<10240x64xf32, #tpu.memory_space<vmem_shared>>
        tpu.wait_indirect_dma semaphore(%arg14 : memref<!tpu.dma_semaphore, #tpu.memory_space<semaphore_mem>>) src(%arg10 : memref<128x64xf32, #tpu.memory_space<vmem>>) dst(%dma_wait3A_267 : memref<10240x64xf32, #tpu.memory_space<vmem_shared>>)
        %dma_start3A_268 = arith.constant 9 : i32
        %dma_start3A_269 = arith.constant 0 : i32
        %dma_start3A_270 = tpu.memref_slice %arg9[%dma_start3A_268, %dma_start3A_269] : memref<16x128xi32, #tpu.memory_space<vmem>> -> memref<1x128xi32, #tpu.memory_space<vmem>>
        %dma_start3A_271 = tpu.memref_squeeze %dma_start3A_270 : memref<1x128xi32, #tpu.memory_space<vmem>> -> memref<128xi32, #tpu.memory_space<vmem>>
        %dma_start3A_272 = arith.constant 0 : i32
        %dma_start3A_273 = arith.constant 0 : i32
        %dma_start3A_274 = tpu.memref_slice %arg2[%dma_start3A_272, %dma_start3A_273] : memref<20096x64xf32, #tpu.memory_space<hbm>> -> memref<20096x64xf32, #tpu.memory_space<hbm>>
        tpu.enqueue_indirect_dma source(%dma_start3A_274 : memref<20096x64xf32, #tpu.memory_space<hbm>>) target(%arg10 : memref<128x64xf32, #tpu.memory_space<vmem>>) offsets(%dma_start3A_271 : memref<128xi32, #tpu.memory_space<vmem>>) semaphore(%arg13 : memref<!tpu.dma_semaphore, #tpu.memory_space<semaphore_mem>>)
        %dma_wait3A_275 = arith.constant 8 : i32
        %dma_wait3A_276 = arith.constant 0 : i32
        %dma_wait3A_277 = tpu.memref_slice %arg9[%dma_wait3A_275, %dma_wait3A_276] : memref<16x128xi32, #tpu.memory_space<vmem>> -> memref<1x128xi32, #tpu.memory_space<vmem>>
        %dma_wait3A_278 = tpu.memref_squeeze %dma_wait3A_277 : memref<1x128xi32, #tpu.memory_space<vmem>> -> memref<128xi32, #tpu.memory_space<vmem>>
        %dma_wait3A_279 = arith.constant 0 : i32
        %dma_wait3A_280 = arith.constant 0 : i32
        %dma_wait3A_281 = tpu.memref_slice %arg2[%dma_wait3A_279, %dma_wait3A_280] : memref<20096x64xf32, #tpu.memory_space<hbm>> -> memref<20096x64xf32, #tpu.memory_space<hbm>>
        tpu.wait_indirect_dma semaphore(%arg13 : memref<!tpu.dma_semaphore, #tpu.memory_space<semaphore_mem>>) src(%dma_wait3A_281 : memref<20096x64xf32, #tpu.memory_space<hbm>>) dst(%arg12 : memref<128x64xf32, #tpu.memory_space<vmem>>)
        %dma_start3A_282 = arith.constant 8 : i32
        %dma_start3A_283 = arith.constant 0 : i32
        %dma_start3A_284 = tpu.memref_slice %arg8[%dma_start3A_282, %dma_start3A_283] : memref<16x128xi32, #tpu.memory_space<vmem>> -> memref<1x128xi32, #tpu.memory_space<vmem>>
        %dma_start3A_285 = tpu.memref_squeeze %dma_start3A_284 : memref<1x128xi32, #tpu.memory_space<vmem>> -> memref<128xi32, #tpu.memory_space<vmem>>
        %dma_start3A_286 = arith.constant 0 : i32
        %dma_start3A_287 = arith.constant 0 : i32
        %dma_start3A_288 = tpu.memref_slice %arg7[%dma_start3A_286, %dma_start3A_287] : memref<10240x64xf32, #tpu.memory_space<vmem_shared>> -> memref<10240x64xf32, #tpu.memory_space<vmem_shared>>
        tpu.enqueue_indirect_dma source(%arg12 : memref<128x64xf32, #tpu.memory_space<vmem>>) target(%dma_start3A_288 : memref<10240x64xf32, #tpu.memory_space<vmem_shared>>) offsets(%dma_start3A_285 : memref<128xi32, #tpu.memory_space<vmem>>) semaphore(%arg14 : memref<!tpu.dma_semaphore, #tpu.memory_space<semaphore_mem>>) {add = true}
        %dma_wait3A_289 = arith.constant 7 : i32
        %dma_wait3A_290 = arith.constant 0 : i32
        %dma_wait3A_291 = tpu.memref_slice %arg8[%dma_wait3A_289, %dma_wait3A_290] : memref<16x128xi32, #tpu.memory_space<vmem>> -> memref<1x128xi32, #tpu.memory_space<vmem>>
        %dma_wait3A_292 = tpu.memref_squeeze %dma_wait3A_291 : memref<1x128xi32, #tpu.memory_space<vmem>> -> memref<128xi32, #tpu.memory_space<vmem>>
        %dma_wait3A_293 = arith.constant 0 : i32
        %dma_wait3A_294 = arith.constant 0 : i32
        %dma_wait3A_295 = tpu.memref_slice %arg7[%dma_wait3A_293, %dma_wait3A_294] : memref<10240x64xf32, #tpu.memory_space<vmem_shared>> -> memref<10240x64xf32, #tpu.memory_space<vmem_shared>>
        tpu.wait_indirect_dma semaphore(%arg14 : memref<!tpu.dma_semaphore, #tpu.memory_space<semaphore_mem>>) src(%arg11 : memref<128x64xf32, #tpu.memory_space<vmem>>) dst(%dma_wait3A_295 : memref<10240x64xf32, #tpu.memory_space<vmem_shared>>)
        %dma_start3A_296 = arith.constant 10 : i32
        %dma_start3A_297 = arith.constant 0 : i32
        %dma_start3A_298 = tpu.memref_slice %arg9[%dma_start3A_296, %dma_start3A_297] : memref<16x128xi32, #tpu.memory_space<vmem>> -> memref<1x128xi32, #tpu.memory_space<vmem>>
        %dma_start3A_299 = tpu.memref_squeeze %dma_start3A_298 : memref<1x128xi32, #tpu.memory_space<vmem>> -> memref<128xi32, #tpu.memory_space<vmem>>
        %dma_start3A_300 = arith.constant 0 : i32
        %dma_start3A_301 = arith.constant 0 : i32
        %dma_start3A_302 = tpu.memref_slice %arg2[%dma_start3A_300, %dma_start3A_301] : memref<20096x64xf32, #tpu.memory_space<hbm>> -> memref<20096x64xf32, #tpu.memory_space<hbm>>
        tpu.enqueue_indirect_dma source(%dma_start3A_302 : memref<20096x64xf32, #tpu.memory_space<hbm>>) target(%arg11 : memref<128x64xf32, #tpu.memory_space<vmem>>) offsets(%dma_start3A_299 : memref<128xi32, #tpu.memory_space<vmem>>) semaphore(%arg13 : memref<!tpu.dma_semaphore, #tpu.memory_space<semaphore_mem>>)
        %dma_wait3A_303 = arith.constant 9 : i32
        %dma_wait3A_304 = arith.constant 0 : i32
        %dma_wait3A_305 = tpu.memref_slice %arg9[%dma_wait3A_303, %dma_wait3A_304] : memref<16x128xi32, #tpu.memory_space<vmem>> -> memref<1x128xi32, #tpu.memory_space<vmem>>
        %dma_wait3A_306 = tpu.memref_squeeze %dma_wait3A_305 : memref<1x128xi32, #tpu.memory_space<vmem>> -> memref<128xi32, #tpu.memory_space<vmem>>
        %dma_wait3A_307 = arith.constant 0 : i32
        %dma_wait3A_308 = arith.constant 0 : i32
        %dma_wait3A_309 = tpu.memref_slice %arg2[%dma_wait3A_307, %dma_wait3A_308] : memref<20096x64xf32, #tpu.memory_space<hbm>> -> memref<20096x64xf32, #tpu.memory_space<hbm>>
        tpu.wait_indirect_dma semaphore(%arg13 : memref<!tpu.dma_semaphore, #tpu.memory_space<semaphore_mem>>) src(%dma_wait3A_309 : memref<20096x64xf32, #tpu.memory_space<hbm>>) dst(%arg10 : memref<128x64xf32, #tpu.memory_space<vmem>>)
        %dma_start3A_310 = arith.constant 9 : i32
        %dma_start3A_311 = arith.constant 0 : i32
        %dma_start3A_312 = tpu.memref_slice %arg8[%dma_start3A_310, %dma_start3A_311] : memref<16x128xi32, #tpu.memory_space<vmem>> -> memref<1x128xi32, #tpu.memory_space<vmem>>
        %dma_start3A_313 = tpu.memref_squeeze %dma_start3A_312 : memref<1x128xi32, #tpu.memory_space<vmem>> -> memref<128xi32, #tpu.memory_space<vmem>>
        %dma_start3A_314 = arith.constant 0 : i32
        %dma_start3A_315 = arith.constant 0 : i32
        %dma_start3A_316 = tpu.memref_slice %arg7[%dma_start3A_314, %dma_start3A_315] : memref<10240x64xf32, #tpu.memory_space<vmem_shared>> -> memref<10240x64xf32, #tpu.memory_space<vmem_shared>>
        tpu.enqueue_indirect_dma source(%arg10 : memref<128x64xf32, #tpu.memory_space<vmem>>) target(%dma_start3A_316 : memref<10240x64xf32, #tpu.memory_space<vmem_shared>>) offsets(%dma_start3A_313 : memref<128xi32, #tpu.memory_space<vmem>>) semaphore(%arg14 : memref<!tpu.dma_semaphore, #tpu.memory_space<semaphore_mem>>) {add = true}
        %dma_wait3A_317 = arith.constant 8 : i32
        %dma_wait3A_318 = arith.constant 0 : i32
        %dma_wait3A_319 = tpu.memref_slice %arg8[%dma_wait3A_317, %dma_wait3A_318] : memref<16x128xi32, #tpu.memory_space<vmem>> -> memref<1x128xi32, #tpu.memory_space<vmem>>
        %dma_wait3A_320 = tpu.memref_squeeze %dma_wait3A_319 : memref<1x128xi32, #tpu.memory_space<vmem>> -> memref<128xi32, #tpu.memory_space<vmem>>
        %dma_wait3A_321 = arith.constant 0 : i32
        %dma_wait3A_322 = arith.constant 0 : i32
        %dma_wait3A_323 = tpu.memref_slice %arg7[%dma_wait3A_321, %dma_wait3A_322] : memref<10240x64xf32, #tpu.memory_space<vmem_shared>> -> memref<10240x64xf32, #tpu.memory_space<vmem_shared>>
        tpu.wait_indirect_dma semaphore(%arg14 : memref<!tpu.dma_semaphore, #tpu.memory_space<semaphore_mem>>) src(%arg12 : memref<128x64xf32, #tpu.memory_space<vmem>>) dst(%dma_wait3A_323 : memref<10240x64xf32, #tpu.memory_space<vmem_shared>>)
        %dma_start3A_324 = arith.constant 11 : i32
        %dma_start3A_325 = arith.constant 0 : i32
        %dma_start3A_326 = tpu.memref_slice %arg9[%dma_start3A_324, %dma_start3A_325] : memref<16x128xi32, #tpu.memory_space<vmem>> -> memref<1x128xi32, #tpu.memory_space<vmem>>
        %dma_start3A_327 = tpu.memref_squeeze %dma_start3A_326 : memref<1x128xi32, #tpu.memory_space<vmem>> -> memref<128xi32, #tpu.memory_space<vmem>>
        %dma_start3A_328 = arith.constant 0 : i32
        %dma_start3A_329 = arith.constant 0 : i32
        %dma_start3A_330 = tpu.memref_slice %arg2[%dma_start3A_328, %dma_start3A_329] : memref<20096x64xf32, #tpu.memory_space<hbm>> -> memref<20096x64xf32, #tpu.memory_space<hbm>>
        tpu.enqueue_indirect_dma source(%dma_start3A_330 : memref<20096x64xf32, #tpu.memory_space<hbm>>) target(%arg12 : memref<128x64xf32, #tpu.memory_space<vmem>>) offsets(%dma_start3A_327 : memref<128xi32, #tpu.memory_space<vmem>>) semaphore(%arg13 : memref<!tpu.dma_semaphore, #tpu.memory_space<semaphore_mem>>)
        %dma_wait3A_331 = arith.constant 10 : i32
        %dma_wait3A_332 = arith.constant 0 : i32
        %dma_wait3A_333 = tpu.memref_slice %arg9[%dma_wait3A_331, %dma_wait3A_332] : memref<16x128xi32, #tpu.memory_space<vmem>> -> memref<1x128xi32, #tpu.memory_space<vmem>>
        %dma_wait3A_334 = tpu.memref_squeeze %dma_wait3A_333 : memref<1x128xi32, #tpu.memory_space<vmem>> -> memref<128xi32, #tpu.memory_space<vmem>>
        %dma_wait3A_335 = arith.constant 0 : i32
        %dma_wait3A_336 = arith.constant 0 : i32
        %dma_wait3A_337 = tpu.memref_slice %arg2[%dma_wait3A_335, %dma_wait3A_336] : memref<20096x64xf32, #tpu.memory_space<hbm>> -> memref<20096x64xf32, #tpu.memory_space<hbm>>
        tpu.wait_indirect_dma semaphore(%arg13 : memref<!tpu.dma_semaphore, #tpu.memory_space<semaphore_mem>>) src(%dma_wait3A_337 : memref<20096x64xf32, #tpu.memory_space<hbm>>) dst(%arg11 : memref<128x64xf32, #tpu.memory_space<vmem>>)
        %dma_start3A_338 = arith.constant 10 : i32
        %dma_start3A_339 = arith.constant 0 : i32
        %dma_start3A_340 = tpu.memref_slice %arg8[%dma_start3A_338, %dma_start3A_339] : memref<16x128xi32, #tpu.memory_space<vmem>> -> memref<1x128xi32, #tpu.memory_space<vmem>>
        %dma_start3A_341 = tpu.memref_squeeze %dma_start3A_340 : memref<1x128xi32, #tpu.memory_space<vmem>> -> memref<128xi32, #tpu.memory_space<vmem>>
        %dma_start3A_342 = arith.constant 0 : i32
        %dma_start3A_343 = arith.constant 0 : i32
        %dma_start3A_344 = tpu.memref_slice %arg7[%dma_start3A_342, %dma_start3A_343] : memref<10240x64xf32, #tpu.memory_space<vmem_shared>> -> memref<10240x64xf32, #tpu.memory_space<vmem_shared>>
        tpu.enqueue_indirect_dma source(%arg11 : memref<128x64xf32, #tpu.memory_space<vmem>>) target(%dma_start3A_344 : memref<10240x64xf32, #tpu.memory_space<vmem_shared>>) offsets(%dma_start3A_341 : memref<128xi32, #tpu.memory_space<vmem>>) semaphore(%arg14 : memref<!tpu.dma_semaphore, #tpu.memory_space<semaphore_mem>>) {add = true}
        %dma_wait3A_345 = arith.constant 9 : i32
        %dma_wait3A_346 = arith.constant 0 : i32
        %dma_wait3A_347 = tpu.memref_slice %arg8[%dma_wait3A_345, %dma_wait3A_346] : memref<16x128xi32, #tpu.memory_space<vmem>> -> memref<1x128xi32, #tpu.memory_space<vmem>>
        %dma_wait3A_348 = tpu.memref_squeeze %dma_wait3A_347 : memref<1x128xi32, #tpu.memory_space<vmem>> -> memref<128xi32, #tpu.memory_space<vmem>>
        %dma_wait3A_349 = arith.constant 0 : i32
        %dma_wait3A_350 = arith.constant 0 : i32
        %dma_wait3A_351 = tpu.memref_slice %arg7[%dma_wait3A_349, %dma_wait3A_350] : memref<10240x64xf32, #tpu.memory_space<vmem_shared>> -> memref<10240x64xf32, #tpu.memory_space<vmem_shared>>
        tpu.wait_indirect_dma semaphore(%arg14 : memref<!tpu.dma_semaphore, #tpu.memory_space<semaphore_mem>>) src(%arg10 : memref<128x64xf32, #tpu.memory_space<vmem>>) dst(%dma_wait3A_351 : memref<10240x64xf32, #tpu.memory_space<vmem_shared>>)
        %dma_start3A_352 = arith.constant 12 : i32
        %dma_start3A_353 = arith.constant 0 : i32
        %dma_start3A_354 = tpu.memref_slice %arg9[%dma_start3A_352, %dma_start3A_353] : memref<16x128xi32, #tpu.memory_space<vmem>> -> memref<1x128xi32, #tpu.memory_space<vmem>>
        %dma_start3A_355 = tpu.memref_squeeze %dma_start3A_354 : memref<1x128xi32, #tpu.memory_space<vmem>> -> memref<128xi32, #tpu.memory_space<vmem>>
        %dma_start3A_356 = arith.constant 0 : i32
        %dma_start3A_357 = arith.constant 0 : i32
        %dma_start3A_358 = tpu.memref_slice %arg2[%dma_start3A_356, %dma_start3A_357] : memref<20096x64xf32, #tpu.memory_space<hbm>> -> memref<20096x64xf32, #tpu.memory_space<hbm>>
        tpu.enqueue_indirect_dma source(%dma_start3A_358 : memref<20096x64xf32, #tpu.memory_space<hbm>>) target(%arg10 : memref<128x64xf32, #tpu.memory_space<vmem>>) offsets(%dma_start3A_355 : memref<128xi32, #tpu.memory_space<vmem>>) semaphore(%arg13 : memref<!tpu.dma_semaphore, #tpu.memory_space<semaphore_mem>>)
        %dma_wait3A_359 = arith.constant 11 : i32
        %dma_wait3A_360 = arith.constant 0 : i32
        %dma_wait3A_361 = tpu.memref_slice %arg9[%dma_wait3A_359, %dma_wait3A_360] : memref<16x128xi32, #tpu.memory_space<vmem>> -> memref<1x128xi32, #tpu.memory_space<vmem>>
        %dma_wait3A_362 = tpu.memref_squeeze %dma_wait3A_361 : memref<1x128xi32, #tpu.memory_space<vmem>> -> memref<128xi32, #tpu.memory_space<vmem>>
        %dma_wait3A_363 = arith.constant 0 : i32
        %dma_wait3A_364 = arith.constant 0 : i32
        %dma_wait3A_365 = tpu.memref_slice %arg2[%dma_wait3A_363, %dma_wait3A_364] : memref<20096x64xf32, #tpu.memory_space<hbm>> -> memref<20096x64xf32, #tpu.memory_space<hbm>>
        tpu.wait_indirect_dma semaphore(%arg13 : memref<!tpu.dma_semaphore, #tpu.memory_space<semaphore_mem>>) src(%dma_wait3A_365 : memref<20096x64xf32, #tpu.memory_space<hbm>>) dst(%arg12 : memref<128x64xf32, #tpu.memory_space<vmem>>)
        %dma_start3A_366 = arith.constant 11 : i32
        %dma_start3A_367 = arith.constant 0 : i32
        %dma_start3A_368 = tpu.memref_slice %arg8[%dma_start3A_366, %dma_start3A_367] : memref<16x128xi32, #tpu.memory_space<vmem>> -> memref<1x128xi32, #tpu.memory_space<vmem>>
        %dma_start3A_369 = tpu.memref_squeeze %dma_start3A_368 : memref<1x128xi32, #tpu.memory_space<vmem>> -> memref<128xi32, #tpu.memory_space<vmem>>
        %dma_start3A_370 = arith.constant 0 : i32
        %dma_start3A_371 = arith.constant 0 : i32
        %dma_start3A_372 = tpu.memref_slice %arg7[%dma_start3A_370, %dma_start3A_371] : memref<10240x64xf32, #tpu.memory_space<vmem_shared>> -> memref<10240x64xf32, #tpu.memory_space<vmem_shared>>
        tpu.enqueue_indirect_dma source(%arg12 : memref<128x64xf32, #tpu.memory_space<vmem>>) target(%dma_start3A_372 : memref<10240x64xf32, #tpu.memory_space<vmem_shared>>) offsets(%dma_start3A_369 : memref<128xi32, #tpu.memory_space<vmem>>) semaphore(%arg14 : memref<!tpu.dma_semaphore, #tpu.memory_space<semaphore_mem>>) {add = true}
        %dma_wait3A_373 = arith.constant 10 : i32
        %dma_wait3A_374 = arith.constant 0 : i32
        %dma_wait3A_375 = tpu.memref_slice %arg8[%dma_wait3A_373, %dma_wait3A_374] : memref<16x128xi32, #tpu.memory_space<vmem>> -> memref<1x128xi32, #tpu.memory_space<vmem>>
        %dma_wait3A_376 = tpu.memref_squeeze %dma_wait3A_375 : memref<1x128xi32, #tpu.memory_space<vmem>> -> memref<128xi32, #tpu.memory_space<vmem>>
        %dma_wait3A_377 = arith.constant 0 : i32
        %dma_wait3A_378 = arith.constant 0 : i32
        %dma_wait3A_379 = tpu.memref_slice %arg7[%dma_wait3A_377, %dma_wait3A_378] : memref<10240x64xf32, #tpu.memory_space<vmem_shared>> -> memref<10240x64xf32, #tpu.memory_space<vmem_shared>>
        tpu.wait_indirect_dma semaphore(%arg14 : memref<!tpu.dma_semaphore, #tpu.memory_space<semaphore_mem>>) src(%arg11 : memref<128x64xf32, #tpu.memory_space<vmem>>) dst(%dma_wait3A_379 : memref<10240x64xf32, #tpu.memory_space<vmem_shared>>)
        %dma_start3A_380 = arith.constant 13 : i32
        %dma_start3A_381 = arith.constant 0 : i32
        %dma_start3A_382 = tpu.memref_slice %arg9[%dma_start3A_380, %dma_start3A_381] : memref<16x128xi32, #tpu.memory_space<vmem>> -> memref<1x128xi32, #tpu.memory_space<vmem>>
        %dma_start3A_383 = tpu.memref_squeeze %dma_start3A_382 : memref<1x128xi32, #tpu.memory_space<vmem>> -> memref<128xi32, #tpu.memory_space<vmem>>
        %dma_start3A_384 = arith.constant 0 : i32
        %dma_start3A_385 = arith.constant 0 : i32
        %dma_start3A_386 = tpu.memref_slice %arg2[%dma_start3A_384, %dma_start3A_385] : memref<20096x64xf32, #tpu.memory_space<hbm>> -> memref<20096x64xf32, #tpu.memory_space<hbm>>
        tpu.enqueue_indirect_dma source(%dma_start3A_386 : memref<20096x64xf32, #tpu.memory_space<hbm>>) target(%arg11 : memref<128x64xf32, #tpu.memory_space<vmem>>) offsets(%dma_start3A_383 : memref<128xi32, #tpu.memory_space<vmem>>) semaphore(%arg13 : memref<!tpu.dma_semaphore, #tpu.memory_space<semaphore_mem>>)
        %dma_wait3A_387 = arith.constant 12 : i32
        %dma_wait3A_388 = arith.constant 0 : i32
        %dma_wait3A_389 = tpu.memref_slice %arg9[%dma_wait3A_387, %dma_wait3A_388] : memref<16x128xi32, #tpu.memory_space<vmem>> -> memref<1x128xi32, #tpu.memory_space<vmem>>
        %dma_wait3A_390 = tpu.memref_squeeze %dma_wait3A_389 : memref<1x128xi32, #tpu.memory_space<vmem>> -> memref<128xi32, #tpu.memory_space<vmem>>
        %dma_wait3A_391 = arith.constant 0 : i32
        %dma_wait3A_392 = arith.constant 0 : i32
        %dma_wait3A_393 = tpu.memref_slice %arg2[%dma_wait3A_391, %dma_wait3A_392] : memref<20096x64xf32, #tpu.memory_space<hbm>> -> memref<20096x64xf32, #tpu.memory_space<hbm>>
        tpu.wait_indirect_dma semaphore(%arg13 : memref<!tpu.dma_semaphore, #tpu.memory_space<semaphore_mem>>) src(%dma_wait3A_393 : memref<20096x64xf32, #tpu.memory_space<hbm>>) dst(%arg10 : memref<128x64xf32, #tpu.memory_space<vmem>>)
        %dma_start3A_394 = arith.constant 12 : i32
        %dma_start3A_395 = arith.constant 0 : i32
        %dma_start3A_396 = tpu.memref_slice %arg8[%dma_start3A_394, %dma_start3A_395] : memref<16x128xi32, #tpu.memory_space<vmem>> -> memref<1x128xi32, #tpu.memory_space<vmem>>
        %dma_start3A_397 = tpu.memref_squeeze %dma_start3A_396 : memref<1x128xi32, #tpu.memory_space<vmem>> -> memref<128xi32, #tpu.memory_space<vmem>>
        %dma_start3A_398 = arith.constant 0 : i32
        %dma_start3A_399 = arith.constant 0 : i32
        %dma_start3A_400 = tpu.memref_slice %arg7[%dma_start3A_398, %dma_start3A_399] : memref<10240x64xf32, #tpu.memory_space<vmem_shared>> -> memref<10240x64xf32, #tpu.memory_space<vmem_shared>>
        tpu.enqueue_indirect_dma source(%arg10 : memref<128x64xf32, #tpu.memory_space<vmem>>) target(%dma_start3A_400 : memref<10240x64xf32, #tpu.memory_space<vmem_shared>>) offsets(%dma_start3A_397 : memref<128xi32, #tpu.memory_space<vmem>>) semaphore(%arg14 : memref<!tpu.dma_semaphore, #tpu.memory_space<semaphore_mem>>) {add = true}
        %dma_wait3A_401 = arith.constant 11 : i32
        %dma_wait3A_402 = arith.constant 0 : i32
        %dma_wait3A_403 = tpu.memref_slice %arg8[%dma_wait3A_401, %dma_wait3A_402] : memref<16x128xi32, #tpu.memory_space<vmem>> -> memref<1x128xi32, #tpu.memory_space<vmem>>
        %dma_wait3A_404 = tpu.memref_squeeze %dma_wait3A_403 : memref<1x128xi32, #tpu.memory_space<vmem>> -> memref<128xi32, #tpu.memory_space<vmem>>
        %dma_wait3A_405 = arith.constant 0 : i32
        %dma_wait3A_406 = arith.constant 0 : i32
        %dma_wait3A_407 = tpu.memref_slice %arg7[%dma_wait3A_405, %dma_wait3A_406] : memref<10240x64xf32, #tpu.memory_space<vmem_shared>> -> memref<10240x64xf32, #tpu.memory_space<vmem_shared>>
        tpu.wait_indirect_dma semaphore(%arg14 : memref<!tpu.dma_semaphore, #tpu.memory_space<semaphore_mem>>) src(%arg12 : memref<128x64xf32, #tpu.memory_space<vmem>>) dst(%dma_wait3A_407 : memref<10240x64xf32, #tpu.memory_space<vmem_shared>>)
        %dma_start3A_408 = arith.constant 14 : i32
        %dma_start3A_409 = arith.constant 0 : i32
        %dma_start3A_410 = tpu.memref_slice %arg9[%dma_start3A_408, %dma_start3A_409] : memref<16x128xi32, #tpu.memory_space<vmem>> -> memref<1x128xi32, #tpu.memory_space<vmem>>
        %dma_start3A_411 = tpu.memref_squeeze %dma_start3A_410 : memref<1x128xi32, #tpu.memory_space<vmem>> -> memref<128xi32, #tpu.memory_space<vmem>>
        %dma_start3A_412 = arith.constant 0 : i32
        %dma_start3A_413 = arith.constant 0 : i32
        %dma_start3A_414 = tpu.memref_slice %arg2[%dma_start3A_412, %dma_start3A_413] : memref<20096x64xf32, #tpu.memory_space<hbm>> -> memref<20096x64xf32, #tpu.memory_space<hbm>>
        tpu.enqueue_indirect_dma source(%dma_start3A_414 : memref<20096x64xf32, #tpu.memory_space<hbm>>) target(%arg12 : memref<128x64xf32, #tpu.memory_space<vmem>>) offsets(%dma_start3A_411 : memref<128xi32, #tpu.memory_space<vmem>>) semaphore(%arg13 : memref<!tpu.dma_semaphore, #tpu.memory_space<semaphore_mem>>)
        %dma_wait3A_415 = arith.constant 13 : i32
        %dma_wait3A_416 = arith.constant 0 : i32
        %dma_wait3A_417 = tpu.memref_slice %arg9[%dma_wait3A_415, %dma_wait3A_416] : memref<16x128xi32, #tpu.memory_space<vmem>> -> memref<1x128xi32, #tpu.memory_space<vmem>>
        %dma_wait3A_418 = tpu.memref_squeeze %dma_wait3A_417 : memref<1x128xi32, #tpu.memory_space<vmem>> -> memref<128xi32, #tpu.memory_space<vmem>>
        %dma_wait3A_419 = arith.constant 0 : i32
        %dma_wait3A_420 = arith.constant 0 : i32
        %dma_wait3A_421 = tpu.memref_slice %arg2[%dma_wait3A_419, %dma_wait3A_420] : memref<20096x64xf32, #tpu.memory_space<hbm>> -> memref<20096x64xf32, #tpu.memory_space<hbm>>
        tpu.wait_indirect_dma semaphore(%arg13 : memref<!tpu.dma_semaphore, #tpu.memory_space<semaphore_mem>>) src(%dma_wait3A_421 : memref<20096x64xf32, #tpu.memory_space<hbm>>) dst(%arg11 : memref<128x64xf32, #tpu.memory_space<vmem>>)
        %dma_start3A_422 = arith.constant 13 : i32
        %dma_start3A_423 = arith.constant 0 : i32
        %dma_start3A_424 = tpu.memref_slice %arg8[%dma_start3A_422, %dma_start3A_423] : memref<16x128xi32, #tpu.memory_space<vmem>> -> memref<1x128xi32, #tpu.memory_space<vmem>>
        %dma_start3A_425 = tpu.memref_squeeze %dma_start3A_424 : memref<1x128xi32, #tpu.memory_space<vmem>> -> memref<128xi32, #tpu.memory_space<vmem>>
        %dma_start3A_426 = arith.constant 0 : i32
        %dma_start3A_427 = arith.constant 0 : i32
        %dma_start3A_428 = tpu.memref_slice %arg7[%dma_start3A_426, %dma_start3A_427] : memref<10240x64xf32, #tpu.memory_space<vmem_shared>> -> memref<10240x64xf32, #tpu.memory_space<vmem_shared>>
        tpu.enqueue_indirect_dma source(%arg11 : memref<128x64xf32, #tpu.memory_space<vmem>>) target(%dma_start3A_428 : memref<10240x64xf32, #tpu.memory_space<vmem_shared>>) offsets(%dma_start3A_425 : memref<128xi32, #tpu.memory_space<vmem>>) semaphore(%arg14 : memref<!tpu.dma_semaphore, #tpu.memory_space<semaphore_mem>>) {add = true}
        %dma_wait3A_429 = arith.constant 12 : i32
        %dma_wait3A_430 = arith.constant 0 : i32
        %dma_wait3A_431 = tpu.memref_slice %arg8[%dma_wait3A_429, %dma_wait3A_430] : memref<16x128xi32, #tpu.memory_space<vmem>> -> memref<1x128xi32, #tpu.memory_space<vmem>>
        %dma_wait3A_432 = tpu.memref_squeeze %dma_wait3A_431 : memref<1x128xi32, #tpu.memory_space<vmem>> -> memref<128xi32, #tpu.memory_space<vmem>>
        %dma_wait3A_433 = arith.constant 0 : i32
        %dma_wait3A_434 = arith.constant 0 : i32
        %dma_wait3A_435 = tpu.memref_slice %arg7[%dma_wait3A_433, %dma_wait3A_434] : memref<10240x64xf32, #tpu.memory_space<vmem_shared>> -> memref<10240x64xf32, #tpu.memory_space<vmem_shared>>
        tpu.wait_indirect_dma semaphore(%arg14 : memref<!tpu.dma_semaphore, #tpu.memory_space<semaphore_mem>>) src(%arg10 : memref<128x64xf32, #tpu.memory_space<vmem>>) dst(%dma_wait3A_435 : memref<10240x64xf32, #tpu.memory_space<vmem_shared>>)
        %dma_start3A_436 = arith.constant 15 : i32
        %dma_start3A_437 = arith.constant 0 : i32
        %dma_start3A_438 = tpu.memref_slice %arg9[%dma_start3A_436, %dma_start3A_437] : memref<16x128xi32, #tpu.memory_space<vmem>> -> memref<1x128xi32, #tpu.memory_space<vmem>>
        %dma_start3A_439 = tpu.memref_squeeze %dma_start3A_438 : memref<1x128xi32, #tpu.memory_space<vmem>> -> memref<128xi32, #tpu.memory_space<vmem>>
        %dma_start3A_440 = arith.constant 0 : i32
        %dma_start3A_441 = arith.constant 0 : i32
        %dma_start3A_442 = tpu.memref_slice %arg2[%dma_start3A_440, %dma_start3A_441] : memref<20096x64xf32, #tpu.memory_space<hbm>> -> memref<20096x64xf32, #tpu.memory_space<hbm>>
        tpu.enqueue_indirect_dma source(%dma_start3A_442 : memref<20096x64xf32, #tpu.memory_space<hbm>>) target(%arg10 : memref<128x64xf32, #tpu.memory_space<vmem>>) offsets(%dma_start3A_439 : memref<128xi32, #tpu.memory_space<vmem>>) semaphore(%arg13 : memref<!tpu.dma_semaphore, #tpu.memory_space<semaphore_mem>>)
        %dma_wait3A_443 = arith.constant 14 : i32
        %dma_wait3A_444 = arith.constant 0 : i32
        %dma_wait3A_445 = tpu.memref_slice %arg9[%dma_wait3A_443, %dma_wait3A_444] : memref<16x128xi32, #tpu.memory_space<vmem>> -> memref<1x128xi32, #tpu.memory_space<vmem>>
        %dma_wait3A_446 = tpu.memref_squeeze %dma_wait3A_445 : memref<1x128xi32, #tpu.memory_space<vmem>> -> memref<128xi32, #tpu.memory_space<vmem>>
        %dma_wait3A_447 = arith.constant 0 : i32
        %dma_wait3A_448 = arith.constant 0 : i32
        %dma_wait3A_449 = tpu.memref_slice %arg2[%dma_wait3A_447, %dma_wait3A_448] : memref<20096x64xf32, #tpu.memory_space<hbm>> -> memref<20096x64xf32, #tpu.memory_space<hbm>>
        tpu.wait_indirect_dma semaphore(%arg13 : memref<!tpu.dma_semaphore, #tpu.memory_space<semaphore_mem>>) src(%dma_wait3A_449 : memref<20096x64xf32, #tpu.memory_space<hbm>>) dst(%arg12 : memref<128x64xf32, #tpu.memory_space<vmem>>)
        %dma_start3A_450 = arith.constant 14 : i32
        %dma_start3A_451 = arith.constant 0 : i32
        %dma_start3A_452 = tpu.memref_slice %arg8[%dma_start3A_450, %dma_start3A_451] : memref<16x128xi32, #tpu.memory_space<vmem>> -> memref<1x128xi32, #tpu.memory_space<vmem>>
        %dma_start3A_453 = tpu.memref_squeeze %dma_start3A_452 : memref<1x128xi32, #tpu.memory_space<vmem>> -> memref<128xi32, #tpu.memory_space<vmem>>
        %dma_start3A_454 = arith.constant 0 : i32
        %dma_start3A_455 = arith.constant 0 : i32
        %dma_start3A_456 = tpu.memref_slice %arg7[%dma_start3A_454, %dma_start3A_455] : memref<10240x64xf32, #tpu.memory_space<vmem_shared>> -> memref<10240x64xf32, #tpu.memory_space<vmem_shared>>
        tpu.enqueue_indirect_dma source(%arg12 : memref<128x64xf32, #tpu.memory_space<vmem>>) target(%dma_start3A_456 : memref<10240x64xf32, #tpu.memory_space<vmem_shared>>) offsets(%dma_start3A_453 : memref<128xi32, #tpu.memory_space<vmem>>) semaphore(%arg14 : memref<!tpu.dma_semaphore, #tpu.memory_space<semaphore_mem>>) {add = true}
        %dma_wait3A_457 = arith.constant 15 : i32
        %dma_wait3A_458 = arith.constant 0 : i32
        %dma_wait3A_459 = tpu.memref_slice %arg9[%dma_wait3A_457, %dma_wait3A_458] : memref<16x128xi32, #tpu.memory_space<vmem>> -> memref<1x128xi32, #tpu.memory_space<vmem>>
        %dma_wait3A_460 = tpu.memref_squeeze %dma_wait3A_459 : memref<1x128xi32, #tpu.memory_space<vmem>> -> memref<128xi32, #tpu.memory_space<vmem>>
        %dma_wait3A_461 = arith.constant 0 : i32
        %dma_wait3A_462 = arith.constant 0 : i32
        %dma_wait3A_463 = tpu.memref_slice %arg2[%dma_wait3A_461, %dma_wait3A_462] : memref<20096x64xf32, #tpu.memory_space<hbm>> -> memref<20096x64xf32, #tpu.memory_space<hbm>>
        tpu.wait_indirect_dma semaphore(%arg13 : memref<!tpu.dma_semaphore, #tpu.memory_space<semaphore_mem>>) src(%dma_wait3A_463 : memref<20096x64xf32, #tpu.memory_space<hbm>>) dst(%arg10 : memref<128x64xf32, #tpu.memory_space<vmem>>)
        %dma_start3A_464 = arith.constant 15 : i32
        %dma_start3A_465 = arith.constant 0 : i32
        %dma_start3A_466 = tpu.memref_slice %arg8[%dma_start3A_464, %dma_start3A_465] : memref<16x128xi32, #tpu.memory_space<vmem>> -> memref<1x128xi32, #tpu.memory_space<vmem>>
        %dma_start3A_467 = tpu.memref_squeeze %dma_start3A_466 : memref<1x128xi32, #tpu.memory_space<vmem>> -> memref<128xi32, #tpu.memory_space<vmem>>
        %dma_start3A_468 = arith.constant 0 : i32
        %dma_start3A_469 = arith.constant 0 : i32
        %dma_start3A_470 = tpu.memref_slice %arg7[%dma_start3A_468, %dma_start3A_469] : memref<10240x64xf32, #tpu.memory_space<vmem_shared>> -> memref<10240x64xf32, #tpu.memory_space<vmem_shared>>
        tpu.enqueue_indirect_dma source(%arg10 : memref<128x64xf32, #tpu.memory_space<vmem>>) target(%dma_start3A_470 : memref<10240x64xf32, #tpu.memory_space<vmem_shared>>) offsets(%dma_start3A_467 : memref<128xi32, #tpu.memory_space<vmem>>) semaphore(%arg14 : memref<!tpu.dma_semaphore, #tpu.memory_space<semaphore_mem>>) {add = true}
        %dma_wait3A_471 = arith.constant 14 : i32
        %dma_wait3A_472 = arith.constant 0 : i32
        %dma_wait3A_473 = tpu.memref_slice %arg8[%dma_wait3A_471, %dma_wait3A_472] : memref<16x128xi32, #tpu.memory_space<vmem>> -> memref<1x128xi32, #tpu.memory_space<vmem>>
        %dma_wait3A_474 = tpu.memref_squeeze %dma_wait3A_473 : memref<1x128xi32, #tpu.memory_space<vmem>> -> memref<128xi32, #tpu.memory_space<vmem>>
        %dma_wait3A_475 = arith.constant 0 : i32
        %dma_wait3A_476 = arith.constant 0 : i32
        %dma_wait3A_477 = tpu.memref_slice %arg7[%dma_wait3A_475, %dma_wait3A_476] : memref<10240x64xf32, #tpu.memory_space<vmem_shared>> -> memref<10240x64xf32, #tpu.memory_space<vmem_shared>>
        tpu.wait_indirect_dma semaphore(%arg14 : memref<!tpu.dma_semaphore, #tpu.memory_space<semaphore_mem>>) src(%arg12 : memref<128x64xf32, #tpu.memory_space<vmem>>) dst(%dma_wait3A_477 : memref<10240x64xf32, #tpu.memory_space<vmem_shared>>)
        %dma_wait3A_478 = arith.constant 15 : i32
        %dma_wait3A_479 = arith.constant 0 : i32
        %dma_wait3A_480 = tpu.memref_slice %arg8[%dma_wait3A_478, %dma_wait3A_479] : memref<16x128xi32, #tpu.memory_space<vmem>> -> memref<1x128xi32, #tpu.memory_space<vmem>>
        %dma_wait3A_481 = tpu.memref_squeeze %dma_wait3A_480 : memref<1x128xi32, #tpu.memory_space<vmem>> -> memref<128xi32, #tpu.memory_space<vmem>>
        %dma_wait3A_482 = arith.constant 0 : i32
        %dma_wait3A_483 = arith.constant 0 : i32
        %dma_wait3A_484 = tpu.memref_slice %arg7[%dma_wait3A_482, %dma_wait3A_483] : memref<10240x64xf32, #tpu.memory_space<vmem_shared>> -> memref<10240x64xf32, #tpu.memory_space<vmem_shared>>
        tpu.wait_indirect_dma semaphore(%arg14 : memref<!tpu.dma_semaphore, #tpu.memory_space<semaphore_mem>>) src(%arg10 : memref<128x64xf32, #tpu.memory_space<vmem>>) dst(%dma_wait3A_484 : memref<10240x64xf32, #tpu.memory_space<vmem_shared>>)
      }
      %scan3A_35 = arith.constant 10 : i32
    } else {
    }
    %eq3A_14 = arith.constant 1 : i32
    %eq3A_15 = arith.cmpi eq, %arg0, %eq3A_14 : i32
    %convert_element_type3A_16 = arith.extui %eq3A_15 : i1 to i32
    %cond3A_17 = arith.constant 0 : i32
    %cond3A_18 = arith.cmpi ne, %convert_element_type3A_16, %cond3A_17 : i32
    scf.if %cond3A_18 {
      %scan3A_30 = arith.constant 0 : i32
      %scan3A_31 = arith.constant 0 : i32
      %scan3A_32 = arith.constant 10 : i32
      %scan3A_33 = arith.addi %scan3A_31, %scan3A_32 : i32
      %scan3A_34 = arith.constant 1 : i32
      scf.for %scan3A_36 = %scan3A_31 to %scan3A_33 step %scan3A_34  : i32 {
        %mul3A = arith.constant 160 : i32
        %mul3A_37 = arith.muli %arg1, %mul3A : i32
        %mul3A_38 = arith.constant 16 : i32
        %mul3A_39 = arith.muli %scan3A_36, %mul3A_38 : i32
        %add3A = arith.addi %mul3A_37, %mul3A_39 : i32
        "tpu.region"() ({
          %run_scoped3A = tpu.sem_alloc : memref<!tpu.dma_semaphore, #tpu.memory_space<semaphore_mem>>
          %dma_start3A_485 = arith.constant 0 : i32
          %dma_start3A_486 = tpu.memref_slice %arg4[%add3A, %dma_start3A_485] : memref<2560x128xi32, #tpu.memory_space<hbm>> -> memref<16x128xi32, #tpu.memory_space<hbm>>
          %dma_start3A_487 = arith.constant 0 : i32
          %dma_start3A_488 = tpu.memref_slice %arg4[%add3A, %dma_start3A_487] : memref<2560x128xi32, #tpu.memory_space<hbm>> -> memref<16x128xi32, #tpu.memory_space<hbm>>
          tpu.enqueue_dma source(%dma_start3A_488 : memref<16x128xi32, #tpu.memory_space<hbm>>) target(%arg8 : memref<16x128xi32, #tpu.memory_space<vmem>>) target_semaphore(%run_scoped3A : memref<!tpu.dma_semaphore, #tpu.memory_space<semaphore_mem>>)
          %dma_wait3A_489 = arith.constant 0 : i32
          %dma_wait3A_490 = tpu.memref_slice %arg4[%add3A, %dma_wait3A_489] : memref<2560x128xi32, #tpu.memory_space<hbm>> -> memref<16x128xi32, #tpu.memory_space<hbm>>
          %dma_wait3A_491 = arith.constant 0 : i32
          %dma_wait3A_492 = tpu.memref_slice %arg4[%add3A, %dma_wait3A_491] : memref<2560x128xi32, #tpu.memory_space<hbm>> -> memref<16x128xi32, #tpu.memory_space<hbm>>
          tpu.wait_dma2 semaphore(%run_scoped3A : memref<!tpu.dma_semaphore, #tpu.memory_space<semaphore_mem>>) src(%dma_wait3A_492 : memref<16x128xi32, #tpu.memory_space<hbm>>) dst(%arg8 : memref<16x128xi32, #tpu.memory_space<vmem>>)
          tpu.yield
        }) : () -> ()
        %scan3A_40 = arith.constant 0 : i32
        %scan3A_41 = arith.constant 0 : i32
        %scan3A_42 = arith.constant 16 : i32
        %scan3A_43 = arith.addi %scan3A_41, %scan3A_42 : i32
        %scan3A_44 = arith.constant 1 : i32
        scf.for %scan3A_485 = %scan3A_41 to %scan3A_43 step %scan3A_44  : i32 {
          %get3A = arith.index_cast %scan3A_485 : i32 to index
          %get3A_486 = arith.constant 0 : index
          %get3A_487 = tpu.vector_load %arg8[%get3A, %get3A_486] {strides = array<i32>} : memref<16x128xi32, #tpu.memory_space<vmem>>, vector<16xi32>,
          %shift_right_logical3A = arith.constant 14 : i32
          %shift_right_logical3A_488 = vector.broadcast %shift_right_logical3A : i32 to vector<16xi32>
          %shift_right_logical3A_489 = arith.shrui %get3A_487, %shift_right_logical3A_488 : vector<16xi32>
          %swap3A = arith.index_cast %scan3A_485 : i32 to index
          %swap3A_490 = arith.constant 0 : index
          %swap3A_491 = tpu.vector_load %arg9[%swap3A, %swap3A_490] {strides = array<i32>} : memref<16x128xi32, #tpu.memory_space<vmem>>, vector<16xi32>,
          tpu.vector_store %arg9[%swap3A, %swap3A_490], %shift_right_logical3A_489 {strides = array<i32>} : memref<16x128xi32, #tpu.memory_space<vmem>>, vector<16xi32>,
          %and3A = arith.constant 16383 : i32
          %and3A_492 = vector.broadcast %and3A : i32 to vector<16xi32>
          %and3A_493 = arith.andi %get3A_487, %and3A_492 : vector<16xi32>
          %swap3A_494 = arith.index_cast %scan3A_485 : i32 to index
          %swap3A_495 = arith.constant 0 : index
          %swap3A_496 = tpu.vector_load %arg8[%swap3A_494, %swap3A_495] {strides = array<i32>} : memref<16x128xi32, #tpu.memory_space<vmem>>, vector<16xi32>,
          tpu.vector_store %arg8[%swap3A_494, %swap3A_495], %and3A_493 {strides = array<i32>} : memref<16x128xi32, #tpu.memory_space<vmem>>, vector<16xi32>,
          %get3A_497 = arith.index_cast %scan3A_485 : i32 to index
          %get3A_498 = arith.constant 16 : index
          %get3A_499 = tpu.vector_load %arg8[%get3A_497, %get3A_498] {strides = array<i32>} : memref<16x128xi32, #tpu.memory_space<vmem>>, vector<16xi32>,
          %shift_right_logical3A_500 = arith.constant 14 : i32
          %shift_right_logical3A_501 = vector.broadcast %shift_right_logical3A_500 : i32 to vector<16xi32>
          %shift_right_logical3A_502 = arith.shrui %get3A_499, %shift_right_logical3A_501 : vector<16xi32>
          %swap3A_503 = arith.index_cast %scan3A_485 : i32 to index
          %swap3A_504 = arith.constant 16 : index
          %swap3A_505 = tpu.vector_load %arg9[%swap3A_503, %swap3A_504] {strides = array<i32>} : memref<16x128xi32, #tpu.memory_space<vmem>>, vector<16xi32>,
          tpu.vector_store %arg9[%swap3A_503, %swap3A_504], %shift_right_logical3A_502 {strides = array<i32>} : memref<16x128xi32, #tpu.memory_space<vmem>>, vector<16xi32>,
          %and3A_506 = arith.constant 16383 : i32
          %and3A_507 = vector.broadcast %and3A_506 : i32 to vector<16xi32>
          %and3A_508 = arith.andi %get3A_499, %and3A_507 : vector<16xi32>
          %swap3A_509 = arith.index_cast %scan3A_485 : i32 to index
          %swap3A_510 = arith.constant 16 : index
          %swap3A_511 = tpu.vector_load %arg8[%swap3A_509, %swap3A_510] {strides = array<i32>} : memref<16x128xi32, #tpu.memory_space<vmem>>, vector<16xi32>,
          tpu.vector_store %arg8[%swap3A_509, %swap3A_510], %and3A_508 {strides = array<i32>} : memref<16x128xi32, #tpu.memory_space<vmem>>, vector<16xi32>,
          %get3A_512 = arith.index_cast %scan3A_485 : i32 to index
          %get3A_513 = arith.constant 32 : index
          %get3A_514 = tpu.vector_load %arg8[%get3A_512, %get3A_513] {strides = array<i32>} : memref<16x128xi32, #tpu.memory_space<vmem>>, vector<16xi32>,
          %shift_right_logical3A_515 = arith.constant 14 : i32
          %shift_right_logical3A_516 = vector.broadcast %shift_right_logical3A_515 : i32 to vector<16xi32>
          %shift_right_logical3A_517 = arith.shrui %get3A_514, %shift_right_logical3A_516 : vector<16xi32>
          %swap3A_518 = arith.index_cast %scan3A_485 : i32 to index
          %swap3A_519 = arith.constant 32 : index
          %swap3A_520 = tpu.vector_load %arg9[%swap3A_518, %swap3A_519] {strides = array<i32>} : memref<16x128xi32, #tpu.memory_space<vmem>>, vector<16xi32>,
          tpu.vector_store %arg9[%swap3A_518, %swap3A_519], %shift_right_logical3A_517 {strides = array<i32>} : memref<16x128xi32, #tpu.memory_space<vmem>>, vector<16xi32>,
          %and3A_521 = arith.constant 16383 : i32
          %and3A_522 = vector.broadcast %and3A_521 : i32 to vector<16xi32>
          %and3A_523 = arith.andi %get3A_514, %and3A_522 : vector<16xi32>
          %swap3A_524 = arith.index_cast %scan3A_485 : i32 to index
          %swap3A_525 = arith.constant 32 : index
          %swap3A_526 = tpu.vector_load %arg8[%swap3A_524, %swap3A_525] {strides = array<i32>} : memref<16x128xi32, #tpu.memory_space<vmem>>, vector<16xi32>,
          tpu.vector_store %arg8[%swap3A_524, %swap3A_525], %and3A_523 {strides = array<i32>} : memref<16x128xi32, #tpu.memory_space<vmem>>, vector<16xi32>,
          %get3A_527 = arith.index_cast %scan3A_485 : i32 to index
          %get3A_528 = arith.constant 48 : index
          %get3A_529 = tpu.vector_load %arg8[%get3A_527, %get3A_528] {strides = array<i32>} : memref<16x128xi32, #tpu.memory_space<vmem>>, vector<16xi32>,
          %shift_right_logical3A_530 = arith.constant 14 : i32
          %shift_right_logical3A_531 = vector.broadcast %shift_right_logical3A_530 : i32 to vector<16xi32>
          %shift_right_logical3A_532 = arith.shrui %get3A_529, %shift_right_logical3A_531 : vector<16xi32>
          %swap3A_533 = arith.index_cast %scan3A_485 : i32 to index
          %swap3A_534 = arith.constant 48 : index
          %swap3A_535 = tpu.vector_load %arg9[%swap3A_533, %swap3A_534] {strides = array<i32>} : memref<16x128xi32, #tpu.memory_space<vmem>>, vector<16xi32>,
          tpu.vector_store %arg9[%swap3A_533, %swap3A_534], %shift_right_logical3A_532 {strides = array<i32>} : memref<16x128xi32, #tpu.memory_space<vmem>>, vector<16xi32>,
          %and3A_536 = arith.constant 16383 : i32
          %and3A_537 = vector.broadcast %and3A_536 : i32 to vector<16xi32>
          %and3A_538 = arith.andi %get3A_529, %and3A_537 : vector<16xi32>
          %swap3A_539 = arith.index_cast %scan3A_485 : i32 to index
          %swap3A_540 = arith.constant 48 : index
          %swap3A_541 = tpu.vector_load %arg8[%swap3A_539, %swap3A_540] {strides = array<i32>} : memref<16x128xi32, #tpu.memory_space<vmem>>, vector<16xi32>,
          tpu.vector_store %arg8[%swap3A_539, %swap3A_540], %and3A_538 {strides = array<i32>} : memref<16x128xi32, #tpu.memory_space<vmem>>, vector<16xi32>,
          %get3A_542 = arith.index_cast %scan3A_485 : i32 to index
          %get3A_543 = arith.constant 64 : index
          %get3A_544 = tpu.vector_load %arg8[%get3A_542, %get3A_543] {strides = array<i32>} : memref<16x128xi32, #tpu.memory_space<vmem>>, vector<16xi32>,
          %shift_right_logical3A_545 = arith.constant 14 : i32
          %shift_right_logical3A_546 = vector.broadcast %shift_right_logical3A_545 : i32 to vector<16xi32>
          %shift_right_logical3A_547 = arith.shrui %get3A_544, %shift_right_logical3A_546 : vector<16xi32>
          %swap3A_548 = arith.index_cast %scan3A_485 : i32 to index
          %swap3A_549 = arith.constant 64 : index
          %swap3A_550 = tpu.vector_load %arg9[%swap3A_548, %swap3A_549] {strides = array<i32>} : memref<16x128xi32, #tpu.memory_space<vmem>>, vector<16xi32>,
          tpu.vector_store %arg9[%swap3A_548, %swap3A_549], %shift_right_logical3A_547 {strides = array<i32>} : memref<16x128xi32, #tpu.memory_space<vmem>>, vector<16xi32>,
          %and3A_551 = arith.constant 16383 : i32
          %and3A_552 = vector.broadcast %and3A_551 : i32 to vector<16xi32>
          %and3A_553 = arith.andi %get3A_544, %and3A_552 : vector<16xi32>
          %swap3A_554 = arith.index_cast %scan3A_485 : i32 to index
          %swap3A_555 = arith.constant 64 : index
          %swap3A_556 = tpu.vector_load %arg8[%swap3A_554, %swap3A_555] {strides = array<i32>} : memref<16x128xi32, #tpu.memory_space<vmem>>, vector<16xi32>,
          tpu.vector_store %arg8[%swap3A_554, %swap3A_555], %and3A_553 {strides = array<i32>} : memref<16x128xi32, #tpu.memory_space<vmem>>, vector<16xi32>,
          %get3A_557 = arith.index_cast %scan3A_485 : i32 to index
          %get3A_558 = arith.constant 80 : index
          %get3A_559 = tpu.vector_load %arg8[%get3A_557, %get3A_558] {strides = array<i32>} : memref<16x128xi32, #tpu.memory_space<vmem>>, vector<16xi32>,
          %shift_right_logical3A_560 = arith.constant 14 : i32
          %shift_right_logical3A_561 = vector.broadcast %shift_right_logical3A_560 : i32 to vector<16xi32>
          %shift_right_logical3A_562 = arith.shrui %get3A_559, %shift_right_logical3A_561 : vector<16xi32>
          %swap3A_563 = arith.index_cast %scan3A_485 : i32 to index
          %swap3A_564 = arith.constant 80 : index
          %swap3A_565 = tpu.vector_load %arg9[%swap3A_563, %swap3A_564] {strides = array<i32>} : memref<16x128xi32, #tpu.memory_space<vmem>>, vector<16xi32>,
          tpu.vector_store %arg9[%swap3A_563, %swap3A_564], %shift_right_logical3A_562 {strides = array<i32>} : memref<16x128xi32, #tpu.memory_space<vmem>>, vector<16xi32>,
          %and3A_566 = arith.constant 16383 : i32
          %and3A_567 = vector.broadcast %and3A_566 : i32 to vector<16xi32>
          %and3A_568 = arith.andi %get3A_559, %and3A_567 : vector<16xi32>
          %swap3A_569 = arith.index_cast %scan3A_485 : i32 to index
          %swap3A_570 = arith.constant 80 : index
          %swap3A_571 = tpu.vector_load %arg8[%swap3A_569, %swap3A_570] {strides = array<i32>} : memref<16x128xi32, #tpu.memory_space<vmem>>, vector<16xi32>,
          tpu.vector_store %arg8[%swap3A_569, %swap3A_570], %and3A_568 {strides = array<i32>} : memref<16x128xi32, #tpu.memory_space<vmem>>, vector<16xi32>,
          %get3A_572 = arith.index_cast %scan3A_485 : i32 to index
          %get3A_573 = arith.constant 96 : index
          %get3A_574 = tpu.vector_load %arg8[%get3A_572, %get3A_573] {strides = array<i32>} : memref<16x128xi32, #tpu.memory_space<vmem>>, vector<16xi32>,
          %shift_right_logical3A_575 = arith.constant 14 : i32
          %shift_right_logical3A_576 = vector.broadcast %shift_right_logical3A_575 : i32 to vector<16xi32>
          %shift_right_logical3A_577 = arith.shrui %get3A_574, %shift_right_logical3A_576 : vector<16xi32>
          %swap3A_578 = arith.index_cast %scan3A_485 : i32 to index
          %swap3A_579 = arith.constant 96 : index
          %swap3A_580 = tpu.vector_load %arg9[%swap3A_578, %swap3A_579] {strides = array<i32>} : memref<16x128xi32, #tpu.memory_space<vmem>>, vector<16xi32>,
          tpu.vector_store %arg9[%swap3A_578, %swap3A_579], %shift_right_logical3A_577 {strides = array<i32>} : memref<16x128xi32, #tpu.memory_space<vmem>>, vector<16xi32>,
          %and3A_581 = arith.constant 16383 : i32
          %and3A_582 = vector.broadcast %and3A_581 : i32 to vector<16xi32>
          %and3A_583 = arith.andi %get3A_574, %and3A_582 : vector<16xi32>
          %swap3A_584 = arith.index_cast %scan3A_485 : i32 to index
          %swap3A_585 = arith.constant 96 : index
          %swap3A_586 = tpu.vector_load %arg8[%swap3A_584, %swap3A_585] {strides = array<i32>} : memref<16x128xi32, #tpu.memory_space<vmem>>, vector<16xi32>,
          tpu.vector_store %arg8[%swap3A_584, %swap3A_585], %and3A_583 {strides = array<i32>} : memref<16x128xi32, #tpu.memory_space<vmem>>, vector<16xi32>,
          %get3A_587 = arith.index_cast %scan3A_485 : i32 to index
          %get3A_588 = arith.constant 112 : index
          %get3A_589 = tpu.vector_load %arg8[%get3A_587, %get3A_588] {strides = array<i32>} : memref<16x128xi32, #tpu.memory_space<vmem>>, vector<16xi32>,
          %shift_right_logical3A_590 = arith.constant 14 : i32
          %shift_right_logical3A_591 = vector.broadcast %shift_right_logical3A_590 : i32 to vector<16xi32>
          %shift_right_logical3A_592 = arith.shrui %get3A_589, %shift_right_logical3A_591 : vector<16xi32>
          %swap3A_593 = arith.index_cast %scan3A_485 : i32 to index
          %swap3A_594 = arith.constant 112 : index
          %swap3A_595 = tpu.vector_load %arg9[%swap3A_593, %swap3A_594] {strides = array<i32>} : memref<16x128xi32, #tpu.memory_space<vmem>>, vector<16xi32>,
          tpu.vector_store %arg9[%swap3A_593, %swap3A_594], %shift_right_logical3A_592 {strides = array<i32>} : memref<16x128xi32, #tpu.memory_space<vmem>>, vector<16xi32>,
          %and3A_596 = arith.constant 16383 : i32
          %and3A_597 = vector.broadcast %and3A_596 : i32 to vector<16xi32>
          %and3A_598 = arith.andi %get3A_589, %and3A_597 : vector<16xi32>
          %swap3A_599 = arith.index_cast %scan3A_485 : i32 to index
          %swap3A_600 = arith.constant 112 : index
          %swap3A_601 = tpu.vector_load %arg8[%swap3A_599, %swap3A_600] {strides = array<i32>} : memref<16x128xi32, #tpu.memory_space<vmem>>, vector<16xi32>,
          tpu.vector_store %arg8[%swap3A_599, %swap3A_600], %and3A_598 {strides = array<i32>} : memref<16x128xi32, #tpu.memory_space<vmem>>, vector<16xi32>,
        }
        %scan3A_45 = arith.constant 16 : i32
        %dma_start3A = arith.constant 0 : i32
        %dma_start3A_46 = arith.constant 0 : i32
        %dma_start3A_47 = tpu.memref_slice %arg9[%dma_start3A, %dma_start3A_46] : memref<16x128xi32, #tpu.memory_space<vmem>> -> memref<1x128xi32, #tpu.memory_space<vmem>>
        %dma_start3A_48 = tpu.memref_squeeze %dma_start3A_47 : memref<1x128xi32, #tpu.memory_space<vmem>> -> memref<128xi32, #tpu.memory_space<vmem>>
        %dma_start3A_49 = arith.constant 0 : i32
        %dma_start3A_50 = arith.constant 0 : i32
        %dma_start3A_51 = tpu.memref_slice %arg3[%dma_start3A_49, %dma_start3A_50] : memref<20096x64xf32, #tpu.memory_space<hbm>> -> memref<20096x64xf32, #tpu.memory_space<hbm>>
        tpu.enqueue_indirect_dma source(%dma_start3A_51 : memref<20096x64xf32, #tpu.memory_space<hbm>>) target(%arg10 : memref<128x64xf32, #tpu.memory_space<vmem>>) offsets(%dma_start3A_48 : memref<128xi32, #tpu.memory_space<vmem>>) semaphore(%arg13 : memref<!tpu.dma_semaphore, #tpu.memory_space<semaphore_mem>>)
        %dma_start3A_52 = arith.constant 1 : i32
        %dma_start3A_53 = arith.constant 0 : i32
        %dma_start3A_54 = tpu.memref_slice %arg9[%dma_start3A_52, %dma_start3A_53] : memref<16x128xi32, #tpu.memory_space<vmem>> -> memref<1x128xi32, #tpu.memory_space<vmem>>
        %dma_start3A_55 = tpu.memref_squeeze %dma_start3A_54 : memref<1x128xi32, #tpu.memory_space<vmem>> -> memref<128xi32, #tpu.memory_space<vmem>>
        %dma_start3A_56 = arith.constant 0 : i32
        %dma_start3A_57 = arith.constant 0 : i32
        %dma_start3A_58 = tpu.memref_slice %arg3[%dma_start3A_56, %dma_start3A_57] : memref<20096x64xf32, #tpu.memory_space<hbm>> -> memref<20096x64xf32, #tpu.memory_space<hbm>>
        tpu.enqueue_indirect_dma source(%dma_start3A_58 : memref<20096x64xf32, #tpu.memory_space<hbm>>) target(%arg11 : memref<128x64xf32, #tpu.memory_space<vmem>>) offsets(%dma_start3A_55 : memref<128xi32, #tpu.memory_space<vmem>>) semaphore(%arg13 : memref<!tpu.dma_semaphore, #tpu.memory_space<semaphore_mem>>)
        %dma_wait3A = arith.constant 0 : i32
        %dma_wait3A_59 = arith.constant 0 : i32
        %dma_wait3A_60 = tpu.memref_slice %arg9[%dma_wait3A, %dma_wait3A_59] : memref<16x128xi32, #tpu.memory_space<vmem>> -> memref<1x128xi32, #tpu.memory_space<vmem>>
        %dma_wait3A_61 = tpu.memref_squeeze %dma_wait3A_60 : memref<1x128xi32, #tpu.memory_space<vmem>> -> memref<128xi32, #tpu.memory_space<vmem>>
        %dma_wait3A_62 = arith.constant 0 : i32
        %dma_wait3A_63 = arith.constant 0 : i32
        %dma_wait3A_64 = tpu.memref_slice %arg3[%dma_wait3A_62, %dma_wait3A_63] : memref<20096x64xf32, #tpu.memory_space<hbm>> -> memref<20096x64xf32, #tpu.memory_space<hbm>>
        tpu.wait_indirect_dma semaphore(%arg13 : memref<!tpu.dma_semaphore, #tpu.memory_space<semaphore_mem>>) src(%dma_wait3A_64 : memref<20096x64xf32, #tpu.memory_space<hbm>>) dst(%arg10 : memref<128x64xf32, #tpu.memory_space<vmem>>)
        %dma_start3A_65 = arith.constant 0 : i32
        %dma_start3A_66 = arith.constant 0 : i32
        %dma_start3A_67 = tpu.memref_slice %arg8[%dma_start3A_65, %dma_start3A_66] : memref<16x128xi32, #tpu.memory_space<vmem>> -> memref<1x128xi32, #tpu.memory_space<vmem>>
        %dma_start3A_68 = tpu.memref_squeeze %dma_start3A_67 : memref<1x128xi32, #tpu.memory_space<vmem>> -> memref<128xi32, #tpu.memory_space<vmem>>
        %dma_start3A_69 = arith.constant 0 : i32
        %dma_start3A_70 = arith.constant 0 : i32
        %dma_start3A_71 = tpu.memref_slice %arg7[%dma_start3A_69, %dma_start3A_70] : memref<10240x64xf32, #tpu.memory_space<vmem_shared>> -> memref<10240x64xf32, #tpu.memory_space<vmem_shared>>
        tpu.enqueue_indirect_dma source(%arg10 : memref<128x64xf32, #tpu.memory_space<vmem>>) target(%dma_start3A_71 : memref<10240x64xf32, #tpu.memory_space<vmem_shared>>) offsets(%dma_start3A_68 : memref<128xi32, #tpu.memory_space<vmem>>) semaphore(%arg14 : memref<!tpu.dma_semaphore, #tpu.memory_space<semaphore_mem>>) {add = true}
        %dma_start3A_72 = arith.constant 2 : i32
        %dma_start3A_73 = arith.constant 0 : i32
        %dma_start3A_74 = tpu.memref_slice %arg9[%dma_start3A_72, %dma_start3A_73] : memref<16x128xi32, #tpu.memory_space<vmem>> -> memref<1x128xi32, #tpu.memory_space<vmem>>
        %dma_start3A_75 = tpu.memref_squeeze %dma_start3A_74 : memref<1x128xi32, #tpu.memory_space<vmem>> -> memref<128xi32, #tpu.memory_space<vmem>>
        %dma_start3A_76 = arith.constant 0 : i32
        %dma_start3A_77 = arith.constant 0 : i32
        %dma_start3A_78 = tpu.memref_slice %arg3[%dma_start3A_76, %dma_start3A_77] : memref<20096x64xf32, #tpu.memory_space<hbm>> -> memref<20096x64xf32, #tpu.memory_space<hbm>>
        tpu.enqueue_indirect_dma source(%dma_start3A_78 : memref<20096x64xf32, #tpu.memory_space<hbm>>) target(%arg12 : memref<128x64xf32, #tpu.memory_space<vmem>>) offsets(%dma_start3A_75 : memref<128xi32, #tpu.memory_space<vmem>>) semaphore(%arg13 : memref<!tpu.dma_semaphore, #tpu.memory_space<semaphore_mem>>)
        %dma_wait3A_79 = arith.constant 1 : i32
        %dma_wait3A_80 = arith.constant 0 : i32
        %dma_wait3A_81 = tpu.memref_slice %arg9[%dma_wait3A_79, %dma_wait3A_80] : memref<16x128xi32, #tpu.memory_space<vmem>> -> memref<1x128xi32, #tpu.memory_space<vmem>>
        %dma_wait3A_82 = tpu.memref_squeeze %dma_wait3A_81 : memref<1x128xi32, #tpu.memory_space<vmem>> -> memref<128xi32, #tpu.memory_space<vmem>>
        %dma_wait3A_83 = arith.constant 0 : i32
        %dma_wait3A_84 = arith.constant 0 : i32
        %dma_wait3A_85 = tpu.memref_slice %arg3[%dma_wait3A_83, %dma_wait3A_84] : memref<20096x64xf32, #tpu.memory_space<hbm>> -> memref<20096x64xf32, #tpu.memory_space<hbm>>
        tpu.wait_indirect_dma semaphore(%arg13 : memref<!tpu.dma_semaphore, #tpu.memory_space<semaphore_mem>>) src(%dma_wait3A_85 : memref<20096x64xf32, #tpu.memory_space<hbm>>) dst(%arg11 : memref<128x64xf32, #tpu.memory_space<vmem>>)
        %dma_start3A_86 = arith.constant 1 : i32
        %dma_start3A_87 = arith.constant 0 : i32
        %dma_start3A_88 = tpu.memref_slice %arg8[%dma_start3A_86, %dma_start3A_87] : memref<16x128xi32, #tpu.memory_space<vmem>> -> memref<1x128xi32, #tpu.memory_space<vmem>>
        %dma_start3A_89 = tpu.memref_squeeze %dma_start3A_88 : memref<1x128xi32, #tpu.memory_space<vmem>> -> memref<128xi32, #tpu.memory_space<vmem>>
        %dma_start3A_90 = arith.constant 0 : i32
        %dma_start3A_91 = arith.constant 0 : i32
        %dma_start3A_92 = tpu.memref_slice %arg7[%dma_start3A_90, %dma_start3A_91] : memref<10240x64xf32, #tpu.memory_space<vmem_shared>> -> memref<10240x64xf32, #tpu.memory_space<vmem_shared>>
        tpu.enqueue_indirect_dma source(%arg11 : memref<128x64xf32, #tpu.memory_space<vmem>>) target(%dma_start3A_92 : memref<10240x64xf32, #tpu.memory_space<vmem_shared>>) offsets(%dma_start3A_89 : memref<128xi32, #tpu.memory_space<vmem>>) semaphore(%arg14 : memref<!tpu.dma_semaphore, #tpu.memory_space<semaphore_mem>>) {add = true}
        %dma_wait3A_93 = arith.constant 0 : i32
        %dma_wait3A_94 = arith.constant 0 : i32
        %dma_wait3A_95 = tpu.memref_slice %arg8[%dma_wait3A_93, %dma_wait3A_94] : memref<16x128xi32, #tpu.memory_space<vmem>> -> memref<1x128xi32, #tpu.memory_space<vmem>>
        %dma_wait3A_96 = tpu.memref_squeeze %dma_wait3A_95 : memref<1x128xi32, #tpu.memory_space<vmem>> -> memref<128xi32, #tpu.memory_space<vmem>>
        %dma_wait3A_97 = arith.constant 0 : i32
        %dma_wait3A_98 = arith.constant 0 : i32
        %dma_wait3A_99 = tpu.memref_slice %arg7[%dma_wait3A_97, %dma_wait3A_98] : memref<10240x64xf32, #tpu.memory_space<vmem_shared>> -> memref<10240x64xf32, #tpu.memory_space<vmem_shared>>
        tpu.wait_indirect_dma semaphore(%arg14 : memref<!tpu.dma_semaphore, #tpu.memory_space<semaphore_mem>>) src(%arg10 : memref<128x64xf32, #tpu.memory_space<vmem>>) dst(%dma_wait3A_99 : memref<10240x64xf32, #tpu.memory_space<vmem_shared>>)
        %dma_start3A_100 = arith.constant 3 : i32
        %dma_start3A_101 = arith.constant 0 : i32
        %dma_start3A_102 = tpu.memref_slice %arg9[%dma_start3A_100, %dma_start3A_101] : memref<16x128xi32, #tpu.memory_space<vmem>> -> memref<1x128xi32, #tpu.memory_space<vmem>>
        %dma_start3A_103 = tpu.memref_squeeze %dma_start3A_102 : memref<1x128xi32, #tpu.memory_space<vmem>> -> memref<128xi32, #tpu.memory_space<vmem>>
        %dma_start3A_104 = arith.constant 0 : i32
        %dma_start3A_105 = arith.constant 0 : i32
        %dma_start3A_106 = tpu.memref_slice %arg3[%dma_start3A_104, %dma_start3A_105] : memref<20096x64xf32, #tpu.memory_space<hbm>> -> memref<20096x64xf32, #tpu.memory_space<hbm>>
        tpu.enqueue_indirect_dma source(%dma_start3A_106 : memref<20096x64xf32, #tpu.memory_space<hbm>>) target(%arg10 : memref<128x64xf32, #tpu.memory_space<vmem>>) offsets(%dma_start3A_103 : memref<128xi32, #tpu.memory_space<vmem>>) semaphore(%arg13 : memref<!tpu.dma_semaphore, #tpu.memory_space<semaphore_mem>>)
        %dma_wait3A_107 = arith.constant 2 : i32
        %dma_wait3A_108 = arith.constant 0 : i32
        %dma_wait3A_109 = tpu.memref_slice %arg9[%dma_wait3A_107, %dma_wait3A_108] : memref<16x128xi32, #tpu.memory_space<vmem>> -> memref<1x128xi32, #tpu.memory_space<vmem>>
        %dma_wait3A_110 = tpu.memref_squeeze %dma_wait3A_109 : memref<1x128xi32, #tpu.memory_space<vmem>> -> memref<128xi32, #tpu.memory_space<vmem>>
        %dma_wait3A_111 = arith.constant 0 : i32
        %dma_wait3A_112 = arith.constant 0 : i32
        %dma_wait3A_113 = tpu.memref_slice %arg3[%dma_wait3A_111, %dma_wait3A_112] : memref<20096x64xf32, #tpu.memory_space<hbm>> -> memref<20096x64xf32, #tpu.memory_space<hbm>>
        tpu.wait_indirect_dma semaphore(%arg13 : memref<!tpu.dma_semaphore, #tpu.memory_space<semaphore_mem>>) src(%dma_wait3A_113 : memref<20096x64xf32, #tpu.memory_space<hbm>>) dst(%arg12 : memref<128x64xf32, #tpu.memory_space<vmem>>)
        %dma_start3A_114 = arith.constant 2 : i32
        %dma_start3A_115 = arith.constant 0 : i32
        %dma_start3A_116 = tpu.memref_slice %arg8[%dma_start3A_114, %dma_start3A_115] : memref<16x128xi32, #tpu.memory_space<vmem>> -> memref<1x128xi32, #tpu.memory_space<vmem>>
        %dma_start3A_117 = tpu.memref_squeeze %dma_start3A_116 : memref<1x128xi32, #tpu.memory_space<vmem>> -> memref<128xi32, #tpu.memory_space<vmem>>
        %dma_start3A_118 = arith.constant 0 : i32
        %dma_start3A_119 = arith.constant 0 : i32
        %dma_start3A_120 = tpu.memref_slice %arg7[%dma_start3A_118, %dma_start3A_119] : memref<10240x64xf32, #tpu.memory_space<vmem_shared>> -> memref<10240x64xf32, #tpu.memory_space<vmem_shared>>
        tpu.enqueue_indirect_dma source(%arg12 : memref<128x64xf32, #tpu.memory_space<vmem>>) target(%dma_start3A_120 : memref<10240x64xf32, #tpu.memory_space<vmem_shared>>) offsets(%dma_start3A_117 : memref<128xi32, #tpu.memory_space<vmem>>) semaphore(%arg14 : memref<!tpu.dma_semaphore, #tpu.memory_space<semaphore_mem>>) {add = true}
        %dma_wait3A_121 = arith.constant 1 : i32
        %dma_wait3A_122 = arith.constant 0 : i32
        %dma_wait3A_123 = tpu.memref_slice %arg8[%dma_wait3A_121, %dma_wait3A_122] : memref<16x128xi32, #tpu.memory_space<vmem>> -> memref<1x128xi32, #tpu.memory_space<vmem>>
        %dma_wait3A_124 = tpu.memref_squeeze %dma_wait3A_123 : memref<1x128xi32, #tpu.memory_space<vmem>> -> memref<128xi32, #tpu.memory_space<vmem>>
        %dma_wait3A_125 = arith.constant 0 : i32
        %dma_wait3A_126 = arith.constant 0 : i32
        %dma_wait3A_127 = tpu.memref_slice %arg7[%dma_wait3A_125, %dma_wait3A_126] : memref<10240x64xf32, #tpu.memory_space<vmem_shared>> -> memref<10240x64xf32, #tpu.memory_space<vmem_shared>>
        tpu.wait_indirect_dma semaphore(%arg14 : memref<!tpu.dma_semaphore, #tpu.memory_space<semaphore_mem>>) src(%arg11 : memref<128x64xf32, #tpu.memory_space<vmem>>) dst(%dma_wait3A_127 : memref<10240x64xf32, #tpu.memory_space<vmem_shared>>)
        %dma_start3A_128 = arith.constant 4 : i32
        %dma_start3A_129 = arith.constant 0 : i32
        %dma_start3A_130 = tpu.memref_slice %arg9[%dma_start3A_128, %dma_start3A_129] : memref<16x128xi32, #tpu.memory_space<vmem>> -> memref<1x128xi32, #tpu.memory_space<vmem>>
        %dma_start3A_131 = tpu.memref_squeeze %dma_start3A_130 : memref<1x128xi32, #tpu.memory_space<vmem>> -> memref<128xi32, #tpu.memory_space<vmem>>
        %dma_start3A_132 = arith.constant 0 : i32
        %dma_start3A_133 = arith.constant 0 : i32
        %dma_start3A_134 = tpu.memref_slice %arg3[%dma_start3A_132, %dma_start3A_133] : memref<20096x64xf32, #tpu.memory_space<hbm>> -> memref<20096x64xf32, #tpu.memory_space<hbm>>
        tpu.enqueue_indirect_dma source(%dma_start3A_134 : memref<20096x64xf32, #tpu.memory_space<hbm>>) target(%arg11 : memref<128x64xf32, #tpu.memory_space<vmem>>) offsets(%dma_start3A_131 : memref<128xi32, #tpu.memory_space<vmem>>) semaphore(%arg13 : memref<!tpu.dma_semaphore, #tpu.memory_space<semaphore_mem>>)
        %dma_wait3A_135 = arith.constant 3 : i32
        %dma_wait3A_136 = arith.constant 0 : i32
        %dma_wait3A_137 = tpu.memref_slice %arg9[%dma_wait3A_135, %dma_wait3A_136] : memref<16x128xi32, #tpu.memory_space<vmem>> -> memref<1x128xi32, #tpu.memory_space<vmem>>
        %dma_wait3A_138 = tpu.memref_squeeze %dma_wait3A_137 : memref<1x128xi32, #tpu.memory_space<vmem>> -> memref<128xi32, #tpu.memory_space<vmem>>
        %dma_wait3A_139 = arith.constant 0 : i32
        %dma_wait3A_140 = arith.constant 0 : i32
        %dma_wait3A_141 = tpu.memref_slice %arg3[%dma_wait3A_139, %dma_wait3A_140] : memref<20096x64xf32, #tpu.memory_space<hbm>> -> memref<20096x64xf32, #tpu.memory_space<hbm>>
        tpu.wait_indirect_dma semaphore(%arg13 : memref<!tpu.dma_semaphore, #tpu.memory_space<semaphore_mem>>) src(%dma_wait3A_141 : memref<20096x64xf32, #tpu.memory_space<hbm>>) dst(%arg10 : memref<128x64xf32, #tpu.memory_space<vmem>>)
        %dma_start3A_142 = arith.constant 3 : i32
        %dma_start3A_143 = arith.constant 0 : i32
        %dma_start3A_144 = tpu.memref_slice %arg8[%dma_start3A_142, %dma_start3A_143] : memref<16x128xi32, #tpu.memory_space<vmem>> -> memref<1x128xi32, #tpu.memory_space<vmem>>
        %dma_start3A_145 = tpu.memref_squeeze %dma_start3A_144 : memref<1x128xi32, #tpu.memory_space<vmem>> -> memref<128xi32, #tpu.memory_space<vmem>>
        %dma_start3A_146 = arith.constant 0 : i32
        %dma_start3A_147 = arith.constant 0 : i32
        %dma_start3A_148 = tpu.memref_slice %arg7[%dma_start3A_146, %dma_start3A_147] : memref<10240x64xf32, #tpu.memory_space<vmem_shared>> -> memref<10240x64xf32, #tpu.memory_space<vmem_shared>>
        tpu.enqueue_indirect_dma source(%arg10 : memref<128x64xf32, #tpu.memory_space<vmem>>) target(%dma_start3A_148 : memref<10240x64xf32, #tpu.memory_space<vmem_shared>>) offsets(%dma_start3A_145 : memref<128xi32, #tpu.memory_space<vmem>>) semaphore(%arg14 : memref<!tpu.dma_semaphore, #tpu.memory_space<semaphore_mem>>) {add = true}
        %dma_wait3A_149 = arith.constant 2 : i32
        %dma_wait3A_150 = arith.constant 0 : i32
        %dma_wait3A_151 = tpu.memref_slice %arg8[%dma_wait3A_149, %dma_wait3A_150] : memref<16x128xi32, #tpu.memory_space<vmem>> -> memref<1x128xi32, #tpu.memory_space<vmem>>
        %dma_wait3A_152 = tpu.memref_squeeze %dma_wait3A_151 : memref<1x128xi32, #tpu.memory_space<vmem>> -> memref<128xi32, #tpu.memory_space<vmem>>
        %dma_wait3A_153 = arith.constant 0 : i32
        %dma_wait3A_154 = arith.constant 0 : i32
        %dma_wait3A_155 = tpu.memref_slice %arg7[%dma_wait3A_153, %dma_wait3A_154] : memref<10240x64xf32, #tpu.memory_space<vmem_shared>> -> memref<10240x64xf32, #tpu.memory_space<vmem_shared>>
        tpu.wait_indirect_dma semaphore(%arg14 : memref<!tpu.dma_semaphore, #tpu.memory_space<semaphore_mem>>) src(%arg12 : memref<128x64xf32, #tpu.memory_space<vmem>>) dst(%dma_wait3A_155 : memref<10240x64xf32, #tpu.memory_space<vmem_shared>>)
        %dma_start3A_156 = arith.constant 5 : i32
        %dma_start3A_157 = arith.constant 0 : i32
        %dma_start3A_158 = tpu.memref_slice %arg9[%dma_start3A_156, %dma_start3A_157] : memref<16x128xi32, #tpu.memory_space<vmem>> -> memref<1x128xi32, #tpu.memory_space<vmem>>
        %dma_start3A_159 = tpu.memref_squeeze %dma_start3A_158 : memref<1x128xi32, #tpu.memory_space<vmem>> -> memref<128xi32, #tpu.memory_space<vmem>>
        %dma_start3A_160 = arith.constant 0 : i32
        %dma_start3A_161 = arith.constant 0 : i32
        %dma_start3A_162 = tpu.memref_slice %arg3[%dma_start3A_160, %dma_start3A_161] : memref<20096x64xf32, #tpu.memory_space<hbm>> -> memref<20096x64xf32, #tpu.memory_space<hbm>>
        tpu.enqueue_indirect_dma source(%dma_start3A_162 : memref<20096x64xf32, #tpu.memory_space<hbm>>) target(%arg12 : memref<128x64xf32, #tpu.memory_space<vmem>>) offsets(%dma_start3A_159 : memref<128xi32, #tpu.memory_space<vmem>>) semaphore(%arg13 : memref<!tpu.dma_semaphore, #tpu.memory_space<semaphore_mem>>)
        %dma_wait3A_163 = arith.constant 4 : i32
        %dma_wait3A_164 = arith.constant 0 : i32
        %dma_wait3A_165 = tpu.memref_slice %arg9[%dma_wait3A_163, %dma_wait3A_164] : memref<16x128xi32, #tpu.memory_space<vmem>> -> memref<1x128xi32, #tpu.memory_space<vmem>>
        %dma_wait3A_166 = tpu.memref_squeeze %dma_wait3A_165 : memref<1x128xi32, #tpu.memory_space<vmem>> -> memref<128xi32, #tpu.memory_space<vmem>>
        %dma_wait3A_167 = arith.constant 0 : i32
        %dma_wait3A_168 = arith.constant 0 : i32
        %dma_wait3A_169 = tpu.memref_slice %arg3[%dma_wait3A_167, %dma_wait3A_168] : memref<20096x64xf32, #tpu.memory_space<hbm>> -> memref<20096x64xf32, #tpu.memory_space<hbm>>
        tpu.wait_indirect_dma semaphore(%arg13 : memref<!tpu.dma_semaphore, #tpu.memory_space<semaphore_mem>>) src(%dma_wait3A_169 : memref<20096x64xf32, #tpu.memory_space<hbm>>) dst(%arg11 : memref<128x64xf32, #tpu.memory_space<vmem>>)
        %dma_start3A_170 = arith.constant 4 : i32
        %dma_start3A_171 = arith.constant 0 : i32
        %dma_start3A_172 = tpu.memref_slice %arg8[%dma_start3A_170, %dma_start3A_171] : memref<16x128xi32, #tpu.memory_space<vmem>> -> memref<1x128xi32, #tpu.memory_space<vmem>>
        %dma_start3A_173 = tpu.memref_squeeze %dma_start3A_172 : memref<1x128xi32, #tpu.memory_space<vmem>> -> memref<128xi32, #tpu.memory_space<vmem>>
        %dma_start3A_174 = arith.constant 0 : i32
        %dma_start3A_175 = arith.constant 0 : i32
        %dma_start3A_176 = tpu.memref_slice %arg7[%dma_start3A_174, %dma_start3A_175] : memref<10240x64xf32, #tpu.memory_space<vmem_shared>> -> memref<10240x64xf32, #tpu.memory_space<vmem_shared>>
        tpu.enqueue_indirect_dma source(%arg11 : memref<128x64xf32, #tpu.memory_space<vmem>>) target(%dma_start3A_176 : memref<10240x64xf32, #tpu.memory_space<vmem_shared>>) offsets(%dma_start3A_173 : memref<128xi32, #tpu.memory_space<vmem>>) semaphore(%arg14 : memref<!tpu.dma_semaphore, #tpu.memory_space<semaphore_mem>>) {add = true}
        %dma_wait3A_177 = arith.constant 3 : i32
        %dma_wait3A_178 = arith.constant 0 : i32
        %dma_wait3A_179 = tpu.memref_slice %arg8[%dma_wait3A_177, %dma_wait3A_178] : memref<16x128xi32, #tpu.memory_space<vmem>> -> memref<1x128xi32, #tpu.memory_space<vmem>>
        %dma_wait3A_180 = tpu.memref_squeeze %dma_wait3A_179 : memref<1x128xi32, #tpu.memory_space<vmem>> -> memref<128xi32, #tpu.memory_space<vmem>>
        %dma_wait3A_181 = arith.constant 0 : i32
        %dma_wait3A_182 = arith.constant 0 : i32
        %dma_wait3A_183 = tpu.memref_slice %arg7[%dma_wait3A_181, %dma_wait3A_182] : memref<10240x64xf32, #tpu.memory_space<vmem_shared>> -> memref<10240x64xf32, #tpu.memory_space<vmem_shared>>
        tpu.wait_indirect_dma semaphore(%arg14 : memref<!tpu.dma_semaphore, #tpu.memory_space<semaphore_mem>>) src(%arg10 : memref<128x64xf32, #tpu.memory_space<vmem>>) dst(%dma_wait3A_183 : memref<10240x64xf32, #tpu.memory_space<vmem_shared>>)
        %dma_start3A_184 = arith.constant 6 : i32
        %dma_start3A_185 = arith.constant 0 : i32
        %dma_start3A_186 = tpu.memref_slice %arg9[%dma_start3A_184, %dma_start3A_185] : memref<16x128xi32, #tpu.memory_space<vmem>> -> memref<1x128xi32, #tpu.memory_space<vmem>>
        %dma_start3A_187 = tpu.memref_squeeze %dma_start3A_186 : memref<1x128xi32, #tpu.memory_space<vmem>> -> memref<128xi32, #tpu.memory_space<vmem>>
        %dma_start3A_188 = arith.constant 0 : i32
        %dma_start3A_189 = arith.constant 0 : i32
        %dma_start3A_190 = tpu.memref_slice %arg3[%dma_start3A_188, %dma_start3A_189] : memref<20096x64xf32, #tpu.memory_space<hbm>> -> memref<20096x64xf32, #tpu.memory_space<hbm>>
        tpu.enqueue_indirect_dma source(%dma_start3A_190 : memref<20096x64xf32, #tpu.memory_space<hbm>>) target(%arg10 : memref<128x64xf32, #tpu.memory_space<vmem>>) offsets(%dma_start3A_187 : memref<128xi32, #tpu.memory_space<vmem>>) semaphore(%arg13 : memref<!tpu.dma_semaphore, #tpu.memory_space<semaphore_mem>>)
        %dma_wait3A_191 = arith.constant 5 : i32
        %dma_wait3A_192 = arith.constant 0 : i32
        %dma_wait3A_193 = tpu.memref_slice %arg9[%dma_wait3A_191, %dma_wait3A_192] : memref<16x128xi32, #tpu.memory_space<vmem>> -> memref<1x128xi32, #tpu.memory_space<vmem>>
        %dma_wait3A_194 = tpu.memref_squeeze %dma_wait3A_193 : memref<1x128xi32, #tpu.memory_space<vmem>> -> memref<128xi32, #tpu.memory_space<vmem>>
        %dma_wait3A_195 = arith.constant 0 : i32
        %dma_wait3A_196 = arith.constant 0 : i32
        %dma_wait3A_197 = tpu.memref_slice %arg3[%dma_wait3A_195, %dma_wait3A_196] : memref<20096x64xf32, #tpu.memory_space<hbm>> -> memref<20096x64xf32, #tpu.memory_space<hbm>>
        tpu.wait_indirect_dma semaphore(%arg13 : memref<!tpu.dma_semaphore, #tpu.memory_space<semaphore_mem>>) src(%dma_wait3A_197 : memref<20096x64xf32, #tpu.memory_space<hbm>>) dst(%arg12 : memref<128x64xf32, #tpu.memory_space<vmem>>)
        %dma_start3A_198 = arith.constant 5 : i32
        %dma_start3A_199 = arith.constant 0 : i32
        %dma_start3A_200 = tpu.memref_slice %arg8[%dma_start3A_198, %dma_start3A_199] : memref<16x128xi32, #tpu.memory_space<vmem>> -> memref<1x128xi32, #tpu.memory_space<vmem>>
        %dma_start3A_201 = tpu.memref_squeeze %dma_start3A_200 : memref<1x128xi32, #tpu.memory_space<vmem>> -> memref<128xi32, #tpu.memory_space<vmem>>
        %dma_start3A_202 = arith.constant 0 : i32
        %dma_start3A_203 = arith.constant 0 : i32
        %dma_start3A_204 = tpu.memref_slice %arg7[%dma_start3A_202, %dma_start3A_203] : memref<10240x64xf32, #tpu.memory_space<vmem_shared>> -> memref<10240x64xf32, #tpu.memory_space<vmem_shared>>
        tpu.enqueue_indirect_dma source(%arg12 : memref<128x64xf32, #tpu.memory_space<vmem>>) target(%dma_start3A_204 : memref<10240x64xf32, #tpu.memory_space<vmem_shared>>) offsets(%dma_start3A_201 : memref<128xi32, #tpu.memory_space<vmem>>) semaphore(%arg14 : memref<!tpu.dma_semaphore, #tpu.memory_space<semaphore_mem>>) {add = true}
        %dma_wait3A_205 = arith.constant 4 : i32
        %dma_wait3A_206 = arith.constant 0 : i32
        %dma_wait3A_207 = tpu.memref_slice %arg8[%dma_wait3A_205, %dma_wait3A_206] : memref<16x128xi32, #tpu.memory_space<vmem>> -> memref<1x128xi32, #tpu.memory_space<vmem>>
        %dma_wait3A_208 = tpu.memref_squeeze %dma_wait3A_207 : memref<1x128xi32, #tpu.memory_space<vmem>> -> memref<128xi32, #tpu.memory_space<vmem>>
        %dma_wait3A_209 = arith.constant 0 : i32
        %dma_wait3A_210 = arith.constant 0 : i32
        %dma_wait3A_211 = tpu.memref_slice %arg7[%dma_wait3A_209, %dma_wait3A_210] : memref<10240x64xf32, #tpu.memory_space<vmem_shared>> -> memref<10240x64xf32, #tpu.memory_space<vmem_shared>>
        tpu.wait_indirect_dma semaphore(%arg14 : memref<!tpu.dma_semaphore, #tpu.memory_space<semaphore_mem>>) src(%arg11 : memref<128x64xf32, #tpu.memory_space<vmem>>) dst(%dma_wait3A_211 : memref<10240x64xf32, #tpu.memory_space<vmem_shared>>)
        %dma_start3A_212 = arith.constant 7 : i32
        %dma_start3A_213 = arith.constant 0 : i32
        %dma_start3A_214 = tpu.memref_slice %arg9[%dma_start3A_212, %dma_start3A_213] : memref<16x128xi32, #tpu.memory_space<vmem>> -> memref<1x128xi32, #tpu.memory_space<vmem>>
        %dma_start3A_215 = tpu.memref_squeeze %dma_start3A_214 : memref<1x128xi32, #tpu.memory_space<vmem>> -> memref<128xi32, #tpu.memory_space<vmem>>
        %dma_start3A_216 = arith.constant 0 : i32
        %dma_start3A_217 = arith.constant 0 : i32
        %dma_start3A_218 = tpu.memref_slice %arg3[%dma_start3A_216, %dma_start3A_217] : memref<20096x64xf32, #tpu.memory_space<hbm>> -> memref<20096x64xf32, #tpu.memory_space<hbm>>
        tpu.enqueue_indirect_dma source(%dma_start3A_218 : memref<20096x64xf32, #tpu.memory_space<hbm>>) target(%arg11 : memref<128x64xf32, #tpu.memory_space<vmem>>) offsets(%dma_start3A_215 : memref<128xi32, #tpu.memory_space<vmem>>) semaphore(%arg13 : memref<!tpu.dma_semaphore, #tpu.memory_space<semaphore_mem>>)
        %dma_wait3A_219 = arith.constant 6 : i32
        %dma_wait3A_220 = arith.constant 0 : i32
        %dma_wait3A_221 = tpu.memref_slice %arg9[%dma_wait3A_219, %dma_wait3A_220] : memref<16x128xi32, #tpu.memory_space<vmem>> -> memref<1x128xi32, #tpu.memory_space<vmem>>
        %dma_wait3A_222 = tpu.memref_squeeze %dma_wait3A_221 : memref<1x128xi32, #tpu.memory_space<vmem>> -> memref<128xi32, #tpu.memory_space<vmem>>
        %dma_wait3A_223 = arith.constant 0 : i32
        %dma_wait3A_224 = arith.constant 0 : i32
        %dma_wait3A_225 = tpu.memref_slice %arg3[%dma_wait3A_223, %dma_wait3A_224] : memref<20096x64xf32, #tpu.memory_space<hbm>> -> memref<20096x64xf32, #tpu.memory_space<hbm>>
        tpu.wait_indirect_dma semaphore(%arg13 : memref<!tpu.dma_semaphore, #tpu.memory_space<semaphore_mem>>) src(%dma_wait3A_225 : memref<20096x64xf32, #tpu.memory_space<hbm>>) dst(%arg10 : memref<128x64xf32, #tpu.memory_space<vmem>>)
        %dma_start3A_226 = arith.constant 6 : i32
        %dma_start3A_227 = arith.constant 0 : i32
        %dma_start3A_228 = tpu.memref_slice %arg8[%dma_start3A_226, %dma_start3A_227] : memref<16x128xi32, #tpu.memory_space<vmem>> -> memref<1x128xi32, #tpu.memory_space<vmem>>
        %dma_start3A_229 = tpu.memref_squeeze %dma_start3A_228 : memref<1x128xi32, #tpu.memory_space<vmem>> -> memref<128xi32, #tpu.memory_space<vmem>>
        %dma_start3A_230 = arith.constant 0 : i32
        %dma_start3A_231 = arith.constant 0 : i32
        %dma_start3A_232 = tpu.memref_slice %arg7[%dma_start3A_230, %dma_start3A_231] : memref<10240x64xf32, #tpu.memory_space<vmem_shared>> -> memref<10240x64xf32, #tpu.memory_space<vmem_shared>>
        tpu.enqueue_indirect_dma source(%arg10 : memref<128x64xf32, #tpu.memory_space<vmem>>) target(%dma_start3A_232 : memref<10240x64xf32, #tpu.memory_space<vmem_shared>>) offsets(%dma_start3A_229 : memref<128xi32, #tpu.memory_space<vmem>>) semaphore(%arg14 : memref<!tpu.dma_semaphore, #tpu.memory_space<semaphore_mem>>) {add = true}
        %dma_wait3A_233 = arith.constant 5 : i32
        %dma_wait3A_234 = arith.constant 0 : i32
        %dma_wait3A_235 = tpu.memref_slice %arg8[%dma_wait3A_233, %dma_wait3A_234] : memref<16x128xi32, #tpu.memory_space<vmem>> -> memref<1x128xi32, #tpu.memory_space<vmem>>
        %dma_wait3A_236 = tpu.memref_squeeze %dma_wait3A_235 : memref<1x128xi32, #tpu.memory_space<vmem>> -> memref<128xi32, #tpu.memory_space<vmem>>
        %dma_wait3A_237 = arith.constant 0 : i32
        %dma_wait3A_238 = arith.constant 0 : i32
        %dma_wait3A_239 = tpu.memref_slice %arg7[%dma_wait3A_237, %dma_wait3A_238] : memref<10240x64xf32, #tpu.memory_space<vmem_shared>> -> memref<10240x64xf32, #tpu.memory_space<vmem_shared>>
        tpu.wait_indirect_dma semaphore(%arg14 : memref<!tpu.dma_semaphore, #tpu.memory_space<semaphore_mem>>) src(%arg12 : memref<128x64xf32, #tpu.memory_space<vmem>>) dst(%dma_wait3A_239 : memref<10240x64xf32, #tpu.memory_space<vmem_shared>>)
        %dma_start3A_240 = arith.constant 8 : i32
        %dma_start3A_241 = arith.constant 0 : i32
        %dma_start3A_242 = tpu.memref_slice %arg9[%dma_start3A_240, %dma_start3A_241] : memref<16x128xi32, #tpu.memory_space<vmem>> -> memref<1x128xi32, #tpu.memory_space<vmem>>
        %dma_start3A_243 = tpu.memref_squeeze %dma_start3A_242 : memref<1x128xi32, #tpu.memory_space<vmem>> -> memref<128xi32, #tpu.memory_space<vmem>>
        %dma_start3A_244 = arith.constant 0 : i32
        %dma_start3A_245 = arith.constant 0 : i32
        %dma_start3A_246 = tpu.memref_slice %arg3[%dma_start3A_244, %dma_start3A_245] : memref<20096x64xf32, #tpu.memory_space<hbm>> -> memref<20096x64xf32, #tpu.memory_space<hbm>>
        tpu.enqueue_indirect_dma source(%dma_start3A_246 : memref<20096x64xf32, #tpu.memory_space<hbm>>) target(%arg12 : memref<128x64xf32, #tpu.memory_space<vmem>>) offsets(%dma_start3A_243 : memref<128xi32, #tpu.memory_space<vmem>>) semaphore(%arg13 : memref<!tpu.dma_semaphore, #tpu.memory_space<semaphore_mem>>)
        %dma_wait3A_247 = arith.constant 7 : i32
        %dma_wait3A_248 = arith.constant 0 : i32
        %dma_wait3A_249 = tpu.memref_slice %arg9[%dma_wait3A_247, %dma_wait3A_248] : memref<16x128xi32, #tpu.memory_space<vmem>> -> memref<1x128xi32, #tpu.memory_space<vmem>>
        %dma_wait3A_250 = tpu.memref_squeeze %dma_wait3A_249 : memref<1x128xi32, #tpu.memory_space<vmem>> -> memref<128xi32, #tpu.memory_space<vmem>>
        %dma_wait3A_251 = arith.constant 0 : i32
        %dma_wait3A_252 = arith.constant 0 : i32
        %dma_wait3A_253 = tpu.memref_slice %arg3[%dma_wait3A_251, %dma_wait3A_252] : memref<20096x64xf32, #tpu.memory_space<hbm>> -> memref<20096x64xf32, #tpu.memory_space<hbm>>
        tpu.wait_indirect_dma semaphore(%arg13 : memref<!tpu.dma_semaphore, #tpu.memory_space<semaphore_mem>>) src(%dma_wait3A_253 : memref<20096x64xf32, #tpu.memory_space<hbm>>) dst(%arg11 : memref<128x64xf32, #tpu.memory_space<vmem>>)
        %dma_start3A_254 = arith.constant 7 : i32
        %dma_start3A_255 = arith.constant 0 : i32
        %dma_start3A_256 = tpu.memref_slice %arg8[%dma_start3A_254, %dma_start3A_255] : memref<16x128xi32, #tpu.memory_space<vmem>> -> memref<1x128xi32, #tpu.memory_space<vmem>>
        %dma_start3A_257 = tpu.memref_squeeze %dma_start3A_256 : memref<1x128xi32, #tpu.memory_space<vmem>> -> memref<128xi32, #tpu.memory_space<vmem>>
        %dma_start3A_258 = arith.constant 0 : i32
        %dma_start3A_259 = arith.constant 0 : i32
        %dma_start3A_260 = tpu.memref_slice %arg7[%dma_start3A_258, %dma_start3A_259] : memref<10240x64xf32, #tpu.memory_space<vmem_shared>> -> memref<10240x64xf32, #tpu.memory_space<vmem_shared>>
        tpu.enqueue_indirect_dma source(%arg11 : memref<128x64xf32, #tpu.memory_space<vmem>>) target(%dma_start3A_260 : memref<10240x64xf32, #tpu.memory_space<vmem_shared>>) offsets(%dma_start3A_257 : memref<128xi32, #tpu.memory_space<vmem>>) semaphore(%arg14 : memref<!tpu.dma_semaphore, #tpu.memory_space<semaphore_mem>>) {add = true}
        %dma_wait3A_261 = arith.constant 6 : i32
        %dma_wait3A_262 = arith.constant 0 : i32
        %dma_wait3A_263 = tpu.memref_slice %arg8[%dma_wait3A_261, %dma_wait3A_262] : memref<16x128xi32, #tpu.memory_space<vmem>> -> memref<1x128xi32, #tpu.memory_space<vmem>>
        %dma_wait3A_264 = tpu.memref_squeeze %dma_wait3A_263 : memref<1x128xi32, #tpu.memory_space<vmem>> -> memref<128xi32, #tpu.memory_space<vmem>>
        %dma_wait3A_265 = arith.constant 0 : i32
        %dma_wait3A_266 = arith.constant 0 : i32
        %dma_wait3A_267 = tpu.memref_slice %arg7[%dma_wait3A_265, %dma_wait3A_266] : memref<10240x64xf32, #tpu.memory_space<vmem_shared>> -> memref<10240x64xf32, #tpu.memory_space<vmem_shared>>
        tpu.wait_indirect_dma semaphore(%arg14 : memref<!tpu.dma_semaphore, #tpu.memory_space<semaphore_mem>>) src(%arg10 : memref<128x64xf32, #tpu.memory_space<vmem>>) dst(%dma_wait3A_267 : memref<10240x64xf32, #tpu.memory_space<vmem_shared>>)
        %dma_start3A_268 = arith.constant 9 : i32
        %dma_start3A_269 = arith.constant 0 : i32
        %dma_start3A_270 = tpu.memref_slice %arg9[%dma_start3A_268, %dma_start3A_269] : memref<16x128xi32, #tpu.memory_space<vmem>> -> memref<1x128xi32, #tpu.memory_space<vmem>>
        %dma_start3A_271 = tpu.memref_squeeze %dma_start3A_270 : memref<1x128xi32, #tpu.memory_space<vmem>> -> memref<128xi32, #tpu.memory_space<vmem>>
        %dma_start3A_272 = arith.constant 0 : i32
        %dma_start3A_273 = arith.constant 0 : i32
        %dma_start3A_274 = tpu.memref_slice %arg3[%dma_start3A_272, %dma_start3A_273] : memref<20096x64xf32, #tpu.memory_space<hbm>> -> memref<20096x64xf32, #tpu.memory_space<hbm>>
        tpu.enqueue_indirect_dma source(%dma_start3A_274 : memref<20096x64xf32, #tpu.memory_space<hbm>>) target(%arg10 : memref<128x64xf32, #tpu.memory_space<vmem>>) offsets(%dma_start3A_271 : memref<128xi32, #tpu.memory_space<vmem>>) semaphore(%arg13 : memref<!tpu.dma_semaphore, #tpu.memory_space<semaphore_mem>>)
        %dma_wait3A_275 = arith.constant 8 : i32
        %dma_wait3A_276 = arith.constant 0 : i32
        %dma_wait3A_277 = tpu.memref_slice %arg9[%dma_wait3A_275, %dma_wait3A_276] : memref<16x128xi32, #tpu.memory_space<vmem>> -> memref<1x128xi32, #tpu.memory_space<vmem>>
        %dma_wait3A_278 = tpu.memref_squeeze %dma_wait3A_277 : memref<1x128xi32, #tpu.memory_space<vmem>> -> memref<128xi32, #tpu.memory_space<vmem>>
        %dma_wait3A_279 = arith.constant 0 : i32
        %dma_wait3A_280 = arith.constant 0 : i32
        %dma_wait3A_281 = tpu.memref_slice %arg3[%dma_wait3A_279, %dma_wait3A_280] : memref<20096x64xf32, #tpu.memory_space<hbm>> -> memref<20096x64xf32, #tpu.memory_space<hbm>>
        tpu.wait_indirect_dma semaphore(%arg13 : memref<!tpu.dma_semaphore, #tpu.memory_space<semaphore_mem>>) src(%dma_wait3A_281 : memref<20096x64xf32, #tpu.memory_space<hbm>>) dst(%arg12 : memref<128x64xf32, #tpu.memory_space<vmem>>)
        %dma_start3A_282 = arith.constant 8 : i32
        %dma_start3A_283 = arith.constant 0 : i32
        %dma_start3A_284 = tpu.memref_slice %arg8[%dma_start3A_282, %dma_start3A_283] : memref<16x128xi32, #tpu.memory_space<vmem>> -> memref<1x128xi32, #tpu.memory_space<vmem>>
        %dma_start3A_285 = tpu.memref_squeeze %dma_start3A_284 : memref<1x128xi32, #tpu.memory_space<vmem>> -> memref<128xi32, #tpu.memory_space<vmem>>
        %dma_start3A_286 = arith.constant 0 : i32
        %dma_start3A_287 = arith.constant 0 : i32
        %dma_start3A_288 = tpu.memref_slice %arg7[%dma_start3A_286, %dma_start3A_287] : memref<10240x64xf32, #tpu.memory_space<vmem_shared>> -> memref<10240x64xf32, #tpu.memory_space<vmem_shared>>
        tpu.enqueue_indirect_dma source(%arg12 : memref<128x64xf32, #tpu.memory_space<vmem>>) target(%dma_start3A_288 : memref<10240x64xf32, #tpu.memory_space<vmem_shared>>) offsets(%dma_start3A_285 : memref<128xi32, #tpu.memory_space<vmem>>) semaphore(%arg14 : memref<!tpu.dma_semaphore, #tpu.memory_space<semaphore_mem>>) {add = true}
        %dma_wait3A_289 = arith.constant 7 : i32
        %dma_wait3A_290 = arith.constant 0 : i32
        %dma_wait3A_291 = tpu.memref_slice %arg8[%dma_wait3A_289, %dma_wait3A_290] : memref<16x128xi32, #tpu.memory_space<vmem>> -> memref<1x128xi32, #tpu.memory_space<vmem>>
        %dma_wait3A_292 = tpu.memref_squeeze %dma_wait3A_291 : memref<1x128xi32, #tpu.memory_space<vmem>> -> memref<128xi32, #tpu.memory_space<vmem>>
        %dma_wait3A_293 = arith.constant 0 : i32
        %dma_wait3A_294 = arith.constant 0 : i32
        %dma_wait3A_295 = tpu.memref_slice %arg7[%dma_wait3A_293, %dma_wait3A_294] : memref<10240x64xf32, #tpu.memory_space<vmem_shared>> -> memref<10240x64xf32, #tpu.memory_space<vmem_shared>>
        tpu.wait_indirect_dma semaphore(%arg14 : memref<!tpu.dma_semaphore, #tpu.memory_space<semaphore_mem>>) src(%arg11 : memref<128x64xf32, #tpu.memory_space<vmem>>) dst(%dma_wait3A_295 : memref<10240x64xf32, #tpu.memory_space<vmem_shared>>)
        %dma_start3A_296 = arith.constant 10 : i32
        %dma_start3A_297 = arith.constant 0 : i32
        %dma_start3A_298 = tpu.memref_slice %arg9[%dma_start3A_296, %dma_start3A_297] : memref<16x128xi32, #tpu.memory_space<vmem>> -> memref<1x128xi32, #tpu.memory_space<vmem>>
        %dma_start3A_299 = tpu.memref_squeeze %dma_start3A_298 : memref<1x128xi32, #tpu.memory_space<vmem>> -> memref<128xi32, #tpu.memory_space<vmem>>
        %dma_start3A_300 = arith.constant 0 : i32
        %dma_start3A_301 = arith.constant 0 : i32
        %dma_start3A_302 = tpu.memref_slice %arg3[%dma_start3A_300, %dma_start3A_301] : memref<20096x64xf32, #tpu.memory_space<hbm>> -> memref<20096x64xf32, #tpu.memory_space<hbm>>
        tpu.enqueue_indirect_dma source(%dma_start3A_302 : memref<20096x64xf32, #tpu.memory_space<hbm>>) target(%arg11 : memref<128x64xf32, #tpu.memory_space<vmem>>) offsets(%dma_start3A_299 : memref<128xi32, #tpu.memory_space<vmem>>) semaphore(%arg13 : memref<!tpu.dma_semaphore, #tpu.memory_space<semaphore_mem>>)
        %dma_wait3A_303 = arith.constant 9 : i32
        %dma_wait3A_304 = arith.constant 0 : i32
        %dma_wait3A_305 = tpu.memref_slice %arg9[%dma_wait3A_303, %dma_wait3A_304] : memref<16x128xi32, #tpu.memory_space<vmem>> -> memref<1x128xi32, #tpu.memory_space<vmem>>
        %dma_wait3A_306 = tpu.memref_squeeze %dma_wait3A_305 : memref<1x128xi32, #tpu.memory_space<vmem>> -> memref<128xi32, #tpu.memory_space<vmem>>
        %dma_wait3A_307 = arith.constant 0 : i32
        %dma_wait3A_308 = arith.constant 0 : i32
        %dma_wait3A_309 = tpu.memref_slice %arg3[%dma_wait3A_307, %dma_wait3A_308] : memref<20096x64xf32, #tpu.memory_space<hbm>> -> memref<20096x64xf32, #tpu.memory_space<hbm>>
        tpu.wait_indirect_dma semaphore(%arg13 : memref<!tpu.dma_semaphore, #tpu.memory_space<semaphore_mem>>) src(%dma_wait3A_309 : memref<20096x64xf32, #tpu.memory_space<hbm>>) dst(%arg10 : memref<128x64xf32, #tpu.memory_space<vmem>>)
        %dma_start3A_310 = arith.constant 9 : i32
        %dma_start3A_311 = arith.constant 0 : i32
        %dma_start3A_312 = tpu.memref_slice %arg8[%dma_start3A_310, %dma_start3A_311] : memref<16x128xi32, #tpu.memory_space<vmem>> -> memref<1x128xi32, #tpu.memory_space<vmem>>
        %dma_start3A_313 = tpu.memref_squeeze %dma_start3A_312 : memref<1x128xi32, #tpu.memory_space<vmem>> -> memref<128xi32, #tpu.memory_space<vmem>>
        %dma_start3A_314 = arith.constant 0 : i32
        %dma_start3A_315 = arith.constant 0 : i32
        %dma_start3A_316 = tpu.memref_slice %arg7[%dma_start3A_314, %dma_start3A_315] : memref<10240x64xf32, #tpu.memory_space<vmem_shared>> -> memref<10240x64xf32, #tpu.memory_space<vmem_shared>>
        tpu.enqueue_indirect_dma source(%arg10 : memref<128x64xf32, #tpu.memory_space<vmem>>) target(%dma_start3A_316 : memref<10240x64xf32, #tpu.memory_space<vmem_shared>>) offsets(%dma_start3A_313 : memref<128xi32, #tpu.memory_space<vmem>>) semaphore(%arg14 : memref<!tpu.dma_semaphore, #tpu.memory_space<semaphore_mem>>) {add = true}
        %dma_wait3A_317 = arith.constant 8 : i32
        %dma_wait3A_318 = arith.constant 0 : i32
        %dma_wait3A_319 = tpu.memref_slice %arg8[%dma_wait3A_317, %dma_wait3A_318] : memref<16x128xi32, #tpu.memory_space<vmem>> -> memref<1x128xi32, #tpu.memory_space<vmem>>
        %dma_wait3A_320 = tpu.memref_squeeze %dma_wait3A_319 : memref<1x128xi32, #tpu.memory_space<vmem>> -> memref<128xi32, #tpu.memory_space<vmem>>
        %dma_wait3A_321 = arith.constant 0 : i32
        %dma_wait3A_322 = arith.constant 0 : i32
        %dma_wait3A_323 = tpu.memref_slice %arg7[%dma_wait3A_321, %dma_wait3A_322] : memref<10240x64xf32, #tpu.memory_space<vmem_shared>> -> memref<10240x64xf32, #tpu.memory_space<vmem_shared>>
        tpu.wait_indirect_dma semaphore(%arg14 : memref<!tpu.dma_semaphore, #tpu.memory_space<semaphore_mem>>) src(%arg12 : memref<128x64xf32, #tpu.memory_space<vmem>>) dst(%dma_wait3A_323 : memref<10240x64xf32, #tpu.memory_space<vmem_shared>>)
        %dma_start3A_324 = arith.constant 11 : i32
        %dma_start3A_325 = arith.constant 0 : i32
        %dma_start3A_326 = tpu.memref_slice %arg9[%dma_start3A_324, %dma_start3A_325] : memref<16x128xi32, #tpu.memory_space<vmem>> -> memref<1x128xi32, #tpu.memory_space<vmem>>
        %dma_start3A_327 = tpu.memref_squeeze %dma_start3A_326 : memref<1x128xi32, #tpu.memory_space<vmem>> -> memref<128xi32, #tpu.memory_space<vmem>>
        %dma_start3A_328 = arith.constant 0 : i32
        %dma_start3A_329 = arith.constant 0 : i32
        %dma_start3A_330 = tpu.memref_slice %arg3[%dma_start3A_328, %dma_start3A_329] : memref<20096x64xf32, #tpu.memory_space<hbm>> -> memref<20096x64xf32, #tpu.memory_space<hbm>>
        tpu.enqueue_indirect_dma source(%dma_start3A_330 : memref<20096x64xf32, #tpu.memory_space<hbm>>) target(%arg12 : memref<128x64xf32, #tpu.memory_space<vmem>>) offsets(%dma_start3A_327 : memref<128xi32, #tpu.memory_space<vmem>>) semaphore(%arg13 : memref<!tpu.dma_semaphore, #tpu.memory_space<semaphore_mem>>)
        %dma_wait3A_331 = arith.constant 10 : i32
        %dma_wait3A_332 = arith.constant 0 : i32
        %dma_wait3A_333 = tpu.memref_slice %arg9[%dma_wait3A_331, %dma_wait3A_332] : memref<16x128xi32, #tpu.memory_space<vmem>> -> memref<1x128xi32, #tpu.memory_space<vmem>>
        %dma_wait3A_334 = tpu.memref_squeeze %dma_wait3A_333 : memref<1x128xi32, #tpu.memory_space<vmem>> -> memref<128xi32, #tpu.memory_space<vmem>>
        %dma_wait3A_335 = arith.constant 0 : i32
        %dma_wait3A_336 = arith.constant 0 : i32
        %dma_wait3A_337 = tpu.memref_slice %arg3[%dma_wait3A_335, %dma_wait3A_336] : memref<20096x64xf32, #tpu.memory_space<hbm>> -> memref<20096x64xf32, #tpu.memory_space<hbm>>
        tpu.wait_indirect_dma semaphore(%arg13 : memref<!tpu.dma_semaphore, #tpu.memory_space<semaphore_mem>>) src(%dma_wait3A_337 : memref<20096x64xf32, #tpu.memory_space<hbm>>) dst(%arg11 : memref<128x64xf32, #tpu.memory_space<vmem>>)
        %dma_start3A_338 = arith.constant 10 : i32
        %dma_start3A_339 = arith.constant 0 : i32
        %dma_start3A_340 = tpu.memref_slice %arg8[%dma_start3A_338, %dma_start3A_339] : memref<16x128xi32, #tpu.memory_space<vmem>> -> memref<1x128xi32, #tpu.memory_space<vmem>>
        %dma_start3A_341 = tpu.memref_squeeze %dma_start3A_340 : memref<1x128xi32, #tpu.memory_space<vmem>> -> memref<128xi32, #tpu.memory_space<vmem>>
        %dma_start3A_342 = arith.constant 0 : i32
        %dma_start3A_343 = arith.constant 0 : i32
        %dma_start3A_344 = tpu.memref_slice %arg7[%dma_start3A_342, %dma_start3A_343] : memref<10240x64xf32, #tpu.memory_space<vmem_shared>> -> memref<10240x64xf32, #tpu.memory_space<vmem_shared>>
        tpu.enqueue_indirect_dma source(%arg11 : memref<128x64xf32, #tpu.memory_space<vmem>>) target(%dma_start3A_344 : memref<10240x64xf32, #tpu.memory_space<vmem_shared>>) offsets(%dma_start3A_341 : memref<128xi32, #tpu.memory_space<vmem>>) semaphore(%arg14 : memref<!tpu.dma_semaphore, #tpu.memory_space<semaphore_mem>>) {add = true}
        %dma_wait3A_345 = arith.constant 9 : i32
        %dma_wait3A_346 = arith.constant 0 : i32
        %dma_wait3A_347 = tpu.memref_slice %arg8[%dma_wait3A_345, %dma_wait3A_346] : memref<16x128xi32, #tpu.memory_space<vmem>> -> memref<1x128xi32, #tpu.memory_space<vmem>>
        %dma_wait3A_348 = tpu.memref_squeeze %dma_wait3A_347 : memref<1x128xi32, #tpu.memory_space<vmem>> -> memref<128xi32, #tpu.memory_space<vmem>>
        %dma_wait3A_349 = arith.constant 0 : i32
        %dma_wait3A_350 = arith.constant 0 : i32
        %dma_wait3A_351 = tpu.memref_slice %arg7[%dma_wait3A_349, %dma_wait3A_350] : memref<10240x64xf32, #tpu.memory_space<vmem_shared>> -> memref<10240x64xf32, #tpu.memory_space<vmem_shared>>
        tpu.wait_indirect_dma semaphore(%arg14 : memref<!tpu.dma_semaphore, #tpu.memory_space<semaphore_mem>>) src(%arg10 : memref<128x64xf32, #tpu.memory_space<vmem>>) dst(%dma_wait3A_351 : memref<10240x64xf32, #tpu.memory_space<vmem_shared>>)
        %dma_start3A_352 = arith.constant 12 : i32
        %dma_start3A_353 = arith.constant 0 : i32
        %dma_start3A_354 = tpu.memref_slice %arg9[%dma_start3A_352, %dma_start3A_353] : memref<16x128xi32, #tpu.memory_space<vmem>> -> memref<1x128xi32, #tpu.memory_space<vmem>>
        %dma_start3A_355 = tpu.memref_squeeze %dma_start3A_354 : memref<1x128xi32, #tpu.memory_space<vmem>> -> memref<128xi32, #tpu.memory_space<vmem>>
        %dma_start3A_356 = arith.constant 0 : i32
        %dma_start3A_357 = arith.constant 0 : i32
        %dma_start3A_358 = tpu.memref_slice %arg3[%dma_start3A_356, %dma_start3A_357] : memref<20096x64xf32, #tpu.memory_space<hbm>> -> memref<20096x64xf32, #tpu.memory_space<hbm>>
        tpu.enqueue_indirect_dma source(%dma_start3A_358 : memref<20096x64xf32, #tpu.memory_space<hbm>>) target(%arg10 : memref<128x64xf32, #tpu.memory_space<vmem>>) offsets(%dma_start3A_355 : memref<128xi32, #tpu.memory_space<vmem>>) semaphore(%arg13 : memref<!tpu.dma_semaphore, #tpu.memory_space<semaphore_mem>>)
        %dma_wait3A_359 = arith.constant 11 : i32
        %dma_wait3A_360 = arith.constant 0 : i32
        %dma_wait3A_361 = tpu.memref_slice %arg9[%dma_wait3A_359, %dma_wait3A_360] : memref<16x128xi32, #tpu.memory_space<vmem>> -> memref<1x128xi32, #tpu.memory_space<vmem>>
        %dma_wait3A_362 = tpu.memref_squeeze %dma_wait3A_361 : memref<1x128xi32, #tpu.memory_space<vmem>> -> memref<128xi32, #tpu.memory_space<vmem>>
        %dma_wait3A_363 = arith.constant 0 : i32
        %dma_wait3A_364 = arith.constant 0 : i32
        %dma_wait3A_365 = tpu.memref_slice %arg3[%dma_wait3A_363, %dma_wait3A_364] : memref<20096x64xf32, #tpu.memory_space<hbm>> -> memref<20096x64xf32, #tpu.memory_space<hbm>>
        tpu.wait_indirect_dma semaphore(%arg13 : memref<!tpu.dma_semaphore, #tpu.memory_space<semaphore_mem>>) src(%dma_wait3A_365 : memref<20096x64xf32, #tpu.memory_space<hbm>>) dst(%arg12 : memref<128x64xf32, #tpu.memory_space<vmem>>)
        %dma_start3A_366 = arith.constant 11 : i32
        %dma_start3A_367 = arith.constant 0 : i32
        %dma_start3A_368 = tpu.memref_slice %arg8[%dma_start3A_366, %dma_start3A_367] : memref<16x128xi32, #tpu.memory_space<vmem>> -> memref<1x128xi32, #tpu.memory_space<vmem>>
        %dma_start3A_369 = tpu.memref_squeeze %dma_start3A_368 : memref<1x128xi32, #tpu.memory_space<vmem>> -> memref<128xi32, #tpu.memory_space<vmem>>
        %dma_start3A_370 = arith.constant 0 : i32
        %dma_start3A_371 = arith.constant 0 : i32
        %dma_start3A_372 = tpu.memref_slice %arg7[%dma_start3A_370, %dma_start3A_371] : memref<10240x64xf32, #tpu.memory_space<vmem_shared>> -> memref<10240x64xf32, #tpu.memory_space<vmem_shared>>
        tpu.enqueue_indirect_dma source(%arg12 : memref<128x64xf32, #tpu.memory_space<vmem>>) target(%dma_start3A_372 : memref<10240x64xf32, #tpu.memory_space<vmem_shared>>) offsets(%dma_start3A_369 : memref<128xi32, #tpu.memory_space<vmem>>) semaphore(%arg14 : memref<!tpu.dma_semaphore, #tpu.memory_space<semaphore_mem>>) {add = true}
        %dma_wait3A_373 = arith.constant 10 : i32
        %dma_wait3A_374 = arith.constant 0 : i32
        %dma_wait3A_375 = tpu.memref_slice %arg8[%dma_wait3A_373, %dma_wait3A_374] : memref<16x128xi32, #tpu.memory_space<vmem>> -> memref<1x128xi32, #tpu.memory_space<vmem>>
        %dma_wait3A_376 = tpu.memref_squeeze %dma_wait3A_375 : memref<1x128xi32, #tpu.memory_space<vmem>> -> memref<128xi32, #tpu.memory_space<vmem>>
        %dma_wait3A_377 = arith.constant 0 : i32
        %dma_wait3A_378 = arith.constant 0 : i32
        %dma_wait3A_379 = tpu.memref_slice %arg7[%dma_wait3A_377, %dma_wait3A_378] : memref<10240x64xf32, #tpu.memory_space<vmem_shared>> -> memref<10240x64xf32, #tpu.memory_space<vmem_shared>>
        tpu.wait_indirect_dma semaphore(%arg14 : memref<!tpu.dma_semaphore, #tpu.memory_space<semaphore_mem>>) src(%arg11 : memref<128x64xf32, #tpu.memory_space<vmem>>) dst(%dma_wait3A_379 : memref<10240x64xf32, #tpu.memory_space<vmem_shared>>)
        %dma_start3A_380 = arith.constant 13 : i32
        %dma_start3A_381 = arith.constant 0 : i32
        %dma_start3A_382 = tpu.memref_slice %arg9[%dma_start3A_380, %dma_start3A_381] : memref<16x128xi32, #tpu.memory_space<vmem>> -> memref<1x128xi32, #tpu.memory_space<vmem>>
        %dma_start3A_383 = tpu.memref_squeeze %dma_start3A_382 : memref<1x128xi32, #tpu.memory_space<vmem>> -> memref<128xi32, #tpu.memory_space<vmem>>
        %dma_start3A_384 = arith.constant 0 : i32
        %dma_start3A_385 = arith.constant 0 : i32
        %dma_start3A_386 = tpu.memref_slice %arg3[%dma_start3A_384, %dma_start3A_385] : memref<20096x64xf32, #tpu.memory_space<hbm>> -> memref<20096x64xf32, #tpu.memory_space<hbm>>
        tpu.enqueue_indirect_dma source(%dma_start3A_386 : memref<20096x64xf32, #tpu.memory_space<hbm>>) target(%arg11 : memref<128x64xf32, #tpu.memory_space<vmem>>) offsets(%dma_start3A_383 : memref<128xi32, #tpu.memory_space<vmem>>) semaphore(%arg13 : memref<!tpu.dma_semaphore, #tpu.memory_space<semaphore_mem>>)
        %dma_wait3A_387 = arith.constant 12 : i32
        %dma_wait3A_388 = arith.constant 0 : i32
        %dma_wait3A_389 = tpu.memref_slice %arg9[%dma_wait3A_387, %dma_wait3A_388] : memref<16x128xi32, #tpu.memory_space<vmem>> -> memref<1x128xi32, #tpu.memory_space<vmem>>
        %dma_wait3A_390 = tpu.memref_squeeze %dma_wait3A_389 : memref<1x128xi32, #tpu.memory_space<vmem>> -> memref<128xi32, #tpu.memory_space<vmem>>
        %dma_wait3A_391 = arith.constant 0 : i32
        %dma_wait3A_392 = arith.constant 0 : i32
        %dma_wait3A_393 = tpu.memref_slice %arg3[%dma_wait3A_391, %dma_wait3A_392] : memref<20096x64xf32, #tpu.memory_space<hbm>> -> memref<20096x64xf32, #tpu.memory_space<hbm>>
        tpu.wait_indirect_dma semaphore(%arg13 : memref<!tpu.dma_semaphore, #tpu.memory_space<semaphore_mem>>) src(%dma_wait3A_393 : memref<20096x64xf32, #tpu.memory_space<hbm>>) dst(%arg10 : memref<128x64xf32, #tpu.memory_space<vmem>>)
        %dma_start3A_394 = arith.constant 12 : i32
        %dma_start3A_395 = arith.constant 0 : i32
        %dma_start3A_396 = tpu.memref_slice %arg8[%dma_start3A_394, %dma_start3A_395] : memref<16x128xi32, #tpu.memory_space<vmem>> -> memref<1x128xi32, #tpu.memory_space<vmem>>
        %dma_start3A_397 = tpu.memref_squeeze %dma_start3A_396 : memref<1x128xi32, #tpu.memory_space<vmem>> -> memref<128xi32, #tpu.memory_space<vmem>>
        %dma_start3A_398 = arith.constant 0 : i32
        %dma_start3A_399 = arith.constant 0 : i32
        %dma_start3A_400 = tpu.memref_slice %arg7[%dma_start3A_398, %dma_start3A_399] : memref<10240x64xf32, #tpu.memory_space<vmem_shared>> -> memref<10240x64xf32, #tpu.memory_space<vmem_shared>>
        tpu.enqueue_indirect_dma source(%arg10 : memref<128x64xf32, #tpu.memory_space<vmem>>) target(%dma_start3A_400 : memref<10240x64xf32, #tpu.memory_space<vmem_shared>>) offsets(%dma_start3A_397 : memref<128xi32, #tpu.memory_space<vmem>>) semaphore(%arg14 : memref<!tpu.dma_semaphore, #tpu.memory_space<semaphore_mem>>) {add = true}
        %dma_wait3A_401 = arith.constant 11 : i32
        %dma_wait3A_402 = arith.constant 0 : i32
        %dma_wait3A_403 = tpu.memref_slice %arg8[%dma_wait3A_401, %dma_wait3A_402] : memref<16x128xi32, #tpu.memory_space<vmem>> -> memref<1x128xi32, #tpu.memory_space<vmem>>
        %dma_wait3A_404 = tpu.memref_squeeze %dma_wait3A_403 : memref<1x128xi32, #tpu.memory_space<vmem>> -> memref<128xi32, #tpu.memory_space<vmem>>
        %dma_wait3A_405 = arith.constant 0 : i32
        %dma_wait3A_406 = arith.constant 0 : i32
        %dma_wait3A_407 = tpu.memref_slice %arg7[%dma_wait3A_405, %dma_wait3A_406] : memref<10240x64xf32, #tpu.memory_space<vmem_shared>> -> memref<10240x64xf32, #tpu.memory_space<vmem_shared>>
        tpu.wait_indirect_dma semaphore(%arg14 : memref<!tpu.dma_semaphore, #tpu.memory_space<semaphore_mem>>) src(%arg12 : memref<128x64xf32, #tpu.memory_space<vmem>>) dst(%dma_wait3A_407 : memref<10240x64xf32, #tpu.memory_space<vmem_shared>>)
        %dma_start3A_408 = arith.constant 14 : i32
        %dma_start3A_409 = arith.constant 0 : i32
        %dma_start3A_410 = tpu.memref_slice %arg9[%dma_start3A_408, %dma_start3A_409] : memref<16x128xi32, #tpu.memory_space<vmem>> -> memref<1x128xi32, #tpu.memory_space<vmem>>
        %dma_start3A_411 = tpu.memref_squeeze %dma_start3A_410 : memref<1x128xi32, #tpu.memory_space<vmem>> -> memref<128xi32, #tpu.memory_space<vmem>>
        %dma_start3A_412 = arith.constant 0 : i32
        %dma_start3A_413 = arith.constant 0 : i32
        %dma_start3A_414 = tpu.memref_slice %arg3[%dma_start3A_412, %dma_start3A_413] : memref<20096x64xf32, #tpu.memory_space<hbm>> -> memref<20096x64xf32, #tpu.memory_space<hbm>>
        tpu.enqueue_indirect_dma source(%dma_start3A_414 : memref<20096x64xf32, #tpu.memory_space<hbm>>) target(%arg12 : memref<128x64xf32, #tpu.memory_space<vmem>>) offsets(%dma_start3A_411 : memref<128xi32, #tpu.memory_space<vmem>>) semaphore(%arg13 : memref<!tpu.dma_semaphore, #tpu.memory_space<semaphore_mem>>)
        %dma_wait3A_415 = arith.constant 13 : i32
        %dma_wait3A_416 = arith.constant 0 : i32
        %dma_wait3A_417 = tpu.memref_slice %arg9[%dma_wait3A_415, %dma_wait3A_416] : memref<16x128xi32, #tpu.memory_space<vmem>> -> memref<1x128xi32, #tpu.memory_space<vmem>>
        %dma_wait3A_418 = tpu.memref_squeeze %dma_wait3A_417 : memref<1x128xi32, #tpu.memory_space<vmem>> -> memref<128xi32, #tpu.memory_space<vmem>>
        %dma_wait3A_419 = arith.constant 0 : i32
        %dma_wait3A_420 = arith.constant 0 : i32
        %dma_wait3A_421 = tpu.memref_slice %arg3[%dma_wait3A_419, %dma_wait3A_420] : memref<20096x64xf32, #tpu.memory_space<hbm>> -> memref<20096x64xf32, #tpu.memory_space<hbm>>
        tpu.wait_indirect_dma semaphore(%arg13 : memref<!tpu.dma_semaphore, #tpu.memory_space<semaphore_mem>>) src(%dma_wait3A_421 : memref<20096x64xf32, #tpu.memory_space<hbm>>) dst(%arg11 : memref<128x64xf32, #tpu.memory_space<vmem>>)
        %dma_start3A_422 = arith.constant 13 : i32
        %dma_start3A_423 = arith.constant 0 : i32
        %dma_start3A_424 = tpu.memref_slice %arg8[%dma_start3A_422, %dma_start3A_423] : memref<16x128xi32, #tpu.memory_space<vmem>> -> memref<1x128xi32, #tpu.memory_space<vmem>>
        %dma_start3A_425 = tpu.memref_squeeze %dma_start3A_424 : memref<1x128xi32, #tpu.memory_space<vmem>> -> memref<128xi32, #tpu.memory_space<vmem>>
        %dma_start3A_426 = arith.constant 0 : i32
        %dma_start3A_427 = arith.constant 0 : i32
        %dma_start3A_428 = tpu.memref_slice %arg7[%dma_start3A_426, %dma_start3A_427] : memref<10240x64xf32, #tpu.memory_space<vmem_shared>> -> memref<10240x64xf32, #tpu.memory_space<vmem_shared>>
        tpu.enqueue_indirect_dma source(%arg11 : memref<128x64xf32, #tpu.memory_space<vmem>>) target(%dma_start3A_428 : memref<10240x64xf32, #tpu.memory_space<vmem_shared>>) offsets(%dma_start3A_425 : memref<128xi32, #tpu.memory_space<vmem>>) semaphore(%arg14 : memref<!tpu.dma_semaphore, #tpu.memory_space<semaphore_mem>>) {add = true}
        %dma_wait3A_429 = arith.constant 12 : i32
        %dma_wait3A_430 = arith.constant 0 : i32
        %dma_wait3A_431 = tpu.memref_slice %arg8[%dma_wait3A_429, %dma_wait3A_430] : memref<16x128xi32, #tpu.memory_space<vmem>> -> memref<1x128xi32, #tpu.memory_space<vmem>>
        %dma_wait3A_432 = tpu.memref_squeeze %dma_wait3A_431 : memref<1x128xi32, #tpu.memory_space<vmem>> -> memref<128xi32, #tpu.memory_space<vmem>>
        %dma_wait3A_433 = arith.constant 0 : i32
        %dma_wait3A_434 = arith.constant 0 : i32
        %dma_wait3A_435 = tpu.memref_slice %arg7[%dma_wait3A_433, %dma_wait3A_434] : memref<10240x64xf32, #tpu.memory_space<vmem_shared>> -> memref<10240x64xf32, #tpu.memory_space<vmem_shared>>
        tpu.wait_indirect_dma semaphore(%arg14 : memref<!tpu.dma_semaphore, #tpu.memory_space<semaphore_mem>>) src(%arg10 : memref<128x64xf32, #tpu.memory_space<vmem>>) dst(%dma_wait3A_435 : memref<10240x64xf32, #tpu.memory_space<vmem_shared>>)
        %dma_start3A_436 = arith.constant 15 : i32
        %dma_start3A_437 = arith.constant 0 : i32
        %dma_start3A_438 = tpu.memref_slice %arg9[%dma_start3A_436, %dma_start3A_437] : memref<16x128xi32, #tpu.memory_space<vmem>> -> memref<1x128xi32, #tpu.memory_space<vmem>>
        %dma_start3A_439 = tpu.memref_squeeze %dma_start3A_438 : memref<1x128xi32, #tpu.memory_space<vmem>> -> memref<128xi32, #tpu.memory_space<vmem>>
        %dma_start3A_440 = arith.constant 0 : i32
        %dma_start3A_441 = arith.constant 0 : i32
        %dma_start3A_442 = tpu.memref_slice %arg3[%dma_start3A_440, %dma_start3A_441] : memref<20096x64xf32, #tpu.memory_space<hbm>> -> memref<20096x64xf32, #tpu.memory_space<hbm>>
        tpu.enqueue_indirect_dma source(%dma_start3A_442 : memref<20096x64xf32, #tpu.memory_space<hbm>>) target(%arg10 : memref<128x64xf32, #tpu.memory_space<vmem>>) offsets(%dma_start3A_439 : memref<128xi32, #tpu.memory_space<vmem>>) semaphore(%arg13 : memref<!tpu.dma_semaphore, #tpu.memory_space<semaphore_mem>>)
        %dma_wait3A_443 = arith.constant 14 : i32
        %dma_wait3A_444 = arith.constant 0 : i32
        %dma_wait3A_445 = tpu.memref_slice %arg9[%dma_wait3A_443, %dma_wait3A_444] : memref<16x128xi32, #tpu.memory_space<vmem>> -> memref<1x128xi32, #tpu.memory_space<vmem>>
        %dma_wait3A_446 = tpu.memref_squeeze %dma_wait3A_445 : memref<1x128xi32, #tpu.memory_space<vmem>> -> memref<128xi32, #tpu.memory_space<vmem>>
        %dma_wait3A_447 = arith.constant 0 : i32
        %dma_wait3A_448 = arith.constant 0 : i32
        %dma_wait3A_449 = tpu.memref_slice %arg3[%dma_wait3A_447, %dma_wait3A_448] : memref<20096x64xf32, #tpu.memory_space<hbm>> -> memref<20096x64xf32, #tpu.memory_space<hbm>>
        tpu.wait_indirect_dma semaphore(%arg13 : memref<!tpu.dma_semaphore, #tpu.memory_space<semaphore_mem>>) src(%dma_wait3A_449 : memref<20096x64xf32, #tpu.memory_space<hbm>>) dst(%arg12 : memref<128x64xf32, #tpu.memory_space<vmem>>)
        %dma_start3A_450 = arith.constant 14 : i32
        %dma_start3A_451 = arith.constant 0 : i32
        %dma_start3A_452 = tpu.memref_slice %arg8[%dma_start3A_450, %dma_start3A_451] : memref<16x128xi32, #tpu.memory_space<vmem>> -> memref<1x128xi32, #tpu.memory_space<vmem>>
        %dma_start3A_453 = tpu.memref_squeeze %dma_start3A_452 : memref<1x128xi32, #tpu.memory_space<vmem>> -> memref<128xi32, #tpu.memory_space<vmem>>
        %dma_start3A_454 = arith.constant 0 : i32
        %dma_start3A_455 = arith.constant 0 : i32
        %dma_start3A_456 = tpu.memref_slice %arg7[%dma_start3A_454, %dma_start3A_455] : memref<10240x64xf32, #tpu.memory_space<vmem_shared>> -> memref<10240x64xf32, #tpu.memory_space<vmem_shared>>
        tpu.enqueue_indirect_dma source(%arg12 : memref<128x64xf32, #tpu.memory_space<vmem>>) target(%dma_start3A_456 : memref<10240x64xf32, #tpu.memory_space<vmem_shared>>) offsets(%dma_start3A_453 : memref<128xi32, #tpu.memory_space<vmem>>) semaphore(%arg14 : memref<!tpu.dma_semaphore, #tpu.memory_space<semaphore_mem>>) {add = true}
        %dma_wait3A_457 = arith.constant 15 : i32
        %dma_wait3A_458 = arith.constant 0 : i32
        %dma_wait3A_459 = tpu.memref_slice %arg9[%dma_wait3A_457, %dma_wait3A_458] : memref<16x128xi32, #tpu.memory_space<vmem>> -> memref<1x128xi32, #tpu.memory_space<vmem>>
        %dma_wait3A_460 = tpu.memref_squeeze %dma_wait3A_459 : memref<1x128xi32, #tpu.memory_space<vmem>> -> memref<128xi32, #tpu.memory_space<vmem>>
        %dma_wait3A_461 = arith.constant 0 : i32
        %dma_wait3A_462 = arith.constant 0 : i32
        %dma_wait3A_463 = tpu.memref_slice %arg3[%dma_wait3A_461, %dma_wait3A_462] : memref<20096x64xf32, #tpu.memory_space<hbm>> -> memref<20096x64xf32, #tpu.memory_space<hbm>>
        tpu.wait_indirect_dma semaphore(%arg13 : memref<!tpu.dma_semaphore, #tpu.memory_space<semaphore_mem>>) src(%dma_wait3A_463 : memref<20096x64xf32, #tpu.memory_space<hbm>>) dst(%arg10 : memref<128x64xf32, #tpu.memory_space<vmem>>)
        %dma_start3A_464 = arith.constant 15 : i32
        %dma_start3A_465 = arith.constant 0 : i32
        %dma_start3A_466 = tpu.memref_slice %arg8[%dma_start3A_464, %dma_start3A_465] : memref<16x128xi32, #tpu.memory_space<vmem>> -> memref<1x128xi32, #tpu.memory_space<vmem>>
        %dma_start3A_467 = tpu.memref_squeeze %dma_start3A_466 : memref<1x128xi32, #tpu.memory_space<vmem>> -> memref<128xi32, #tpu.memory_space<vmem>>
        %dma_start3A_468 = arith.constant 0 : i32
        %dma_start3A_469 = arith.constant 0 : i32
        %dma_start3A_470 = tpu.memref_slice %arg7[%dma_start3A_468, %dma_start3A_469] : memref<10240x64xf32, #tpu.memory_space<vmem_shared>> -> memref<10240x64xf32, #tpu.memory_space<vmem_shared>>
        tpu.enqueue_indirect_dma source(%arg10 : memref<128x64xf32, #tpu.memory_space<vmem>>) target(%dma_start3A_470 : memref<10240x64xf32, #tpu.memory_space<vmem_shared>>) offsets(%dma_start3A_467 : memref<128xi32, #tpu.memory_space<vmem>>) semaphore(%arg14 : memref<!tpu.dma_semaphore, #tpu.memory_space<semaphore_mem>>) {add = true}
        %dma_wait3A_471 = arith.constant 14 : i32
        %dma_wait3A_472 = arith.constant 0 : i32
        %dma_wait3A_473 = tpu.memref_slice %arg8[%dma_wait3A_471, %dma_wait3A_472] : memref<16x128xi32, #tpu.memory_space<vmem>> -> memref<1x128xi32, #tpu.memory_space<vmem>>
        %dma_wait3A_474 = tpu.memref_squeeze %dma_wait3A_473 : memref<1x128xi32, #tpu.memory_space<vmem>> -> memref<128xi32, #tpu.memory_space<vmem>>
        %dma_wait3A_475 = arith.constant 0 : i32
        %dma_wait3A_476 = arith.constant 0 : i32
        %dma_wait3A_477 = tpu.memref_slice %arg7[%dma_wait3A_475, %dma_wait3A_476] : memref<10240x64xf32, #tpu.memory_space<vmem_shared>> -> memref<10240x64xf32, #tpu.memory_space<vmem_shared>>
        tpu.wait_indirect_dma semaphore(%arg14 : memref<!tpu.dma_semaphore, #tpu.memory_space<semaphore_mem>>) src(%arg12 : memref<128x64xf32, #tpu.memory_space<vmem>>) dst(%dma_wait3A_477 : memref<10240x64xf32, #tpu.memory_space<vmem_shared>>)
        %dma_wait3A_478 = arith.constant 15 : i32
        %dma_wait3A_479 = arith.constant 0 : i32
        %dma_wait3A_480 = tpu.memref_slice %arg8[%dma_wait3A_478, %dma_wait3A_479] : memref<16x128xi32, #tpu.memory_space<vmem>> -> memref<1x128xi32, #tpu.memory_space<vmem>>
        %dma_wait3A_481 = tpu.memref_squeeze %dma_wait3A_480 : memref<1x128xi32, #tpu.memory_space<vmem>> -> memref<128xi32, #tpu.memory_space<vmem>>
        %dma_wait3A_482 = arith.constant 0 : i32
        %dma_wait3A_483 = arith.constant 0 : i32
        %dma_wait3A_484 = tpu.memref_slice %arg7[%dma_wait3A_482, %dma_wait3A_483] : memref<10240x64xf32, #tpu.memory_space<vmem_shared>> -> memref<10240x64xf32, #tpu.memory_space<vmem_shared>>
        tpu.wait_indirect_dma semaphore(%arg14 : memref<!tpu.dma_semaphore, #tpu.memory_space<semaphore_mem>>) src(%arg10 : memref<128x64xf32, #tpu.memory_space<vmem>>) dst(%dma_wait3A_484 : memref<10240x64xf32, #tpu.memory_space<vmem_shared>>)
      }
      %scan3A_35 = arith.constant 10 : i32
    } else {
    }
    %barrier3A_19 = arith.constant 0 : index
    tpu.barrier barrier_id(%barrier3A_19)
    %eq3A_20 = arith.constant 0 : i32
    %eq3A_21 = arith.cmpi eq, %arg0, %eq3A_20 : i32
    %convert_element_type3A_22 = arith.extui %eq3A_21 : i1 to i32
    %cond3A_23 = arith.constant 0 : i32
    %cond3A_24 = arith.cmpi ne, %convert_element_type3A_22, %cond3A_23 : i32
    scf.if %cond3A_24 {
      %scan3A_30 = arith.constant 0 : i32
      %scan3A_31 = arith.constant 0 : i32
      %scan3A_32 = arith.constant 5 : i32
      %scan3A_33 = arith.addi %scan3A_31, %scan3A_32 : i32
      %scan3A_34 = arith.constant 1 : i32
      scf.for %scan3A_36 = %scan3A_31 to %scan3A_33 step %scan3A_34  : i32 {
        %mul3A = arith.constant 640 : i32
        %mul3A_37 = arith.muli %arg1, %mul3A : i32
        %mul3A_38 = arith.constant 128 : i32
        %mul3A_39 = arith.muli %scan3A_36, %mul3A_38 : i32
        %add3A = arith.addi %mul3A_37, %mul3A_39 : i32
        "tpu.region"() ({
          %run_scoped3A = tpu.sem_alloc : memref<!tpu.dma_semaphore, #tpu.memory_space<semaphore_mem>>
          %dma_start3A = arith.constant 0 : i32
          %dma_start3A_40 = tpu.memref_slice %arg5[%add3A, %dma_start3A] : memref<10240x64xf32, #tpu.memory_space<hbm>> -> memref<128x64xf32, #tpu.memory_space<hbm>>
          %dma_start3A_41 = arith.constant 0 : i32
          %dma_start3A_42 = tpu.memref_slice %arg7[%add3A, %dma_start3A_41] : memref<10240x64xf32, #tpu.memory_space<vmem_shared>> -> memref<128x64xf32, #tpu.memory_space<vmem_shared>>
          tpu.enqueue_dma source(%dma_start3A_42 : memref<128x64xf32, #tpu.memory_space<vmem_shared>>) target(%dma_start3A_40 : memref<128x64xf32, #tpu.memory_space<hbm>>) target_semaphore(%run_scoped3A : memref<!tpu.dma_semaphore, #tpu.memory_space<semaphore_mem>>)
          %dma_wait3A = arith.constant 0 : i32
          %dma_wait3A_43 = tpu.memref_slice %arg5[%add3A, %dma_wait3A] : memref<10240x64xf32, #tpu.memory_space<hbm>> -> memref<128x64xf32, #tpu.memory_space<hbm>>
          %dma_wait3A_44 = arith.constant 0 : i32
          %dma_wait3A_45 = tpu.memref_slice %arg7[%add3A, %dma_wait3A_44] : memref<10240x64xf32, #tpu.memory_space<vmem_shared>> -> memref<128x64xf32, #tpu.memory_space<vmem_shared>>
          tpu.wait_dma2 semaphore(%run_scoped3A : memref<!tpu.dma_semaphore, #tpu.memory_space<semaphore_mem>>) src(%dma_wait3A_45 : memref<128x64xf32, #tpu.memory_space<vmem_shared>>) dst(%dma_wait3A_43 : memref<128x64xf32, #tpu.memory_space<hbm>>)
          tpu.yield
        }) : () -> ()
      }
      %scan3A_35 = arith.constant 5 : i32
    } else {
    }
    %eq3A_25 = arith.constant 1 : i32
    %eq3A_26 = arith.cmpi eq, %arg0, %eq3A_25 : i32
    %convert_element_type3A_27 = arith.extui %eq3A_26 : i1 to i32
    %cond3A_28 = arith.constant 0 : i32
    %cond3A_29 = arith.cmpi ne, %convert_element_type3A_27, %cond3A_28 : i32
    scf.if %cond3A_29 {
      %scan3A_30 = arith.constant 0 : i32
      %scan3A_31 = arith.constant 0 : i32
      %scan3A_32 = arith.constant 5 : i32
      %scan3A_33 = arith.addi %scan3A_31, %scan3A_32 : i32
      %scan3A_34 = arith.constant 1 : i32
      scf.for %scan3A_36 = %scan3A_31 to %scan3A_33 step %scan3A_34  : i32 {
        %mul3A = arith.constant 640 : i32
        %mul3A_37 = arith.muli %arg1, %mul3A : i32
        %mul3A_38 = arith.constant 128 : i32
        %mul3A_39 = arith.muli %scan3A_36, %mul3A_38 : i32
        %add3A = arith.addi %mul3A_37, %mul3A_39 : i32
        "tpu.region"() ({
          %run_scoped3A = tpu.sem_alloc : memref<!tpu.dma_semaphore, #tpu.memory_space<semaphore_mem>>
          %dma_start3A = arith.constant 0 : i32
          %dma_start3A_40 = tpu.memref_slice %arg6[%add3A, %dma_start3A] : memref<10240x64xf32, #tpu.memory_space<hbm>> -> memref<128x64xf32, #tpu.memory_space<hbm>>
          %dma_start3A_41 = arith.constant 0 : i32
          %dma_start3A_42 = tpu.memref_slice %arg7[%add3A, %dma_start3A_41] : memref<10240x64xf32, #tpu.memory_space<vmem_shared>> -> memref<128x64xf32, #tpu.memory_space<vmem_shared>>
          tpu.enqueue_dma source(%dma_start3A_42 : memref<128x64xf32, #tpu.memory_space<vmem_shared>>) target(%dma_start3A_40 : memref<128x64xf32, #tpu.memory_space<hbm>>) target_semaphore(%run_scoped3A : memref<!tpu.dma_semaphore, #tpu.memory_space<semaphore_mem>>)
          %dma_wait3A = arith.constant 0 : i32
          %dma_wait3A_43 = tpu.memref_slice %arg6[%add3A, %dma_wait3A] : memref<10240x64xf32, #tpu.memory_space<hbm>> -> memref<128x64xf32, #tpu.memory_space<hbm>>
          %dma_wait3A_44 = arith.constant 0 : i32
          %dma_wait3A_45 = tpu.memref_slice %arg7[%add3A, %dma_wait3A_44] : memref<10240x64xf32, #tpu.memory_space<vmem_shared>> -> memref<128x64xf32, #tpu.memory_space<vmem_shared>>
          tpu.wait_dma2 semaphore(%run_scoped3A : memref<!tpu.dma_semaphore, #tpu.memory_space<semaphore_mem>>) src(%dma_wait3A_45 : memref<128x64xf32, #tpu.memory_space<vmem_shared>>) dst(%dma_wait3A_43 : memref<128x64xf32, #tpu.memory_space<hbm>>)
          tpu.yield
        }) : () -> ()
      }
      %scan3A_35 = arith.constant 5 : i32
    } else {
    }
    return
  }
}

module attributes {stable_mosaic.version = 14 : i64} {
  func.func @_matmul_body(%arg0: i32, %arg1: memref<1000x128xf32, #tpu.memory_space<vmem>>, %arg2: memref<128x128xf32, #tpu.memory_space<vmem>>, %arg3: memref<1000x64xf32, #tpu.memory_space<vmem>>, %arg4: memref<1000x64xf32, #tpu.memory_space<vmem>>) attributes {dimension_semantics = [#tpu.dimension_semantics<arbitrary>], iteration_bounds = array<i64: 10>, scalar_prefetch = 0 : i64, scratch_operands = 0 : i64, tpu.core_type = #tpu.core_type<tc>, window_params = [{transform_indices = @transform_0, window_bounds = array<i64: 1000, 128>}, {pipeline_mode = #tpu.pipeline_mode<synchronous>, transform_indices = @transform_1, window_bounds = array<i64: 128, 128>}, {transform_indices = @transform_2, window_bounds = array<i64: 1000, 64>}, {transform_indices = @transform_3, window_bounds = array<i64: 1000, 64>}]} {
    %get3A = arith.constant 0 : index
    %get3A_0 = arith.constant 0 : index
    %get3A_1 = vector.load %arg1[%get3A, %get3A_0] : memref<1000x128xf32, #tpu.memory_space<vmem>>, vector<1000x128xf32>
    %get3A_2 = arith.constant 0 : index
    %get3A_3 = arith.constant 0 : index
    %get3A_4 = vector.load %arg2[%get3A_2, %get3A_3] : memref<128x128xf32, #tpu.memory_space<vmem>>, vector<128x128xf32>
    %dot_general3A = arith.constant dense<0.000000e+00> : vector<1000x128xf32>
    %dot_general3A_5 = tpu.matmul %get3A_1, %get3A_4, %dot_general3A {dimension_numbers = #tpu.dot_dimension_numbers<[1], [0], [0], [1], [0, 0, 1, 1], [], []>, transpose_lhs_hint = false} : vector<1000x128xf32>, vector<128x128xf32>, vector<1000x128xf32> -> vector<1000x128xf32>
    %slice3A = vector.extract_strided_slice %dot_general3A_5 {offsets = [0, 0], sizes = [1000, 64], strides = [1, 1]} : vector<1000x128xf32> to vector<1000x64xf32>
    %swap3A = arith.constant 0 : index
    %swap3A_6 = arith.constant 0 : index
    %swap3A_7 = vector.load %arg3[%swap3A, %swap3A_6] : memref<1000x64xf32, #tpu.memory_space<vmem>>, vector<1000x64xf32>
    tpu.vector_store %arg3[%swap3A, %swap3A_6], %slice3A {strides = array<i32>} : memref<1000x64xf32, #tpu.memory_space<vmem>>, vector<1000x64xf32>,
    %slice3A_8 = vector.extract_strided_slice %dot_general3A_5 {offsets = [0, 64], sizes = [1000, 64], strides = [1, 1]} : vector<1000x128xf32> to vector<1000x64xf32>
    %swap3A_9 = arith.constant 0 : index
    %swap3A_10 = arith.constant 0 : index
    %swap3A_11 = vector.load %arg4[%swap3A_9, %swap3A_10] : memref<1000x64xf32, #tpu.memory_space<vmem>>, vector<1000x64xf32>
    tpu.vector_store %arg4[%swap3A_9, %swap3A_10], %slice3A_8 {strides = array<i32>} : memref<1000x64xf32, #tpu.memory_space<vmem>>, vector<1000x64xf32>,
    return
  }
  func.func @transform_0(%arg0: i32) -> (i32, i32) {
    %c0_i32 = arith.constant 0 : i32
    %c0_i32_0 = arith.constant 0 : i32
    return %arg0, %c0_i32 : i32, i32
  }
  func.func @transform_1(%arg0: i32) -> (i32, i32) {
    %c0_i32 = arith.constant 0 : i32
    %c0_i32_0 = arith.constant 0 : i32
    %c0_i32_1 = arith.constant 0 : i32
    return %c0_i32, %c0_i32_0 : i32, i32
  }
  func.func @transform_2(%arg0: i32) -> (i32, i32) {
    %c0_i32 = arith.constant 0 : i32
    %c0_i32_0 = arith.constant 0 : i32
    return %arg0, %c0_i32 : i32, i32
  }
  func.func @transform_3(%arg0: i32) -> (i32, i32) {
    %c0_i32 = arith.constant 0 : i32
    %c0_i32_0 = arith.constant 0 : i32
    return %arg0, %c0_i32 : i32, i32
  }
}

module attributes {stable_mosaic.version = 14 : i64} {
  func.func @_edge_scale_body(%arg0: i32, %arg1: memref<128x64xf32, #tpu.memory_space<vmem>>, %arg2: memref<128x64xf32, #tpu.memory_space<vmem>>, %arg3: memref<16x128xf32, #tpu.memory_space<vmem>>, %arg4: memref<128x1xf32, #tpu.memory_space<vmem>>, %arg5: memref<128x64xf32, #tpu.memory_space<vmem>>, %arg6: memref<128x64xf32, #tpu.memory_space<vmem>>) attributes {dimension_semantics = [#tpu.dimension_semantics<arbitrary>], iteration_bounds = array<i64: 157>, scalar_prefetch = 0 : i64, scratch_operands = 0 : i64, tpu.core_type = #tpu.core_type<tc>, window_params = [{transform_indices = @transform_0, window_bounds = array<i64: 128, 64>}, {transform_indices = @transform_1, window_bounds = array<i64: 128, 64>}, {transform_indices = @transform_2, window_bounds = array<i64: 16, 128>}, {transform_indices = @transform_3, window_bounds = array<i64: 128, 1>}, {transform_indices = @transform_4, window_bounds = array<i64: 128, 64>}, {transform_indices = @transform_5, window_bounds = array<i64: 128, 64>}]} {
    %get3A = arith.constant 0 : index
    %get3A_0 = arith.constant 0 : index
    %get3A_1 = vector.load %arg3[%get3A, %get3A_0] : memref<16x128xf32, #tpu.memory_space<vmem>>, vector<16x128xf32>
    %broadcast_in_dim3A = arith.constant 1.000000e+00 : f32
    %broadcast_in_dim3A_2 = vector.broadcast %broadcast_in_dim3A : f32 to vector<16x1xf32>
    %dot_general3A = arith.constant dense<0.000000e+00> : vector<128x1xf32>
    %dot_general3A_3 = tpu.matmul %get3A_1, %broadcast_in_dim3A_2, %dot_general3A {dimension_numbers = #tpu.dot_dimension_numbers<[0], [0], [1], [1], [0, 1, 1, 1], [], []>, transpose_lhs_hint = false} : vector<16x128xf32>, vector<16x1xf32>, vector<128x1xf32> -> vector<128x1xf32>
    %get3A_4 = arith.constant 0 : index
    %get3A_5 = arith.constant 0 : index
    %get3A_6 = vector.load %arg4[%get3A_4, %get3A_5] : memref<128x1xf32, #tpu.memory_space<vmem>>, vector<128x1xf32>
    %max3A = arith.constant 1.000000e+00 : f32
    %max3A_7 = vector.broadcast %max3A : f32 to vector<128x1xf32>
    %max3A_8 = arith.maximumf %dot_general3A_3, %max3A_7 : vector<128x1xf32>
    %div3A = arith.divf %get3A_6, %max3A_8 : vector<128x1xf32>
    %get3A_9 = arith.constant 0 : index
    %get3A_10 = arith.constant 0 : index
    %get3A_11 = vector.load %arg1[%get3A_9, %get3A_10] : memref<128x64xf32, #tpu.memory_space<vmem>>, vector<128x64xf32>
    %mul3A = vector.broadcast %div3A : vector<128x1xf32> to vector<128x64xf32>
    %mul3A_12 = arith.mulf %get3A_11, %mul3A : vector<128x64xf32>
    %swap3A = arith.constant 0 : index
    %swap3A_13 = arith.constant 0 : index
    %swap3A_14 = vector.load %arg5[%swap3A, %swap3A_13] : memref<128x64xf32, #tpu.memory_space<vmem>>, vector<128x64xf32>
    tpu.vector_store %arg5[%swap3A, %swap3A_13], %mul3A_12 {strides = array<i32>} : memref<128x64xf32, #tpu.memory_space<vmem>>, vector<128x64xf32>,
    %get3A_15 = arith.constant 0 : index
    %get3A_16 = arith.constant 0 : index
    %get3A_17 = vector.load %arg2[%get3A_15, %get3A_16] : memref<128x64xf32, #tpu.memory_space<vmem>>, vector<128x64xf32>
    %mul3A_18 = vector.broadcast %div3A : vector<128x1xf32> to vector<128x64xf32>
    %mul3A_19 = arith.mulf %get3A_17, %mul3A_18 : vector<128x64xf32>
    %swap3A_20 = arith.constant 0 : index
    %swap3A_21 = arith.constant 0 : index
    %swap3A_22 = vector.load %arg6[%swap3A_20, %swap3A_21] : memref<128x64xf32, #tpu.memory_space<vmem>>, vector<128x64xf32>
    tpu.vector_store %arg6[%swap3A_20, %swap3A_21], %mul3A_19 {strides = array<i32>} : memref<128x64xf32, #tpu.memory_space<vmem>>, vector<128x64xf32>,
    return
  }
  func.func @transform_0(%arg0: i32) -> (i32, i32) {
    %c0_i32 = arith.constant 0 : i32
    %c0_i32_0 = arith.constant 0 : i32
    return %arg0, %c0_i32 : i32, i32
  }
  func.func @transform_1(%arg0: i32) -> (i32, i32) {
    %c0_i32 = arith.constant 0 : i32
    %c0_i32_0 = arith.constant 0 : i32
    return %arg0, %c0_i32 : i32, i32
  }
  func.func @transform_2(%arg0: i32) -> (i32, i32) {
    %c0_i32 = arith.constant 0 : i32
    %c0_i32_0 = arith.constant 0 : i32
    return %c0_i32, %arg0 : i32, i32
  }
  func.func @transform_3(%arg0: i32) -> (i32, i32) {
    %c0_i32 = arith.constant 0 : i32
    %c0_i32_0 = arith.constant 0 : i32
    return %arg0, %c0_i32 : i32, i32
  }
  func.func @transform_4(%arg0: i32) -> (i32, i32) {
    %c0_i32 = arith.constant 0 : i32
    %c0_i32_0 = arith.constant 0 : i32
    return %arg0, %c0_i32 : i32, i32
  }
  func.func @transform_5(%arg0: i32) -> (i32, i32) {
    %c0_i32 = arith.constant 0 : i32
    %c0_i32_0 = arith.constant 0 : i32
    return %arg0, %c0_i32 : i32, i32
  }
}

module attributes {stable_mosaic.version = 14 : i64} {
  func.func @_final_body(%arg0: i32, %arg1: memref<1000x64xf32, #tpu.memory_space<vmem>>, %arg2: memref<1000x64xf32, #tpu.memory_space<vmem>>, %arg3: memref<1000x1xf32, #tpu.memory_space<vmem>>, %arg4: memref<1x128xf32, #tpu.memory_space<vmem>>, %arg5: memref<1000x128xf32, #tpu.memory_space<vmem>>) attributes {dimension_semantics = [#tpu.dimension_semantics<arbitrary>], iteration_bounds = array<i64: 10>, scalar_prefetch = 0 : i64, scratch_operands = 0 : i64, tpu.core_type = #tpu.core_type<tc>, window_params = [{transform_indices = @transform_0, window_bounds = array<i64: 1000, 64>}, {transform_indices = @transform_1, window_bounds = array<i64: 1000, 64>}, {transform_indices = @transform_2, window_bounds = array<i64: 1000, 1>}, {pipeline_mode = #tpu.pipeline_mode<synchronous>, transform_indices = @transform_3, window_bounds = array<i64: 1, 128>}, {transform_indices = @transform_4, window_bounds = array<i64: 1000, 128>}]} {
    %get3A = arith.constant 0 : index
    %get3A_0 = arith.constant 0 : index
    %get3A_1 = vector.load %arg3[%get3A, %get3A_0] : memref<1000x1xf32, #tpu.memory_space<vmem>>, vector<1000x1xf32>
    %get3A_2 = arith.constant 0 : index
    %get3A_3 = arith.constant 0 : index
    %get3A_4 = vector.load %arg1[%get3A_2, %get3A_3] : memref<1000x64xf32, #tpu.memory_space<vmem>>, vector<1000x64xf32>
    %mul3A = vector.broadcast %get3A_1 : vector<1000x1xf32> to vector<1000x64xf32>
    %mul3A_5 = arith.mulf %get3A_4, %mul3A : vector<1000x64xf32>
    %get3A_6 = arith.constant 0 : index
    %get3A_7 = arith.constant 0 : index
    %get3A_8 = vector.load %arg2[%get3A_6, %get3A_7] : memref<1000x64xf32, #tpu.memory_space<vmem>>, vector<1000x64xf32>
    %mul3A_9 = vector.broadcast %get3A_1 : vector<1000x1xf32> to vector<1000x64xf32>
    %mul3A_10 = arith.mulf %get3A_8, %mul3A_9 : vector<1000x64xf32>
    %concatenate3A = tpu.concatenate %mul3A_5, %mul3A_10 in 1 : vector<1000x64xf32>, vector<1000x64xf32> -> vector<1000x128xf32>
    %get3A_11 = arith.constant 0 : index
    %get3A_12 = arith.constant 0 : index
    %get3A_13 = vector.load %arg4[%get3A_11, %get3A_12] : memref<1x128xf32, #tpu.memory_space<vmem>>, vector<1x128xf32>
    %add3A = vector.broadcast %get3A_13 : vector<1x128xf32> to vector<1000x128xf32>
    %add3A_14 = arith.addf %concatenate3A, %add3A : vector<1000x128xf32>
    %swap3A = arith.constant 0 : index
    %swap3A_15 = arith.constant 0 : index
    %swap3A_16 = vector.load %arg5[%swap3A, %swap3A_15] : memref<1000x128xf32, #tpu.memory_space<vmem>>, vector<1000x128xf32>
    tpu.vector_store %arg5[%swap3A, %swap3A_15], %add3A_14 {strides = array<i32>} : memref<1000x128xf32, #tpu.memory_space<vmem>>, vector<1000x128xf32>,
    return
  }
  func.func @transform_0(%arg0: i32) -> (i32, i32) {
    %c0_i32 = arith.constant 0 : i32
    %c0_i32_0 = arith.constant 0 : i32
    return %arg0, %c0_i32 : i32, i32
  }
  func.func @transform_1(%arg0: i32) -> (i32, i32) {
    %c0_i32 = arith.constant 0 : i32
    %c0_i32_0 = arith.constant 0 : i32
    return %arg0, %c0_i32 : i32, i32
  }
  func.func @transform_2(%arg0: i32) -> (i32, i32) {
    %c0_i32 = arith.constant 0 : i32
    %c0_i32_0 = arith.constant 0 : i32
    return %arg0, %c0_i32 : i32, i32
  }
  func.func @transform_3(%arg0: i32) -> (i32, i32) {
    %c0_i32 = arith.constant 0 : i32
    %c0_i32_0 = arith.constant 0 : i32
    %c0_i32_1 = arith.constant 0 : i32
    return %c0_i32, %c0_i32_0 : i32, i32
  }
  func.func @transform_4(%arg0: i32) -> (i32, i32) {
    %c0_i32 = arith.constant 0 : i32
    %c0_i32_0 = arith.constant 0 : i32
    return %arg0, %c0_i32 : i32, i32
  }
}

</mosaic_0001>

<sc_bundles>
// kernel: kernel.10.cloned.1.call-start
scs
__scs_entry_jumppad:
0x0: {  	(pc) =	sbr.rel $0x88, $3  }
0x1: {  	(tag) =	ssettag $0x0;
	lr =	simm.s32 $0x1  }
0x2: {  	[smem:$0x3F9A] =	sst lr;
	_ =	strace $0xD0000000  }
0x3: {  	_ = 	snop  }
0x4: {  	_ = 	snop  }
0x5: {  	_ = 	snop  }
0x6: {  	_ = 	snop  }
0x7: {  	_ = 	snop  }
__scs_overlays_trampoline_lowered:
0x8: {  	[smem:$0x3FA9] =	sst s0  }
0x9: {  	[smem:$0x3FAA] =	sst s1  }
0xa: {  	[smem:$0x3FAB] =	sst s2  }
0xb: {  	[smem:$0x3FAC] =	sst s3  }
0xc: {  	[smem:$0x3FAD] =	sst s4  }
0xd: {  	[smem:$0x3FAE] =	sst s5  }
0xe: {  	[smem:$0x3FAF] =	sst s6  }
0xf: {  	[smem:$0x3FB0] =	sst s7  }
0x10: {  	[smem:$0x3FB1] =	sst s8  }
0x11: {  	[smem:$0x3FB2] =	sst s9;
	s0 =	simm.s32 @!p0 $0x0  }
0x12: {  	s1 =	sld [smem:$0x3F98];
	s0 =	simm.s32 @p0 $0x1  }
0x13: {  	[smem:$0x3FB3] =	sst s0;
	s0 =	simm.s32 @!p1 $0x0  }
0x14: {  	s2 =	sld [smem:$0x3F97];
	s0 =	simm.s32 @p1 $0x1  }
0x15: {  	[smem:$0x3FB4] =	sst s0;
	s0 =	simm.s32 @!p2 $0x0  }
0x16: {  	s3 =	sld [smem:$0x3FDB];
	s0 =	simm.s32 @p2 $0x1  }
0x17: {  	s4 =	simm.s32 $0x1BF5;
	[smem:$0x3FB6] =	sst s0  }
0x18: {  	s0 =	sld [smem:$0x3F99];
	_ =	swait.ge [sflag:s4], $0x0  }
0x19: {  	s7 =	sld [smem:$0x3F9A]  }
0x1a: {  	s8 =	sadd.s32 $0xFFFFE003, lr  }
0x1b: {  	s9 =	sadd.s32 $0xFFFFFEF7, lr;
	s5 =	simm.s32 $0xFFFFFFFF;
	p2 =	slt.u32 s8, $0xFFFFF086  }
0x1c: {  	p1 =	slt.u32 s9, $0xF7A;
	s5 =	simm.s32 @!p2 $0x0  }
0x1d: {  	s5 =	simm.s32 @p1 $0x1;
	p0 =	seq.s32 s7, s2  }
0x1e: {  	s7 =	smul.u32 @!p0 $0xF7A, s2;
	p2 =	seq.s32 @!p0 s5, $0x0  }
0x1f: {  	s9 =	smul.u32 $0xF7A, s1;
	s8 =	simm.s32 @!p0 $0x1BF5;
	p2 =	por !p2, p0  }
0x20: {  	[sflag:s8] =	ssyncset.s32 @!p0 $0xFFFFF086;
	s6 =	sadd.s32 @!p0 s3, s7;
	s7 =	simm.s32 @!p0 $0x108  }
0x21: {  	s3 =	sadd.s32 s3, s9;
	s6 =	sadd.s32 @!p0 $0x88, s6;
	s7 =	simm.s32 @p2 $0x1082  }
0x22: {  	[simem:s7], [sflag:s8] =	dma.local @!p0 [hbm:s6], $0xF7A  }
0x23: {  	s9 =	sor.u32 $0xD0000000, s2;
	s6 =	simm.s32 $0x108;
	_ =	swait.ge @!p0 [sflag:s8], $0x0  }
0x24: {  	s3 =	sadd.s32 $0x88, s3;
	s6 =	simm.s32 @!p1 $0x1082;
	[sflag:s4] =	ssyncset.s32 $0xFFFFF086  }
0x25: {  	[simem:s6], [sflag:s4] =	dma.local [hbm:s3], $0xF7A  }
0x26: {  	[smem:$0x3F9A] =	sst s1;
	(tag) =	ssettag s2;
	_ =	strace s9  }
0x27: {  	s1 =	sld [smem:$0x3FAA]  }
0x28: {  	s2 =	sld [smem:$0x3FAB]  }
0x29: {  	s4 =	sld [smem:$0x3FAD]  }
0x2a: {  	p0 =	seq.s32 s5, $0x0;
	s5 =	sld [smem:$0x3FAE]  }
0x2b: {  	s6 =	sld [smem:$0x3FAF]  }
0x2c: {  	s7 =	sld [smem:$0x3FB0]  }
0x2d: {  	s3 =	simm.s32 $0x108;
	s8 =	sld [smem:$0x3FB1]  }
0x2e: {  	s3 =	simm.s32 @!p0 $0x1082;
	s9 =	sld [smem:$0x3FB2]  }
0x2f: {  	lr =	sadd.s32 s0, s3;
	s0 =	sld [smem:$0x3FA9]  }
0x30: {  	s3 =	sld [smem:$0x3FAC]  }
0x31: {  	[smem:$0x3FB5] =	sst s10  }
0x32: {  	s10 =	sld [smem:$0x3FB3];
	_ =	sdelay $0x3  }
0x33: {  	p0 =	seq.s32 s10, $0x1;
	s10 =	sld [smem:$0x3FB5];
	_ =	sdelay $0x3  }
0x34: {  	[smem:$0x3FB5] =	sst s10  }
0x35: {  	s10 =	sld [smem:$0x3FB4];
	_ =	sdelay $0x3  }
0x36: {  	p1 =	seq.s32 s10, $0x1;
	s10 =	sld [smem:$0x3FB5];
	_ =	sdelay $0x3  }
0x37: {  	[smem:$0x3FB5] =	sst s10  }
0x38: {  	s10 =	sld [smem:$0x3FB6]  }
0x39: {  	_ = 	snop;
	(pc) =	sbr.ind lr, $3  }
0x3a: {  	_ = 	snop  }
0x3b: {  	_ = 	snop  }
0x3c: {  	p2 =	seq.s32 s10, $0x1;
	s10 =	sld [smem:$0x3FB5]  }
0x3d: {  	_ =	shalt  }
0x3e: {  	_ =	shalt  }
0x3f: {  	_ =	shalt  }
0x40: {  	_ =	shalt  }
0x41: {  	_ =	shalt  }
0x42: {  	_ =	shalt  }
0x43: {  	_ =	shalt  }
0x44: {  	_ =	shalt  }
0x45: {  	_ =	shalt  }
0x46: {  	_ =	shalt  }
0x47: {  	_ =	shalt  }
0x48: {  	_ =	shalt  }
0x49: {  	_ =	shalt  }
0x4a: {  	_ =	shalt  }
0x4b: {  	_ =	shalt  }
0x4c: {  	_ =	shalt  }
0x4d: {  	_ =	shalt  }
0x4e: {  	_ =	shalt  }
0x4f: {  	_ =	shalt  }
0x50: {  	_ =	shalt  }
0x51: {  	_ =	shalt  }
0x52: {  	_ =	shalt  }
0x53: {  	_ =	shalt  }
0x54: {  	_ =	shalt  }
0x55: {  	_ =	shalt  }
0x56: {  	_ =	shalt  }
0x57: {  	_ =	shalt  }
0x58: {  	_ =	shalt  }
0x59: {  	_ =	shalt  }
0x5a: {  	_ =	shalt  }
0x5b: {  	_ =	shalt  }
0x5c: {  	_ =	shalt  }
0x5d: {  	_ =	shalt  }
0x5e: {  	_ =	shalt  }
0x5f: {  	_ =	shalt  }
0x60: {  	_ =	shalt  }
0x61: {  	_ =	shalt  }
0x62: {  	_ =	shalt  }
0x63: {  	_ =	shalt  }
0x64: {  	_ =	shalt  }
0x65: {  	_ =	shalt  }
0x66: {  	_ =	shalt  }
0x67: {  	_ =	shalt  }
0x68: {  	_ =	shalt  }
0x69: {  	_ =	shalt  }
0x6a: {  	_ =	shalt  }
0x6b: {  	_ =	shalt  }
0x6c: {  	_ =	shalt  }
0x6d: {  	_ =	shalt  }
0x6e: {  	_ =	shalt  }
0x6f: {  	_ =	shalt  }
0x70: {  	_ =	shalt  }
0x71: {  	_ =	shalt  }
0x72: {  	_ =	shalt  }
0x73: {  	_ =	shalt  }
0x74: {  	_ =	shalt  }
0x75: {  	_ =	shalt  }
0x76: {  	_ =	shalt  }
0x77: {  	_ =	shalt  }
0x78: {  	_ =	shalt  }
0x79: {  	_ =	shalt  }
0x7a: {  	_ =	shalt  }
0x7b: {  	_ =	shalt  }
0x7c: {  	_ =	shalt  }
0x7d: {  	_ =	shalt  }
0x7e: {  	_ =	shalt  }
0x7f: {  	_ =	shalt  }
0x80: {  	_ =	shalt  }
0x81: {  	_ =	shalt  }
0x82: {  	_ =	shalt  }
0x83: {  	_ =	shalt  }
0x84: {  	_ =	shalt  }
0x85: {  	_ =	shalt  }
0x86: {  	_ =	shalt  }
0x87: {  	_ =	shalt  }
.Lfunc_end0:
.L_simem_size_0:
called_computation.1_lowered:
.L_overlay_start_0:
0x88: {  	s2 =	sld [smem:$0x3FD9]  }
0x89: {  	s3 =	sld [smem:$0x3FFE];
	_ =	sdelay $0x1  }
0x8a: {  	s1 =	srdreg.scid  }
0x8b: {  	s0 =	sand.u32 $0x1, s1  }
0x8c: {  	s17 =	sshll.u32 s0, $0xA;
	s2 =	sadd.s32 s3, s2  }
0x8d: {  	s2 =	sadd.s32 s2, s17  }
0x8e: {  	[smem:$0x3FC1] =	sst s2  }
0x8f: {  	_ = 	snop  }
0x90: {  	s2 =	sld [smem:$0x3FD0];
	(tm) =	ssettm $0x1  }
0x91: {  	s18 =	sld [smem:$0x3FFB];
	_ =	sdelay $0x3  }
0x92: {  	_ =	strace s18  }
0x93: {  	s3 =	sld [smem:$0x3FFC];
	_ =	sdelay $0x3  }
0x94: {  	_ =	strace s3  }
0x95: {  	s3 =	sld [smem:$0x3FFD];
	_ =	sdelay $0x3  }
0x96: {  	_ =	strace s3  }
0x97: {  	_ =	strace $0x8FFFFFFF  }
0x98: {  	s19 =	sld [smem:$0x3FDB];
	_ =	sdelay $0x1  }
0x99: {  	s4 =	simm.s32 $_scs_section_size  }
0x9a: {  	s5 =	simm.s32 $_size__tile_overlayer_lowered;
	s6 =	simm.s32 $_tile_overlayer_lowered  }
0x9b: {  	s22 =	simm.s32 $0x1BFF;
	s21 =	sshll.u32 s6, $0x1;
	s3 =	sadd.s32 s4, s19  }
0x9c: {  	s7 =	simm.s32 $0x0;
	s20 =	sshll.u32 s5, $0x1;
	s5 =	sadd.s32 s21, s3  }
0x9d: {  	[timem:s7], [sflag:s22] =	dma.local [hbm:s5], s20  }
0x9e: {  	_ =	swait.ge [sflag:s22], s20  }
0x9f: {  	s4 =	ssub.s32 $0x0, s20;
	[sflag:s22] =	ssyncset.done $0x0  }
0xa0: {  	[sflag:s22] =	ssyncadd.s32 s4;
	_ =	sdelay $0x1  }
0xa1: {  	s23 =	simm.s32 $0x1B8B  }
0xa2: {  	_ =	swait.ge [sflag:s23], $0x1  }
0xa3: {  	[sflag:s23] =	ssyncset.done $0x0  }
0xa4: {  	s25 =	simm.s32 $0x1B8E;
	s24 =	sld [smem:$0x3FFE];
	[sflag:s23] =	ssyncadd.s32 $0xFFFFFFFF  }
0xa5: {  	s26 =	simm.s32 $execute0_lowered;
	[smem:$0x3FD2] =	sst s25  }
0xa6: {  	s5 =	sshll.u32 s26, $0x1;
	_ =	strace $0x80000049;
	[dreg:$0x1] =	wrdreg $0xFFFFFFFF  }
0xa7: {  	s28 =	simm.s32 $_size_execute0_lowered;
	s3 =	sadd.s32 s3, s5;
	[dreg:$0x0] =	wrdreg $0x0  }
0xa8: {  	s5 =	sshll.u32 s28, $0x1;
	[dreg:$0x2] =	wrdreg s3  }
0xa9: {  	[dreg:$0x3] =	wrdreg s5  }
0xaa: {  	[dreg:$0x4] =	wrdreg $0xC0  }
0xab: {  	_ =	task [dreg:s7], $0x5FFFF  }
0xac: {  	[dreg:$0x1] =	wrdreg $0xFFFFFFFF  }
0xad: {  	[dreg:$0x0] =	wrdreg $0x60  }
0xae: {  	[dreg:$0x2] =	wrdreg s24  }
0xaf: {  	[dreg:$0x3] =	wrdreg s2  }
0xb0: {  	[dreg:$0x4] =	wrdreg $0x0  }
0xb1: {  	[dreg:$0x5] =	wrdreg $0x9  }
0xb2: {  	_ =	task.clear_ibuf [dreg:s7], $0x6FFFF;
	_ =	strace $0x90000049  }
0xb3: {  	s29 =	simm.s32 $0x9;
	_ =	strace $0x8000004B  }
0xb4: {  	_ =	swait.ge [sflag:s29], $0x1  }
0xb5: {  	[sflag:s29] =	ssyncadd.s32 $0xFFFFFFFF  }
0xb6: {  	_ =	strace $0x9000004B  }
0xb7: {  	_ =	sfence  }
0xb8: {  	s30 =	sld [smem:$0x0];
	_ =	sdelay $0x2  }
0xb9: {  	s31 =	sshll.u32 s1, $0xD;
	s1 =	sshrl.u32 s1, $0x2  }
0xba: {  	s3 =	sand.u32 $0x4000, s31;
	s1 =	sadd.s32 s1, s30  }
0xbb: {  	s0 =	sor.u32 s3, s0;
	s1 =	sshll.u32 s1, $0x11  }
0xbc: {  	s0 =	sor.u32 s1, s0  }
0xbd: {  	s0 =	sadd.s32 $0x8F2B, s0  }
0xbe: {  	[sflag:s0] =	ssyncadd.remote.s32 $0x1  }
0xbf: {  	_ =	sfence.sel $0xFFFF  }
0xc0: {  	[dreg:$0x0] =	wrdreg $0xFFFFFFFF;
	(pc) =	sbr.abs _section_cstart, $3  }
0xc1: {  	[dreg:$0x1] =	wrdreg $0xFFFFFFFF  }
0xc2: {  	_ =	task.clear_ibuf [dreg:s7], $0x2FFFF;
	_ =	strace $0x9FFFFFFF  }
0xc3: {  	(tm) =	ssettm $0x7FFFFFFF  }
tec
execute0_lowered:
.L_overlay_start_1:
0x0: {  	(tag) =	ssettag $0x1  }
0x1: {  	s0 =	rddreg [dreg:$0x0]  }
0x2: {  	s2 =	rddreg [dreg:$0x2];
	s9 =	simm.s32 $0x0;
	s1 =	srdreg.scid  }
0x3: {  	s8 =	stileid.u32;
	s28 =	simm.s32 $0x3;
	s29 =	simm.s32 $0xA000  }
0x4: {  	s30 =	simm.s32 $0x80;
	s11 =	simm.s32 $0xF000;
	s31 =	simm.s32 $0xAD00  }
0x5: {  	[smem:$0x7FF] =	sst s9;
	s5 =	sadd.s32 $0x47600, s0;
	s3 =	smul.u32 $0x28000, s8  }
0x6: {  	s1 =	sand.u32 $0x1, s1;
	s6 =	sadd.s32 $0x20200, s0;
	s10 =	smul.u32 $0x5000, s8  }
0x7: {  	s7 =	sadd.s32 $0x16200, s0;
	s0 =	sadd.s32 $0x6EA00, s0;
	s14 =	smul.u32 $0xA000, s8  }
0x8: {  	_ =	strace $0x8000004A;
	s4 =	ssub.s32 $0x2, s1;
	[dreg:$0x5] =	wrdreg s0  }
0x9: {  	p0 =	sne.s32 s1, $0x0;
	s1 =	simm.s32 $0xD000;
	s19 =	sadd.s32 $0x8000, s14  }
0xa: {  	s12 =	sshrl.u32 s4, $0x1;
	s20 =	sadd.s32 $0x6000, s14;
	[dreg:$0xc] =	wrdreg s19  }
0xb: {  	s3 =	sshrl.u32 s3, $0x2;
	s8 =	sadd.s32 $0x4000, s14;
	[dreg:$0xd] =	wrdreg s20  }
0xc: {  	s23 =	sadd.s32 $0x2000, s14;
	s24 =	sadd.s32 s14, s2;
	[dreg:$0xe] =	wrdreg s8  }
0xd: {  	s26 =	sshrl.u32 s14, $0x3;
	s14 =	simm.s32 $0xAE00;
	[dreg:$0x12] =	wrdreg s23  }
0xe: {  	s0 =	ssub.s32 s4, s12;
	s13 =	sadd.s32 s3, s2;
	[dreg:$0x14] =	wrdreg s26  }
0xf: {  	s21 =	sshrl.u32 s20, $0x3;
	s22 =	sshrl.u32 s8, $0x3;
	[dreg:$0x6] =	wrdreg s13  }
0x10: {  	s25 =	sshrl.u32 s23, $0x3;
	s26 =	simm.s32 $0xB000;
	[dreg:$0x10] =	wrdreg s21  }
0x11: {  	s8 =	simm.s32 $0x1;
	s3 =	simm.s32 $0xAD80;
	[dreg:$0x11] =	wrdreg s22  }
0x12: {  	s12 =	simm.s32 $0xA500;
	s0 =	smax.u32 s0, $0x1;
	[dreg:$0x13] =	wrdreg s25  }
0x13: {  	s20 =	simm.s32 $0xA600;
	s15 =	sadd.s32 $0x2000, s13;
	[dreg:$0x7] =	wrdreg s0  }
0x14: {  	s23 =	simm.s32 $0xA680;
	s16 =	sadd.s32 $0x4000, s13;
	[dreg:$0x8] =	wrdreg s15  }
0x15: {  	s17 =	sadd.s32 $0x6000, s13;
	s18 =	sadd.s32 $0x8000, s13;
	[dreg:$0x9] =	wrdreg s16  }
.Ltmp0:
0x16: {  	s13 =	simm.s32 $0x2;
	[dreg:$0xa] =	wrdreg s17;
	(pc) =	sbr.rel .LBB2_1-.Ltmp0, $4  }
0x17: {  	s21 =	simm.s32 $0xAF00;
	s25 =	simm.s32 $0xA700;
	[dreg:$0xb] =	wrdreg s18  }
0x18: {  	s0 =	sshrl.u32 s19, $0x3;
	s15 =	simm.s32 $0xA580;
	s19 =	simm.s32 $0xAE80  }
0x19: {  	s16 =	simm.s32 $0xA780;
	[dreg:$0xf] =	wrdreg s0;
	s0 =	sshrl.u32 s24, $0x3  }
0x1a: {  	v0 =	vimm.f32 $0.0e+00;
	s24 =	simm.s32 $0xAF80;
	[dreg:$0x15] =	wrdreg s0;
	s0 =	simm.s32 $0xA480  }
.LBB2_12:
0x1b: {  	s4 =	stileid.u32  }
0x1c: {  	s17 =	rddreg [dreg:$0x14];
	[bflag:$0x0] =	sbarrier.arrive $0xFFFF;
	s4 =	sshll.u32 s4, $0x6  }
0x1d: {  	s17 =	sadd.s32 s9, s17;
	s18 =	rddreg [dreg:$0x15];
	s4 =	sor.u32 $0x1C03, s4  }
0x1e: {  	[hbm:s17], [sflag:s4] =	dma.local [spmem:s18], $0x400  }
0x1f: {  	_ =	swait.ge [sflag:s28], $0x400  }
0x20: {  	s18 =	rddreg [dreg:$0x12]  }
0x21: {  	[sflag:s28] =	ssyncset.done $0x0;
	s17 =	sadd.s32 s18, s2;
	s18 =	rddreg [dreg:$0x13]  }
0x22: {  	[sflag:s28] =	ssyncadd.s32 $0xFFFFFC00;
	s18 =	sadd.s32 s9, s18;
	s17 =	sshrl.u32 s17, $0x3  }
0x23: {  	[hbm:s18], [sflag:s4] =	dma.local [spmem:s17], $0x400  }
0x24: {  	_ =	swait.ge [sflag:s28], $0x400  }
0x25: {  	s18 =	rddreg [dreg:$0xe]  }
0x26: {  	[sflag:s28] =	ssyncset.done $0x0;
	s17 =	sadd.s32 s18, s2;
	s18 =	rddreg [dreg:$0x11]  }
0x27: {  	[sflag:s28] =	ssyncadd.s32 $0xFFFFFC00;
	s18 =	sadd.s32 s9, s18;
	s17 =	sshrl.u32 s17, $0x3  }
0x28: {  	[hbm:s18], [sflag:s4] =	dma.local [spmem:s17], $0x400  }
0x29: {  	_ =	swait.ge [sflag:s28], $0x400  }
0x2a: {  	s18 =	rddreg [dreg:$0xd]  }
0x2b: {  	[sflag:s28] =	ssyncset.done $0x0;
	s17 =	sadd.s32 s18, s2;
	s18 =	rddreg [dreg:$0x10]  }
0x2c: {  	[sflag:s28] =	ssyncadd.s32 $0xFFFFFC00;
	s18 =	sadd.s32 s9, s18;
	s17 =	sshrl.u32 s17, $0x3  }
0x2d: {  	[hbm:s18], [sflag:s4] =	dma.local [spmem:s17], $0x400  }
0x2e: {  	_ =	swait.ge [sflag:s28], $0x400  }
0x2f: {  	s18 =	rddreg [dreg:$0xc]  }
0x30: {  	[sflag:s28] =	ssyncset.done $0x0;
	s17 =	sadd.s32 s18, s2;
	s18 =	rddreg [dreg:$0xf]  }
0x31: {  	[sflag:s28] =	ssyncadd.s32 $0xFFFFFC00;
	s18 =	sadd.s32 s9, s18;
	s17 =	sshrl.u32 s17, $0x3  }
0x32: {  	[hbm:s18], [sflag:s4] =	dma.local [spmem:s17], $0x400  }
0x33: {  	_ =	swait.ge [sflag:s28], $0x400  }
0x34: {  	s9 =	sadd.s32 $0x1, s22;
	s22 =	rddreg [dreg:$0x7]  }
0x35: {  	p1 =	sne.s32 s9, s22  }
.Ltmp1:
0x36: {  	_ = 	snop;
	(pc) =	sbr.rel @!p1 .LBB2_13-.Ltmp1, $3  }
0x37: {  	_ =	sdelay $0x1  }
0x38: {  	[sflag:s28] =	ssyncset.done $0x0  }
0x39: {  	[sflag:s28] =	ssyncadd.s32 $0xFFFFFC00  }
.LBB2_1:
0x3a: {  	[dreg:$0x4] =	wrdreg s9;
	s17 =	simm.s32 $0x100;
	s9 =	simm.s32 $0x0  }
.LBB2_2:
0x3b: {  	p1 =	sne.s32 s17, $0x7F00;
	[tilespmem:s9+$0xB030] =	vst v0;
	s18 =	smov.u32 s17;
	s17 =	sadd.s32 $0x100, s17  }
.Ltmp2:
0x3c: {  	[tilespmem:s9+$0xB020] =	vst v0;
	(pc) =	sbr.rel @p1 .LBB2_2-.Ltmp2, $3  }
0x3d: {  	[tilespmem:s9+$0xB000] =	vst v0  }
0x3e: {  	[tilespmem:s9+$0xB010] =	vst v0;
	_ =	sdelay $0x1  }
0x3f: {  	s9 =	sshra.s32 s18, $0x2  }
0x40: {  	[tilespmem:s9+$0xB030] =	vst v0  }
0x41: {  	[tilespmem:s9+$0xB020] =	vst v0  }
0x42: {  	[tilespmem:s9+$0xB000] =	vst v0  }
0x43: {  	[tilespmem:s9+$0xB010] =	vst v0;
	s4 =	rddreg [dreg:$0x6]  }
0x44: {  	[spmem:s4] =	stream.linear.scatter [tilespmem:s26], [sflag:$0x3], $0x2000, $0x38;
	[tilespmem:$0x11000] =	vst v63  }
0x45: {  	_ =	swait.ge [sflag:s28], $0x2000  }
0x46: {  	[sflag:s28] =	ssyncset.done $0x0  }
0x47: {  	s9 =	rddreg [dreg:$0x8];
	[sflag:s28] =	ssyncadd.s32 $0xFFFFE000  }
0x48: {  	[spmem:s9] =	stream.linear.scatter [tilespmem:s26], [sflag:$0x3], $0x2000, $0x38;
	[tilespmem:$0x11000] =	vst v63  }
0x49: {  	_ =	swait.ge [sflag:s28], $0x2000  }
0x4a: {  	[sflag:s28] =	ssyncset.done $0x0  }
0x4b: {  	s17 =	rddreg [dreg:$0x9];
	[sflag:s28] =	ssyncadd.s32 $0xFFFFE000  }
0x4c: {  	[spmem:s17] =	stream.linear.scatter [tilespmem:s26], [sflag:$0x3], $0x2000, $0x38;
	[tilespmem:$0x11000] =	vst v63  }
0x4d: {  	_ =	swait.ge [sflag:s28], $0x2000  }
0x4e: {  	[sflag:s28] =	ssyncset.done $0x0  }
0x4f: {  	s18 =	rddreg [dreg:$0xa];
	[sflag:s28] =	ssyncadd.s32 $0xFFFFE000  }
0x50: {  	[spmem:s18] =	stream.linear.scatter [tilespmem:s26], [sflag:$0x3], $0x2000, $0x38;
	[tilespmem:$0x11000] =	vst v63  }
0x51: {  	_ =	swait.ge [sflag:s28], $0x2000  }
0x52: {  	[sflag:s28] =	ssyncset.done $0x0  }
0x53: {  	s22 =	rddreg [dreg:$0xb];
	[sflag:s28] =	ssyncadd.s32 $0xFFFFE000  }
0x54: {  	[spmem:s22] =	stream.linear.scatter [tilespmem:s26], [sflag:$0x3], $0x2000, $0x38;
	[tilespmem:$0x11000] =	vst v63  }
.Ltmp3:
0x55: {  	_ =	swait.ge [sflag:s28], $0x2000;
	(pc) =	sbr.rel @p0 .LBB2_8-.Ltmp3, $4  }
0x56: {  	[sflag:s28] =	ssyncset.done $0x0  }
0x57: {  	[sflag:s28] =	ssyncadd.s32 $0xFFFFE000  }
0x58: {  	[bflag:$0x0] =	sbarrier.arrive $0xFFFF  }
0x59: {  	s17 =	simm.s32 $0x0;
	s18 =	simm.s32 $0x0;
	s22 =	simm.s32 $0x0  }
.LBB2_4:
0x5a: {  	s9 =	sshll.u32 s18, $0xB  }
0x5b: {  	s9 =	sadd.s32 s10, s9  }
0x5c: {  	s9 =	sshrl.u32 s9, $0x3  }
0x5d: {  	s9 =	sadd.s32 s7, s9  }
0x5e: {  	[tilespmem:s29], [sflag:$0x3] =	stream.linear.gather [hbm4b:s9+s17], $0x800, $0x38;
	[tilespmem:$0x11000] =	vst v63  }
0x5f: {  	_ =	swait.ge [sflag:s28], $0x800  }
0x60: {  	[sflag:s28] =	ssyncset.done $0x0  }
0x61: {  	s22 =	simm.s32 $0x0;
	[sflag:s28] =	ssyncadd.s32 $0xFFFFF800  }
0x62: {  	v1 =	vld [tilespmem:s22+$0xA000]  }
0x63: {  	v7 =	vld [tilespmem:s22+$0xA010]  }
0x64: {  	v6 =	vld [tilespmem:s22+$0xA020]  }
0x65: {  	v5 =	vld [tilespmem:s22+$0xA030]  }
0x66: {  	v3 =	vld [tilespmem:s22+$0xA040]  }
0x67: {  	v4 =	vld [tilespmem:s22+$0xA050];
	v2 =	vand.u32 $0x3FFF, v1  }
0x68: {  	s9 =	simm.s32 $0x200;
	v1 =	vshrl.u32 v1, $0xE;
	v8 =	vand.u32 $0x3FFF, v7;
	[tilespmem:s22+$0xA000] =	vst v2;
	v2 =	vshrl.u32 v7, $0xE;
	v7 =	vld [tilespmem:s22+$0xA060]  }
.LBB2_5:
0x69: {  	p1 =	sne.s32 s9, $0x1E00;
	[tilespmem:s22+$0xA010] =	vst v8;
	v8 =	vshrl.u32 v6, $0xE;
	v6 =	vand.u32 $0x3FFF, v6;
	v9 =	vld [tilespmem:s22+$0xA070]  }
0x6a: {  	[tilespmem:s22+$0xA020] =	vst v6;
	v6 =	vshrl.u32 v5, $0xE;
	v5 =	vand.u32 $0x3FFF, v5  }
0x6b: {  	[tilespmem:s22+$0xA030] =	vst v5;
	v5 =	vshrl.u32 v3, $0xE;
	v3 =	vand.u32 $0x3FFF, v3  }
0x6c: {  	[tilespmem:s22+$0xA040] =	vst v3;
	v3 =	vshrl.u32 v4, $0xE;
	v4 =	vand.u32 $0x3FFF, v4  }
0x6d: {  	[tilespmem:s22+$0xA050] =	vst v4;
	v4 =	vshrl.u32 v7, $0xE;
	v7 =	vand.u32 $0x3FFF, v7  }
0x6e: {  	[tilespmem:s22+$0xA060] =	vst v7;
	v7 =	vshrl.u32 v9, $0xE;
	v9 =	vand.u32 $0x3FFF, v9  }
0x6f: {  	[tilespmem:s22+$0xA070] =	vst v9  }
0x70: {  	[tilespmem:s22+$0xA800] =	vst v1  }
0x71: {  	s4 =	sshra.s32 s9, $0x2;
	[tilespmem:s22+$0xA810] =	vst v2  }
0x72: {  	v2 =	vld [tilespmem:s4+$0xA000];
	[tilespmem:s22+$0xA820] =	vst v8  }
0x73: {  	v8 =	vld [tilespmem:s4+$0xA010];
	[tilespmem:s22+$0xA830] =	vst v6  }
.Ltmp4:
0x74: {  	v6 =	vld [tilespmem:s4+$0xA020];
	[tilespmem:s22+$0xA840] =	vst v5;
	(pc) =	sbr.rel @p1 .LBB2_5-.Ltmp4, $4  }
0x75: {  	v5 =	vld [tilespmem:s4+$0xA030];
	[tilespmem:s22+$0xA850] =	vst v3  }
0x76: {  	v3 =	vld [tilespmem:s4+$0xA040];
	[tilespmem:s22+$0xA860] =	vst v4  }
0x77: {  	v1 =	vshrl.u32 v2, $0xE;
	v2 =	vand.u32 $0x3FFF, v2;
	v4 =	vld [tilespmem:s4+$0xA050];
	[tilespmem:s22+$0xA870] =	vst v7;
	s22 =	smov.u32 s4  }
0x78: {  	s9 =	sadd.s32 $0x200, s9;
	[tilespmem:s22+$0xA000] =	vst v2;
	v2 =	vshrl.u32 v8, $0xE;
	v8 =	vand.u32 $0x3FFF, v8;
	v7 =	vld [tilespmem:s22+$0xA060]  }
0x79: {  	[tilespmem:s22+$0xA010] =	vst v8  }
0x7a: {  	[tilespmem:s22+$0xA800] =	vst v1  }
0x7b: {  	v58 =	vand.u32 $0x3FFF, v6;
	[tilespmem:s22+$0xA810] =	vst v2  }
0x7c: {  	v1 =	vshrl.u32 v6, $0xE;
	[tilespmem:s22+$0xA020] =	vst v58  }
0x7d: {  	v59 =	vand.u32 $0x3FFF, v5;
	[tilespmem:s22+$0xA820] =	vst v1  }
0x7e: {  	v2 =	vshrl.u32 v5, $0xE;
	[tilespmem:s22+$0xA030] =	vst v59  }
0x7f: {  	v60 =	vand.u32 $0x3FFF, v3;
	[tilespmem:s22+$0xA830] =	vst v2  }
0x80: {  	v9 =	vld [tilespmem:s22+$0xA070];
	v1 =	vshrl.u32 v3, $0xE;
	[tilespmem:s22+$0xA040] =	vst v60  }
0x81: {  	v61 =	vand.u32 $0x3FFF, v4;
	[tilespmem:s22+$0xA840] =	vst v1  }
0x82: {  	v2 =	vshrl.u32 v4, $0xE;
	[tilespmem:s22+$0xA050] =	vst v61  }
0x83: {  	v62 =	vand.u32 $0x3FFF, v7;
	[tilespmem:s22+$0xA850] =	vst v2  }
0x84: {  	v1 =	vshrl.u32 v7, $0xE;
	[tilespmem:s22+$0xA060] =	vst v62  }
0x85: {  	v63 =	vand.u32 $0x3FFF, v9;
	[tilespmem:s22+$0xA860] =	vst v1  }
0x86: {  	v2 =	vshrl.u32 v9, $0xE;
	[tilespmem:s22+$0xA070] =	vst v63  }
0x87: {  	s4 =	simm.s32 $0xA800;
	[tilespmem:s22+$0xA870] =	vst v2  }
0x88: {  	[tilespmem:s26], [sflag:$0x1] =	stream.indirect.gather [hbm4b:s5+s30], $0x40, s4, s30, $0xb8;
	[tilespmem:$0x11000] =	vst v63  }
0x89: {  	s22 =	simm.s32 $0xA880  }
0x8a: {  	[tilespmem:s1], [sflag:$0x1] =	stream.indirect.gather [hbm4b:s5+s30], $0x40, s22, s30, $0xb8;
	[tilespmem:$0x11000] =	vst v63  }
0x8b: {  	_ =	swait.ge [sflag:s8], $0x2000  }
0x8c: {  	[sflag:s8] =	ssyncset.done $0x0  }
0x8d: {  	[sflag:s8] =	ssyncadd.s32 $0xFFFFE000  }
0x8e: {  	[spmem:s2] =	stream.indirect.scatter.add.f32 [tilespmem:s26], [sflag:$0x2], $0x40, s29, s30, $0xb8;
	[tilespmem:$0x11000] =	vst v63  }
0x8f: {  	s9 =	simm.s32 $0xA900  }
0x90: {  	[tilespmem:s11], [sflag:$0x1] =	stream.indirect.gather [hbm4b:s5+s30], $0x40, s9, s30, $0xb8;
	[tilespmem:$0x11000] =	vst v63  }
0x91: {  	_ =	swait.ge [sflag:s8], $0x2000  }
0x92: {  	[sflag:s8] =	ssyncset.done $0x0  }
0x93: {  	s22 =	simm.s32 $0xA080;
	[sflag:s8] =	ssyncadd.s32 $0xFFFFE000  }
0x94: {  	[spmem:s2] =	stream.indirect.scatter.add.f32 [tilespmem:s1], [sflag:$0x2], $0x40, s22, s30, $0xb8;
	[tilespmem:$0x11000] =	vst v63  }
0x95: {  	_ =	swait.ge [sflag:s13], $0x2000  }
0x96: {  	[sflag:s13] =	ssyncset.done $0x0  }
0x97: {  	s9 =	simm.s32 $0xA980;
	[sflag:s13] =	ssyncadd.s32 $0xFFFFE000  }
0x98: {  	[tilespmem:s26], [sflag:$0x1] =	stream.indirect.gather [hbm4b:s5+s30], $0x40, s9, s30, $0xb8;
	[tilespmem:$0x11000] =	vst v63  }
0x99: {  	_ =	swait.ge [sflag:s8], $0x2000  }
0x9a: {  	[sflag:s8] =	ssyncset.done $0x0  }
0x9b: {  	s22 =	simm.s32 $0xA100;
	[sflag:s8] =	ssyncadd.s32 $0xFFFFE000  }
0x9c: {  	[spmem:s2] =	stream.indirect.scatter.add.f32 [tilespmem:s11], [sflag:$0x2], $0x40, s22, s30, $0xb8;
	[tilespmem:$0x11000] =	vst v63  }
0x9d: {  	_ =	swait.ge [sflag:s13], $0x2000  }
0x9e: {  	[sflag:s13] =	ssyncset.done $0x0  }
0x9f: {  	s9 =	simm.s32 $0xAA00;
	[sflag:s13] =	ssyncadd.s32 $0xFFFFE000  }
0xa0: {  	[tilespmem:s1], [sflag:$0x1] =	stream.indirect.gather [hbm4b:s5+s30], $0x40, s9, s30, $0xb8;
	[tilespmem:$0x11000] =	vst v63  }
0xa1: {  	_ =	swait.ge [sflag:s8], $0x2000  }
0xa2: {  	[sflag:s8] =	ssyncset.done $0x0  }
0xa3: {  	s22 =	simm.s32 $0xA180;
	[sflag:s8] =	ssyncadd.s32 $0xFFFFE000  }
0xa4: {  	[spmem:s2] =	stream.indirect.scatter.add.f32 [tilespmem:s26], [sflag:$0x2], $0x40, s22, s30, $0xb8;
	[tilespmem:$0x11000] =	vst v63  }
0xa5: {  	_ =	swait.ge [sflag:s13], $0x2000  }
0xa6: {  	[sflag:s13] =	ssyncset.done $0x0  }
0xa7: {  	s9 =	simm.s32 $0xAA80;
	[sflag:s13] =	ssyncadd.s32 $0xFFFFE000  }
0xa8: {  	[tilespmem:s11], [sflag:$0x1] =	stream.indirect.gather [hbm4b:s5+s30], $0x40, s9, s30, $0xb8;
	[tilespmem:$0x11000] =	vst v63  }
0xa9: {  	_ =	swait.ge [sflag:s8], $0x2000  }
0xaa: {  	[sflag:s8] =	ssyncset.done $0x0  }
0xab: {  	s22 =	simm.s32 $0xA200;
	[sflag:s8] =	ssyncadd.s32 $0xFFFFE000  }
0xac: {  	[spmem:s2] =	stream.indirect.scatter.add.f32 [tilespmem:s1], [sflag:$0x2], $0x40, s22, s30, $0xb8;
	[tilespmem:$0x11000] =	vst v63  }
0xad: {  	_ =	swait.ge [sflag:s13], $0x2000  }
0xae: {  	[sflag:s13] =	ssyncset.done $0x0  }
0xaf: {  	s9 =	simm.s32 $0xAB00;
	[sflag:s13] =	ssyncadd.s32 $0xFFFFE000  }
0xb0: {  	[tilespmem:s26], [sflag:$0x1] =	stream.indirect.gather [hbm4b:s5+s30], $0x40, s9, s30, $0xb8;
	[tilespmem:$0x11000] =	vst v63  }
0xb1: {  	_ =	swait.ge [sflag:s8], $0x2000  }
0xb2: {  	[sflag:s8] =	ssyncset.done $0x0  }
0xb3: {  	s22 =	simm.s32 $0xA280;
	[sflag:s8] =	ssyncadd.s32 $0xFFFFE000  }
0xb4: {  	[spmem:s2] =	stream.indirect.scatter.add.f32 [tilespmem:s11], [sflag:$0x2], $0x40, s22, s30, $0xb8;
	[tilespmem:$0x11000] =	vst v63  }
0xb5: {  	_ =	swait.ge [sflag:s13], $0x2000  }
0xb6: {  	[sflag:s13] =	ssyncset.done $0x0  }
0xb7: {  	s9 =	simm.s32 $0xAB80;
	[sflag:s13] =	ssyncadd.s32 $0xFFFFE000  }
0xb8: {  	[tilespmem:s1], [sflag:$0x1] =	stream.indirect.gather [hbm4b:s5+s30], $0x40, s9, s30, $0xb8;
	[tilespmem:$0x11000] =	vst v63  }
0xb9: {  	_ =	swait.ge [sflag:s8], $0x2000  }
0xba: {  	[sflag:s8] =	ssyncset.done $0x0  }
0xbb: {  	s22 =	simm.s32 $0xA300;
	[sflag:s8] =	ssyncadd.s32 $0xFFFFE000  }
0xbc: {  	[spmem:s2] =	stream.indirect.scatter.add.f32 [tilespmem:s26], [sflag:$0x2], $0x40, s22, s30, $0xb8;
	[tilespmem:$0x11000] =	vst v63  }
0xbd: {  	_ =	swait.ge [sflag:s13], $0x2000  }
0xbe: {  	[sflag:s13] =	ssyncset.done $0x0  }
0xbf: {  	s9 =	simm.s32 $0xAC00;
	[sflag:s13] =	ssyncadd.s32 $0xFFFFE000  }
0xc0: {  	[tilespmem:s11], [sflag:$0x1] =	stream.indirect.gather [hbm4b:s5+s30], $0x40, s9, s30, $0xb8;
	[tilespmem:$0x11000] =	vst v63  }
0xc1: {  	_ =	swait.ge [sflag:s8], $0x2000  }
0xc2: {  	[sflag:s8] =	ssyncset.done $0x0  }
0xc3: {  	s22 =	simm.s32 $0xA380;
	[sflag:s8] =	ssyncadd.s32 $0xFFFFE000  }
0xc4: {  	[spmem:s2] =	stream.indirect.scatter.add.f32 [tilespmem:s1], [sflag:$0x2], $0x40, s22, s30, $0xb8;
	[tilespmem:$0x11000] =	vst v63  }
0xc5: {  	_ =	swait.ge [sflag:s13], $0x2000  }
0xc6: {  	[sflag:s13] =	ssyncset.done $0x0  }
0xc7: {  	s9 =	simm.s32 $0xAC80;
	[sflag:s13] =	ssyncadd.s32 $0xFFFFE000  }
0xc8: {  	[tilespmem:s26], [sflag:$0x1] =	stream.indirect.gather [hbm4b:s5+s30], $0x40, s9, s30, $0xb8;
	[tilespmem:$0x11000] =	vst v63  }
0xc9: {  	_ =	swait.ge [sflag:s8], $0x2000  }
0xca: {  	[sflag:s8] =	ssyncset.done $0x0  }
0xcb: {  	s22 =	simm.s32 $0xA400;
	[sflag:s8] =	ssyncadd.s32 $0xFFFFE000  }
0xcc: {  	[spmem:s2] =	stream.indirect.scatter.add.f32 [tilespmem:s11], [sflag:$0x2], $0x40, s22, s30, $0xb8;
	[tilespmem:$0x11000] =	vst v63  }
0xcd: {  	_ =	swait.ge [sflag:s13], $0x2000  }
0xce: {  	[sflag:s13] =	ssyncset.done $0x0  }
0xcf: {  	[sflag:s13] =	ssyncadd.s32 $0xFFFFE000  }
0xd0: {  	[tilespmem:s1], [sflag:$0x1] =	stream.indirect.gather [hbm4b:s5+s30], $0x40, s31, s30, $0xb8;
	[tilespmem:$0x11000] =	vst v63  }
0xd1: {  	_ =	swait.ge [sflag:s8], $0x2000  }
0xd2: {  	[sflag:s8] =	ssyncset.done $0x0  }
0xd3: {  	[sflag:s8] =	ssyncadd.s32 $0xFFFFE000  }
0xd4: {  	[spmem:s2] =	stream.indirect.scatter.add.f32 [tilespmem:s26], [sflag:$0x2], $0x40, s0, s30, $0xb8;
	[tilespmem:$0x11000] =	vst v63  }
0xd5: {  	_ =	swait.ge [sflag:s13], $0x2000  }
0xd6: {  	[sflag:s13] =	ssyncset.done $0x0  }
0xd7: {  	[sflag:s13] =	ssyncadd.s32 $0xFFFFE000  }
0xd8: {  	[tilespmem:s11], [sflag:$0x1] =	stream.indirect.gather [hbm4b:s5+s30], $0x40, s3, s30, $0xb8;
	[tilespmem:$0x11000] =	vst v63  }
0xd9: {  	_ =	swait.ge [sflag:s8], $0x2000  }
0xda: {  	[sflag:s8] =	ssyncset.done $0x0  }
0xdb: {  	[sflag:s8] =	ssyncadd.s32 $0xFFFFE000  }
0xdc: {  	[spmem:s2] =	stream.indirect.scatter.add.f32 [tilespmem:s1], [sflag:$0x2], $0x40, s12, s30, $0xb8;
	[tilespmem:$0x11000] =	vst v63  }
0xdd: {  	_ =	swait.ge [sflag:s13], $0x2000  }
0xde: {  	[sflag:s13] =	ssyncset.done $0x0  }
0xdf: {  	[sflag:s13] =	ssyncadd.s32 $0xFFFFE000  }
0xe0: {  	[tilespmem:s26], [sflag:$0x1] =	stream.indirect.gather [hbm4b:s5+s30], $0x40, s14, s30, $0xb8;
	[tilespmem:$0x11000] =	vst v63  }
0xe1: {  	_ =	swait.ge [sflag:s8], $0x2000  }
0xe2: {  	[sflag:s8] =	ssyncset.done $0x0  }
0xe3: {  	[sflag:s8] =	ssyncadd.s32 $0xFFFFE000  }
0xe4: {  	[spmem:s2] =	stream.indirect.scatter.add.f32 [tilespmem:s11], [sflag:$0x2], $0x40, s15, s30, $0xb8;
	[tilespmem:$0x11000] =	vst v63  }
0xe5: {  	_ =	swait.ge [sflag:s13], $0x2000  }
0xe6: {  	[sflag:s13] =	ssyncset.done $0x0  }
0xe7: {  	[sflag:s13] =	ssyncadd.s32 $0xFFFFE000  }
0xe8: {  	[tilespmem:s1], [sflag:$0x1] =	stream.indirect.gather [hbm4b:s5+s30], $0x40, s19, s30, $0xb8;
	[tilespmem:$0x11000] =	vst v63  }
0xe9: {  	_ =	swait.ge [sflag:s8], $0x2000  }
0xea: {  	[sflag:s8] =	ssyncset.done $0x0  }
0xeb: {  	[sflag:s8] =	ssyncadd.s32 $0xFFFFE000  }
0xec: {  	[spmem:s2] =	stream.indirect.scatter.add.f32 [tilespmem:s26], [sflag:$0x2], $0x40, s20, s30, $0xb8;
	[tilespmem:$0x11000] =	vst v63  }
0xed: {  	_ =	swait.ge [sflag:s13], $0x2000  }
0xee: {  	[sflag:s13] =	ssyncset.done $0x0  }
0xef: {  	[sflag:s13] =	ssyncadd.s32 $0xFFFFE000  }
0xf0: {  	[tilespmem:s11], [sflag:$0x1] =	stream.indirect.gather [hbm4b:s5+s30], $0x40, s21, s30, $0xb8;
	[tilespmem:$0x11000] =	vst v63  }
0xf1: {  	_ =	swait.ge [sflag:s8], $0x2000  }
0xf2: {  	[sflag:s8] =	ssyncset.done $0x0  }
0xf3: {  	[sflag:s8] =	ssyncadd.s32 $0xFFFFE000  }
0xf4: {  	[spmem:s2] =	stream.indirect.scatter.add.f32 [tilespmem:s1], [sflag:$0x2], $0x40, s23, s30, $0xb8;
	[tilespmem:$0x11000] =	vst v63  }
0xf5: {  	_ =	swait.ge [sflag:s13], $0x2000  }
0xf6: {  	[sflag:s13] =	ssyncset.done $0x0  }
0xf7: {  	[sflag:s13] =	ssyncadd.s32 $0xFFFFE000  }
0xf8: {  	[tilespmem:s26], [sflag:$0x1] =	stream.indirect.gather [hbm4b:s5+s30], $0x40, s24, s30, $0xb8;
	[tilespmem:$0x11000] =	vst v63  }
0xf9: {  	_ =	swait.ge [sflag:s8], $0x2000  }
0xfa: {  	[sflag:s8] =	ssyncset.done $0x0  }
0xfb: {  	[sflag:s8] =	ssyncadd.s32 $0xFFFFE000  }
0xfc: {  	[spmem:s2] =	stream.indirect.scatter.add.f32 [tilespmem:s11], [sflag:$0x2], $0x40, s25, s30, $0xb8;
	[tilespmem:$0x11000] =	vst v63  }
0xfd: {  	_ =	swait.ge [sflag:s8], $0x2000  }
0xfe: {  	[sflag:s8] =	ssyncset.done $0x0  }
0xff: {  	s18 =	sadd.s32 $0x1, s18;
	[sflag:s8] =	ssyncadd.s32 $0xFFFFE000  }
0x100: {  	[spmem:s2] =	stream.indirect.scatter.add.f32 [tilespmem:s26], [sflag:$0x2], $0x40, s16, s30, $0xb8;
	[tilespmem:$0x11000] =	vst v63  }
0x101: {  	p1 =	seq.s32 s18, $0xA;
	_ =	swait.ge [sflag:s13], $0x2000  }
.Ltmp5:
0x102: {  	[sflag:s13] =	ssyncset.done $0x0;
	(pc) =	sbr.rel @!p1 .LBB2_4-.Ltmp5, $4  }
0x103: {  	[sflag:s13] =	ssyncadd.s32 $0xFFFFE000  }
0x104: {  	_ =	swait.ge [sflag:s13], $0x2000  }
0x105: {  	[sflag:s13] =	ssyncset.done $0x0  }
0x106: {  	[sflag:s13] =	ssyncadd.s32 $0xFFFFE000  }
.Ltmp6:
0x107: {  	(pc) =	sbr.rel .LBB2_12-.Ltmp6, $3  }
0x108: {  	_ =	sdelay $0x1  }
0x109: {  	s9 =	rddreg [dreg:$0x1]  }
0x10a: {  	s22 =	rddreg [dreg:$0x4]  }
.LBB2_8:
0x10b: {  	s4 =	sshll.u32 s22, $0xB  }
0x10c: {  	s4 =	sadd.s32 s10, s4  }
0x10d: {  	s4 =	sshrl.u32 s4, $0x3  }
0x10e: {  	s4 =	sadd.s32 s7, s4  }
0x10f: {  	[tilespmem:s29], [sflag:$0x3] =	stream.linear.gather [hbm4b:s4+s17], $0x800, $0x38;
	[tilespmem:$0x11000] =	vst v63  }
0x110: {  	_ =	swait.ge [sflag:s28], $0x800  }
0x111: {  	[sflag:s28] =	ssyncset.done $0x0  }
0x112: {  	s18 =	simm.s32 $0x0;
	[sflag:s28] =	ssyncadd.s32 $0xFFFFF800  }
0x113: {  	v1 =	vld [tilespmem:s18+$0xA000]  }
0x114: {  	v7 =	vld [tilespmem:s18+$0xA010]  }
0x115: {  	v6 =	vld [tilespmem:s18+$0xA020]  }
0x116: {  	v5 =	vld [tilespmem:s18+$0xA030]  }
0x117: {  	v3 =	vld [tilespmem:s18+$0xA040]  }
0x118: {  	v4 =	vld [tilespmem:s18+$0xA050];
	v2 =	vand.u32 $0x3FFF, v1  }
0x119: {  	s9 =	simm.s32 $0x200;
	v1 =	vshrl.u32 v1, $0xE;
	v8 =	vand.u32 $0x3FFF, v7;
	[tilespmem:s18+$0xA000] =	vst v2;
	v2 =	vshrl.u32 v7, $0xE;
	v7 =	vld [tilespmem:s18+$0xA060]  }
.LBB2_9:
0x11a: {  	p1 =	sne.s32 s9, $0x1E00;
	[tilespmem:s18+$0xA010] =	vst v8;
	v8 =	vshrl.u32 v6, $0xE;
	v6 =	vand.u32 $0x3FFF, v6;
	v9 =	vld [tilespmem:s18+$0xA070]  }
0x11b: {  	[tilespmem:s18+$0xA020] =	vst v6;
	v6 =	vshrl.u32 v5, $0xE;
	v5 =	vand.u32 $0x3FFF, v5  }
0x11c: {  	[tilespmem:s18+$0xA030] =	vst v5;
	v5 =	vshrl.u32 v3, $0xE;
	v3 =	vand.u32 $0x3FFF, v3  }
0x11d: {  	[tilespmem:s18+$0xA040] =	vst v3;
	v3 =	vshrl.u32 v4, $0xE;
	v4 =	vand.u32 $0x3FFF, v4  }
0x11e: {  	[tilespmem:s18+$0xA050] =	vst v4;
	v4 =	vshrl.u32 v7, $0xE;
	v7 =	vand.u32 $0x3FFF, v7  }
0x11f: {  	[tilespmem:s18+$0xA060] =	vst v7;
	v7 =	vshrl.u32 v9, $0xE;
	v9 =	vand.u32 $0x3FFF, v9  }
0x120: {  	[tilespmem:s18+$0xA070] =	vst v9  }
0x121: {  	[tilespmem:s18+$0xA800] =	vst v1  }
0x122: {  	s4 =	sshra.s32 s9, $0x2;
	[tilespmem:s18+$0xA810] =	vst v2  }
0x123: {  	v2 =	vld [tilespmem:s4+$0xA000];
	[tilespmem:s18+$0xA820] =	vst v8  }
0x124: {  	v8 =	vld [tilespmem:s4+$0xA010];
	[tilespmem:s18+$0xA830] =	vst v6  }
.Ltmp7:
0x125: {  	v6 =	vld [tilespmem:s4+$0xA020];
	[tilespmem:s18+$0xA840] =	vst v5;
	(pc) =	sbr.rel @p1 .LBB2_9-.Ltmp7, $4  }
0x126: {  	v5 =	vld [tilespmem:s4+$0xA030];
	[tilespmem:s18+$0xA850] =	vst v3  }
0x127: {  	v3 =	vld [tilespmem:s4+$0xA040];
	[tilespmem:s18+$0xA860] =	vst v4  }
0x128: {  	v1 =	vshrl.u32 v2, $0xE;
	v2 =	vand.u32 $0x3FFF, v2;
	v4 =	vld [tilespmem:s4+$0xA050];
	[tilespmem:s18+$0xA870] =	vst v7;
	s18 =	smov.u32 s4  }
0x129: {  	s9 =	sadd.s32 $0x200, s9;
	[tilespmem:s18+$0xA000] =	vst v2;
	v2 =	vshrl.u32 v8, $0xE;
	v8 =	vand.u32 $0x3FFF, v8;
	v7 =	vld [tilespmem:s18+$0xA060]  }
0x12a: {  	[tilespmem:s18+$0xA010] =	vst v8  }
0x12b: {  	[tilespmem:s18+$0xA800] =	vst v1  }
0x12c: {  	v58 =	vand.u32 $0x3FFF, v6;
	[tilespmem:s18+$0xA810] =	vst v2  }
0x12d: {  	v1 =	vshrl.u32 v6, $0xE;
	[tilespmem:s18+$0xA020] =	vst v58  }
0x12e: {  	v59 =	vand.u32 $0x3FFF, v5;
	[tilespmem:s18+$0xA820] =	vst v1  }
0x12f: {  	v2 =	vshrl.u32 v5, $0xE;
	[tilespmem:s18+$0xA030] =	vst v59  }
0x130: {  	v60 =	vand.u32 $0x3FFF, v3;
	[tilespmem:s18+$0xA830] =	vst v2  }
0x131: {  	v9 =	vld [tilespmem:s18+$0xA070];
	v1 =	vshrl.u32 v3, $0xE;
	[tilespmem:s18+$0xA040] =	vst v60  }
0x132: {  	v61 =	vand.u32 $0x3FFF, v4;
	[tilespmem:s18+$0xA840] =	vst v1  }
0x133: {  	v2 =	vshrl.u32 v4, $0xE;
	[tilespmem:s18+$0xA050] =	vst v61  }
0x134: {  	v62 =	vand.u32 $0x3FFF, v7;
	[tilespmem:s18+$0xA850] =	vst v2  }
0x135: {  	v1 =	vshrl.u32 v7, $0xE;
	[tilespmem:s18+$0xA060] =	vst v62  }
0x136: {  	v63 =	vand.u32 $0x3FFF, v9;
	[tilespmem:s18+$0xA860] =	vst v1  }
0x137: {  	v2 =	vshrl.u32 v9, $0xE;
	[tilespmem:s18+$0xA070] =	vst v63  }
0x138: {  	s4 =	simm.s32 $0xA800;
	[tilespmem:s18+$0xA870] =	vst v2  }
0x139: {  	[tilespmem:s26], [sflag:$0x1] =	stream.indirect.gather [hbm4b:s6+s30], $0x40, s4, s30, $0xb8;
	[tilespmem:$0x11000] =	vst v63  }
0x13a: {  	s18 =	simm.s32 $0xA880  }
0x13b: {  	[tilespmem:s1], [sflag:$0x1] =	stream.indirect.gather [hbm4b:s6+s30], $0x40, s18, s30, $0xb8;
	[tilespmem:$0x11000] =	vst v63  }
0x13c: {  	_ =	swait.ge [sflag:s8], $0x2000  }
0x13d: {  	[sflag:s8] =	ssyncset.done $0x0  }
0x13e: {  	[sflag:s8] =	ssyncadd.s32 $0xFFFFE000  }
0x13f: {  	[spmem:s2] =	stream.indirect.scatter.add.f32 [tilespmem:s26], [sflag:$0x2], $0x40, s29, s30, $0xb8;
	[tilespmem:$0x11000] =	vst v63  }
0x140: {  	s9 =	simm.s32 $0xA900  }
0x141: {  	[tilespmem:s11], [sflag:$0x1] =	stream.indirect.gather [hbm4b:s6+s30], $0x40, s9, s30, $0xb8;
	[tilespmem:$0x11000] =	vst v63  }
0x142: {  	_ =	swait.ge [sflag:s8], $0x2000  }
0x143: {  	[sflag:s8] =	ssyncset.done $0x0  }
0x144: {  	s18 =	simm.s32 $0xA080;
	[sflag:s8] =	ssyncadd.s32 $0xFFFFE000  }
0x145: {  	[spmem:s2] =	stream.indirect.scatter.add.f32 [tilespmem:s1], [sflag:$0x2], $0x40, s18, s30, $0xb8;
	[tilespmem:$0x11000] =	vst v63  }
0x146: {  	_ =	swait.ge [sflag:s13], $0x2000  }
0x147: {  	[sflag:s13] =	ssyncset.done $0x0  }
0x148: {  	s9 =	simm.s32 $0xA980;
	[sflag:s13] =	ssyncadd.s32 $0xFFFFE000  }
0x149: {  	[tilespmem:s26], [sflag:$0x1] =	stream.indirect.gather [hbm4b:s6+s30], $0x40, s9, s30, $0xb8;
	[tilespmem:$0x11000] =	vst v63  }
0x14a: {  	_ =	swait.ge [sflag:s8], $0x2000  }
0x14b: {  	[sflag:s8] =	ssyncset.done $0x0  }
0x14c: {  	s18 =	simm.s32 $0xA100;
	[sflag:s8] =	ssyncadd.s32 $0xFFFFE000  }
0x14d: {  	[spmem:s2] =	stream.indirect.scatter.add.f32 [tilespmem:s11], [sflag:$0x2], $0x40, s18, s30, $0xb8;
	[tilespmem:$0x11000] =	vst v63  }
0x14e: {  	_ =	swait.ge [sflag:s13], $0x2000  }
0x14f: {  	[sflag:s13] =	ssyncset.done $0x0  }
0x150: {  	s9 =	simm.s32 $0xAA00;
	[sflag:s13] =	ssyncadd.s32 $0xFFFFE000  }
0x151: {  	[tilespmem:s1], [sflag:$0x1] =	stream.indirect.gather [hbm4b:s6+s30], $0x40, s9, s30, $0xb8;
	[tilespmem:$0x11000] =	vst v63  }
0x152: {  	_ =	swait.ge [sflag:s8], $0x2000  }
0x153: {  	[sflag:s8] =	ssyncset.done $0x0  }
0x154: {  	s18 =	simm.s32 $0xA180;
	[sflag:s8] =	ssyncadd.s32 $0xFFFFE000  }
0x155: {  	[spmem:s2] =	stream.indirect.scatter.add.f32 [tilespmem:s26], [sflag:$0x2], $0x40, s18, s30, $0xb8;
	[tilespmem:$0x11000] =	vst v63  }
0x156: {  	_ =	swait.ge [sflag:s13], $0x2000  }
0x157: {  	[sflag:s13] =	ssyncset.done $0x0  }
0x158: {  	s9 =	simm.s32 $0xAA80;
	[sflag:s13] =	ssyncadd.s32 $0xFFFFE000  }
0x159: {  	[tilespmem:s11], [sflag:$0x1] =	stream.indirect.gather [hbm4b:s6+s30], $0x40, s9, s30, $0xb8;
	[tilespmem:$0x11000] =	vst v63  }
0x15a: {  	_ =	swait.ge [sflag:s8], $0x2000  }
0x15b: {  	[sflag:s8] =	ssyncset.done $0x0  }
0x15c: {  	s18 =	simm.s32 $0xA200;
	[sflag:s8] =	ssyncadd.s32 $0xFFFFE000  }
0x15d: {  	[spmem:s2] =	stream.indirect.scatter.add.f32 [tilespmem:s1], [sflag:$0x2], $0x40, s18, s30, $0xb8;
	[tilespmem:$0x11000] =	vst v63  }
0x15e: {  	_ =	swait.ge [sflag:s13], $0x2000  }
0x15f: {  	[sflag:s13] =	ssyncset.done $0x0  }
0x160: {  	s9 =	simm.s32 $0xAB00;
	[sflag:s13] =	ssyncadd.s32 $0xFFFFE000  }
0x161: {  	[tilespmem:s26], [sflag:$0x1] =	stream.indirect.gather [hbm4b:s6+s30], $0x40, s9, s30, $0xb8;
	[tilespmem:$0x11000] =	vst v63  }
0x162: {  	_ =	swait.ge [sflag:s8], $0x2000  }
0x163: {  	[sflag:s8] =	ssyncset.done $0x0  }
0x164: {  	s18 =	simm.s32 $0xA280;
	[sflag:s8] =	ssyncadd.s32 $0xFFFFE000  }
0x165: {  	[spmem:s2] =	stream.indirect.scatter.add.f32 [tilespmem:s11], [sflag:$0x2], $0x40, s18, s30, $0xb8;
	[tilespmem:$0x11000] =	vst v63  }
0x166: {  	_ =	swait.ge [sflag:s13], $0x2000  }
0x167: {  	[sflag:s13] =	ssyncset.done $0x0  }
0x168: {  	s9 =	simm.s32 $0xAB80;
	[sflag:s13] =	ssyncadd.s32 $0xFFFFE000  }
0x169: {  	[tilespmem:s1], [sflag:$0x1] =	stream.indirect.gather [hbm4b:s6+s30], $0x40, s9, s30, $0xb8;
	[tilespmem:$0x11000] =	vst v63  }
0x16a: {  	_ =	swait.ge [sflag:s8], $0x2000  }
0x16b: {  	[sflag:s8] =	ssyncset.done $0x0  }
0x16c: {  	s18 =	simm.s32 $0xA300;
	[sflag:s8] =	ssyncadd.s32 $0xFFFFE000  }
0x16d: {  	[spmem:s2] =	stream.indirect.scatter.add.f32 [tilespmem:s26], [sflag:$0x2], $0x40, s18, s30, $0xb8;
	[tilespmem:$0x11000] =	vst v63  }
0x16e: {  	_ =	swait.ge [sflag:s13], $0x2000  }
0x16f: {  	[sflag:s13] =	ssyncset.done $0x0  }
0x170: {  	s9 =	simm.s32 $0xAC00;
	[sflag:s13] =	ssyncadd.s32 $0xFFFFE000  }
0x171: {  	[tilespmem:s11], [sflag:$0x1] =	stream.indirect.gather [hbm4b:s6+s30], $0x40, s9, s30, $0xb8;
	[tilespmem:$0x11000] =	vst v63  }
0x172: {  	_ =	swait.ge [sflag:s8], $0x2000  }
0x173: {  	[sflag:s8] =	ssyncset.done $0x0  }
0x174: {  	s18 =	simm.s32 $0xA380;
	[sflag:s8] =	ssyncadd.s32 $0xFFFFE000  }
0x175: {  	[spmem:s2] =	stream.indirect.scatter.add.f32 [tilespmem:s1], [sflag:$0x2], $0x40, s18, s30, $0xb8;
	[tilespmem:$0x11000] =	vst v63  }
0x176: {  	_ =	swait.ge [sflag:s13], $0x2000  }
0x177: {  	[sflag:s13] =	ssyncset.done $0x0  }
0x178: {  	s9 =	simm.s32 $0xAC80;
	[sflag:s13] =	ssyncadd.s32 $0xFFFFE000  }
0x179: {  	[tilespmem:s26], [sflag:$0x1] =	stream.indirect.gather [hbm4b:s6+s30], $0x40, s9, s30, $0xb8;
	[tilespmem:$0x11000] =	vst v63  }
0x17a: {  	_ =	swait.ge [sflag:s8], $0x2000  }
0x17b: {  	[sflag:s8] =	ssyncset.done $0x0  }
0x17c: {  	s18 =	simm.s32 $0xA400;
	[sflag:s8] =	ssyncadd.s32 $0xFFFFE000  }
0x17d: {  	[spmem:s2] =	stream.indirect.scatter.add.f32 [tilespmem:s11], [sflag:$0x2], $0x40, s18, s30, $0xb8;
	[tilespmem:$0x11000] =	vst v63  }
0x17e: {  	_ =	swait.ge [sflag:s13], $0x2000  }
0x17f: {  	[sflag:s13] =	ssyncset.done $0x0  }
0x180: {  	[sflag:s13] =	ssyncadd.s32 $0xFFFFE000  }
0x181: {  	[tilespmem:s1], [sflag:$0x1] =	stream.indirect.gather [hbm4b:s6+s30], $0x40, s31, s30, $0xb8;
	[tilespmem:$0x11000] =	vst v63  }
0x182: {  	_ =	swait.ge [sflag:s8], $0x2000  }
0x183: {  	[sflag:s8] =	ssyncset.done $0x0  }
0x184: {  	[sflag:s8] =	ssyncadd.s32 $0xFFFFE000  }
0x185: {  	[spmem:s2] =	stream.indirect.scatter.add.f32 [tilespmem:s26], [sflag:$0x2], $0x40, s0, s30, $0xb8;
	[tilespmem:$0x11000] =	vst v63  }
0x186: {  	_ =	swait.ge [sflag:s13], $0x2000  }
0x187: {  	[sflag:s13] =	ssyncset.done $0x0  }
0x188: {  	[sflag:s13] =	ssyncadd.s32 $0xFFFFE000  }
0x189: {  	[tilespmem:s11], [sflag:$0x1] =	stream.indirect.gather [hbm4b:s6+s30], $0x40, s3, s30, $0xb8;
	[tilespmem:$0x11000] =	vst v63  }
0x18a: {  	_ =	swait.ge [sflag:s8], $0x2000  }
0x18b: {  	[sflag:s8] =	ssyncset.done $0x0  }
0x18c: {  	[sflag:s8] =	ssyncadd.s32 $0xFFFFE000  }
0x18d: {  	[spmem:s2] =	stream.indirect.scatter.add.f32 [tilespmem:s1], [sflag:$0x2], $0x40, s12, s30, $0xb8;
	[tilespmem:$0x11000] =	vst v63  }
0x18e: {  	_ =	swait.ge [sflag:s13], $0x2000  }
0x18f: {  	[sflag:s13] =	ssyncset.done $0x0  }
0x190: {  	[sflag:s13] =	ssyncadd.s32 $0xFFFFE000  }
0x191: {  	[tilespmem:s26], [sflag:$0x1] =	stream.indirect.gather [hbm4b:s6+s30], $0x40, s14, s30, $0xb8;
	[tilespmem:$0x11000] =	vst v63  }
0x192: {  	_ =	swait.ge [sflag:s8], $0x2000  }
0x193: {  	[sflag:s8] =	ssyncset.done $0x0  }
0x194: {  	[sflag:s8] =	ssyncadd.s32 $0xFFFFE000  }
0x195: {  	[spmem:s2] =	stream.indirect.scatter.add.f32 [tilespmem:s11], [sflag:$0x2], $0x40, s15, s30, $0xb8;
	[tilespmem:$0x11000] =	vst v63  }
0x196: {  	_ =	swait.ge [sflag:s13], $0x2000  }
0x197: {  	[sflag:s13] =	ssyncset.done $0x0  }
0x198: {  	[sflag:s13] =	ssyncadd.s32 $0xFFFFE000  }
0x199: {  	[tilespmem:s1], [sflag:$0x1] =	stream.indirect.gather [hbm4b:s6+s30], $0x40, s19, s30, $0xb8;
	[tilespmem:$0x11000] =	vst v63  }
0x19a: {  	_ =	swait.ge [sflag:s8], $0x2000  }
0x19b: {  	[sflag:s8] =	ssyncset.done $0x0  }
0x19c: {  	[sflag:s8] =	ssyncadd.s32 $0xFFFFE000  }
0x19d: {  	[spmem:s2] =	stream.indirect.scatter.add.f32 [tilespmem:s26], [sflag:$0x2], $0x40, s20, s30, $0xb8;
	[tilespmem:$0x11000] =	vst v63  }
0x19e: {  	_ =	swait.ge [sflag:s13], $0x2000  }
0x19f: {  	[sflag:s13] =	ssyncset.done $0x0  }
0x1a0: {  	[sflag:s13] =	ssyncadd.s32 $0xFFFFE000  }
0x1a1: {  	[tilespmem:s11], [sflag:$0x1] =	stream.indirect.gather [hbm4b:s6+s30], $0x40, s21, s30, $0xb8;
	[tilespmem:$0x11000] =	vst v63  }
0x1a2: {  	_ =	swait.ge [sflag:s8], $0x2000  }
0x1a3: {  	[sflag:s8] =	ssyncset.done $0x0  }
0x1a4: {  	[sflag:s8] =	ssyncadd.s32 $0xFFFFE000  }
0x1a5: {  	[spmem:s2] =	stream.indirect.scatter.add.f32 [tilespmem:s1], [sflag:$0x2], $0x40, s23, s30, $0xb8;
	[tilespmem:$0x11000] =	vst v63  }
0x1a6: {  	_ =	swait.ge [sflag:s13], $0x2000  }
0x1a7: {  	[sflag:s13] =	ssyncset.done $0x0  }
0x1a8: {  	[sflag:s13] =	ssyncadd.s32 $0xFFFFE000  }
0x1a9: {  	[tilespmem:s26], [sflag:$0x1] =	stream.indirect.gather [hbm4b:s6+s30], $0x40, s24, s30, $0xb8;
	[tilespmem:$0x11000] =	vst v63  }
0x1aa: {  	_ =	swait.ge [sflag:s8], $0x2000  }
0x1ab: {  	[sflag:s8] =	ssyncset.done $0x0  }
0x1ac: {  	[sflag:s8] =	ssyncadd.s32 $0xFFFFE000  }
0x1ad: {  	[spmem:s2] =	stream.indirect.scatter.add.f32 [tilespmem:s11], [sflag:$0x2], $0x40, s25, s30, $0xb8;
	[tilespmem:$0x11000] =	vst v63  }
0x1ae: {  	_ =	swait.ge [sflag:s8], $0x2000  }
0x1af: {  	[sflag:s8] =	ssyncset.done $0x0  }
0x1b0: {  	s22 =	sadd.s32 $0x1, s22;
	[sflag:s8] =	ssyncadd.s32 $0xFFFFE000  }
0x1b1: {  	[spmem:s2] =	stream.indirect.scatter.add.f32 [tilespmem:s26], [sflag:$0x2], $0x40, s16, s30, $0xb8;
	[tilespmem:$0x11000] =	vst v63  }
0x1b2: {  	p1 =	sne.s32 s22, $0xA;
	_ =	swait.ge [sflag:s13], $0x2000  }
.Ltmp8:
0x1b3: {  	[sflag:s13] =	ssyncset.done $0x0;
	(pc) =	sbr.rel @p1 .LBB2_8-.Ltmp8, $4  }
0x1b4: {  	[sflag:s13] =	ssyncadd.s32 $0xFFFFE000  }
0x1b5: {  	_ =	swait.ge [sflag:s13], $0x2000  }
0x1b6: {  	[sflag:s13] =	ssyncset.done $0x0  }
0x1b7: {  	[sflag:s13] =	ssyncadd.s32 $0xFFFFE000  }
.Ltmp9:
0x1b8: {  	(pc) =	sbr.rel .LBB2_12-.Ltmp9, $3  }
0x1b9: {  	_ =	sdelay $0x1  }
0x1ba: {  	s9 =	rddreg [dreg:$0x5]  }
0x1bb: {  	s22 =	rddreg [dreg:$0x4]  }
.LBB2_13:
0x1bc: {  	_ =	sfence.sel $0x180000  }
0x1bd: {  	[bflag:$0x0] =	sbarrier.arrive $0xFFFF  }
0x1be: {  	_ =	strace $0x9000004A  }
0x1bf: {  	s0 =	stileid.u32;
	[bflag:$0x2] =	sbarrier.arrive $0xFFFF  }
0x1c0: {  	p0 =	sne.s32 s0, $0x0;
	s0 =	rddreg [dreg:$0x3]  }
0x1c1: {  	s0 =	sadd.s32 @!p0 $0x100000, s0  }
0x1c2: {  	[sflag:s0] =	ssyncadd.tile.s32 @!p0 $0x1;
	_ =	shalt  }
.Lfunc_end2:
_tile_overlayer_lowered:
.L_overlay_start_2:
0x1c3: {  	(tag) =	ssettag $0x2  }
0x1c4: {  	s0 =	rddreg [dreg:$0x0];
	s2 =	stileid.u32  }
0x1c5: {  	s1 =	rddreg [dreg:$0x1];
	p0 =	sne.s32 s2, $0x0  }
0x1c6: {  	s3 =	rddreg [dreg:$0x2];
	[bflag:$0x3] =	sbarrier.arrive $0xFFFF;
	s2 =	simm.s32 @!p0 $0x1C03  }
0x1c7: {  	[timem:s3], [sflag:s2] =	dma.local @!p0 [hbm:s0], s1  }
0x1c8: {  	s0 =	simm.s32 @!p0 $0x3  }
0x1c9: {  	_ =	swait.ge @!p0 [sflag:s0], s1  }
0x1ca: {  	s1 =	ssub.s32 @!p0 $0x0, s1;
	[sflag:s0] =	ssyncset.done @!p0 $0x0  }
0x1cb: {  	[sflag:s0] =	ssyncadd.s32 @!p0 s1  }
0x1cc: {  	[bflag:$0x3] =	sbarrier.arrive $0xFFFF  }
0x1cd: {  	_ =	shalt  }

// kernel: kernel.7.cloned.1.call-start
scs
__scs_entry_jumppad:
0x0: {  	(pc) =	sbr.rel $0x88, $3  }
0x1: {  	(tag) =	ssettag $0x0;
	lr =	simm.s32 $0x1  }
0x2: {  	[smem:$0x3F9A] =	sst lr;
	_ =	strace $0xD0000000  }
0x3: {  	_ = 	snop  }
0x4: {  	_ = 	snop  }
0x5: {  	_ = 	snop  }
0x6: {  	_ = 	snop  }
0x7: {  	_ = 	snop  }
__scs_overlays_trampoline_lowered:
0x8: {  	[smem:$0x3FA9] =	sst s0  }
0x9: {  	[smem:$0x3FAA] =	sst s1  }
0xa: {  	[smem:$0x3FAB] =	sst s2  }
0xb: {  	[smem:$0x3FAC] =	sst s3  }
0xc: {  	[smem:$0x3FAD] =	sst s4  }
0xd: {  	[smem:$0x3FAE] =	sst s5  }
0xe: {  	[smem:$0x3FAF] =	sst s6  }
0xf: {  	[smem:$0x3FB0] =	sst s7  }
0x10: {  	[smem:$0x3FB1] =	sst s8  }
0x11: {  	[smem:$0x3FB2] =	sst s9;
	s0 =	simm.s32 @!p0 $0x0  }
0x12: {  	s1 =	sld [smem:$0x3F98];
	s0 =	simm.s32 @p0 $0x1  }
0x13: {  	[smem:$0x3FB3] =	sst s0;
	s0 =	simm.s32 @!p1 $0x0  }
0x14: {  	s2 =	sld [smem:$0x3F97];
	s0 =	simm.s32 @p1 $0x1  }
0x15: {  	[smem:$0x3FB4] =	sst s0;
	s0 =	simm.s32 @!p2 $0x0  }
0x16: {  	s3 =	sld [smem:$0x3FDB];
	s0 =	simm.s32 @p2 $0x1  }
0x17: {  	s4 =	simm.s32 $0x1BF5;
	[smem:$0x3FB6] =	sst s0  }
0x18: {  	s0 =	sld [smem:$0x3F99];
	_ =	swait.ge [sflag:s4], $0x0  }
0x19: {  	s7 =	sld [smem:$0x3F9A]  }
0x1a: {  	s8 =	sadd.s32 $0xFFFFE003, lr  }
0x1b: {  	s9 =	sadd.s32 $0xFFFFFEF7, lr;
	s5 =	simm.s32 $0xFFFFFFFF;
	p2 =	slt.u32 s8, $0xFFFFF086  }
0x1c: {  	p1 =	slt.u32 s9, $0xF7A;
	s5 =	simm.s32 @!p2 $0x0  }
0x1d: {  	s5 =	simm.s32 @p1 $0x1;
	p0 =	seq.s32 s7, s2  }
0x1e: {  	s7 =	smul.u32 @!p0 $0xF7A, s2;
	p2 =	seq.s32 @!p0 s5, $0x0  }
0x1f: {  	s9 =	smul.u32 $0xF7A, s1;
	s8 =	simm.s32 @!p0 $0x1BF5;
	p2 =	por !p2, p0  }
0x20: {  	[sflag:s8] =	ssyncset.s32 @!p0 $0xFFFFF086;
	s6 =	sadd.s32 @!p0 s3, s7;
	s7 =	simm.s32 @!p0 $0x108  }
0x21: {  	s3 =	sadd.s32 s3, s9;
	s6 =	sadd.s32 @!p0 $0x88, s6;
	s7 =	simm.s32 @p2 $0x1082  }
0x22: {  	[simem:s7], [sflag:s8] =	dma.local @!p0 [hbm:s6], $0xF7A  }
0x23: {  	s9 =	sor.u32 $0xD0000000, s2;
	s6 =	simm.s32 $0x108;
	_ =	swait.ge @!p0 [sflag:s8], $0x0  }
0x24: {  	s3 =	sadd.s32 $0x88, s3;
	s6 =	simm.s32 @!p1 $0x1082;
	[sflag:s4] =	ssyncset.s32 $0xFFFFF086  }
0x25: {  	[simem:s6], [sflag:s4] =	dma.local [hbm:s3], $0xF7A  }
0x26: {  	[smem:$0x3F9A] =	sst s1;
	(tag) =	ssettag s2;
	_ =	strace s9  }
0x27: {  	s1 =	sld [smem:$0x3FAA]  }
0x28: {  	s2 =	sld [smem:$0x3FAB]  }
0x29: {  	s4 =	sld [smem:$0x3FAD]  }
0x2a: {  	p0 =	seq.s32 s5, $0x0;
	s5 =	sld [smem:$0x3FAE]  }
0x2b: {  	s6 =	sld [smem:$0x3FAF]  }
0x2c: {  	s7 =	sld [smem:$0x3FB0]  }
0x2d: {  	s3 =	simm.s32 $0x108;
	s8 =	sld [smem:$0x3FB1]  }
0x2e: {  	s3 =	simm.s32 @!p0 $0x1082;
	s9 =	sld [smem:$0x3FB2]  }
0x2f: {  	lr =	sadd.s32 s0, s3;
	s0 =	sld [smem:$0x3FA9]  }
0x30: {  	s3 =	sld [smem:$0x3FAC]  }
0x31: {  	[smem:$0x3FB5] =	sst s10  }
0x32: {  	s10 =	sld [smem:$0x3FB3];
	_ =	sdelay $0x3  }
0x33: {  	p0 =	seq.s32 s10, $0x1;
	s10 =	sld [smem:$0x3FB5];
	_ =	sdelay $0x3  }
0x34: {  	[smem:$0x3FB5] =	sst s10  }
0x35: {  	s10 =	sld [smem:$0x3FB4];
	_ =	sdelay $0x3  }
0x36: {  	p1 =	seq.s32 s10, $0x1;
	s10 =	sld [smem:$0x3FB5];
	_ =	sdelay $0x3  }
0x37: {  	[smem:$0x3FB5] =	sst s10  }
0x38: {  	s10 =	sld [smem:$0x3FB6]  }
0x39: {  	_ = 	snop;
	(pc) =	sbr.ind lr, $3  }
0x3a: {  	_ = 	snop  }
0x3b: {  	_ = 	snop  }
0x3c: {  	p2 =	seq.s32 s10, $0x1;
	s10 =	sld [smem:$0x3FB5]  }
0x3d: {  	_ =	shalt  }
0x3e: {  	_ =	shalt  }
0x3f: {  	_ =	shalt  }
0x40: {  	_ =	shalt  }
0x41: {  	_ =	shalt  }
0x42: {  	_ =	shalt  }
0x43: {  	_ =	shalt  }
0x44: {  	_ =	shalt  }
0x45: {  	_ =	shalt  }
0x46: {  	_ =	shalt  }
0x47: {  	_ =	shalt  }
0x48: {  	_ =	shalt  }
0x49: {  	_ =	shalt  }
0x4a: {  	_ =	shalt  }
0x4b: {  	_ =	shalt  }
0x4c: {  	_ =	shalt  }
0x4d: {  	_ =	shalt  }
0x4e: {  	_ =	shalt  }
0x4f: {  	_ =	shalt  }
0x50: {  	_ =	shalt  }
0x51: {  	_ =	shalt  }
0x52: {  	_ =	shalt  }
0x53: {  	_ =	shalt  }
0x54: {  	_ =	shalt  }
0x55: {  	_ =	shalt  }
0x56: {  	_ =	shalt  }
0x57: {  	_ =	shalt  }
0x58: {  	_ =	shalt  }
0x59: {  	_ =	shalt  }
0x5a: {  	_ =	shalt  }
0x5b: {  	_ =	shalt  }
0x5c: {  	_ =	shalt  }
0x5d: {  	_ =	shalt  }
0x5e: {  	_ =	shalt  }
0x5f: {  	_ =	shalt  }
0x60: {  	_ =	shalt  }
0x61: {  	_ =	shalt  }
0x62: {  	_ =	shalt  }
0x63: {  	_ =	shalt  }
0x64: {  	_ =	shalt  }
0x65: {  	_ =	shalt  }
0x66: {  	_ =	shalt  }
0x67: {  	_ =	shalt  }
0x68: {  	_ =	shalt  }
0x69: {  	_ =	shalt  }
0x6a: {  	_ =	shalt  }
0x6b: {  	_ =	shalt  }
0x6c: {  	_ =	shalt  }
0x6d: {  	_ =	shalt  }
0x6e: {  	_ =	shalt  }
0x6f: {  	_ =	shalt  }
0x70: {  	_ =	shalt  }
0x71: {  	_ =	shalt  }
0x72: {  	_ =	shalt  }
0x73: {  	_ =	shalt  }
0x74: {  	_ =	shalt  }
0x75: {  	_ =	shalt  }
0x76: {  	_ =	shalt  }
0x77: {  	_ =	shalt  }
0x78: {  	_ =	shalt  }
0x79: {  	_ =	shalt  }
0x7a: {  	_ =	shalt  }
0x7b: {  	_ =	shalt  }
0x7c: {  	_ =	shalt  }
0x7d: {  	_ =	shalt  }
0x7e: {  	_ =	shalt  }
0x7f: {  	_ =	shalt  }
0x80: {  	_ =	shalt  }
0x81: {  	_ =	shalt  }
0x82: {  	_ =	shalt  }
0x83: {  	_ =	shalt  }
0x84: {  	_ =	shalt  }
0x85: {  	_ =	shalt  }
0x86: {  	_ =	shalt  }
0x87: {  	_ =	shalt  }
.Lfunc_end0:
.L_simem_size_0:
called_computation_lowered:
.L_overlay_start_0:
0x88: {  	s2 =	sld [smem:$0x3FD9]  }
0x89: {  	s3 =	sld [smem:$0x3FFE];
	_ =	sdelay $0x1  }
0x8a: {  	s1 =	srdreg.scid  }
0x8b: {  	s0 =	sand.u32 $0x1, s1  }
0x8c: {  	s17 =	sshll.u32 s0, $0xA;
	s2 =	sadd.s32 s3, s2  }
0x8d: {  	s2 =	sadd.s32 s2, s17  }
0x8e: {  	[smem:$0x3FC1] =	sst s2  }
0x8f: {  	_ = 	snop  }
0x90: {  	s2 =	sld [smem:$0x3FD0];
	(tm) =	ssettm $0x1  }
0x91: {  	s18 =	sld [smem:$0x3FFB];
	_ =	sdelay $0x3  }
0x92: {  	_ =	strace s18  }
0x93: {  	s3 =	sld [smem:$0x3FFC];
	_ =	sdelay $0x3  }
0x94: {  	_ =	strace s3  }
0x95: {  	s3 =	sld [smem:$0x3FFD];
	_ =	sdelay $0x3  }
0x96: {  	_ =	strace s3  }
0x97: {  	_ =	strace $0x8FFFFFFF  }
0x98: {  	s19 =	sld [smem:$0x3FDB];
	_ =	sdelay $0x1  }
0x99: {  	s4 =	simm.s32 $_scs_section_size  }
0x9a: {  	s5 =	simm.s32 $_size__tile_overlayer_lowered;
	s6 =	simm.s32 $_tile_overlayer_lowered  }
0x9b: {  	s22 =	simm.s32 $0x1BFF;
	s21 =	sshll.u32 s6, $0x1;
	s3 =	sadd.s32 s4, s19  }
0x9c: {  	s7 =	simm.s32 $0x0;
	s20 =	sshll.u32 s5, $0x1;
	s5 =	sadd.s32 s21, s3  }
0x9d: {  	[timem:s7], [sflag:s22] =	dma.local [hbm:s5], s20  }
0x9e: {  	_ =	swait.ge [sflag:s22], s20  }
0x9f: {  	s4 =	ssub.s32 $0x0, s20;
	[sflag:s22] =	ssyncset.done $0x0  }
0xa0: {  	[sflag:s22] =	ssyncadd.s32 s4;
	_ =	sdelay $0x1  }
0xa1: {  	s23 =	simm.s32 $0x1B8B  }
0xa2: {  	_ =	swait.ge [sflag:s23], $0x1  }
0xa3: {  	[sflag:s23] =	ssyncset.done $0x0  }
0xa4: {  	s25 =	simm.s32 $0x1B8E;
	s24 =	sld [smem:$0x3FFE];
	[sflag:s23] =	ssyncadd.s32 $0xFFFFFFFF  }
0xa5: {  	s26 =	simm.s32 $execute0_lowered;
	[smem:$0x3FD2] =	sst s25  }
0xa6: {  	s5 =	sshll.u32 s26, $0x1;
	_ =	strace $0x80000046;
	[dreg:$0x1] =	wrdreg $0xFFFFFFFF  }
0xa7: {  	s28 =	simm.s32 $_size_execute0_lowered;
	s3 =	sadd.s32 s3, s5;
	[dreg:$0x0] =	wrdreg $0x0  }
0xa8: {  	s5 =	sshll.u32 s28, $0x1;
	[dreg:$0x2] =	wrdreg s3  }
0xa9: {  	[dreg:$0x3] =	wrdreg s5  }
0xaa: {  	[dreg:$0x4] =	wrdreg $0xC0  }
0xab: {  	_ =	task [dreg:s7], $0x5FFFF  }
0xac: {  	[dreg:$0x1] =	wrdreg $0xFFFFFFFF  }
0xad: {  	[dreg:$0x0] =	wrdreg $0x60  }
0xae: {  	[dreg:$0x2] =	wrdreg s2  }
0xaf: {  	[dreg:$0x3] =	wrdreg s24  }
0xb0: {  	[dreg:$0x4] =	wrdreg $0x0  }
0xb1: {  	[dreg:$0x5] =	wrdreg $0x9  }
0xb2: {  	_ =	task.clear_ibuf [dreg:s7], $0x6FFFF;
	_ =	strace $0x90000046  }
0xb3: {  	s29 =	simm.s32 $0x9;
	_ =	strace $0x80000048  }
0xb4: {  	_ =	swait.ge [sflag:s29], $0x1  }
0xb5: {  	[sflag:s29] =	ssyncadd.s32 $0xFFFFFFFF  }
0xb6: {  	_ =	strace $0x90000048  }
0xb7: {  	_ =	sfence  }
0xb8: {  	s30 =	sld [smem:$0x0];
	_ =	sdelay $0x2  }
0xb9: {  	s31 =	sshll.u32 s1, $0xD;
	s1 =	sshrl.u32 s1, $0x2  }
0xba: {  	s3 =	sand.u32 $0x4000, s31;
	s1 =	sadd.s32 s1, s30  }
0xbb: {  	s0 =	sor.u32 s3, s0;
	s1 =	sshll.u32 s1, $0x11  }
0xbc: {  	s0 =	sor.u32 s1, s0  }
0xbd: {  	s0 =	sadd.s32 $0x8F2B, s0  }
0xbe: {  	[sflag:s0] =	ssyncadd.remote.s32 $0x1  }
0xbf: {  	_ =	sfence.sel $0xFFFF  }
0xc0: {  	[dreg:$0x0] =	wrdreg $0xFFFFFFFF;
	(pc) =	sbr.abs _section_cstart, $3  }
0xc1: {  	[dreg:$0x1] =	wrdreg $0xFFFFFFFF  }
0xc2: {  	_ =	task.clear_ibuf [dreg:s7], $0x2FFFF;
	_ =	strace $0x9FFFFFFF  }
0xc3: {  	(tm) =	ssettm $0x7FFFFFFF  }
tec
execute0_lowered:
.L_overlay_start_1:
0x0: {  	(tag) =	ssettag $0x1  }
0x1: {  	s0 =	rddreg [dreg:$0x1]  }
0x2: {  	s24 =	stileid.u32;
	s1 =	srdreg.scid;
	s3 =	simm.s32 $0x0  }
0x3: {  	s1 =	sand.u32 $0x1, s1;
	s2 =	smul.u32 $0x13A00, s24;
	[smem:$0x7FF] =	sst s3  }
0x4: {  	s4 =	sadd.s32 $0x47600, s0;
	s7 =	sadd.s32 $0x20200, s0;
	s25 =	ssub.s32 $0x2, s1  }
0x5: {  	s5 =	sshrl.u32 s25, $0x1;
	s6 =	sadd.s32 $0x12000, s2;
	s9 =	sadd.s32 $0xE000, s2  }
0x6: {  	s19 =	sadd.s32 $0x2000, s2;
	s20 =	sadd.s32 $0x4000, s2;
	s22 =	sshrl.u32 s2, $0x3  }
0x7: {  	s3 =	ssub.s32 s25, s5;
	s26 =	sshrl.u32 s6, $0x3;
	s25 =	sadd.s32 s7, s22  }
0x8: {  	s23 =	sshrl.u32 s20, $0x3;
	s8 =	sadd.s32 s4, s26;
	[dreg:$0x6] =	wrdreg s25  }
0x9: {  	s30 =	sadd.s32 s7, s23;
	s25 =	sadd.s32 s4, s23;
	s23 =	rddreg [dreg:$0x2]  }
0xa: {  	s21 =	sshrl.u32 s19, $0x3;
	s5 =	sadd.s32 s7, s26;
	[dreg:$0x4] =	wrdreg s8  }
0xb: {  	s16 =	sadd.s32 $0x6000, s2;
	s28 =	sadd.s32 s7, s21;
	[dreg:$0x5] =	wrdreg s5  }
0xc: {  	s10 =	sadd.s32 $0xC000, s2;
	s18 =	sshrl.u32 s16, $0x3;
	[dreg:$0x7] =	wrdreg s28  }
0xd: {  	s15 =	sadd.s32 $0x8000, s2;
	s26 =	sadd.s32 s7, s18;
	[dreg:$0x8] =	wrdreg s30  }
0xe: {  	s13 =	sadd.s32 $0xA000, s2;
	s17 =	sshrl.u32 s15, $0x3;
	[dreg:$0x9] =	wrdreg s26  }
0xf: {  	s14 =	sshrl.u32 s13, $0x3;
	s28 =	sadd.s32 s7, s17;
	[dreg:$0x11] =	wrdreg s25  }
0x10: {  	s12 =	sshrl.u32 s10, $0x3;
	s30 =	sadd.s32 s7, s14;
	[dreg:$0xa] =	wrdreg s28  }
0x11: {  	s11 =	sshrl.u32 s9, $0x3;
	s26 =	sadd.s32 s7, s12;
	[dreg:$0xb] =	wrdreg s30  }
0x12: {  	[dreg:$0xc] =	wrdreg s26;
	s28 =	sadd.s32 s7, s11  }
0x13: {  	s30 =	sadd.s32 s4, s22;
	s22 =	sadd.s32 s4, s21;
	s21 =	rddreg [dreg:$0x0]  }
0x14: {  	[dreg:$0xd] =	wrdreg s28  }
0x15: {  	s5 =	sadd.s32 $0x10000, s2;
	[dreg:$0xf] =	wrdreg s30  }
0x16: {  	s8 =	sshrl.u32 s5, $0x3;
	s26 =	sadd.s32 s4, s18;
	[dreg:$0x10] =	wrdreg s22  }
0x17: {  	s7 =	sadd.s32 s7, s8;
	[dreg:$0x12] =	wrdreg s26  }
0x18: {  	s28 =	sadd.s32 s4, s17;
	[dreg:$0xe] =	wrdreg s7  }
0x19: {  	s30 =	sadd.s32 s4, s14;
	[dreg:$0x13] =	wrdreg s28  }
0x1a: {  	s31 =	simm.s32 $0x1;
	s14 =	sadd.s32 s4, s12;
	[dreg:$0x14] =	wrdreg s30  }
0x1b: {  	p0 =	sne.s32 s1, $0x0;
	s17 =	sadd.s32 s4, s11;
	[dreg:$0x15] =	wrdreg s14  }
0x1c: {  	s25 =	sadd.s32 $0x2800, s0;
	s4 =	sadd.s32 s4, s8;
	[dreg:$0x16] =	wrdreg s17  }
0x1d: {  	s29 =	sadd.s32 s6, s23;
	[dreg:$0x17] =	wrdreg s4;
	s4 =	smax.u32 s3, $0x1  }
0x1e: {  	s6 =	sadd.s32 s2, s23;
	_ =	strace $0x80000047;
	[dreg:$0x1b] =	wrdreg s4  }
0x1f: {  	s2 =	simm.s32 $0x14680;
	s7 =	sadd.s32 s19, s23;
	[dreg:$0x1c] =	wrdreg s6  }
0x20: {  	s18 =	smul.u32 $0x9D0, s24;
	s8 =	sadd.s32 s20, s23;
	[dreg:$0x1d] =	wrdreg s7  }
0x21: {  	s22 =	smul.u32 $0x4E800, s24;
	s11 =	sadd.s32 s16, s23;
	[dreg:$0x1e] =	wrdreg s8  }
0x22: {  	s26 =	sadd.s32 $0x16200, s0;
	s12 =	sadd.s32 s15, s23;
	[dreg:$0x1f] =	wrdreg s11  }
0x23: {  	s15 =	sadd.s32 s10, s23;
	s14 =	sadd.s32 s13, s23;
	[smem:$0x7F1] =	sst s12  }
0x24: {  	s16 =	sadd.s32 s9, s23;
	s9 =	smul.u32 $0x5000, s24;
	[smem:$0x7F2] =	sst s14  }
0x25: {  	s10 =	simm.s32 $0x14080;
	s28 =	sadd.s32 s18, s0;
	[smem:$0x7F3] =	sst s15  }
0x26: {  	s17 =	sadd.s32 s5, s23;
	s3 =	simm.s32 $0x18A00;
	[smem:$0x7F4] =	sst s16  }
0x27: {  	s5 =	simm.s32 $0x2;
	s13 =	simm.s32 $0x14880;
	[smem:$0x7F5] =	sst s17  }
0x28: {  	s30 =	sshrl.u32 s22, $0x2;
	s1 =	sadd.s32 $0x6EA00, s28;
	[dreg:$0x19] =	wrdreg s29  }
0x29: {  	s4 =	simm.s32 $0x13F80;
	s0 =	sadd.s32 s30, s23;
	[dreg:$0x1a] =	wrdreg s1  }
0x2a: {  	s6 =	simm.s32 $0x14700;
	s18 =	sadd.s32 $0x2000, s0;
	[dreg:$0x18] =	wrdreg s0  }
0x2b: {  	s7 =	simm.s32 $0x14000;
	s19 =	sadd.s32 $0x4000, s0;
	[smem:$0x7F6] =	sst s18  }
0x2c: {  	s8 =	simm.s32 $0x14780;
	s20 =	sadd.s32 $0x6000, s0;
	[smem:$0x7F7] =	sst s19  }
0x2d: {  	s11 =	simm.s32 $0x14800;
	s22 =	sadd.s32 $0x8000, s0;
	[smem:$0x7F8] =	sst s20  }
0x2e: {  	s12 =	simm.s32 $0x14100;
	s24 =	sadd.s32 $0xA000, s0;
	[smem:$0x7F9] =	sst s22  }
0x2f: {  	s14 =	simm.s32 $0x14180;
	s28 =	sadd.s32 $0xC000, s0;
	[smem:$0x7FA] =	sst s24  }
.Ltmp0:
0x30: {  	s30 =	sadd.s32 $0xE000, s0;
	[smem:$0x7FB] =	sst s28;
	(pc) =	sbr.rel .LBB2_1-.Ltmp0, $4  }
0x31: {  	s15 =	simm.s32 $0x14900;
	s0 =	sadd.s32 $0x10000, s0;
	[smem:$0x7FC] =	sst s30  }
0x32: {  	s16 =	simm.s32 $0x14980;
	s17 =	simm.s32 $0x0;
	[smem:$0x7FD] =	sst s0  }
0x33: {  	s18 =	simm.s32 $0x14A00;
	s20 =	simm.s32 $0x3;
	s22 =	simm.s32 $0x13A00  }
0x34: {  	v0 =	vimm.f32 $0.0e+00;
	v1 =	vimm.f32 $1.000000000e+00;
	s24 =	simm.s32 $0x80;
	s0 =	simm.s32 $0x16A00;
	s19 =	simm.s32 $0x1AA00  }
.LBB2_14:
0x35: {  	s17 =	sadd.s32 $0x1, s17;
	s1 =	rddreg [dreg:$0x1b]  }
0x36: {  	p1 =	sne.s32 s17, s1  }
.Ltmp1:
0x37: {  	_ = 	snop;
	(pc) =	sbr.rel @!p1 .LBB2_15-.Ltmp1, $1  }
0x38: {  	_ =	sdelay $0x3  }
.LBB2_1:
0x39: {  	[smem:$0x7F0] =	sst s17;
	s17 =	simm.s32 $0x0  }
.LBB2_2:
0x3a: {  	p1 =	sne.s32 s17, $0x7F00  }
.Ltmp2:
0x3b: {  	s28 =	sshra.s32 s17, $0x2;
	(pc) =	sbr.rel @p1 .LBB2_2-.Ltmp2, $4  }
0x3c: {  	[tilespmem:s28+$0x14A00] =	vst v0  }
0x3d: {  	[tilespmem:s28+$0x14A10] =	vst v0  }
0x3e: {  	[tilespmem:s28+$0x14A20] =	vst v0  }
0x3f: {  	s17 =	sadd.s32 $0x100, s17;
	[tilespmem:s28+$0x14A30] =	vst v0  }
0x40: {  	s17 =	simm.s32 $0x40;
	s28 =	simm.s32 $0x0  }
.LBB2_4:
0x41: {  	p1 =	sne.s32 s17, $0x139C0;
	[tilespmem:s28+$0x1AA00] =	vst v0;
	s28 =	smov.u32 s17;
	s17 =	sadd.s32 $0x40, s17  }
.Ltmp3:
0x42: {  	(pc) =	sbr.rel @p1 .LBB2_4-.Ltmp3, $2  }
0x43: {  	_ =	sdelay $0x2  }
0x44: {  	s28 =	sshra.s32 s28, $0x2  }
0x45: {  	[tilespmem:s28+$0x1AA00] =	vst v0;
	s1 =	rddreg [dreg:$0x18]  }
0x46: {  	[spmem:s1] =	stream.linear.scatter [tilespmem:s18], [sflag:$0x3], $0x2000, $0x38;
	[tilespmem:$0x1F880] =	vst v63  }
0x47: {  	_ =	swait.ge [sflag:s20], $0x2000  }
0x48: {  	s17 =	sld [smem:$0x7F6]  }
0x49: {  	[sflag:s20] =	ssyncset.done $0x0  }
0x4a: {  	[sflag:s20] =	ssyncadd.s32 $0xFFFFE000  }
0x4b: {  	[spmem:s17] =	stream.linear.scatter [tilespmem:s18], [sflag:$0x3], $0x2000, $0x38;
	[tilespmem:$0x1F880] =	vst v63  }
0x4c: {  	_ =	swait.ge [sflag:s20], $0x2000  }
0x4d: {  	s30 =	sld [smem:$0x7F7]  }
0x4e: {  	[sflag:s20] =	ssyncset.done $0x0  }
0x4f: {  	[sflag:s20] =	ssyncadd.s32 $0xFFFFE000  }
0x50: {  	[spmem:s30] =	stream.linear.scatter [tilespmem:s18], [sflag:$0x3], $0x2000, $0x38;
	[tilespmem:$0x1F880] =	vst v63  }
0x51: {  	_ =	swait.ge [sflag:s20], $0x2000  }
0x52: {  	s17 =	sld [smem:$0x7F8]  }
0x53: {  	[sflag:s20] =	ssyncset.done $0x0  }
0x54: {  	[sflag:s20] =	ssyncadd.s32 $0xFFFFE000  }
0x55: {  	[spmem:s17] =	stream.linear.scatter [tilespmem:s18], [sflag:$0x3], $0x2000, $0x38;
	[tilespmem:$0x1F880] =	vst v63  }
0x56: {  	_ =	swait.ge [sflag:s20], $0x2000  }
0x57: {  	s30 =	sld [smem:$0x7F9]  }
0x58: {  	[sflag:s20] =	ssyncset.done $0x0  }
0x59: {  	[sflag:s20] =	ssyncadd.s32 $0xFFFFE000  }
0x5a: {  	[spmem:s30] =	stream.linear.scatter [tilespmem:s18], [sflag:$0x3], $0x2000, $0x38;
	[tilespmem:$0x1F880] =	vst v63  }
0x5b: {  	_ =	swait.ge [sflag:s20], $0x2000  }
0x5c: {  	s17 =	sld [smem:$0x7FA]  }
0x5d: {  	[sflag:s20] =	ssyncset.done $0x0  }
0x5e: {  	[sflag:s20] =	ssyncadd.s32 $0xFFFFE000  }
0x5f: {  	[spmem:s17] =	stream.linear.scatter [tilespmem:s18], [sflag:$0x3], $0x2000, $0x38;
	[tilespmem:$0x1F880] =	vst v63  }
0x60: {  	_ =	swait.ge [sflag:s20], $0x2000  }
0x61: {  	s30 =	sld [smem:$0x7FB]  }
0x62: {  	[sflag:s20] =	ssyncset.done $0x0  }
0x63: {  	[sflag:s20] =	ssyncadd.s32 $0xFFFFE000  }
0x64: {  	[spmem:s30] =	stream.linear.scatter [tilespmem:s18], [sflag:$0x3], $0x2000, $0x38;
	[tilespmem:$0x1F880] =	vst v63  }
0x65: {  	_ =	swait.ge [sflag:s20], $0x2000  }
0x66: {  	s17 =	sld [smem:$0x7FC]  }
0x67: {  	[sflag:s20] =	ssyncset.done $0x0  }
0x68: {  	[sflag:s20] =	ssyncadd.s32 $0xFFFFE000  }
0x69: {  	[spmem:s17] =	stream.linear.scatter [tilespmem:s18], [sflag:$0x3], $0x2000, $0x38;
	[tilespmem:$0x1F880] =	vst v63  }
0x6a: {  	_ =	swait.ge [sflag:s20], $0x2000  }
0x6b: {  	s30 =	sld [smem:$0x7FD]  }
0x6c: {  	[sflag:s20] =	ssyncset.done $0x0  }
0x6d: {  	[sflag:s20] =	ssyncadd.s32 $0xFFFFE000  }
0x6e: {  	[spmem:s30] =	stream.linear.scatter [tilespmem:s18], [sflag:$0x3], $0x2000, $0x38;
	[tilespmem:$0x1F880] =	vst v63  }
0x6f: {  	_ =	swait.ge [sflag:s20], $0x2000  }
0x70: {  	[sflag:s20] =	ssyncset.done $0x0  }
0x71: {  	[sflag:s20] =	ssyncadd.s32 $0xFFFFE000  }
0x72: {  	[spmem:s29] =	stream.linear.scatter [tilespmem:s18], [sflag:$0x3], $0x1A00, $0x38;
	[tilespmem:$0x1F880] =	vst v63  }
.Ltmp4:
0x73: {  	_ =	swait.ge [sflag:s20], $0x1A00;
	(pc) =	sbr.rel @p0 .LBB2_10-.Ltmp4, $4  }
0x74: {  	[sflag:s20] =	ssyncset.done $0x0  }
0x75: {  	[sflag:s20] =	ssyncadd.s32 $0xFFFFE600  }
0x76: {  	[bflag:$0x0] =	sbarrier.arrive $0xFFFF  }
0x77: {  	s28 =	simm.s32 $0x0;
	s17 =	simm.s32 $0x0;
	s29 =	simm.s32 $0x0  }
.LBB2_6:
0x78: {  	s29 =	sshll.u32 s28, $0xB  }
0x79: {  	s29 =	sadd.s32 s9, s29  }
0x7a: {  	s29 =	sshrl.u32 s29, $0x3  }
0x7b: {  	s29 =	sadd.s32 s26, s29  }
0x7c: {  	[tilespmem:s22], [sflag:$0x3] =	stream.linear.gather [hbm4b:s29+s17], $0x800, $0x38;
	[tilespmem:$0x1F880] =	vst v63  }
0x7d: {  	_ =	swait.ge [sflag:s20], $0x800  }
0x7e: {  	[sflag:s20] =	ssyncset.done $0x0  }
0x7f: {  	s29 =	simm.s32 $0x0;
	[sflag:s20] =	ssyncadd.s32 $0xFFFFF800  }
0x80: {  	v2 =	vld [tilespmem:s29+$0x13A00]  }
0x81: {  	v8 =	vld [tilespmem:s29+$0x13A10]  }
0x82: {  	v7 =	vld [tilespmem:s29+$0x13A20]  }
0x83: {  	v6 =	vld [tilespmem:s29+$0x13A30]  }
0x84: {  	v4 =	vld [tilespmem:s29+$0x13A40]  }
0x85: {  	v5 =	vld [tilespmem:s29+$0x13A50];
	v3 =	vand.u32 $0x3FFF, v2  }
0x86: {  	s30 =	simm.s32 $0x200;
	v2 =	vshrl.u32 v2, $0xE;
	v9 =	vand.u32 $0x3FFF, v8;
	[tilespmem:s29+$0x13A00] =	vst v3;
	v3 =	vshrl.u32 v8, $0xE;
	v8 =	vld [tilespmem:s29+$0x13A60]  }
.LBB2_7:
0x87: {  	p1 =	sne.s32 s30, $0x1E00;
	[tilespmem:s29+$0x13A10] =	vst v9;
	v9 =	vshrl.u32 v7, $0xE;
	v7 =	vand.u32 $0x3FFF, v7;
	v10 =	vld [tilespmem:s29+$0x13A70]  }
0x88: {  	[tilespmem:s29+$0x13A20] =	vst v7;
	v7 =	vshrl.u32 v6, $0xE;
	v6 =	vand.u32 $0x3FFF, v6  }
0x89: {  	[tilespmem:s29+$0x13A30] =	vst v6;
	v6 =	vshrl.u32 v4, $0xE;
	v4 =	vand.u32 $0x3FFF, v4  }
0x8a: {  	[tilespmem:s29+$0x13A40] =	vst v4;
	v4 =	vshrl.u32 v5, $0xE;
	v5 =	vand.u32 $0x3FFF, v5  }
0x8b: {  	[tilespmem:s29+$0x13A50] =	vst v5;
	v5 =	vshrl.u32 v8, $0xE;
	v8 =	vand.u32 $0x3FFF, v8  }
0x8c: {  	[tilespmem:s29+$0x13A60] =	vst v8;
	v8 =	vshrl.u32 v10, $0xE;
	v10 =	vand.u32 $0x3FFF, v10  }
0x8d: {  	[tilespmem:s29+$0x13A70] =	vst v10  }
0x8e: {  	[tilespmem:s29+$0x14200] =	vst v2  }
0x8f: {  	s1 =	sshra.s32 s30, $0x2;
	[tilespmem:s29+$0x14210] =	vst v3  }
0x90: {  	v3 =	vld [tilespmem:s1+$0x13A00];
	[tilespmem:s29+$0x14220] =	vst v9  }
0x91: {  	v9 =	vld [tilespmem:s1+$0x13A10];
	[tilespmem:s29+$0x14230] =	vst v7  }
.Ltmp5:
0x92: {  	v7 =	vld [tilespmem:s1+$0x13A20];
	[tilespmem:s29+$0x14240] =	vst v6;
	(pc) =	sbr.rel @p1 .LBB2_7-.Ltmp5, $4  }
0x93: {  	v6 =	vld [tilespmem:s1+$0x13A30];
	[tilespmem:s29+$0x14250] =	vst v4  }
0x94: {  	v4 =	vld [tilespmem:s1+$0x13A40];
	[tilespmem:s29+$0x14260] =	vst v5  }
0x95: {  	v2 =	vshrl.u32 v3, $0xE;
	v3 =	vand.u32 $0x3FFF, v3;
	v5 =	vld [tilespmem:s1+$0x13A50];
	[tilespmem:s29+$0x14270] =	vst v8;
	s29 =	smov.u32 s1  }
0x96: {  	s30 =	sadd.s32 $0x200, s30;
	[tilespmem:s29+$0x13A00] =	vst v3;
	v3 =	vshrl.u32 v9, $0xE;
	v9 =	vand.u32 $0x3FFF, v9;
	v8 =	vld [tilespmem:s29+$0x13A60]  }
0x97: {  	[tilespmem:s29+$0x13A10] =	vst v9  }
0x98: {  	[tilespmem:s29+$0x14200] =	vst v2  }
0x99: {  	v58 =	vand.u32 $0x3FFF, v7;
	[tilespmem:s29+$0x14210] =	vst v3  }
0x9a: {  	v2 =	vshrl.u32 v7, $0xE;
	[tilespmem:s29+$0x13A20] =	vst v58  }
0x9b: {  	v59 =	vand.u32 $0x3FFF, v6;
	[tilespmem:s29+$0x14220] =	vst v2  }
0x9c: {  	v3 =	vshrl.u32 v6, $0xE;
	[tilespmem:s29+$0x13A30] =	vst v59  }
0x9d: {  	v60 =	vand.u32 $0x3FFF, v4;
	[tilespmem:s29+$0x14230] =	vst v3  }
0x9e: {  	v10 =	vld [tilespmem:s29+$0x13A70];
	v2 =	vshrl.u32 v4, $0xE;
	[tilespmem:s29+$0x13A40] =	vst v60  }
0x9f: {  	v61 =	vand.u32 $0x3FFF, v5;
	[tilespmem:s29+$0x14240] =	vst v2  }
0xa0: {  	v3 =	vshrl.u32 v5, $0xE;
	[tilespmem:s29+$0x13A50] =	vst v61  }
0xa1: {  	v62 =	vand.u32 $0x3FFF, v8;
	[tilespmem:s29+$0x14250] =	vst v3  }
0xa2: {  	v2 =	vshrl.u32 v8, $0xE;
	[tilespmem:s29+$0x13A60] =	vst v62  }
0xa3: {  	v63 =	vand.u32 $0x3FFF, v10;
	[tilespmem:s29+$0x14260] =	vst v2  }
0xa4: {  	v3 =	vshrl.u32 v10, $0xE;
	[tilespmem:s29+$0x13A70] =	vst v63  }
0xa5: {  	[tilespmem:s29+$0x14270] =	vst v3  }
0xa6: {  	[tilespmem:s18], [sflag:$0x1] =	stream.indirect.gather [hbm4b:s21+s24], $0x40, s22, s24, $0xb8;
	[tilespmem:$0x1F880] =	vst v63  }
0xa7: {  	s1 =	simm.s32 $0x13A80  }
0xa8: {  	[tilespmem:s0], [sflag:$0x1] =	stream.indirect.gather [hbm4b:s21+s24], $0x40, s1, s24, $0xb8;
	[tilespmem:$0x1F880] =	vst v63  }
0xa9: {  	_ =	swait.ge [sflag:s31], $0x2000  }
0xaa: {  	[sflag:s31] =	ssyncset.done $0x0  }
0xab: {  	[sflag:s31] =	ssyncadd.s32 $0xFFFFE000  }
0xac: {  	v2 =	vld [tilespmem:$0x14200];
	_ =	sdelay $0x7  }
0xad: {  	[tilespmem:v2+s19+$0x0] =	vst.idx.add.f32.msk $0xffff, v1  }
0xae: {  	v2 =	vld [tilespmem:$0x14210];
	_ =	sdelay $0x7  }
0xaf: {  	[tilespmem:v2+s19+$0x0] =	vst.idx.add.f32.msk $0xffff, v1  }
0xb0: {  	v2 =	vld [tilespmem:$0x14220];
	_ =	sdelay $0x7  }
0xb1: {  	[tilespmem:v2+s19+$0x0] =	vst.idx.add.f32.msk $0xffff, v1  }
0xb2: {  	v2 =	vld [tilespmem:$0x14230];
	_ =	sdelay $0x7  }
0xb3: {  	[tilespmem:v2+s19+$0x0] =	vst.idx.add.f32.msk $0xffff, v1  }
0xb4: {  	v2 =	vld [tilespmem:$0x14240];
	_ =	sdelay $0x7  }
0xb5: {  	[tilespmem:v2+s19+$0x0] =	vst.idx.add.f32.msk $0xffff, v1  }
0xb6: {  	v2 =	vld [tilespmem:$0x14250];
	_ =	sdelay $0x7  }
0xb7: {  	[tilespmem:v2+s19+$0x0] =	vst.idx.add.f32.msk $0xffff, v1  }
0xb8: {  	v2 =	vld [tilespmem:$0x14260];
	_ =	sdelay $0x7  }
0xb9: {  	[tilespmem:v2+s19+$0x0] =	vst.idx.add.f32.msk $0xffff, v1  }
0xba: {  	v2 =	vld [tilespmem:$0x14270];
	_ =	sdelay $0x7  }
0xbb: {  	s29 =	simm.s32 $0x14200;
	[tilespmem:v2+s19+$0x0] =	vst.idx.add.f32.msk $0xffff, v1  }
0xbc: {  	[spmem:s23] =	stream.indirect.scatter.add.f32 [tilespmem:s18], [sflag:$0x2], $0x40, s29, s24, $0xb8;
	[tilespmem:$0x1F880] =	vst v63  }
0xbd: {  	s30 =	simm.s32 $0x13B00  }
0xbe: {  	[tilespmem:s3], [sflag:$0x1] =	stream.indirect.gather [hbm4b:s21+s24], $0x40, s30, s24, $0xb8;
	[tilespmem:$0x1F880] =	vst v63  }
0xbf: {  	_ =	swait.ge [sflag:s31], $0x2000  }
0xc0: {  	[sflag:s31] =	ssyncset.done $0x0  }
0xc1: {  	[sflag:s31] =	ssyncadd.s32 $0xFFFFE000  }
0xc2: {  	v2 =	vld [tilespmem:$0x14280];
	_ =	sdelay $0x7  }
0xc3: {  	[tilespmem:v2+s19+$0x0] =	vst.idx.add.f32.msk $0xffff, v1  }
0xc4: {  	v2 =	vld [tilespmem:$0x14290];
	_ =	sdelay $0x7  }
0xc5: {  	[tilespmem:v2+s19+$0x0] =	vst.idx.add.f32.msk $0xffff, v1  }
0xc6: {  	v2 =	vld [tilespmem:$0x142A0];
	_ =	sdelay $0x7  }
0xc7: {  	[tilespmem:v2+s19+$0x0] =	vst.idx.add.f32.msk $0xffff, v1  }
0xc8: {  	v2 =	vld [tilespmem:$0x142B0];
	_ =	sdelay $0x7  }
0xc9: {  	[tilespmem:v2+s19+$0x0] =	vst.idx.add.f32.msk $0xffff, v1  }
0xca: {  	v2 =	vld [tilespmem:$0x142C0];
	_ =	sdelay $0x7  }
0xcb: {  	[tilespmem:v2+s19+$0x0] =	vst.idx.add.f32.msk $0xffff, v1  }
0xcc: {  	v2 =	vld [tilespmem:$0x142D0];
	_ =	sdelay $0x7  }
0xcd: {  	[tilespmem:v2+s19+$0x0] =	vst.idx.add.f32.msk $0xffff, v1  }
0xce: {  	v2 =	vld [tilespmem:$0x142E0];
	_ =	sdelay $0x7  }
0xcf: {  	[tilespmem:v2+s19+$0x0] =	vst.idx.add.f32.msk $0xffff, v1  }
0xd0: {  	v2 =	vld [tilespmem:$0x142F0];
	_ =	sdelay $0x7  }
0xd1: {  	s29 =	simm.s32 $0x14280;
	[tilespmem:v2+s19+$0x0] =	vst.idx.add.f32.msk $0xffff, v1  }
0xd2: {  	[spmem:s23] =	stream.indirect.scatter.add.f32 [tilespmem:s0], [sflag:$0x2], $0x40, s29, s24, $0xb8;
	[tilespmem:$0x1F880] =	vst v63  }
0xd3: {  	_ =	swait.ge [sflag:s5], $0x2000  }
0xd4: {  	[sflag:s5] =	ssyncset.done $0x0  }
0xd5: {  	s30 =	simm.s32 $0x13B80;
	[sflag:s5] =	ssyncadd.s32 $0xFFFFE000  }
0xd6: {  	[tilespmem:s18], [sflag:$0x1] =	stream.indirect.gather [hbm4b:s21+s24], $0x40, s30, s24, $0xb8;
	[tilespmem:$0x1F880] =	vst v63  }
0xd7: {  	_ =	swait.ge [sflag:s31], $0x2000  }
0xd8: {  	[sflag:s31] =	ssyncset.done $0x0  }
0xd9: {  	[sflag:s31] =	ssyncadd.s32 $0xFFFFE000  }
0xda: {  	v2 =	vld [tilespmem:$0x14300];
	_ =	sdelay $0x7  }
0xdb: {  	[tilespmem:v2+s19+$0x0] =	vst.idx.add.f32.msk $0xffff, v1  }
0xdc: {  	v2 =	vld [tilespmem:$0x14310];
	_ =	sdelay $0x7  }
0xdd: {  	[tilespmem:v2+s19+$0x0] =	vst.idx.add.f32.msk $0xffff, v1  }
0xde: {  	v2 =	vld [tilespmem:$0x14320];
	_ =	sdelay $0x7  }
0xdf: {  	[tilespmem:v2+s19+$0x0] =	vst.idx.add.f32.msk $0xffff, v1  }
0xe0: {  	v2 =	vld [tilespmem:$0x14330];
	_ =	sdelay $0x7  }
0xe1: {  	[tilespmem:v2+s19+$0x0] =	vst.idx.add.f32.msk $0xffff, v1  }
0xe2: {  	v2 =	vld [tilespmem:$0x14340];
	_ =	sdelay $0x7  }
0xe3: {  	[tilespmem:v2+s19+$0x0] =	vst.idx.add.f32.msk $0xffff, v1  }
0xe4: {  	v2 =	vld [tilespmem:$0x14350];
	_ =	sdelay $0x7  }
0xe5: {  	[tilespmem:v2+s19+$0x0] =	vst.idx.add.f32.msk $0xffff, v1  }
0xe6: {  	v2 =	vld [tilespmem:$0x14360];
	_ =	sdelay $0x7  }
0xe7: {  	[tilespmem:v2+s19+$0x0] =	vst.idx.add.f32.msk $0xffff, v1  }
0xe8: {  	v2 =	vld [tilespmem:$0x14370];
	_ =	sdelay $0x7  }
0xe9: {  	s29 =	simm.s32 $0x14300;
	[tilespmem:v2+s19+$0x0] =	vst.idx.add.f32.msk $0xffff, v1  }
0xea: {  	[spmem:s23] =	stream.indirect.scatter.add.f32 [tilespmem:s3], [sflag:$0x2], $0x40, s29, s24, $0xb8;
	[tilespmem:$0x1F880] =	vst v63  }
0xeb: {  	_ =	swait.ge [sflag:s5], $0x2000  }
0xec: {  	[sflag:s5] =	ssyncset.done $0x0  }
0xed: {  	s30 =	simm.s32 $0x13C00;
	[sflag:s5] =	ssyncadd.s32 $0xFFFFE000  }
0xee: {  	[tilespmem:s0], [sflag:$0x1] =	stream.indirect.gather [hbm4b:s21+s24], $0x40, s30, s24, $0xb8;
	[tilespmem:$0x1F880] =	vst v63  }
0xef: {  	_ =	swait.ge [sflag:s31], $0x2000  }
0xf0: {  	[sflag:s31] =	ssyncset.done $0x0  }
0xf1: {  	[sflag:s31] =	ssyncadd.s32 $0xFFFFE000  }
0xf2: {  	v2 =	vld [tilespmem:$0x14380];
	_ =	sdelay $0x7  }
0xf3: {  	[tilespmem:v2+s19+$0x0] =	vst.idx.add.f32.msk $0xffff, v1  }
0xf4: {  	v2 =	vld [tilespmem:$0x14390];
	_ =	sdelay $0x7  }
0xf5: {  	[tilespmem:v2+s19+$0x0] =	vst.idx.add.f32.msk $0xffff, v1  }
0xf6: {  	v2 =	vld [tilespmem:$0x143A0];
	_ =	sdelay $0x7  }
0xf7: {  	[tilespmem:v2+s19+$0x0] =	vst.idx.add.f32.msk $0xffff, v1  }
0xf8: {  	v2 =	vld [tilespmem:$0x143B0];
	_ =	sdelay $0x7  }
0xf9: {  	[tilespmem:v2+s19+$0x0] =	vst.idx.add.f32.msk $0xffff, v1  }
0xfa: {  	v2 =	vld [tilespmem:$0x143C0];
	_ =	sdelay $0x7  }
0xfb: {  	[tilespmem:v2+s19+$0x0] =	vst.idx.add.f32.msk $0xffff, v1  }
0xfc: {  	v2 =	vld [tilespmem:$0x143D0];
	_ =	sdelay $0x7  }
0xfd: {  	[tilespmem:v2+s19+$0x0] =	vst.idx.add.f32.msk $0xffff, v1  }
0xfe: {  	v2 =	vld [tilespmem:$0x143E0];
	_ =	sdelay $0x7  }
0xff: {  	[tilespmem:v2+s19+$0x0] =	vst.idx.add.f32.msk $0xffff, v1  }
0x100: {  	v2 =	vld [tilespmem:$0x143F0];
	_ =	sdelay $0x7  }
0x101: {  	s29 =	simm.s32 $0x14380;
	[tilespmem:v2+s19+$0x0] =	vst.idx.add.f32.msk $0xffff, v1  }
0x102: {  	[spmem:s23] =	stream.indirect.scatter.add.f32 [tilespmem:s18], [sflag:$0x2], $0x40, s29, s24, $0xb8;
	[tilespmem:$0x1F880] =	vst v63  }
0x103: {  	_ =	swait.ge [sflag:s5], $0x2000  }
0x104: {  	[sflag:s5] =	ssyncset.done $0x0  }
0x105: {  	s30 =	simm.s32 $0x13C80;
	[sflag:s5] =	ssyncadd.s32 $0xFFFFE000  }
0x106: {  	[tilespmem:s3], [sflag:$0x1] =	stream.indirect.gather [hbm4b:s21+s24], $0x40, s30, s24, $0xb8;
	[tilespmem:$0x1F880] =	vst v63  }
0x107: {  	_ =	swait.ge [sflag:s31], $0x2000  }
0x108: {  	[sflag:s31] =	ssyncset.done $0x0  }
0x109: {  	[sflag:s31] =	ssyncadd.s32 $0xFFFFE000  }
0x10a: {  	v2 =	vld [tilespmem:$0x14400];
	_ =	sdelay $0x7  }
0x10b: {  	[tilespmem:v2+s19+$0x0] =	vst.idx.add.f32.msk $0xffff, v1  }
0x10c: {  	v2 =	vld [tilespmem:$0x14410];
	_ =	sdelay $0x7  }
0x10d: {  	[tilespmem:v2+s19+$0x0] =	vst.idx.add.f32.msk $0xffff, v1  }
0x10e: {  	v2 =	vld [tilespmem:$0x14420];
	_ =	sdelay $0x7  }
0x10f: {  	[tilespmem:v2+s19+$0x0] =	vst.idx.add.f32.msk $0xffff, v1  }
0x110: {  	v2 =	vld [tilespmem:$0x14430];
	_ =	sdelay $0x7  }
0x111: {  	[tilespmem:v2+s19+$0x0] =	vst.idx.add.f32.msk $0xffff, v1  }
0x112: {  	v2 =	vld [tilespmem:$0x14440];
	_ =	sdelay $0x7  }
0x113: {  	[tilespmem:v2+s19+$0x0] =	vst.idx.add.f32.msk $0xffff, v1  }
0x114: {  	v2 =	vld [tilespmem:$0x14450];
	_ =	sdelay $0x7  }
0x115: {  	[tilespmem:v2+s19+$0x0] =	vst.idx.add.f32.msk $0xffff, v1  }
0x116: {  	v2 =	vld [tilespmem:$0x14460];
	_ =	sdelay $0x7  }
0x117: {  	[tilespmem:v2+s19+$0x0] =	vst.idx.add.f32.msk $0xffff, v1  }
0x118: {  	v2 =	vld [tilespmem:$0x14470];
	_ =	sdelay $0x7  }
0x119: {  	s29 =	simm.s32 $0x14400;
	[tilespmem:v2+s19+$0x0] =	vst.idx.add.f32.msk $0xffff, v1  }
0x11a: {  	[spmem:s23] =	stream.indirect.scatter.add.f32 [tilespmem:s0], [sflag:$0x2], $0x40, s29, s24, $0xb8;
	[tilespmem:$0x1F880] =	vst v63  }
0x11b: {  	_ =	swait.ge [sflag:s5], $0x2000  }
0x11c: {  	[sflag:s5] =	ssyncset.done $0x0  }
0x11d: {  	s30 =	simm.s32 $0x13D00;
	[sflag:s5] =	ssyncadd.s32 $0xFFFFE000  }
0x11e: {  	[tilespmem:s18], [sflag:$0x1] =	stream.indirect.gather [hbm4b:s21+s24], $0x40, s30, s24, $0xb8;
	[tilespmem:$0x1F880] =	vst v63  }
0x11f: {  	_ =	swait.ge [sflag:s31], $0x2000  }
0x120: {  	[sflag:s31] =	ssyncset.done $0x0  }
0x121: {  	[sflag:s31] =	ssyncadd.s32 $0xFFFFE000  }
0x122: {  	v2 =	vld [tilespmem:$0x14480];
	_ =	sdelay $0x7  }
0x123: {  	[tilespmem:v2+s19+$0x0] =	vst.idx.add.f32.msk $0xffff, v1  }
0x124: {  	v2 =	vld [tilespmem:$0x14490];
	_ =	sdelay $0x7  }
0x125: {  	[tilespmem:v2+s19+$0x0] =	vst.idx.add.f32.msk $0xffff, v1  }
0x126: {  	v2 =	vld [tilespmem:$0x144A0];
	_ =	sdelay $0x7  }
0x127: {  	[tilespmem:v2+s19+$0x0] =	vst.idx.add.f32.msk $0xffff, v1  }
0x128: {  	v2 =	vld [tilespmem:$0x144B0];
	_ =	sdelay $0x7  }
0x129: {  	[tilespmem:v2+s19+$0x0] =	vst.idx.add.f32.msk $0xffff, v1  }
0x12a: {  	v2 =	vld [tilespmem:$0x144C0];
	_ =	sdelay $0x7  }
0x12b: {  	[tilespmem:v2+s19+$0x0] =	vst.idx.add.f32.msk $0xffff, v1  }
0x12c: {  	v2 =	vld [tilespmem:$0x144D0];
	_ =	sdelay $0x7  }
0x12d: {  	[tilespmem:v2+s19+$0x0] =	vst.idx.add.f32.msk $0xffff, v1  }
0x12e: {  	v2 =	vld [tilespmem:$0x144E0];
	_ =	sdelay $0x7  }
0x12f: {  	[tilespmem:v2+s19+$0x0] =	vst.idx.add.f32.msk $0xffff, v1  }
0x130: {  	v2 =	vld [tilespmem:$0x144F0];
	_ =	sdelay $0x7  }
0x131: {  	s29 =	simm.s32 $0x14480;
	[tilespmem:v2+s19+$0x0] =	vst.idx.add.f32.msk $0xffff, v1  }
0x132: {  	[spmem:s23] =	stream.indirect.scatter.add.f32 [tilespmem:s3], [sflag:$0x2], $0x40, s29, s24, $0xb8;
	[tilespmem:$0x1F880] =	vst v63  }
0x133: {  	_ =	swait.ge [sflag:s5], $0x2000  }
0x134: {  	[sflag:s5] =	ssyncset.done $0x0  }
0x135: {  	s30 =	simm.s32 $0x13D80;
	[sflag:s5] =	ssyncadd.s32 $0xFFFFE000  }
0x136: {  	[tilespmem:s0], [sflag:$0x1] =	stream.indirect.gather [hbm4b:s21+s24], $0x40, s30, s24, $0xb8;
	[tilespmem:$0x1F880] =	vst v63  }
0x137: {  	_ =	swait.ge [sflag:s31], $0x2000  }
0x138: {  	[sflag:s31] =	ssyncset.done $0x0  }
0x139: {  	[sflag:s31] =	ssyncadd.s32 $0xFFFFE000  }
0x13a: {  	v2 =	vld [tilespmem:$0x14500];
	_ =	sdelay $0x7  }
0x13b: {  	[tilespmem:v2+s19+$0x0] =	vst.idx.add.f32.msk $0xffff, v1  }
0x13c: {  	v2 =	vld [tilespmem:$0x14510];
	_ =	sdelay $0x7  }
0x13d: {  	[tilespmem:v2+s19+$0x0] =	vst.idx.add.f32.msk $0xffff, v1  }
0x13e: {  	v2 =	vld [tilespmem:$0x14520];
	_ =	sdelay $0x7  }
0x13f: {  	[tilespmem:v2+s19+$0x0] =	vst.idx.add.f32.msk $0xffff, v1  }
0x140: {  	v2 =	vld [tilespmem:$0x14530];
	_ =	sdelay $0x7  }
0x141: {  	[tilespmem:v2+s19+$0x0] =	vst.idx.add.f32.msk $0xffff, v1  }
0x142: {  	v2 =	vld [tilespmem:$0x14540];
	_ =	sdelay $0x7  }
0x143: {  	[tilespmem:v2+s19+$0x0] =	vst.idx.add.f32.msk $0xffff, v1  }
0x144: {  	v2 =	vld [tilespmem:$0x14550];
	_ =	sdelay $0x7  }
0x145: {  	[tilespmem:v2+s19+$0x0] =	vst.idx.add.f32.msk $0xffff, v1  }
0x146: {  	v2 =	vld [tilespmem:$0x14560];
	_ =	sdelay $0x7  }
0x147: {  	[tilespmem:v2+s19+$0x0] =	vst.idx.add.f32.msk $0xffff, v1  }
0x148: {  	v2 =	vld [tilespmem:$0x14570];
	_ =	sdelay $0x7  }
0x149: {  	s29 =	simm.s32 $0x14500;
	[tilespmem:v2+s19+$0x0] =	vst.idx.add.f32.msk $0xffff, v1  }
0x14a: {  	[spmem:s23] =	stream.indirect.scatter.add.f32 [tilespmem:s18], [sflag:$0x2], $0x40, s29, s24, $0xb8;
	[tilespmem:$0x1F880] =	vst v63  }
0x14b: {  	_ =	swait.ge [sflag:s5], $0x2000  }
0x14c: {  	[sflag:s5] =	ssyncset.done $0x0  }
0x14d: {  	s30 =	simm.s32 $0x13E00;
	[sflag:s5] =	ssyncadd.s32 $0xFFFFE000  }
0x14e: {  	[tilespmem:s3], [sflag:$0x1] =	stream.indirect.gather [hbm4b:s21+s24], $0x40, s30, s24, $0xb8;
	[tilespmem:$0x1F880] =	vst v63  }
0x14f: {  	_ =	swait.ge [sflag:s31], $0x2000  }
0x150: {  	[sflag:s31] =	ssyncset.done $0x0  }
0x151: {  	[sflag:s31] =	ssyncadd.s32 $0xFFFFE000  }
0x152: {  	v2 =	vld [tilespmem:$0x14580];
	_ =	sdelay $0x7  }
0x153: {  	[tilespmem:v2+s19+$0x0] =	vst.idx.add.f32.msk $0xffff, v1  }
0x154: {  	v2 =	vld [tilespmem:$0x14590];
	_ =	sdelay $0x7  }
0x155: {  	[tilespmem:v2+s19+$0x0] =	vst.idx.add.f32.msk $0xffff, v1  }
0x156: {  	v2 =	vld [tilespmem:$0x145A0];
	_ =	sdelay $0x7  }
0x157: {  	[tilespmem:v2+s19+$0x0] =	vst.idx.add.f32.msk $0xffff, v1  }
0x158: {  	v2 =	vld [tilespmem:$0x145B0];
	_ =	sdelay $0x7  }
0x159: {  	[tilespmem:v2+s19+$0x0] =	vst.idx.add.f32.msk $0xffff, v1  }
0x15a: {  	v2 =	vld [tilespmem:$0x145C0];
	_ =	sdelay $0x7  }
0x15b: {  	[tilespmem:v2+s19+$0x0] =	vst.idx.add.f32.msk $0xffff, v1  }
0x15c: {  	v2 =	vld [tilespmem:$0x145D0];
	_ =	sdelay $0x7  }
0x15d: {  	[tilespmem:v2+s19+$0x0] =	vst.idx.add.f32.msk $0xffff, v1  }
0x15e: {  	v2 =	vld [tilespmem:$0x145E0];
	_ =	sdelay $0x7  }
0x15f: {  	[tilespmem:v2+s19+$0x0] =	vst.idx.add.f32.msk $0xffff, v1  }
0x160: {  	v2 =	vld [tilespmem:$0x145F0];
	_ =	sdelay $0x7  }
0x161: {  	s29 =	simm.s32 $0x14580;
	[tilespmem:v2+s19+$0x0] =	vst.idx.add.f32.msk $0xffff, v1  }
0x162: {  	[spmem:s23] =	stream.indirect.scatter.add.f32 [tilespmem:s0], [sflag:$0x2], $0x40, s29, s24, $0xb8;
	[tilespmem:$0x1F880] =	vst v63  }
0x163: {  	_ =	swait.ge [sflag:s5], $0x2000  }
0x164: {  	[sflag:s5] =	ssyncset.done $0x0  }
0x165: {  	s30 =	simm.s32 $0x13E80;
	[sflag:s5] =	ssyncadd.s32 $0xFFFFE000  }
0x166: {  	[tilespmem:s18], [sflag:$0x1] =	stream.indirect.gather [hbm4b:s21+s24], $0x40, s30, s24, $0xb8;
	[tilespmem:$0x1F880] =	vst v63  }
0x167: {  	_ =	swait.ge [sflag:s31], $0x2000  }
0x168: {  	[sflag:s31] =	ssyncset.done $0x0  }
0x169: {  	[sflag:s31] =	ssyncadd.s32 $0xFFFFE000  }
0x16a: {  	v2 =	vld [tilespmem:$0x14600];
	_ =	sdelay $0x7  }
0x16b: {  	[tilespmem:v2+s19+$0x0] =	vst.idx.add.f32.msk $0xffff, v1  }
0x16c: {  	v2 =	vld [tilespmem:$0x14610];
	_ =	sdelay $0x7  }
0x16d: {  	[tilespmem:v2+s19+$0x0] =	vst.idx.add.f32.msk $0xffff, v1  }
0x16e: {  	v2 =	vld [tilespmem:$0x14620];
	_ =	sdelay $0x7  }
0x16f: {  	[tilespmem:v2+s19+$0x0] =	vst.idx.add.f32.msk $0xffff, v1  }
0x170: {  	v2 =	vld [tilespmem:$0x14630];
	_ =	sdelay $0x7  }
0x171: {  	[tilespmem:v2+s19+$0x0] =	vst.idx.add.f32.msk $0xffff, v1  }
0x172: {  	v2 =	vld [tilespmem:$0x14640];
	_ =	sdelay $0x7  }
0x173: {  	[tilespmem:v2+s19+$0x0] =	vst.idx.add.f32.msk $0xffff, v1  }
0x174: {  	v2 =	vld [tilespmem:$0x14650];
	_ =	sdelay $0x7  }
0x175: {  	[tilespmem:v2+s19+$0x0] =	vst.idx.add.f32.msk $0xffff, v1  }
0x176: {  	v2 =	vld [tilespmem:$0x14660];
	_ =	sdelay $0x7  }
0x177: {  	[tilespmem:v2+s19+$0x0] =	vst.idx.add.f32.msk $0xffff, v1  }
0x178: {  	v2 =	vld [tilespmem:$0x14670];
	_ =	sdelay $0x7  }
0x179: {  	s29 =	simm.s32 $0x14600;
	[tilespmem:v2+s19+$0x0] =	vst.idx.add.f32.msk $0xffff, v1  }
0x17a: {  	[spmem:s23] =	stream.indirect.scatter.add.f32 [tilespmem:s3], [sflag:$0x2], $0x40, s29, s24, $0xb8;
	[tilespmem:$0x1F880] =	vst v63  }
0x17b: {  	_ =	swait.ge [sflag:s5], $0x2000  }
0x17c: {  	[sflag:s5] =	ssyncset.done $0x0  }
0x17d: {  	s30 =	simm.s32 $0x13F00;
	[sflag:s5] =	ssyncadd.s32 $0xFFFFE000  }
0x17e: {  	[tilespmem:s0], [sflag:$0x1] =	stream.indirect.gather [hbm4b:s21+s24], $0x40, s30, s24, $0xb8;
	[tilespmem:$0x1F880] =	vst v63  }
0x17f: {  	_ =	swait.ge [sflag:s31], $0x2000  }
0x180: {  	[sflag:s31] =	ssyncset.done $0x0  }
0x181: {  	[sflag:s31] =	ssyncadd.s32 $0xFFFFE000  }
0x182: {  	v2 =	vld [tilespmem:$0x14680];
	_ =	sdelay $0x7  }
0x183: {  	[tilespmem:v2+s19+$0x0] =	vst.idx.add.f32.msk $0xffff, v1  }
0x184: {  	v2 =	vld [tilespmem:$0x14690];
	_ =	sdelay $0x7  }
0x185: {  	[tilespmem:v2+s19+$0x0] =	vst.idx.add.f32.msk $0xffff, v1  }
0x186: {  	v2 =	vld [tilespmem:$0x146A0];
	_ =	sdelay $0x7  }
0x187: {  	[tilespmem:v2+s19+$0x0] =	vst.idx.add.f32.msk $0xffff, v1  }
0x188: {  	v2 =	vld [tilespmem:$0x146B0];
	_ =	sdelay $0x7  }
0x189: {  	[tilespmem:v2+s19+$0x0] =	vst.idx.add.f32.msk $0xffff, v1  }
0x18a: {  	v2 =	vld [tilespmem:$0x146C0];
	_ =	sdelay $0x7  }
0x18b: {  	[tilespmem:v2+s19+$0x0] =	vst.idx.add.f32.msk $0xffff, v1  }
0x18c: {  	v2 =	vld [tilespmem:$0x146D0];
	_ =	sdelay $0x7  }
0x18d: {  	[tilespmem:v2+s19+$0x0] =	vst.idx.add.f32.msk $0xffff, v1  }
0x18e: {  	v2 =	vld [tilespmem:$0x146E0];
	_ =	sdelay $0x7  }
0x18f: {  	[tilespmem:v2+s19+$0x0] =	vst.idx.add.f32.msk $0xffff, v1  }
0x190: {  	v2 =	vld [tilespmem:$0x146F0];
	_ =	sdelay $0x7  }
0x191: {  	[tilespmem:v2+s19+$0x0] =	vst.idx.add.f32.msk $0xffff, v1  }
0x192: {  	[spmem:s23] =	stream.indirect.scatter.add.f32 [tilespmem:s18], [sflag:$0x2], $0x40, s2, s24, $0xb8;
	[tilespmem:$0x1F880] =	vst v63  }
0x193: {  	_ =	swait.ge [sflag:s5], $0x2000  }
0x194: {  	[sflag:s5] =	ssyncset.done $0x0  }
0x195: {  	[sflag:s5] =	ssyncadd.s32 $0xFFFFE000  }
0x196: {  	[tilespmem:s3], [sflag:$0x1] =	stream.indirect.gather [hbm4b:s21+s24], $0x40, s4, s24, $0xb8;
	[tilespmem:$0x1F880] =	vst v63  }
0x197: {  	_ =	swait.ge [sflag:s31], $0x2000  }
0x198: {  	[sflag:s31] =	ssyncset.done $0x0  }
0x199: {  	[sflag:s31] =	ssyncadd.s32 $0xFFFFE000  }
0x19a: {  	v2 =	vld [tilespmem:$0x14700];
	_ =	sdelay $0x7  }
0x19b: {  	[tilespmem:v2+s19+$0x0] =	vst.idx.add.f32.msk $0xffff, v1  }
0x19c: {  	v2 =	vld [tilespmem:$0x14710];
	_ =	sdelay $0x7  }
0x19d: {  	[tilespmem:v2+s19+$0x0] =	vst.idx.add.f32.msk $0xffff, v1  }
0x19e: {  	v2 =	vld [tilespmem:$0x14720];
	_ =	sdelay $0x7  }
0x19f: {  	[tilespmem:v2+s19+$0x0] =	vst.idx.add.f32.msk $0xffff, v1  }
0x1a0: {  	v2 =	vld [tilespmem:$0x14730];
	_ =	sdelay $0x7  }
0x1a1: {  	[tilespmem:v2+s19+$0x0] =	vst.idx.add.f32.msk $0xffff, v1  }
0x1a2: {  	v2 =	vld [tilespmem:$0x14740];
	_ =	sdelay $0x7  }
0x1a3: {  	[tilespmem:v2+s19+$0x0] =	vst.idx.add.f32.msk $0xffff, v1  }
0x1a4: {  	v2 =	vld [tilespmem:$0x14750];
	_ =	sdelay $0x7  }
0x1a5: {  	[tilespmem:v2+s19+$0x0] =	vst.idx.add.f32.msk $0xffff, v1  }
0x1a6: {  	v2 =	vld [tilespmem:$0x14760];
	_ =	sdelay $0x7  }
0x1a7: {  	[tilespmem:v2+s19+$0x0] =	vst.idx.add.f32.msk $0xffff, v1  }
0x1a8: {  	v2 =	vld [tilespmem:$0x14770];
	_ =	sdelay $0x7  }
0x1a9: {  	[tilespmem:v2+s19+$0x0] =	vst.idx.add.f32.msk $0xffff, v1  }
0x1aa: {  	[spmem:s23] =	stream.indirect.scatter.add.f32 [tilespmem:s0], [sflag:$0x2], $0x40, s6, s24, $0xb8;
	[tilespmem:$0x1F880] =	vst v63  }
0x1ab: {  	_ =	swait.ge [sflag:s5], $0x2000  }
0x1ac: {  	[sflag:s5] =	ssyncset.done $0x0  }
0x1ad: {  	[sflag:s5] =	ssyncadd.s32 $0xFFFFE000  }
0x1ae: {  	[tilespmem:s18], [sflag:$0x1] =	stream.indirect.gather [hbm4b:s21+s24], $0x40, s7, s24, $0xb8;
	[tilespmem:$0x1F880] =	vst v63  }
0x1af: {  	_ =	swait.ge [sflag:s31], $0x2000  }
0x1b0: {  	[sflag:s31] =	ssyncset.done $0x0  }
0x1b1: {  	[sflag:s31] =	ssyncadd.s32 $0xFFFFE000  }
0x1b2: {  	v2 =	vld [tilespmem:$0x14780];
	_ =	sdelay $0x7  }
0x1b3: {  	[tilespmem:v2+s19+$0x0] =	vst.idx.add.f32.msk $0xffff, v1  }
0x1b4: {  	v2 =	vld [tilespmem:$0x14790];
	_ =	sdelay $0x7  }
0x1b5: {  	[tilespmem:v2+s19+$0x0] =	vst.idx.add.f32.msk $0xffff, v1  }
0x1b6: {  	v2 =	vld [tilespmem:$0x147A0];
	_ =	sdelay $0x7  }
0x1b7: {  	[tilespmem:v2+s19+$0x0] =	vst.idx.add.f32.msk $0xffff, v1  }
0x1b8: {  	v2 =	vld [tilespmem:$0x147B0];
	_ =	sdelay $0x7  }
0x1b9: {  	[tilespmem:v2+s19+$0x0] =	vst.idx.add.f32.msk $0xffff, v1  }
0x1ba: {  	v2 =	vld [tilespmem:$0x147C0];
	_ =	sdelay $0x7  }
0x1bb: {  	[tilespmem:v2+s19+$0x0] =	vst.idx.add.f32.msk $0xffff, v1  }
0x1bc: {  	v2 =	vld [tilespmem:$0x147D0];
	_ =	sdelay $0x7  }
0x1bd: {  	[tilespmem:v2+s19+$0x0] =	vst.idx.add.f32.msk $0xffff, v1  }
0x1be: {  	v2 =	vld [tilespmem:$0x147E0];
	_ =	sdelay $0x7  }
0x1bf: {  	[tilespmem:v2+s19+$0x0] =	vst.idx.add.f32.msk $0xffff, v1  }
0x1c0: {  	v2 =	vld [tilespmem:$0x147F0];
	_ =	sdelay $0x7  }
0x1c1: {  	[tilespmem:v2+s19+$0x0] =	vst.idx.add.f32.msk $0xffff, v1  }
0x1c2: {  	[spmem:s23] =	stream.indirect.scatter.add.f32 [tilespmem:s3], [sflag:$0x2], $0x40, s8, s24, $0xb8;
	[tilespmem:$0x1F880] =	vst v63  }
0x1c3: {  	_ =	swait.ge [sflag:s5], $0x2000  }
0x1c4: {  	[sflag:s5] =	ssyncset.done $0x0  }
0x1c5: {  	[sflag:s5] =	ssyncadd.s32 $0xFFFFE000  }
0x1c6: {  	[tilespmem:s0], [sflag:$0x1] =	stream.indirect.gather [hbm4b:s21+s24], $0x40, s10, s24, $0xb8;
	[tilespmem:$0x1F880] =	vst v63  }
0x1c7: {  	_ =	swait.ge [sflag:s31], $0x2000  }
0x1c8: {  	[sflag:s31] =	ssyncset.done $0x0  }
0x1c9: {  	[sflag:s31] =	ssyncadd.s32 $0xFFFFE000  }
0x1ca: {  	v2 =	vld [tilespmem:$0x14800];
	_ =	sdelay $0x7  }
0x1cb: {  	[tilespmem:v2+s19+$0x0] =	vst.idx.add.f32.msk $0xffff, v1  }
0x1cc: {  	v2 =	vld [tilespmem:$0x14810];
	_ =	sdelay $0x7  }
0x1cd: {  	[tilespmem:v2+s19+$0x0] =	vst.idx.add.f32.msk $0xffff, v1  }
0x1ce: {  	v2 =	vld [tilespmem:$0x14820];
	_ =	sdelay $0x7  }
0x1cf: {  	[tilespmem:v2+s19+$0x0] =	vst.idx.add.f32.msk $0xffff, v1  }
0x1d0: {  	v2 =	vld [tilespmem:$0x14830];
	_ =	sdelay $0x7  }
0x1d1: {  	[tilespmem:v2+s19+$0x0] =	vst.idx.add.f32.msk $0xffff, v1  }
0x1d2: {  	v2 =	vld [tilespmem:$0x14840];
	_ =	sdelay $0x7  }
0x1d3: {  	[tilespmem:v2+s19+$0x0] =	vst.idx.add.f32.msk $0xffff, v1  }
0x1d4: {  	v2 =	vld [tilespmem:$0x14850];
	_ =	sdelay $0x7  }
0x1d5: {  	[tilespmem:v2+s19+$0x0] =	vst.idx.add.f32.msk $0xffff, v1  }
0x1d6: {  	v2 =	vld [tilespmem:$0x14860];
	_ =	sdelay $0x7  }
0x1d7: {  	[tilespmem:v2+s19+$0x0] =	vst.idx.add.f32.msk $0xffff, v1  }
0x1d8: {  	v2 =	vld [tilespmem:$0x14870];
	_ =	sdelay $0x7  }
0x1d9: {  	[tilespmem:v2+s19+$0x0] =	vst.idx.add.f32.msk $0xffff, v1  }
0x1da: {  	[spmem:s23] =	stream.indirect.scatter.add.f32 [tilespmem:s18], [sflag:$0x2], $0x40, s11, s24, $0xb8;
	[tilespmem:$0x1F880] =	vst v63  }
0x1db: {  	_ =	swait.ge [sflag:s5], $0x2000  }
0x1dc: {  	[sflag:s5] =	ssyncset.done $0x0  }
0x1dd: {  	[sflag:s5] =	ssyncadd.s32 $0xFFFFE000  }
0x1de: {  	[tilespmem:s3], [sflag:$0x1] =	stream.indirect.gather [hbm4b:s21+s24], $0x40, s12, s24, $0xb8;
	[tilespmem:$0x1F880] =	vst v63  }
0x1df: {  	_ =	swait.ge [sflag:s31], $0x2000  }
0x1e0: {  	[sflag:s31] =	ssyncset.done $0x0  }
0x1e1: {  	[sflag:s31] =	ssyncadd.s32 $0xFFFFE000  }
0x1e2: {  	v2 =	vld [tilespmem:$0x14880];
	_ =	sdelay $0x7  }
0x1e3: {  	[tilespmem:v2+s19+$0x0] =	vst.idx.add.f32.msk $0xffff, v1  }
0x1e4: {  	v2 =	vld [tilespmem:$0x14890];
	_ =	sdelay $0x7  }
0x1e5: {  	[tilespmem:v2+s19+$0x0] =	vst.idx.add.f32.msk $0xffff, v1  }
0x1e6: {  	v2 =	vld [tilespmem:$0x148A0];
	_ =	sdelay $0x7  }
0x1e7: {  	[tilespmem:v2+s19+$0x0] =	vst.idx.add.f32.msk $0xffff, v1  }
0x1e8: {  	v2 =	vld [tilespmem:$0x148B0];
	_ =	sdelay $0x7  }
0x1e9: {  	[tilespmem:v2+s19+$0x0] =	vst.idx.add.f32.msk $0xffff, v1  }
0x1ea: {  	v2 =	vld [tilespmem:$0x148C0];
	_ =	sdelay $0x7  }
0x1eb: {  	[tilespmem:v2+s19+$0x0] =	vst.idx.add.f32.msk $0xffff, v1  }
0x1ec: {  	v2 =	vld [tilespmem:$0x148D0];
	_ =	sdelay $0x7  }
0x1ed: {  	[tilespmem:v2+s19+$0x0] =	vst.idx.add.f32.msk $0xffff, v1  }
0x1ee: {  	v2 =	vld [tilespmem:$0x148E0];
	_ =	sdelay $0x7  }
0x1ef: {  	[tilespmem:v2+s19+$0x0] =	vst.idx.add.f32.msk $0xffff, v1  }
0x1f0: {  	v2 =	vld [tilespmem:$0x148F0];
	_ =	sdelay $0x7  }
0x1f1: {  	[tilespmem:v2+s19+$0x0] =	vst.idx.add.f32.msk $0xffff, v1  }
0x1f2: {  	[spmem:s23] =	stream.indirect.scatter.add.f32 [tilespmem:s0], [sflag:$0x2], $0x40, s13, s24, $0xb8;
	[tilespmem:$0x1F880] =	vst v63  }
0x1f3: {  	_ =	swait.ge [sflag:s5], $0x2000  }
0x1f4: {  	[sflag:s5] =	ssyncset.done $0x0  }
0x1f5: {  	[sflag:s5] =	ssyncadd.s32 $0xFFFFE000  }
0x1f6: {  	[tilespmem:s18], [sflag:$0x1] =	stream.indirect.gather [hbm4b:s21+s24], $0x40, s14, s24, $0xb8;
	[tilespmem:$0x1F880] =	vst v63  }
0x1f7: {  	_ =	swait.ge [sflag:s31], $0x2000  }
0x1f8: {  	[sflag:s31] =	ssyncset.done $0x0  }
0x1f9: {  	[sflag:s31] =	ssyncadd.s32 $0xFFFFE000  }
0x1fa: {  	v2 =	vld [tilespmem:$0x14900];
	_ =	sdelay $0x7  }
0x1fb: {  	[tilespmem:v2+s19+$0x0] =	vst.idx.add.f32.msk $0xffff, v1  }
0x1fc: {  	v2 =	vld [tilespmem:$0x14910];
	_ =	sdelay $0x7  }
0x1fd: {  	[tilespmem:v2+s19+$0x0] =	vst.idx.add.f32.msk $0xffff, v1  }
0x1fe: {  	v2 =	vld [tilespmem:$0x14920];
	_ =	sdelay $0x7  }
0x1ff: {  	[tilespmem:v2+s19+$0x0] =	vst.idx.add.f32.msk $0xffff, v1  }
0x200: {  	v2 =	vld [tilespmem:$0x14930];
	_ =	sdelay $0x7  }
0x201: {  	[tilespmem:v2+s19+$0x0] =	vst.idx.add.f32.msk $0xffff, v1  }
0x202: {  	v2 =	vld [tilespmem:$0x14940];
	_ =	sdelay $0x7  }
0x203: {  	[tilespmem:v2+s19+$0x0] =	vst.idx.add.f32.msk $0xffff, v1  }
0x204: {  	v2 =	vld [tilespmem:$0x14950];
	_ =	sdelay $0x7  }
0x205: {  	[tilespmem:v2+s19+$0x0] =	vst.idx.add.f32.msk $0xffff, v1  }
0x206: {  	v2 =	vld [tilespmem:$0x14960];
	_ =	sdelay $0x7  }
0x207: {  	[tilespmem:v2+s19+$0x0] =	vst.idx.add.f32.msk $0xffff, v1  }
0x208: {  	v2 =	vld [tilespmem:$0x14970];
	_ =	sdelay $0x7  }
0x209: {  	[tilespmem:v2+s19+$0x0] =	vst.idx.add.f32.msk $0xffff, v1  }
0x20a: {  	[spmem:s23] =	stream.indirect.scatter.add.f32 [tilespmem:s3], [sflag:$0x2], $0x40, s15, s24, $0xb8;
	[tilespmem:$0x1F880] =	vst v63  }
0x20b: {  	_ =	swait.ge [sflag:s31], $0x2000  }
0x20c: {  	[sflag:s31] =	ssyncset.done $0x0  }
0x20d: {  	[sflag:s31] =	ssyncadd.s32 $0xFFFFE000  }
0x20e: {  	v2 =	vld [tilespmem:$0x14980];
	_ =	sdelay $0x7  }
0x20f: {  	[tilespmem:v2+s19+$0x0] =	vst.idx.add.f32.msk $0xffff, v1  }
0x210: {  	v2 =	vld [tilespmem:$0x14990];
	_ =	sdelay $0x7  }
0x211: {  	[tilespmem:v2+s19+$0x0] =	vst.idx.add.f32.msk $0xffff, v1  }
0x212: {  	v2 =	vld [tilespmem:$0x149A0];
	_ =	sdelay $0x7  }
0x213: {  	[tilespmem:v2+s19+$0x0] =	vst.idx.add.f32.msk $0xffff, v1  }
0x214: {  	v2 =	vld [tilespmem:$0x149B0];
	_ =	sdelay $0x7  }
0x215: {  	[tilespmem:v2+s19+$0x0] =	vst.idx.add.f32.msk $0xffff, v1  }
0x216: {  	v2 =	vld [tilespmem:$0x149C0];
	_ =	sdelay $0x7  }
0x217: {  	[tilespmem:v2+s19+$0x0] =	vst.idx.add.f32.msk $0xffff, v1  }
0x218: {  	v2 =	vld [tilespmem:$0x149D0];
	_ =	sdelay $0x7  }
0x219: {  	[tilespmem:v2+s19+$0x0] =	vst.idx.add.f32.msk $0xffff, v1  }
0x21a: {  	v2 =	vld [tilespmem:$0x149E0];
	_ =	sdelay $0x7  }
0x21b: {  	[tilespmem:v2+s19+$0x0] =	vst.idx.add.f32.msk $0xffff, v1  }
0x21c: {  	v2 =	vld [tilespmem:$0x149F0];
	_ =	sdelay $0x7  }
0x21d: {  	s28 =	sadd.s32 $0x1, s28;
	[tilespmem:v2+s19+$0x0] =	vst.idx.add.f32.msk $0xffff, v1  }
0x21e: {  	[spmem:s23] =	stream.indirect.scatter.add.f32 [tilespmem:s18], [sflag:$0x2], $0x40, s16, s24, $0xb8;
	[tilespmem:$0x1F880] =	vst v63  }
0x21f: {  	p1 =	seq.s32 s28, $0xA;
	_ =	swait.ge [sflag:s5], $0x2000  }
.Ltmp6:
0x220: {  	[sflag:s5] =	ssyncset.done $0x0;
	(pc) =	sbr.rel @!p1 .LBB2_6-.Ltmp6, $4  }
0x221: {  	[sflag:s5] =	ssyncadd.s32 $0xFFFFE000  }
0x222: {  	_ =	swait.ge [sflag:s5], $0x2000  }
0x223: {  	[sflag:s5] =	ssyncset.done $0x0  }
0x224: {  	[sflag:s5] =	ssyncadd.s32 $0xFFFFE000  }
0x225: {  	s1 =	stileid.u32;
	[bflag:$0x0] =	sbarrier.arrive $0xFFFF  }
0x226: {  	s1 =	sshll.u32 s1, $0x6;
	s17 =	rddreg [dreg:$0x1c]  }
0x227: {  	s28 =	rddreg [dreg:$0xf];
	s1 =	sor.u32 $0x1C03, s1;
	s17 =	sshrl.u32 s17, $0x3  }
0x228: {  	[hbm:s28], [sflag:s1] =	dma.local [spmem:s17], $0x400  }
0x229: {  	_ =	swait.ge [sflag:s20], $0x400  }
0x22a: {  	[sflag:s20] =	ssyncset.done $0x0;
	s28 =	rddreg [dreg:$0x1d]  }
0x22b: {  	s30 =	rddreg [dreg:$0x10];
	[sflag:s20] =	ssyncadd.s32 $0xFFFFFC00;
	s17 =	sshrl.u32 s28, $0x3  }
0x22c: {  	[hbm:s30], [sflag:s1] =	dma.local [spmem:s17], $0x400  }
0x22d: {  	_ =	swait.ge [sflag:s20], $0x400  }
0x22e: {  	[sflag:s20] =	ssyncset.done $0x0;
	s28 =	rddreg [dreg:$0x1e]  }
0x22f: {  	s30 =	rddreg [dreg:$0x11];
	[sflag:s20] =	ssyncadd.s32 $0xFFFFFC00;
	s17 =	sshrl.u32 s28, $0x3  }
0x230: {  	[hbm:s30], [sflag:s1] =	dma.local [spmem:s17], $0x400  }
0x231: {  	_ =	swait.ge [sflag:s20], $0x400  }
0x232: {  	[sflag:s20] =	ssyncset.done $0x0;
	s28 =	rddreg [dreg:$0x1f]  }
0x233: {  	s30 =	rddreg [dreg:$0x12];
	[sflag:s20] =	ssyncadd.s32 $0xFFFFFC00;
	s17 =	sshrl.u32 s28, $0x3  }
0x234: {  	[hbm:s30], [sflag:s1] =	dma.local [spmem:s17], $0x400  }
0x235: {  	_ =	swait.ge [sflag:s20], $0x400  }
0x236: {  	s28 =	sld [smem:$0x7F1];
	_ =	sdelay $0x1  }
0x237: {  	[sflag:s20] =	ssyncset.done $0x0  }
0x238: {  	s30 =	rddreg [dreg:$0x13];
	[sflag:s20] =	ssyncadd.s32 $0xFFFFFC00;
	s17 =	sshrl.u32 s28, $0x3  }
0x239: {  	[hbm:s30], [sflag:s1] =	dma.local [spmem:s17], $0x400  }
0x23a: {  	_ =	swait.ge [sflag:s20], $0x400  }
0x23b: {  	s28 =	sld [smem:$0x7F2];
	_ =	sdelay $0x1  }
0x23c: {  	[sflag:s20] =	ssyncset.done $0x0  }
0x23d: {  	s30 =	rddreg [dreg:$0x14];
	[sflag:s20] =	ssyncadd.s32 $0xFFFFFC00;
	s17 =	sshrl.u32 s28, $0x3  }
0x23e: {  	[hbm:s30], [sflag:s1] =	dma.local [spmem:s17], $0x400  }
0x23f: {  	_ =	swait.ge [sflag:s20], $0x400  }
0x240: {  	s28 =	sld [smem:$0x7F3];
	_ =	sdelay $0x1  }
0x241: {  	[sflag:s20] =	ssyncset.done $0x0  }
0x242: {  	s30 =	rddreg [dreg:$0x15];
	[sflag:s20] =	ssyncadd.s32 $0xFFFFFC00;
	s17 =	sshrl.u32 s28, $0x3  }
0x243: {  	[hbm:s30], [sflag:s1] =	dma.local [spmem:s17], $0x400  }
0x244: {  	_ =	swait.ge [sflag:s20], $0x400  }
0x245: {  	s28 =	sld [smem:$0x7F4];
	_ =	sdelay $0x1  }
0x246: {  	[sflag:s20] =	ssyncset.done $0x0  }
0x247: {  	s30 =	rddreg [dreg:$0x16];
	[sflag:s20] =	ssyncadd.s32 $0xFFFFFC00;
	s17 =	sshrl.u32 s28, $0x3  }
0x248: {  	[hbm:s30], [sflag:s1] =	dma.local [spmem:s17], $0x400  }
0x249: {  	_ =	swait.ge [sflag:s20], $0x400  }
0x24a: {  	s28 =	sld [smem:$0x7F5];
	_ =	sdelay $0x1  }
0x24b: {  	[sflag:s20] =	ssyncset.done $0x0  }
0x24c: {  	s30 =	rddreg [dreg:$0x17];
	[sflag:s20] =	ssyncadd.s32 $0xFFFFFC00;
	s17 =	sshrl.u32 s28, $0x3  }
0x24d: {  	[hbm:s30], [sflag:s1] =	dma.local [spmem:s17], $0x400  }
0x24e: {  	_ =	swait.ge [sflag:s20], $0x400  }
0x24f: {  	[sflag:s20] =	ssyncset.done $0x0;
	s29 =	rddreg [dreg:$0x19]  }
0x250: {  	s30 =	rddreg [dreg:$0x4];
	[sflag:s20] =	ssyncadd.s32 $0xFFFFFC00;
	s17 =	sshrl.u32 s29, $0x3  }
0x251: {  	[hbm:s30], [sflag:s1] =	dma.local [spmem:s17], $0x340  }
0x252: {  	_ =	swait.ge [sflag:s20], $0x340  }
0x253: {  	[sflag:s20] =	ssyncset.done $0x0  }
0x254: {  	s28 =	simm.s32 $0x0;
	s30 =	rddreg [dreg:$0x1a];
	[sflag:s20] =	ssyncadd.s32 $0xFFFFFCC0  }
0x255: {  	[hbm4b:s30+s28] =	stream.linear.scatter [tilespmem:s19], [sflag:$0x3], $0x4E80, $0x38;
	[tilespmem:$0x1F880] =	vst v63  }
.Ltmp7:
0x256: {  	_ = 	snop;
	(pc) =	sbr.rel .LBB2_14-.Ltmp7, $4  }
0x257: {  	_ =	swait.ge [sflag:s20], $0x4E80  }
0x258: {  	s17 =	sld [smem:$0x7F0]  }
0x259: {  	[sflag:s20] =	ssyncset.done $0x0  }
0x25a: {  	[sflag:s20] =	ssyncadd.s32 $0xFFFFB180  }
.LBB2_10:
0x25b: {  	s1 =	sshll.u32 s29, $0xB  }
0x25c: {  	s1 =	sadd.s32 s9, s1  }
0x25d: {  	s1 =	sshrl.u32 s1, $0x3  }
0x25e: {  	s1 =	sadd.s32 s26, s1  }
0x25f: {  	[tilespmem:s22], [sflag:$0x3] =	stream.linear.gather [hbm4b:s1+s17], $0x800, $0x38;
	[tilespmem:$0x1F880] =	vst v63  }
0x260: {  	_ =	swait.ge [sflag:s20], $0x800  }
0x261: {  	[sflag:s20] =	ssyncset.done $0x0  }
0x262: {  	s28 =	simm.s32 $0x0;
	[sflag:s20] =	ssyncadd.s32 $0xFFFFF800  }
0x263: {  	v2 =	vld [tilespmem:s28+$0x13A00]  }
0x264: {  	v8 =	vld [tilespmem:s28+$0x13A10]  }
0x265: {  	v7 =	vld [tilespmem:s28+$0x13A20]  }
0x266: {  	v6 =	vld [tilespmem:s28+$0x13A30]  }
0x267: {  	v4 =	vld [tilespmem:s28+$0x13A40]  }
0x268: {  	v5 =	vld [tilespmem:s28+$0x13A50];
	v3 =	vand.u32 $0x3FFF, v2  }
0x269: {  	s30 =	simm.s32 $0x200;
	v2 =	vshrl.u32 v2, $0xE;
	v9 =	vand.u32 $0x3FFF, v8;
	[tilespmem:s28+$0x13A00] =	vst v3;
	v3 =	vshrl.u32 v8, $0xE;
	v8 =	vld [tilespmem:s28+$0x13A60]  }
.LBB2_11:
0x26a: {  	p1 =	sne.s32 s30, $0x1E00;
	[tilespmem:s28+$0x13A10] =	vst v9;
	v9 =	vshrl.u32 v7, $0xE;
	v7 =	vand.u32 $0x3FFF, v7;
	v10 =	vld [tilespmem:s28+$0x13A70]  }
0x26b: {  	[tilespmem:s28+$0x13A20] =	vst v7;
	v7 =	vshrl.u32 v6, $0xE;
	v6 =	vand.u32 $0x3FFF, v6  }
0x26c: {  	[tilespmem:s28+$0x13A30] =	vst v6;
	v6 =	vshrl.u32 v4, $0xE;
	v4 =	vand.u32 $0x3FFF, v4  }
0x26d: {  	[tilespmem:s28+$0x13A40] =	vst v4;
	v4 =	vshrl.u32 v5, $0xE;
	v5 =	vand.u32 $0x3FFF, v5  }
0x26e: {  	[tilespmem:s28+$0x13A50] =	vst v5;
	v5 =	vshrl.u32 v8, $0xE;
	v8 =	vand.u32 $0x3FFF, v8  }
0x26f: {  	[tilespmem:s28+$0x13A60] =	vst v8;
	v8 =	vshrl.u32 v10, $0xE;
	v10 =	vand.u32 $0x3FFF, v10  }
0x270: {  	[tilespmem:s28+$0x13A70] =	vst v10  }
0x271: {  	[tilespmem:s28+$0x14200] =	vst v2  }
0x272: {  	s1 =	sshra.s32 s30, $0x2;
	[tilespmem:s28+$0x14210] =	vst v3  }
0x273: {  	v3 =	vld [tilespmem:s1+$0x13A00];
	[tilespmem:s28+$0x14220] =	vst v9  }
0x274: {  	v9 =	vld [tilespmem:s1+$0x13A10];
	[tilespmem:s28+$0x14230] =	vst v7  }
.Ltmp8:
0x275: {  	v7 =	vld [tilespmem:s1+$0x13A20];
	[tilespmem:s28+$0x14240] =	vst v6;
	(pc) =	sbr.rel @p1 .LBB2_11-.Ltmp8, $4  }
0x276: {  	v6 =	vld [tilespmem:s1+$0x13A30];
	[tilespmem:s28+$0x14250] =	vst v4  }
0x277: {  	v4 =	vld [tilespmem:s1+$0x13A40];
	[tilespmem:s28+$0x14260] =	vst v5  }
0x278: {  	v2 =	vshrl.u32 v3, $0xE;
	v3 =	vand.u32 $0x3FFF, v3;
	v5 =	vld [tilespmem:s1+$0x13A50];
	[tilespmem:s28+$0x14270] =	vst v8;
	s28 =	smov.u32 s1  }
0x279: {  	s30 =	sadd.s32 $0x200, s30;
	[tilespmem:s28+$0x13A00] =	vst v3;
	v3 =	vshrl.u32 v9, $0xE;
	v9 =	vand.u32 $0x3FFF, v9;
	v8 =	vld [tilespmem:s28+$0x13A60]  }
0x27a: {  	[tilespmem:s28+$0x13A10] =	vst v9  }
0x27b: {  	[tilespmem:s28+$0x14200] =	vst v2  }
0x27c: {  	v58 =	vand.u32 $0x3FFF, v7;
	[tilespmem:s28+$0x14210] =	vst v3  }
0x27d: {  	v2 =	vshrl.u32 v7, $0xE;
	[tilespmem:s28+$0x13A20] =	vst v58  }
0x27e: {  	v59 =	vand.u32 $0x3FFF, v6;
	[tilespmem:s28+$0x14220] =	vst v2  }
0x27f: {  	v3 =	vshrl.u32 v6, $0xE;
	[tilespmem:s28+$0x13A30] =	vst v59  }
0x280: {  	v60 =	vand.u32 $0x3FFF, v4;
	[tilespmem:s28+$0x14230] =	vst v3  }
0x281: {  	v10 =	vld [tilespmem:s28+$0x13A70];
	v2 =	vshrl.u32 v4, $0xE;
	[tilespmem:s28+$0x13A40] =	vst v60  }
0x282: {  	v61 =	vand.u32 $0x3FFF, v5;
	[tilespmem:s28+$0x14240] =	vst v2  }
0x283: {  	v3 =	vshrl.u32 v5, $0xE;
	[tilespmem:s28+$0x13A50] =	vst v61  }
0x284: {  	v62 =	vand.u32 $0x3FFF, v8;
	[tilespmem:s28+$0x14250] =	vst v3  }
0x285: {  	v2 =	vshrl.u32 v8, $0xE;
	[tilespmem:s28+$0x13A60] =	vst v62  }
0x286: {  	v63 =	vand.u32 $0x3FFF, v10;
	[tilespmem:s28+$0x14260] =	vst v2  }
0x287: {  	v3 =	vshrl.u32 v10, $0xE;
	[tilespmem:s28+$0x13A70] =	vst v63  }
0x288: {  	[tilespmem:s28+$0x14270] =	vst v3  }
0x289: {  	[tilespmem:s18], [sflag:$0x1] =	stream.indirect.gather [hbm4b:s25+s24], $0x40, s22, s24, $0xb8;
	[tilespmem:$0x1F880] =	vst v63  }
0x28a: {  	s1 =	simm.s32 $0x13A80  }
0x28b: {  	[tilespmem:s0], [sflag:$0x1] =	stream.indirect.gather [hbm4b:s25+s24], $0x40, s1, s24, $0xb8;
	[tilespmem:$0x1F880] =	vst v63  }
0x28c: {  	_ =	swait.ge [sflag:s31], $0x2000  }
0x28d: {  	[sflag:s31] =	ssyncset.done $0x0  }
0x28e: {  	s28 =	simm.s32 $0x14200;
	[sflag:s31] =	ssyncadd.s32 $0xFFFFE000  }
0x28f: {  	[spmem:s23] =	stream.indirect.scatter.add.f32 [tilespmem:s18], [sflag:$0x2], $0x40, s28, s24, $0xb8;
	[tilespmem:$0x1F880] =	vst v63  }
0x290: {  	s30 =	simm.s32 $0x13B00  }
0x291: {  	[tilespmem:s3], [sflag:$0x1] =	stream.indirect.gather [hbm4b:s25+s24], $0x40, s30, s24, $0xb8;
	[tilespmem:$0x1F880] =	vst v63  }
0x292: {  	_ =	swait.ge [sflag:s31], $0x2000  }
0x293: {  	[sflag:s31] =	ssyncset.done $0x0  }
0x294: {  	s28 =	simm.s32 $0x14280;
	[sflag:s31] =	ssyncadd.s32 $0xFFFFE000  }
0x295: {  	[spmem:s23] =	stream.indirect.scatter.add.f32 [tilespmem:s0], [sflag:$0x2], $0x40, s28, s24, $0xb8;
	[tilespmem:$0x1F880] =	vst v63  }
0x296: {  	_ =	swait.ge [sflag:s5], $0x2000  }
0x297: {  	[sflag:s5] =	ssyncset.done $0x0  }
0x298: {  	s30 =	simm.s32 $0x13B80;
	[sflag:s5] =	ssyncadd.s32 $0xFFFFE000  }
0x299: {  	[tilespmem:s18], [sflag:$0x1] =	stream.indirect.gather [hbm4b:s25+s24], $0x40, s30, s24, $0xb8;
	[tilespmem:$0x1F880] =	vst v63  }
0x29a: {  	_ =	swait.ge [sflag:s31], $0x2000  }
0x29b: {  	[sflag:s31] =	ssyncset.done $0x0  }
0x29c: {  	s28 =	simm.s32 $0x14300;
	[sflag:s31] =	ssyncadd.s32 $0xFFFFE000  }
0x29d: {  	[spmem:s23] =	stream.indirect.scatter.add.f32 [tilespmem:s3], [sflag:$0x2], $0x40, s28, s24, $0xb8;
	[tilespmem:$0x1F880] =	vst v63  }
0x29e: {  	_ =	swait.ge [sflag:s5], $0x2000  }
0x29f: {  	[sflag:s5] =	ssyncset.done $0x0  }
0x2a0: {  	s30 =	simm.s32 $0x13C00;
	[sflag:s5] =	ssyncadd.s32 $0xFFFFE000  }
0x2a1: {  	[tilespmem:s0], [sflag:$0x1] =	stream.indirect.gather [hbm4b:s25+s24], $0x40, s30, s24, $0xb8;
	[tilespmem:$0x1F880] =	vst v63  }
0x2a2: {  	_ =	swait.ge [sflag:s31], $0x2000  }
0x2a3: {  	[sflag:s31] =	ssyncset.done $0x0  }
0x2a4: {  	s28 =	simm.s32 $0x14380;
	[sflag:s31] =	ssyncadd.s32 $0xFFFFE000  }
0x2a5: {  	[spmem:s23] =	stream.indirect.scatter.add.f32 [tilespmem:s18], [sflag:$0x2], $0x40, s28, s24, $0xb8;
	[tilespmem:$0x1F880] =	vst v63  }
0x2a6: {  	_ =	swait.ge [sflag:s5], $0x2000  }
0x2a7: {  	[sflag:s5] =	ssyncset.done $0x0  }
0x2a8: {  	s30 =	simm.s32 $0x13C80;
	[sflag:s5] =	ssyncadd.s32 $0xFFFFE000  }
0x2a9: {  	[tilespmem:s3], [sflag:$0x1] =	stream.indirect.gather [hbm4b:s25+s24], $0x40, s30, s24, $0xb8;
	[tilespmem:$0x1F880] =	vst v63  }
0x2aa: {  	_ =	swait.ge [sflag:s31], $0x2000  }
0x2ab: {  	[sflag:s31] =	ssyncset.done $0x0  }
0x2ac: {  	s28 =	simm.s32 $0x14400;
	[sflag:s31] =	ssyncadd.s32 $0xFFFFE000  }
0x2ad: {  	[spmem:s23] =	stream.indirect.scatter.add.f32 [tilespmem:s0], [sflag:$0x2], $0x40, s28, s24, $0xb8;
	[tilespmem:$0x1F880] =	vst v63  }
0x2ae: {  	_ =	swait.ge [sflag:s5], $0x2000  }
0x2af: {  	[sflag:s5] =	ssyncset.done $0x0  }
0x2b0: {  	s30 =	simm.s32 $0x13D00;
	[sflag:s5] =	ssyncadd.s32 $0xFFFFE000  }
0x2b1: {  	[tilespmem:s18], [sflag:$0x1] =	stream.indirect.gather [hbm4b:s25+s24], $0x40, s30, s24, $0xb8;
	[tilespmem:$0x1F880] =	vst v63  }
0x2b2: {  	_ =	swait.ge [sflag:s31], $0x2000  }
0x2b3: {  	[sflag:s31] =	ssyncset.done $0x0  }
0x2b4: {  	s28 =	simm.s32 $0x14480;
	[sflag:s31] =	ssyncadd.s32 $0xFFFFE000  }
0x2b5: {  	[spmem:s23] =	stream.indirect.scatter.add.f32 [tilespmem:s3], [sflag:$0x2], $0x40, s28, s24, $0xb8;
	[tilespmem:$0x1F880] =	vst v63  }
0x2b6: {  	_ =	swait.ge [sflag:s5], $0x2000  }
0x2b7: {  	[sflag:s5] =	ssyncset.done $0x0  }
0x2b8: {  	s30 =	simm.s32 $0x13D80;
	[sflag:s5] =	ssyncadd.s32 $0xFFFFE000  }
0x2b9: {  	[tilespmem:s0], [sflag:$0x1] =	stream.indirect.gather [hbm4b:s25+s24], $0x40, s30, s24, $0xb8;
	[tilespmem:$0x1F880] =	vst v63  }
0x2ba: {  	_ =	swait.ge [sflag:s31], $0x2000  }
0x2bb: {  	[sflag:s31] =	ssyncset.done $0x0  }
0x2bc: {  	s28 =	simm.s32 $0x14500;
	[sflag:s31] =	ssyncadd.s32 $0xFFFFE000  }
0x2bd: {  	[spmem:s23] =	stream.indirect.scatter.add.f32 [tilespmem:s18], [sflag:$0x2], $0x40, s28, s24, $0xb8;
	[tilespmem:$0x1F880] =	vst v63  }
0x2be: {  	_ =	swait.ge [sflag:s5], $0x2000  }
0x2bf: {  	[sflag:s5] =	ssyncset.done $0x0  }
0x2c0: {  	s30 =	simm.s32 $0x13E00;
	[sflag:s5] =	ssyncadd.s32 $0xFFFFE000  }
0x2c1: {  	[tilespmem:s3], [sflag:$0x1] =	stream.indirect.gather [hbm4b:s25+s24], $0x40, s30, s24, $0xb8;
	[tilespmem:$0x1F880] =	vst v63  }
0x2c2: {  	_ =	swait.ge [sflag:s31], $0x2000  }
0x2c3: {  	[sflag:s31] =	ssyncset.done $0x0  }
0x2c4: {  	s28 =	simm.s32 $0x14580;
	[sflag:s31] =	ssyncadd.s32 $0xFFFFE000  }
0x2c5: {  	[spmem:s23] =	stream.indirect.scatter.add.f32 [tilespmem:s0], [sflag:$0x2], $0x40, s28, s24, $0xb8;
	[tilespmem:$0x1F880] =	vst v63  }
0x2c6: {  	_ =	swait.ge [sflag:s5], $0x2000  }
0x2c7: {  	[sflag:s5] =	ssyncset.done $0x0  }
0x2c8: {  	s30 =	simm.s32 $0x13E80;
	[sflag:s5] =	ssyncadd.s32 $0xFFFFE000  }
0x2c9: {  	[tilespmem:s18], [sflag:$0x1] =	stream.indirect.gather [hbm4b:s25+s24], $0x40, s30, s24, $0xb8;
	[tilespmem:$0x1F880] =	vst v63  }
0x2ca: {  	_ =	swait.ge [sflag:s31], $0x2000  }
0x2cb: {  	[sflag:s31] =	ssyncset.done $0x0  }
0x2cc: {  	s28 =	simm.s32 $0x14600;
	[sflag:s31] =	ssyncadd.s32 $0xFFFFE000  }
0x2cd: {  	[spmem:s23] =	stream.indirect.scatter.add.f32 [tilespmem:s3], [sflag:$0x2], $0x40, s28, s24, $0xb8;
	[tilespmem:$0x1F880] =	vst v63  }
0x2ce: {  	_ =	swait.ge [sflag:s5], $0x2000  }
0x2cf: {  	[sflag:s5] =	ssyncset.done $0x0  }
0x2d0: {  	s30 =	simm.s32 $0x13F00;
	[sflag:s5] =	ssyncadd.s32 $0xFFFFE000  }
0x2d1: {  	[tilespmem:s0], [sflag:$0x1] =	stream.indirect.gather [hbm4b:s25+s24], $0x40, s30, s24, $0xb8;
	[tilespmem:$0x1F880] =	vst v63  }
0x2d2: {  	_ =	swait.ge [sflag:s31], $0x2000  }
0x2d3: {  	[sflag:s31] =	ssyncset.done $0x0  }
0x2d4: {  	[sflag:s31] =	ssyncadd.s32 $0xFFFFE000  }
0x2d5: {  	[spmem:s23] =	stream.indirect.scatter.add.f32 [tilespmem:s18], [sflag:$0x2], $0x40, s2, s24, $0xb8;
	[tilespmem:$0x1F880] =	vst v63  }
0x2d6: {  	_ =	swait.ge [sflag:s5], $0x2000  }
0x2d7: {  	[sflag:s5] =	ssyncset.done $0x0  }
0x2d8: {  	[sflag:s5] =	ssyncadd.s32 $0xFFFFE000  }
0x2d9: {  	[tilespmem:s3], [sflag:$0x1] =	stream.indirect.gather [hbm4b:s25+s24], $0x40, s4, s24, $0xb8;
	[tilespmem:$0x1F880] =	vst v63  }
0x2da: {  	_ =	swait.ge [sflag:s31], $0x2000  }
0x2db: {  	[sflag:s31] =	ssyncset.done $0x0  }
0x2dc: {  	[sflag:s31] =	ssyncadd.s32 $0xFFFFE000  }
0x2dd: {  	[spmem:s23] =	stream.indirect.scatter.add.f32 [tilespmem:s0], [sflag:$0x2], $0x40, s6, s24, $0xb8;
	[tilespmem:$0x1F880] =	vst v63  }
0x2de: {  	_ =	swait.ge [sflag:s5], $0x2000  }
0x2df: {  	[sflag:s5] =	ssyncset.done $0x0  }
0x2e0: {  	[sflag:s5] =	ssyncadd.s32 $0xFFFFE000  }
0x2e1: {  	[tilespmem:s18], [sflag:$0x1] =	stream.indirect.gather [hbm4b:s25+s24], $0x40, s7, s24, $0xb8;
	[tilespmem:$0x1F880] =	vst v63  }
0x2e2: {  	_ =	swait.ge [sflag:s31], $0x2000  }
0x2e3: {  	[sflag:s31] =	ssyncset.done $0x0  }
0x2e4: {  	[sflag:s31] =	ssyncadd.s32 $0xFFFFE000  }
0x2e5: {  	[spmem:s23] =	stream.indirect.scatter.add.f32 [tilespmem:s3], [sflag:$0x2], $0x40, s8, s24, $0xb8;
	[tilespmem:$0x1F880] =	vst v63  }
0x2e6: {  	_ =	swait.ge [sflag:s5], $0x2000  }
0x2e7: {  	[sflag:s5] =	ssyncset.done $0x0  }
0x2e8: {  	[sflag:s5] =	ssyncadd.s32 $0xFFFFE000  }
0x2e9: {  	[tilespmem:s0], [sflag:$0x1] =	stream.indirect.gather [hbm4b:s25+s24], $0x40, s10, s24, $0xb8;
	[tilespmem:$0x1F880] =	vst v63  }
0x2ea: {  	_ =	swait.ge [sflag:s31], $0x2000  }
0x2eb: {  	[sflag:s31] =	ssyncset.done $0x0  }
0x2ec: {  	[sflag:s31] =	ssyncadd.s32 $0xFFFFE000  }
0x2ed: {  	[spmem:s23] =	stream.indirect.scatter.add.f32 [tilespmem:s18], [sflag:$0x2], $0x40, s11, s24, $0xb8;
	[tilespmem:$0x1F880] =	vst v63  }
0x2ee: {  	_ =	swait.ge [sflag:s5], $0x2000  }
0x2ef: {  	[sflag:s5] =	ssyncset.done $0x0  }
0x2f0: {  	[sflag:s5] =	ssyncadd.s32 $0xFFFFE000  }
0x2f1: {  	[tilespmem:s3], [sflag:$0x1] =	stream.indirect.gather [hbm4b:s25+s24], $0x40, s12, s24, $0xb8;
	[tilespmem:$0x1F880] =	vst v63  }
0x2f2: {  	_ =	swait.ge [sflag:s31], $0x2000  }
0x2f3: {  	[sflag:s31] =	ssyncset.done $0x0  }
0x2f4: {  	[sflag:s31] =	ssyncadd.s32 $0xFFFFE000  }
0x2f5: {  	[spmem:s23] =	stream.indirect.scatter.add.f32 [tilespmem:s0], [sflag:$0x2], $0x40, s13, s24, $0xb8;
	[tilespmem:$0x1F880] =	vst v63  }
0x2f6: {  	_ =	swait.ge [sflag:s5], $0x2000  }
0x2f7: {  	[sflag:s5] =	ssyncset.done $0x0  }
0x2f8: {  	[sflag:s5] =	ssyncadd.s32 $0xFFFFE000  }
0x2f9: {  	[tilespmem:s18], [sflag:$0x1] =	stream.indirect.gather [hbm4b:s25+s24], $0x40, s14, s24, $0xb8;
	[tilespmem:$0x1F880] =	vst v63  }
0x2fa: {  	_ =	swait.ge [sflag:s31], $0x2000  }
0x2fb: {  	[sflag:s31] =	ssyncset.done $0x0  }
0x2fc: {  	[sflag:s31] =	ssyncadd.s32 $0xFFFFE000  }
0x2fd: {  	[spmem:s23] =	stream.indirect.scatter.add.f32 [tilespmem:s3], [sflag:$0x2], $0x40, s15, s24, $0xb8;
	[tilespmem:$0x1F880] =	vst v63  }
0x2fe: {  	_ =	swait.ge [sflag:s31], $0x2000  }
0x2ff: {  	[sflag:s31] =	ssyncset.done $0x0  }
0x300: {  	s29 =	sadd.s32 $0x1, s29;
	[sflag:s31] =	ssyncadd.s32 $0xFFFFE000  }
0x301: {  	[spmem:s23] =	stream.indirect.scatter.add.f32 [tilespmem:s18], [sflag:$0x2], $0x40, s16, s24, $0xb8;
	[tilespmem:$0x1F880] =	vst v63  }
0x302: {  	p1 =	seq.s32 s29, $0xA;
	_ =	swait.ge [sflag:s5], $0x2000  }
.Ltmp9:
0x303: {  	[sflag:s5] =	ssyncset.done $0x0;
	(pc) =	sbr.rel @!p1 .LBB2_10-.Ltmp9, $4  }
0x304: {  	[sflag:s5] =	ssyncadd.s32 $0xFFFFE000  }
0x305: {  	_ =	swait.ge [sflag:s5], $0x2000  }
0x306: {  	[sflag:s5] =	ssyncset.done $0x0  }
0x307: {  	[sflag:s5] =	ssyncadd.s32 $0xFFFFE000  }
0x308: {  	s1 =	stileid.u32;
	[bflag:$0x0] =	sbarrier.arrive $0xFFFF  }
0x309: {  	s1 =	sshll.u32 s1, $0x6;
	s17 =	rddreg [dreg:$0x1c]  }
0x30a: {  	s28 =	rddreg [dreg:$0x6];
	s1 =	sor.u32 $0x1C03, s1;
	s17 =	sshrl.u32 s17, $0x3  }
0x30b: {  	[hbm:s28], [sflag:s1] =	dma.local [spmem:s17], $0x400  }
0x30c: {  	_ =	swait.ge [sflag:s20], $0x400  }
0x30d: {  	[sflag:s20] =	ssyncset.done $0x0;
	s28 =	rddreg [dreg:$0x1d]  }
0x30e: {  	s30 =	rddreg [dreg:$0x7];
	[sflag:s20] =	ssyncadd.s32 $0xFFFFFC00;
	s17 =	sshrl.u32 s28, $0x3  }
0x30f: {  	[hbm:s30], [sflag:s1] =	dma.local [spmem:s17], $0x400  }
0x310: {  	_ =	swait.ge [sflag:s20], $0x400  }
0x311: {  	[sflag:s20] =	ssyncset.done $0x0;
	s28 =	rddreg [dreg:$0x1e]  }
0x312: {  	s30 =	rddreg [dreg:$0x8];
	[sflag:s20] =	ssyncadd.s32 $0xFFFFFC00;
	s17 =	sshrl.u32 s28, $0x3  }
0x313: {  	[hbm:s30], [sflag:s1] =	dma.local [spmem:s17], $0x400  }
0x314: {  	_ =	swait.ge [sflag:s20], $0x400  }
0x315: {  	[sflag:s20] =	ssyncset.done $0x0;
	s28 =	rddreg [dreg:$0x1f]  }
0x316: {  	s30 =	rddreg [dreg:$0x9];
	[sflag:s20] =	ssyncadd.s32 $0xFFFFFC00;
	s17 =	sshrl.u32 s28, $0x3  }
0x317: {  	[hbm:s30], [sflag:s1] =	dma.local [spmem:s17], $0x400  }
0x318: {  	_ =	swait.ge [sflag:s20], $0x400  }
0x319: {  	s28 =	sld [smem:$0x7F1];
	_ =	sdelay $0x1  }
0x31a: {  	[sflag:s20] =	ssyncset.done $0x0  }
0x31b: {  	s30 =	rddreg [dreg:$0xa];
	[sflag:s20] =	ssyncadd.s32 $0xFFFFFC00;
	s17 =	sshrl.u32 s28, $0x3  }
0x31c: {  	[hbm:s30], [sflag:s1] =	dma.local [spmem:s17], $0x400  }
0x31d: {  	_ =	swait.ge [sflag:s20], $0x400  }
0x31e: {  	s28 =	sld [smem:$0x7F2];
	_ =	sdelay $0x1  }
0x31f: {  	[sflag:s20] =	ssyncset.done $0x0  }
0x320: {  	s30 =	rddreg [dreg:$0xb];
	[sflag:s20] =	ssyncadd.s32 $0xFFFFFC00;
	s17 =	sshrl.u32 s28, $0x3  }
0x321: {  	[hbm:s30], [sflag:s1] =	dma.local [spmem:s17], $0x400  }
0x322: {  	_ =	swait.ge [sflag:s20], $0x400  }
0x323: {  	s28 =	sld [smem:$0x7F3];
	_ =	sdelay $0x1  }
0x324: {  	[sflag:s20] =	ssyncset.done $0x0  }
0x325: {  	s30 =	rddreg [dreg:$0xc];
	[sflag:s20] =	ssyncadd.s32 $0xFFFFFC00;
	s17 =	sshrl.u32 s28, $0x3  }
0x326: {  	[hbm:s30], [sflag:s1] =	dma.local [spmem:s17], $0x400  }
0x327: {  	_ =	swait.ge [sflag:s20], $0x400  }
0x328: {  	s28 =	sld [smem:$0x7F4];
	_ =	sdelay $0x1  }
0x329: {  	[sflag:s20] =	ssyncset.done $0x0  }
0x32a: {  	s30 =	rddreg [dreg:$0xd];
	[sflag:s20] =	ssyncadd.s32 $0xFFFFFC00;
	s17 =	sshrl.u32 s28, $0x3  }
0x32b: {  	[hbm:s30], [sflag:s1] =	dma.local [spmem:s17], $0x400  }
0x32c: {  	_ =	swait.ge [sflag:s20], $0x400  }
0x32d: {  	s28 =	sld [smem:$0x7F5];
	_ =	sdelay $0x1  }
0x32e: {  	[sflag:s20] =	ssyncset.done $0x0  }
0x32f: {  	s30 =	rddreg [dreg:$0xe];
	[sflag:s20] =	ssyncadd.s32 $0xFFFFFC00;
	s17 =	sshrl.u32 s28, $0x3  }
0x330: {  	[hbm:s30], [sflag:s1] =	dma.local [spmem:s17], $0x400  }
0x331: {  	_ =	swait.ge [sflag:s20], $0x400  }
0x332: {  	[sflag:s20] =	ssyncset.done $0x0;
	s29 =	rddreg [dreg:$0x19]  }
0x333: {  	s30 =	rddreg [dreg:$0x5];
	[sflag:s20] =	ssyncadd.s32 $0xFFFFFC00;
	s17 =	sshrl.u32 s29, $0x3  }
0x334: {  	[hbm:s30], [sflag:s1] =	dma.local [spmem:s17], $0x340  }
.Ltmp10:
0x335: {  	_ = 	snop;
	(pc) =	sbr.rel .LBB2_14-.Ltmp10, $4  }
0x336: {  	_ =	swait.ge [sflag:s20], $0x340  }
0x337: {  	s17 =	sld [smem:$0x7F0]  }
0x338: {  	[sflag:s20] =	ssyncset.done $0x0  }
0x339: {  	[sflag:s20] =	ssyncadd.s32 $0xFFFFFCC0  }
.LBB2_15:
0x33a: {  	_ =	sfence.sel $0x180000  }
0x33b: {  	[bflag:$0x0] =	sbarrier.arrive $0xFFFF  }
0x33c: {  	_ =	strace $0x90000047  }
0x33d: {  	s0 =	stileid.u32;
	[bflag:$0x2] =	sbarrier.arrive $0xFFFF  }
0x33e: {  	p0 =	sne.s32 s0, $0x0;
	s0 =	rddreg [dreg:$0x3]  }
0x33f: {  	s0 =	sadd.s32 @!p0 $0x100000, s0  }
0x340: {  	[sflag:s0] =	ssyncadd.tile.s32 @!p0 $0x1;
	_ =	shalt  }
.Lfunc_end2:
_tile_overlayer_lowered:
.L_overlay_start_2:
0x341: {  	(tag) =	ssettag $0x2  }
0x342: {  	s0 =	rddreg [dreg:$0x0];
	s2 =	stileid.u32  }
0x343: {  	s1 =	rddreg [dreg:$0x1];
	p0 =	sne.s32 s2, $0x0  }
0x344: {  	s3 =	rddreg [dreg:$0x2];
	[bflag:$0x3] =	sbarrier.arrive $0xFFFF;
	s2 =	simm.s32 @!p0 $0x1C03  }
0x345: {  	[timem:s3], [sflag:s2] =	dma.local @!p0 [hbm:s0], s1  }
0x346: {  	s0 =	simm.s32 @!p0 $0x3  }
0x347: {  	_ =	swait.ge @!p0 [sflag:s0], s1  }
0x348: {  	s1 =	ssub.s32 @!p0 $0x0, s1;
	[sflag:s0] =	ssyncset.done @!p0 $0x0  }
0x349: {  	[sflag:s0] =	ssyncadd.s32 @!p0 s1  }
0x34a: {  	[bflag:$0x3] =	sbarrier.arrive $0xFFFF  }
0x34b: {  	_ =	shalt  }

</sc_bundles>
